<compile_context>
chip_gen: v7x
topology: tpu7x:2x2x1
jax: 0.10.2.dev20260603
libtpu: 0.0.44.dev20260713+nightly
codegen_flags: <defaults>
</compile_context>

<pallas_src>
import numpy as np

import jax
import jax.numpy as jnp
from jax import lax
from jax.experimental import pallas as pl
from jax.experimental.pallas import tpu as pltpu
from jax.experimental.pallas import tpu_sc as plsc

NN = 10000
NE = 320000
NE3 = 330240
NPAD = NE3 - (NE + NN)
NACC = 10112
IN_CH = 128
HID = 256
HEADS = 8
C1 = 32
NUM_CLASSES = 10
NUM_GRAPHS = 64
NC = 2
NS = 16
K1 = 40
K3 = 20
NCH1 = NE // NS // K1
NCH3 = NE3 // NS // K3

_MESH = dict(core_axis_name="c", subcore_axis_name="s", num_cores=NC,
             num_subcores=NS)

def _iota16():
    return lax.iota(jnp.int32, 16)


def _bcast(vec, h):
    idx = _iota16() * 0 + h
    return vec.at[idx].get(mode="promise_in_bounds")


def _gat(vec, idx):
    return vec.at[idx].get(mode="promise_in_bounds")


def _lrelu(x):
    return jnp.where(x >= 0, x, 0.2 * x)



def _stage_a_body(x_ref, w1_ref, bs_ref, bd_ref, h1s_ref, a1s_ref, init_ref):
    h1h = jnp.dot(x_ref[...], w1_ref[...], preferred_element_type=jnp.float32)
    ps = jnp.dot(h1h, bs_ref[0], preferred_element_type=jnp.float32)
    pd = jnp.dot(h1h, bd_ref[0], preferred_element_type=jnp.float32)
    h1s_ref[...] = h1h
    zero8 = jnp.zeros((h1h.shape[0], 8), jnp.float32)
    a1s_ref[...] = jnp.concatenate([ps, pd, zero8], axis=1)
    wself = jnp.exp(_lrelu(ps + pd))
    parts = [h1h[:, 32 * h:32 * (h + 1)] * wself[:, h:h + 1] for h in range(4)]
    zero12 = jnp.zeros((h1h.shape[0], 12), jnp.float32)
    init_ref[...] = jnp.concatenate(parts + [wself, zero12], axis=1)


def _stage_a(x, W1, Bsrc1, Bdst1):
    B = 1000
    grid = (NN // B, 2)
    return pl.pallas_call(
        _stage_a_body,
        grid=grid,
        in_specs=[
            pl.BlockSpec((B, IN_CH), lambda i, s: (i, 0)),
            pl.BlockSpec((IN_CH, 128), lambda i, s: (0, s)),
            pl.BlockSpec((1, 128, 4), lambda i, s: (s, 0, 0)),
            pl.BlockSpec((1, 128, 4), lambda i, s: (s, 0, 0)),
        ],
        out_specs=[
            pl.BlockSpec((B, 128), lambda i, s: (s * 10 + i, 0)),
            pl.BlockSpec((B, 16), lambda i, s: (s * 10 + i, 0)),
            pl.BlockSpec((B, 144), lambda i, s: (s * 10 + i, 0)),
        ],
        out_shape=[
            jax.ShapeDtypeStruct((2 * NN, 128), jnp.float32),
            jax.ShapeDtypeStruct((2 * NN, 16), jnp.float32),
            jax.ShapeDtypeStruct((2 * NN, 144), jnp.float32),
        ],
    )(x, W1, Bsrc1, Bdst1)



def _e1_body(h1s, a1s, pack, init1, out, acc,
             ib0, ib1, hb0, hb1, as0, as1, ad0, ad1, ms0, ms1,
             g0, g1, i0, i1, s0, s1):
    c = lax.axis_index("c")
    s = lax.axis_index("s")
    rows = NACC // NS
    ibs, hbs, asbs, adbs = (ib0, ib1), (hb0, hb1), (as0, as1), (ad0, ad1)
    msgs = (ms0, ms1)
    gs, isems, ssems = (g0, g1), (i0, i1), (s0, s1)

    def issue(b):
        pltpu.async_copy(h1s.at[ibs[b].at[0]], hbs[b], gs[b])
        pltpu.async_copy(a1s.at[ibs[b].at[0]], asbs[b], gs[b])
        pltpu.async_copy(a1s.at[ibs[b].at[1]], adbs[b], gs[b])

    def drain(b):
        pltpu.make_async_copy(h1s.at[ibs[b].at[0]], hbs[b], gs[b]).wait()
        pltpu.make_async_copy(a1s.at[ibs[b].at[0]], asbs[b], gs[b]).wait()
        pltpu.make_async_copy(a1s.at[ibs[b].at[1]], adbs[b], gs[b]).wait()

    pltpu.sync_copy(init1.at[pl.ds(NACC * c + rows * s, rows)],
                    acc.at[pl.ds(rows * s, rows)])
    pltpu.sync_copy(pack.at[c, s, 0], ib0)
    issue(0)
    pltpu.async_copy(pack.at[c, s, 1], ib1, i1)
    plsc.subcore_barrier()

    @pl.loop(0, NCH1 // 2)
    def _pair(cj):
        for b in range(2):
            ci = cj * 2 + b
            drain(b)
            pltpu.make_async_copy(pack.at[c, s, ci + 1], ibs[1 - b],
                                  isems[1 - b]).wait()
            issue(1 - b)

            hbuf, asb, adb, msg = hbs[b], asbs[b], adbs[b], msgs[b]

            @pl.loop(0, K1)
            def _edge(e):
                iot = _iota16()
                perm4 = (iot & 3) + 4
                arow = asb[e, :]
                drow = _gat(adb[e, :], perm4)
                w = jnp.where(iot < 4, jnp.exp(_lrelu(arow + drow)), 0.0)
                for h in range(4):
                    bc = _bcast(w, h)
                    for cc in range(2):
                        k = h * 2 + cc
                        msg[e, pl.ds(k * 16, 16)] = (
                            bc * hbuf[e, pl.ds(k * 16, 16)])
                msg[e, pl.ds(128, 16)] = w

            pltpu.sync_copy(msg, acc.at[ibs[b].at[2]], add=True)
            pltpu.async_copy(pack.at[c, s, ci + 2], ibs[b], isems[b])

    drain(0)
    pltpu.make_async_copy(pack.at[c, s, NCH1 + 1], ib1, i1).wait()
    plsc.subcore_barrier()
    pltpu.sync_copy(acc.at[pl.ds(rows * s, rows)],
                    out.at[pl.ds(NACC * c + rows * s, rows)])


def _e1(h1s, a1s, pack, init1):
    return pl.kernel(
        _e1_body,
        out_type=jax.ShapeDtypeStruct((2 * NACC, 144), jnp.float32),
        compiler_params=pltpu.CompilerParams(use_tc_tiling_on_sc=False),
        mesh=plsc.VectorSubcoreMesh(**_MESH),
        scratch_types=[
            pltpu.VMEM_SHARED((NACC, 144), jnp.float32),
            pltpu.VMEM((3, K1), jnp.int32),
            pltpu.VMEM((3, K1), jnp.int32),
            pltpu.VMEM((K1, 128), jnp.float32),
            pltpu.VMEM((K1, 128), jnp.float32),
            pltpu.VMEM((K1, 16), jnp.float32),
            pltpu.VMEM((K1, 16), jnp.float32),
            pltpu.VMEM((K1, 16), jnp.float32),
            pltpu.VMEM((K1, 16), jnp.float32),
            pltpu.VMEM((K1, 144), jnp.float32),
            pltpu.VMEM((K1, 144), jnp.float32),
            pltpu.SemaphoreType.DMA,
            pltpu.SemaphoreType.DMA,
            pltpu.SemaphoreType.DMA,
            pltpu.SemaphoreType.DMA,
            pltpu.SemaphoreType.DMA,
            pltpu.SemaphoreType.DMA,
        ],
    )(h1s, a1s, pack, init1)



def _stage_c_body(numa_ref, numb_ref, b1_ref, w2_ref, bs_ref, bd_ref,
                  h2r_ref, a2_ref, d2i_ref):
    s = pl.program_id(1)
    parts = []
    for ref in (numa_ref, numb_ref):
        x = ref[...]
        for h in range(4):
            parts.append(x[:, 32 * h:32 * (h + 1)] / x[:, 128 + h:129 + h])
    h1r = jnp.maximum(jnp.concatenate(parts, axis=1) + b1_ref[...], 0.0)
    h2h = jnp.dot(h1r, w2_ref[...], preferred_element_type=jnp.float32)
    h2r_ref[...] = h2h
    ps = jnp.dot(h2h, bs_ref[0], preferred_element_type=jnp.float32)
    pd = jnp.dot(h2h, bd_ref[0], preferred_element_type=jnp.float32)
    pa = jnp.concatenate([ps, pd], axis=1)

    @pl.when(s == 0)
    def _():
        a2_ref[...] = pa

    @pl.when(s == 1)
    def _():
        a2 = a2_ref[...] + pa
        a2_ref[...] = a2
        wself = jnp.exp(_lrelu(a2[:, :8] + a2[:, 8:]))
        d2i_ref[...] = jnp.concatenate([wself, wself], axis=1)


def _stage_c(num1a, num1b, b1r, W2perm, Bsrc2, Bdst2):
    B = 1000
    grid = (NN // B, 2)
    return pl.pallas_call(
        _stage_c_body,
        grid=grid,
        in_specs=[
            pl.BlockSpec((B, 144), lambda i, s: (i, 0)),
            pl.BlockSpec((B, 144), lambda i, s: (i, 0)),
            pl.BlockSpec((1, HID), lambda i, s: (0, 0)),
            pl.BlockSpec((HID, 1024), lambda i, s: (0, s)),
            pl.BlockSpec((1, 1024, 8), lambda i, s: (s, 0, 0)),
            pl.BlockSpec((1, 1024, 8), lambda i, s: (s, 0, 0)),
        ],
        out_specs=[
            pl.BlockSpec((B, 1024), lambda i, s: (s * 10 + i, 0)),
            pl.BlockSpec((B, 16), lambda i, s: (i, 0)),
            pl.BlockSpec((B, 16), lambda i, s: (i, 0)),
        ],
        out_shape=[
            jax.ShapeDtypeStruct((2 * NN, 1024), jnp.float32),
            jax.ShapeDtypeStruct((NN, 16), jnp.float32),
            jax.ShapeDtypeStruct((NN, 16), jnp.float32),
        ],
    )(num1a, num1b, b1r, W2perm, Bsrc2, Bdst2)



def _e2_body(a2, pack, d2i, dinv, wout, acc,
             ib0, ib1, as0, as1, ad0, ad1, ms0, ms1, vb,
             g0, g1, i0, i1, s0, s1):
    c = lax.axis_index("c")
    s = lax.axis_index("s")
    rows = NACC // NS
    ibs, asbs, adbs = (ib0, ib1), (as0, as1), (ad0, ad1)
    msgs = (ms0, ms1)
    gs, isems, ssems = (g0, g1), (i0, i1), (s0, s1)
    epw = NE // NS

    def issue(b):
        pltpu.async_copy(a2.at[ibs[b].at[0]], asbs[b], gs[b])
        pltpu.async_copy(a2.at[ibs[b].at[1]], adbs[b], gs[b])

    def drain(b):
        pltpu.make_async_copy(a2.at[ibs[b].at[0]], asbs[b], gs[b]).wait()
        pltpu.make_async_copy(a2.at[ibs[b].at[1]], adbs[b], gs[b]).wait()

    pltpu.sync_copy(d2i.at[pl.ds(rows * s, rows)],
                    acc.at[pl.ds(rows * s, rows)])
    pltpu.sync_copy(pack.at[s, 0], ib0)
    issue(0)
    pltpu.async_copy(pack.at[s, 1], ib1, i1)
    plsc.subcore_barrier()

    @pl.loop(0, NCH1 // 2)
    def _pair(cj):
        for b in range(2):
            ci = cj * 2 + b
            drain(b)
            pltpu.make_async_copy(pack.at[s, ci + 1], ibs[1 - b],
                                  isems[1 - b]).wait()
            issue(1 - b)

            asb, adb, msg = asbs[b], adbs[b], msgs[b]

            @pl.loop(0, K1)
            def _edge(e):
                iot = _iota16()
                perm8 = (iot & 7) + 8
                arow = asb[e, :]
                drow = _gat(adb[e, :], perm8)
                msg[e, :] = jnp.where(iot < 8,
                                      jnp.exp(_lrelu(arow + drow)), 0.0)

            pltpu.sync_copy(msg, acc.at[ibs[b].at[1]], add=True)

            @pl.when(c == 0)
            def _():
                pltpu.sync_copy(msg, wout.at[pl.ds(s * epw + ci * K1, K1)])

            pltpu.async_copy(pack.at[s, ci + 2], ibs[b], isems[b])

    drain(0)
    pltpu.make_async_copy(pack.at[s, NCH1 + 1], ib1, i1).wait()
    plsc.subcore_barrier()

    @pl.when(c == 0)
    def _():
        pltpu.sync_copy(acc.at[pl.ds(rows * s, rows)], vb)

        @pl.loop(0, rows)
        def _inv(r):
            vb[r, :] = 1.0 / vb[r, :]

        pltpu.sync_copy(vb, dinv.at[pl.ds(rows * s, rows)])


def _e2(a2p, pack, d2ip):
    return pl.kernel(
        _e2_body,
        out_type=[
            jax.ShapeDtypeStruct((NACC, 16), jnp.float32),
            jax.ShapeDtypeStruct((NE, 16), jnp.float32),
        ],
        compiler_params=pltpu.CompilerParams(use_tc_tiling_on_sc=False),
        mesh=plsc.VectorSubcoreMesh(**_MESH),
        scratch_types=[
            pltpu.VMEM_SHARED((NACC, 16), jnp.float32),
            pltpu.VMEM((2, K1), jnp.int32),
            pltpu.VMEM((2, K1), jnp.int32),
            pltpu.VMEM((K1, 16), jnp.float32),
            pltpu.VMEM((K1, 16), jnp.float32),
            pltpu.VMEM((K1, 16), jnp.float32),
            pltpu.VMEM((K1, 16), jnp.float32),
            pltpu.VMEM((K1, 16), jnp.float32),
            pltpu.VMEM((K1, 16), jnp.float32),
            pltpu.VMEM((NACC // NS, 16), jnp.float32),
            pltpu.SemaphoreType.DMA,
            pltpu.SemaphoreType.DMA,
            pltpu.SemaphoreType.DMA,
            pltpu.SemaphoreType.DMA,
            pltpu.SemaphoreType.DMA,
            pltpu.SemaphoreType.DMA,
        ],
    )(a2p, pack, d2ip)



def _e3_body(h2r, w3, dinv, pack, zeros, out, acc,
             ib0, ib1, hb0, hb1, wb0, wb1, dn0, dn1, ms0, ms1,
             g0, g1, i0, i1, s0, s1):
    c = lax.axis_index("c")
    s = lax.axis_index("s")
    rows = NACC // NS
    ibs, hbs = (ib0, ib1), (hb0, hb1)
    wbs, dnbs, msgs = (wb0, wb1), (dn0, dn1), (ms0, ms1)
    gs, isems, ssems = (g0, g1), (i0, i1), (s0, s1)
    epw = NE3 // NS

    def issue(b, ci):
        pltpu.async_copy(h2r.at[ibs[b].at[0]], hbs[b], gs[b])
        pltpu.async_copy(dinv.at[ibs[b].at[1]], dnbs[b], gs[b])
        pltpu.async_copy(w3.at[pl.ds(s * epw + ci * K3, K3)], wbs[b], gs[b])

    def drain(b, ci):
        pltpu.make_async_copy(h2r.at[ibs[b].at[0]], hbs[b], gs[b]).wait()
        pltpu.make_async_copy(dinv.at[ibs[b].at[1]], dnbs[b], gs[b]).wait()
        pltpu.make_async_copy(w3.at[pl.ds(s * epw + ci * K3, K3)], wbs[b],
                              gs[b]).wait()

    pltpu.sync_copy(zeros.at[pl.ds(rows * s, rows)],
                    acc.at[pl.ds(rows * s, rows)])
    pltpu.sync_copy(pack.at[c, s, 0], ib0)
    issue(0, 0)
    pltpu.async_copy(pack.at[c, s, 1], ib1, i1)
    plsc.subcore_barrier()

    @pl.loop(0, NCH3 // 2)
    def _pair(cj):
        for b in range(2):
            ci = cj * 2 + b
            drain(b, ci)
            pltpu.make_async_copy(pack.at[c, s, ci + 1], ibs[1 - b],
                                  isems[1 - b]).wait()
            issue(1 - b, ci + 1)

            hbuf, wb, dnb, msg = hbs[b], wbs[b], dnbs[b], msgs[b]

            @pl.loop(0, K3)
            def _edge(e):
                coef = wb[e, :] * 0.125 * dnb[e, :]
                bcs = [_bcast(coef, h) for h in range(8)]
                for cc in range(8):
                    m = bcs[0] * hbuf[e, pl.ds(cc * 16, 16)]
                    for h in range(1, 8):
                        m = m + bcs[h] * hbuf[e, pl.ds((h * 8 + cc) * 16, 16)]
                    msg[e, pl.ds(cc * 16, 16)] = m

            pltpu.sync_copy(msg, acc.at[ibs[b].at[1]], add=True)
            pltpu.async_copy(pack.at[c, s, ci + 2], ibs[b], isems[b])

    drain(0, NCH3)
    pltpu.make_async_copy(pack.at[c, s, NCH3 + 1], ib1, i1).wait()
    plsc.subcore_barrier()
    pltpu.sync_copy(acc.at[pl.ds(rows * s, rows)],
                    out.at[pl.ds(NACC * c + rows * s, rows)])


def _e3(h2r, w3, dinv, pack, zeros):
    return pl.kernel(
        _e3_body,
        out_type=jax.ShapeDtypeStruct((2 * NACC, 128), jnp.float32),
        compiler_params=pltpu.CompilerParams(use_tc_tiling_on_sc=False),
        mesh=plsc.VectorSubcoreMesh(**_MESH),
        scratch_types=[
            pltpu.VMEM_SHARED((NACC, 128), jnp.float32),
            pltpu.VMEM((2, K3), jnp.int32),
            pltpu.VMEM((2, K3), jnp.int32),
            pltpu.VMEM((K3, 1024), jnp.float32),
            pltpu.VMEM((K3, 1024), jnp.float32),
            pltpu.VMEM((K3, 16), jnp.float32),
            pltpu.VMEM((K3, 16), jnp.float32),
            pltpu.VMEM((K3, 16), jnp.float32),
            pltpu.VMEM((K3, 16), jnp.float32),
            pltpu.VMEM((K3, 128), jnp.float32),
            pltpu.VMEM((K3, 128), jnp.float32),
            pltpu.SemaphoreType.DMA,
            pltpu.SemaphoreType.DMA,
            pltpu.SemaphoreType.DMA,
            pltpu.SemaphoreType.DMA,
            pltpu.SemaphoreType.DMA,
            pltpu.SemaphoreType.DMA,
        ],
    )(h2r, w3, dinv, pack, zeros)



def _stage_f_body(na_ref, nb_ref, b2_ref, batch_ref, wc_ref, bc_ref, out_ref,
                  sums, cnt):
    i = pl.program_id(0)
    h2 = jnp.concatenate([na_ref[...], nb_ref[...]], axis=1) + b2_ref[...]
    bv = batch_ref[0, 0, :]
    onehot = (bv[:, None] == lax.broadcasted_iota(jnp.int32, (1, NUM_GRAPHS), 1)
              ).astype(jnp.float32)
    psum = lax.dot_general(onehot, h2, (((0,), (0,)), ((), ())),
                           preferred_element_type=jnp.float32)
    ones = jnp.ones((onehot.shape[0], 128), jnp.float32)
    pcnt = lax.dot_general(onehot, ones, (((0,), (0,)), ((), ())),
                           preferred_element_type=jnp.float32)

    @pl.when(i == 0)
    def _():
        sums[...] = jnp.zeros_like(sums)
        cnt[...] = jnp.zeros_like(cnt)

    sums[...] += psum
    cnt[...] += pcnt

    @pl.when(i == pl.num_programs(0) - 1)
    def _():
        pooled = sums[...] / jnp.maximum(cnt[...][:, :1], 1.0)
        out_ref[...] = jnp.dot(pooled, wc_ref[...],
                               preferred_element_type=jnp.float32) + bc_ref[...]


def _stage_f(num2a, num2b, b2r, batch3, Wc, bcr):
    B = 1000
    return pl.pallas_call(
        _stage_f_body,
        grid=(NN // B,),
        in_specs=[
            pl.BlockSpec((B, 128), lambda i: (i, 0)),
            pl.BlockSpec((B, 128), lambda i: (i, 0)),
            pl.BlockSpec((1, HID), lambda i: (0, 0)),
            pl.BlockSpec((1, 1, B), lambda i: (i, 0, 0)),
            pl.BlockSpec((HID, NUM_CLASSES), lambda i: (0, 0)),
            pl.BlockSpec((1, NUM_CLASSES), lambda i: (0, 0)),
        ],
        out_specs=pl.BlockSpec((NUM_GRAPHS, NUM_CLASSES), lambda i: (0, 0)),
        out_shape=jax.ShapeDtypeStruct((NUM_GRAPHS, NUM_CLASSES), jnp.float32),
        scratch_shapes=[
            pltpu.VMEM((NUM_GRAPHS, HID), jnp.float32),
            pltpu.VMEM((NUM_GRAPHS, 128), jnp.float32),
        ],
    )(num2a, num2b, b2r, batch3, Wc, bcr)



def kernel(x, edge_index, batch, W1, a_src1, a_dst1, b1, W2, a_src2, a_dst2,
           b2, Wc, bc):
    f32 = jnp.float32
    src = edge_index[0]
    dst = edge_index[1]

    def _pk(stacks, nch, k):
        a = jnp.stack(stacks)
        n = a.shape[0]
        if n == 2:
            a = a.reshape(2, NS, nch, k).transpose(1, 2, 0, 3)
            pad = jnp.zeros((NS, 2, 2, k), a.dtype)
            return jnp.concatenate([a, pad], axis=1)
        r = a.shape[0] // 2
        a = a.reshape(2, r, NS, nch, k).transpose(0, 2, 3, 1, 4)
        pad = jnp.zeros((2, NS, 2, r, k), a.dtype)
        return jnp.concatenate([a, pad], axis=2)

    e1pack = _pk([src, dst, dst, src + NN, dst + NN, dst], NCH1, K1)
    e2pack = _pk([src, dst], NCH1, K1)
    loop = jnp.arange(NN, dtype=src.dtype)
    src3 = jnp.concatenate([src, loop, jnp.zeros((NPAD,), src.dtype)])
    dst3 = jnp.concatenate([dst, loop, jnp.full((NPAD,), NN, src.dtype)])
    e3pack = _pk([src3, dst3, src3 + NN, dst3], NCH3, K3)

    eye8 = jnp.eye(HEADS, dtype=f32)
    B1s = (a_src1[:, :, None] * eye8[:, None, :]).reshape(HID, HEADS)
    B1d = (a_dst1[:, :, None] * eye8[:, None, :]).reshape(HID, HEADS)
    Bsrc1 = jnp.stack([B1s[0:128, 0:4], B1s[128:256, 4:8]])
    Bdst1 = jnp.stack([B1d[0:128, 0:4], B1d[128:256, 4:8]])
    a2s = a_src2.reshape(HEADS, 2, 128)
    a2d = a_dst2.reshape(HEADS, 2, 128)
    Bsrc2 = jnp.stack(
        [(a2s[:, s, :, None] * eye8[:, None, :]).reshape(1024, HEADS)
         for s in range(2)])
    Bdst2 = jnp.stack(
        [(a2d[:, s, :, None] * eye8[:, None, :]).reshape(1024, HEADS)
         for s in range(2)])
    W2perm = W2.reshape(HID, HEADS, 2, 128).transpose(0, 2, 1, 3) \
        .reshape(HID, 2 * 1024)

    b1r = b1.reshape(1, HID)
    b2r = b2.reshape(1, HID)
    bcr = bc.reshape(1, NUM_CLASSES)
    batch3 = batch.reshape(NN // 1000, 1, 1000)
    z0 = jnp.zeros((NACC, 128), f32)

    h1s, a1s, init1 = _stage_a(x, W1, Bsrc1, Bdst1)
    zpad = jnp.zeros((NACC - NN, 144), f32)
    init1p = jnp.concatenate([init1[:NN], zpad, init1[NN:], zpad])
    num1 = _e1(h1s, a1s, e1pack, init1p)
    h2r, a2t, d2i = _stage_c(num1[:NN], num1[NACC:NACC + NN], b1r, W2perm,
                             Bsrc2, Bdst2)
    a2p = jnp.concatenate([a2t, jnp.zeros((NACC - NN, 16), f32)])
    d2ip = jnp.concatenate([d2i, jnp.ones((NACC - NN, 16), f32)])
    dinv, wout = _e2(a2p, e2pack, d2ip)
    w3 = jnp.concatenate([wout, d2i, jnp.ones((NPAD + 2 * K3, 16), f32)])
    num2 = _e3(h2r, w3, dinv, e3pack, z0)
    return _stage_f(num2[:NN], num2[NACC:NACC + NN], b2r, batch3, Wc, bcr)

# --- scband reference (transcript-rebuilt; emitter-appended) ---
"""Pipeline reference for scband-gatfor-graph-classification-38104949850440 (READ-ONLY COPY).

The authoritative reference and input builder live on the scoring server;
editing this copy changes nothing except your own understanding.
"""

import jax, jax.numpy as jnp
import numpy as np

N_NODES = 10000
N_EDGES = 320000
IN_CH = 128
HID = 256
HEADS = 8
NUM_CLASSES = 10
NUM_GRAPHS = 64
C1 = HID // HEADS


def _glorot(key, shape):
    fan = shape[0] if len(shape) == 2 else int(np.prod(shape[1:]))
    return jax.random.normal(key, shape, dtype=jnp.float32) * (1.0 / np.sqrt(max(fan, 1)))


def setup_inputs(seed: int = 0):
    key = jax.random.key(seed)
    ks = jax.random.split(key, 14)
    x = jax.random.normal(ks[0], (N_NODES, IN_CH), dtype=jnp.float32)
    edge_index = jax.random.randint(ks[1], (2, N_EDGES), 0, N_NODES, dtype=jnp.int32)
    batch = jnp.sort(jax.random.randint(ks[2], (N_NODES,), 0, NUM_GRAPHS, dtype=jnp.int32))
    W1 = _glorot(ks[3], (IN_CH, HEADS * C1))
    a_src1 = _glorot(ks[4], (HEADS, C1))
    a_dst1 = _glorot(ks[5], (HEADS, C1))
    b1 = jnp.zeros((HEADS * C1,), jnp.float32)
    W2 = _glorot(ks[6], (HEADS * C1, HEADS * HID))
    a_src2 = _glorot(ks[7], (HEADS, HID))
    a_dst2 = _glorot(ks[8], (HEADS, HID))
    b2 = jnp.zeros((HID,), jnp.float32)
    Wc = _glorot(ks[9], (HID, NUM_CLASSES))
    bc = jnp.zeros((NUM_CLASSES,), jnp.float32)
    return {"x": x, "edge_index": edge_index, "batch": batch,
            "W1": W1, "a_src1": a_src1, "a_dst1": a_dst1, "b1": b1,
            "W2": W2, "a_src2": a_src2, "a_dst2": a_dst2, "b2": b2,
            "Wc": Wc, "bc": bc}


def gat_conv(x, src, dst, W, a_src, a_dst, bias, heads, ch, concat):
    n = x.shape[0]
    h = (x @ W).reshape(n, heads, ch)
    alpha_src = (h * a_src[None]).sum(-1)
    alpha_dst = (h * a_dst[None]).sum(-1)
    alpha = alpha_src[src] + alpha_dst[dst]
    alpha = jax.nn.leaky_relu(alpha, 0.2)
    amax = jax.ops.segment_max(alpha, dst, num_segments=n)
    e = jnp.exp(alpha - amax[dst])
    denom = jax.ops.segment_sum(e, dst, num_segments=n)
    coef = e / (denom[dst] + 1e-16)
    out = jax.ops.segment_sum(h[src] * coef[..., None], dst, num_segments=n)
    if concat:
        out = out.reshape(n, heads * ch)
    else:
        out = out.mean(axis=1)
    return out + bias


def reference(x, edge_index, batch, W1, a_src1, a_dst1, b1, W2, a_src2, a_dst2, b2, Wc, bc):
    n = x.shape[0]
    loop = jnp.arange(n, dtype=edge_index.dtype)
    src = jnp.concatenate([edge_index[0], loop])
    dst = jnp.concatenate([edge_index[1], loop])
    h = gat_conv(x, src, dst, W1, a_src1, a_dst1, b1, HEADS, C1, True)
    h = jax.nn.relu(h)
    h = gat_conv(h, src, dst, W2, a_src2, a_dst2, b2, HEADS, HID, False)
    sums = jax.ops.segment_sum(h, batch, num_segments=NUM_GRAPHS)
    cnt = jax.ops.segment_sum(jnp.ones((n, 1), h.dtype), batch, num_segments=NUM_GRAPHS)
    pooled = sums / jnp.maximum(cnt, 1.0)
    return pooled @ Wc + bc

if __name__ == "__main__":
    import jax
    _d = setup_inputs()
    print(jax.jit(kernel)(*tuple(_d.values())))

</pallas_src>

<mosaic_0001>
#map = affine_map<(d0, d1) -> (0, 0)>
#map1 = affine_map<(d0, d1) -> (0, 0, 0, 0, 0)>
module attributes {stable_mosaic.version = 14 : i64} {
  func.func @_e1_body(%arg0: i32, %arg1: i32, %arg2: memref<20000x128xf32, #tpu.memory_space<hbm>>, %arg3: memref<20000x16xf32, #tpu.memory_space<hbm>>, %arg4: memref<2x16x502x3x40xi32, #tpu.memory_space<hbm>>, %arg5: memref<20224x144xf32, #tpu.memory_space<hbm>>, %arg6: memref<20224x144xf32, #tpu.memory_space<hbm>>, %arg7: memref<10112x144xf32, #tpu.memory_space<vmem_shared>>, %arg8: memref<3x40xi32, #tpu.memory_space<vmem>>, %arg9: memref<3x40xi32, #tpu.memory_space<vmem>>, %arg10: memref<40x128xf32, #tpu.memory_space<vmem>>, %arg11: memref<40x128xf32, #tpu.memory_space<vmem>>, %arg12: memref<40x16xf32, #tpu.memory_space<vmem>>, %arg13: memref<40x16xf32, #tpu.memory_space<vmem>>, %arg14: memref<40x16xf32, #tpu.memory_space<vmem>>, %arg15: memref<40x16xf32, #tpu.memory_space<vmem>>, %arg16: memref<40x144xf32, #tpu.memory_space<vmem>>, %arg17: memref<40x144xf32, #tpu.memory_space<vmem>>, %arg18: memref<!tpu.dma_semaphore, #tpu.memory_space<semaphore_mem>>, %arg19: memref<!tpu.dma_semaphore, #tpu.memory_space<semaphore_mem>>, %arg20: memref<!tpu.dma_semaphore, #tpu.memory_space<semaphore_mem>>, %arg21: memref<!tpu.dma_semaphore, #tpu.memory_space<semaphore_mem>>, %arg22: memref<!tpu.dma_semaphore, #tpu.memory_space<semaphore_mem>>, %arg23: memref<!tpu.dma_semaphore, #tpu.memory_space<semaphore_mem>>) attributes {dimension_semantics = [#tpu.dimension_semantics<core_parallel>, #tpu.dimension_semantics<subcore_parallel>], iteration_bounds = array<i64: 2, 16>, scalar_prefetch = 0 : i64, scratch_operands = 17 : i64, tpu.core_type = #tpu.core_type<sc_vector_subcore>, window_params = [{transform_indices = #map}, {transform_indices = #map}, {transform_indices = #map1}, {transform_indices = #map}, {transform_indices = #map}]} {
    %mul3A = arith.constant 10112 : i32
    %mul3A_0 = arith.muli %mul3A, %arg0 : i32
    %mul3A_1 = arith.constant 632 : i32
    %mul3A_2 = arith.muli %mul3A_1, %arg1 : i32
    %add3A = arith.addi %mul3A_0, %mul3A_2 : i32
    %mul3A_3 = arith.constant 632 : i32
    %mul3A_4 = arith.muli %mul3A_3, %arg1 : i32
    "tpu.region"() ({
      %run_scoped3A_75 = tpu.sem_alloc : memref<!tpu.dma_semaphore, #tpu.memory_space<semaphore_mem>>
      %dma_start3A_76 = arith.constant 0 : i32
      %dma_start3A_77 = tpu.memref_slice %arg7[%mul3A_4, %dma_start3A_76] : memref<10112x144xf32, #tpu.memory_space<vmem_shared>> -> memref<632x144xf32, #tpu.memory_space<vmem_shared>>
      %dma_start3A_78 = arith.constant 0 : i32
      %dma_start3A_79 = tpu.memref_slice %arg5[%add3A, %dma_start3A_78] : memref<20224x144xf32, #tpu.memory_space<hbm>> -> memref<632x144xf32, #tpu.memory_space<hbm>>
      tpu.enqueue_dma source(%dma_start3A_79 : memref<632x144xf32, #tpu.memory_space<hbm>>) target(%dma_start3A_77 : memref<632x144xf32, #tpu.memory_space<vmem_shared>>) target_semaphore(%run_scoped3A_75 : memref<!tpu.dma_semaphore, #tpu.memory_space<semaphore_mem>>)
      %dma_wait3A_80 = arith.constant 0 : i32
      %dma_wait3A_81 = tpu.memref_slice %arg7[%mul3A_4, %dma_wait3A_80] : memref<10112x144xf32, #tpu.memory_space<vmem_shared>> -> memref<632x144xf32, #tpu.memory_space<vmem_shared>>
      %dma_wait3A_82 = arith.constant 0 : i32
      %dma_wait3A_83 = tpu.memref_slice %arg5[%add3A, %dma_wait3A_82] : memref<20224x144xf32, #tpu.memory_space<hbm>> -> memref<632x144xf32, #tpu.memory_space<hbm>>
      tpu.wait_dma2 semaphore(%run_scoped3A_75 : memref<!tpu.dma_semaphore, #tpu.memory_space<semaphore_mem>>) src(%dma_wait3A_83 : memref<632x144xf32, #tpu.memory_space<hbm>>) dst(%dma_wait3A_81 : memref<632x144xf32, #tpu.memory_space<vmem_shared>>)
      tpu.yield
    }) : () -> ()
    %run_scoped3A = arith.constant 0 : i32
    "tpu.region"() ({
      %run_scoped3A_75 = tpu.sem_alloc : memref<!tpu.dma_semaphore, #tpu.memory_space<semaphore_mem>>
      %dma_start3A_76 = arith.constant 0 : i32
      %dma_start3A_77 = arith.constant 0 : i32
      %dma_start3A_78 = tpu.memref_slice %arg4[%arg0, %arg1, %run_scoped3A, %dma_start3A_76, %dma_start3A_77] : memref<2x16x502x3x40xi32, #tpu.memory_space<hbm>> -> memref<1x1x1x3x40xi32, #tpu.memory_space<hbm>>
      %dma_start3A_79 = tpu.memref_squeeze %dma_start3A_78 : memref<1x1x1x3x40xi32, #tpu.memory_space<hbm>> -> memref<3x40xi32, #tpu.memory_space<hbm>>
      %dma_start3A_80 = arith.constant 0 : i32
      %dma_start3A_81 = arith.constant 0 : i32
      %dma_start3A_82 = tpu.memref_slice %arg4[%arg0, %arg1, %run_scoped3A, %dma_start3A_80, %dma_start3A_81] : memref<2x16x502x3x40xi32, #tpu.memory_space<hbm>> -> memref<1x1x1x3x40xi32, #tpu.memory_space<hbm>>
      %dma_start3A_83 = tpu.memref_squeeze %dma_start3A_82 : memref<1x1x1x3x40xi32, #tpu.memory_space<hbm>> -> memref<3x40xi32, #tpu.memory_space<hbm>>
      tpu.enqueue_dma source(%dma_start3A_83 : memref<3x40xi32, #tpu.memory_space<hbm>>) target(%arg8 : memref<3x40xi32, #tpu.memory_space<vmem>>) target_semaphore(%run_scoped3A_75 : memref<!tpu.dma_semaphore, #tpu.memory_space<semaphore_mem>>)
      %dma_wait3A_84 = arith.constant 0 : i32
      %dma_wait3A_85 = arith.constant 0 : i32
      %dma_wait3A_86 = tpu.memref_slice %arg4[%arg0, %arg1, %run_scoped3A, %dma_wait3A_84, %dma_wait3A_85] : memref<2x16x502x3x40xi32, #tpu.memory_space<hbm>> -> memref<1x1x1x3x40xi32, #tpu.memory_space<hbm>>
      %dma_wait3A_87 = tpu.memref_squeeze %dma_wait3A_86 : memref<1x1x1x3x40xi32, #tpu.memory_space<hbm>> -> memref<3x40xi32, #tpu.memory_space<hbm>>
      %dma_wait3A_88 = arith.constant 0 : i32
      %dma_wait3A_89 = arith.constant 0 : i32
      %dma_wait3A_90 = tpu.memref_slice %arg4[%arg0, %arg1, %run_scoped3A, %dma_wait3A_88, %dma_wait3A_89] : memref<2x16x502x3x40xi32, #tpu.memory_space<hbm>> -> memref<1x1x1x3x40xi32, #tpu.memory_space<hbm>>
      %dma_wait3A_91 = tpu.memref_squeeze %dma_wait3A_90 : memref<1x1x1x3x40xi32, #tpu.memory_space<hbm>> -> memref<3x40xi32, #tpu.memory_space<hbm>>
      tpu.wait_dma2 semaphore(%run_scoped3A_75 : memref<!tpu.dma_semaphore, #tpu.memory_space<semaphore_mem>>) src(%dma_wait3A_91 : memref<3x40xi32, #tpu.memory_space<hbm>>) dst(%arg8 : memref<3x40xi32, #tpu.memory_space<vmem>>)
      tpu.yield
    }) : () -> ()
    %dma_start3A = arith.constant 0 : i32
    %dma_start3A_5 = arith.constant 0 : i32
    %dma_start3A_6 = tpu.memref_slice %arg8[%dma_start3A, %dma_start3A_5] : memref<3x40xi32, #tpu.memory_space<vmem>> -> memref<1x40xi32, #tpu.memory_space<vmem>>
    %dma_start3A_7 = tpu.memref_squeeze %dma_start3A_6 : memref<1x40xi32, #tpu.memory_space<vmem>> -> memref<40xi32, #tpu.memory_space<vmem>>
    %dma_start3A_8 = arith.constant 0 : i32
    %dma_start3A_9 = arith.constant 0 : i32
    %dma_start3A_10 = tpu.memref_slice %arg2[%dma_start3A_8, %dma_start3A_9] : memref<20000x128xf32, #tpu.memory_space<hbm>> -> memref<20000x128xf32, #tpu.memory_space<hbm>>
    tpu.enqueue_indirect_dma source(%dma_start3A_10 : memref<20000x128xf32, #tpu.memory_space<hbm>>) target(%arg10 : memref<40x128xf32, #tpu.memory_space<vmem>>) offsets(%dma_start3A_7 : memref<40xi32, #tpu.memory_space<vmem>>) semaphore(%arg18 : memref<!tpu.dma_semaphore, #tpu.memory_space<semaphore_mem>>)
    %dma_start3A_11 = arith.constant 0 : i32
    %dma_start3A_12 = arith.constant 0 : i32
    %dma_start3A_13 = tpu.memref_slice %arg8[%dma_start3A_11, %dma_start3A_12] : memref<3x40xi32, #tpu.memory_space<vmem>> -> memref<1x40xi32, #tpu.memory_space<vmem>>
    %dma_start3A_14 = tpu.memref_squeeze %dma_start3A_13 : memref<1x40xi32, #tpu.memory_space<vmem>> -> memref<40xi32, #tpu.memory_space<vmem>>
    %dma_start3A_15 = arith.constant 0 : i32
    %dma_start3A_16 = arith.constant 0 : i32
    %dma_start3A_17 = tpu.memref_slice %arg3[%dma_start3A_15, %dma_start3A_16] : memref<20000x16xf32, #tpu.memory_space<hbm>> -> memref<20000x16xf32, #tpu.memory_space<hbm>>
    tpu.enqueue_indirect_dma source(%dma_start3A_17 : memref<20000x16xf32, #tpu.memory_space<hbm>>) target(%arg12 : memref<40x16xf32, #tpu.memory_space<vmem>>) offsets(%dma_start3A_14 : memref<40xi32, #tpu.memory_space<vmem>>) semaphore(%arg18 : memref<!tpu.dma_semaphore, #tpu.memory_space<semaphore_mem>>)
    %dma_start3A_18 = arith.constant 1 : i32
    %dma_start3A_19 = arith.constant 0 : i32
    %dma_start3A_20 = tpu.memref_slice %arg8[%dma_start3A_18, %dma_start3A_19] : memref<3x40xi32, #tpu.memory_space<vmem>> -> memref<1x40xi32, #tpu.memory_space<vmem>>
    %dma_start3A_21 = tpu.memref_squeeze %dma_start3A_20 : memref<1x40xi32, #tpu.memory_space<vmem>> -> memref<40xi32, #tpu.memory_space<vmem>>
    %dma_start3A_22 = arith.constant 0 : i32
    %dma_start3A_23 = arith.constant 0 : i32
    %dma_start3A_24 = tpu.memref_slice %arg3[%dma_start3A_22, %dma_start3A_23] : memref<20000x16xf32, #tpu.memory_space<hbm>> -> memref<20000x16xf32, #tpu.memory_space<hbm>>
    tpu.enqueue_indirect_dma source(%dma_start3A_24 : memref<20000x16xf32, #tpu.memory_space<hbm>>) target(%arg14 : memref<40x16xf32, #tpu.memory_space<vmem>>) offsets(%dma_start3A_21 : memref<40xi32, #tpu.memory_space<vmem>>) semaphore(%arg18 : memref<!tpu.dma_semaphore, #tpu.memory_space<semaphore_mem>>)
    %dma_start3A_25 = arith.constant 1 : i32
    %dma_start3A_26 = arith.constant 0 : i32
    %dma_start3A_27 = arith.constant 0 : i32
    %dma_start3A_28 = tpu.memref_slice %arg4[%arg0, %arg1, %dma_start3A_25, %dma_start3A_26, %dma_start3A_27] : memref<2x16x502x3x40xi32, #tpu.memory_space<hbm>> -> memref<1x1x1x3x40xi32, #tpu.memory_space<hbm>>
    %dma_start3A_29 = tpu.memref_squeeze %dma_start3A_28 : memref<1x1x1x3x40xi32, #tpu.memory_space<hbm>> -> memref<3x40xi32, #tpu.memory_space<hbm>>
    %dma_start3A_30 = arith.constant 0 : i32
    %dma_start3A_31 = arith.constant 0 : i32
    %dma_start3A_32 = tpu.memref_slice %arg4[%arg0, %arg1, %dma_start3A_25, %dma_start3A_30, %dma_start3A_31] : memref<2x16x502x3x40xi32, #tpu.memory_space<hbm>> -> memref<1x1x1x3x40xi32, #tpu.memory_space<hbm>>
    %dma_start3A_33 = tpu.memref_squeeze %dma_start3A_32 : memref<1x1x1x3x40xi32, #tpu.memory_space<hbm>> -> memref<3x40xi32, #tpu.memory_space<hbm>>
    tpu.enqueue_dma source(%dma_start3A_33 : memref<3x40xi32, #tpu.memory_space<hbm>>) target(%arg9 : memref<3x40xi32, #tpu.memory_space<vmem>>) target_semaphore(%arg21 : memref<!tpu.dma_semaphore, #tpu.memory_space<semaphore_mem>>)
    %barrier3A = arith.constant 0 : index
    tpu.barrier barrier_id(%barrier3A)
    %scan3A = arith.constant 0 : i32
    %scan3A_34 = arith.constant 250 : i32
    %scan3A_35 = arith.addi %scan3A, %scan3A_34 : i32
    %scan3A_36 = arith.constant 1 : i32
    scf.for %scan3A_75 = %scan3A to %scan3A_35 step %scan3A_36  : i32 {
      %mul3A_76 = arith.constant 1 : i32
      %mul3A_77 = arith.muli %scan3A_75, %mul3A_76 : i32
      %add3A_78 = arith.constant 0 : i32
      %add3A_79 = arith.addi %add3A_78, %mul3A_77 : i32
      %mul3A_80 = arith.constant 2 : i32
      %mul3A_81 = arith.muli %add3A_79, %mul3A_80 : i32
      %add3A_82 = arith.constant 0 : i32
      %add3A_83 = arith.addi %mul3A_81, %add3A_82 : i32
      %dma_wait3A_84 = arith.constant 0 : i32
      %dma_wait3A_85 = arith.constant 0 : i32
      %dma_wait3A_86 = tpu.memref_slice %arg8[%dma_wait3A_84, %dma_wait3A_85] : memref<3x40xi32, #tpu.memory_space<vmem>> -> memref<1x40xi32, #tpu.memory_space<vmem>>
      %dma_wait3A_87 = tpu.memref_squeeze %dma_wait3A_86 : memref<1x40xi32, #tpu.memory_space<vmem>> -> memref<40xi32, #tpu.memory_space<vmem>>
      %dma_wait3A_88 = arith.constant 0 : i32
      %dma_wait3A_89 = arith.constant 0 : i32
      %dma_wait3A_90 = tpu.memref_slice %arg2[%dma_wait3A_88, %dma_wait3A_89] : memref<20000x128xf32, #tpu.memory_space<hbm>> -> memref<20000x128xf32, #tpu.memory_space<hbm>>
      tpu.wait_indirect_dma semaphore(%arg18 : memref<!tpu.dma_semaphore, #tpu.memory_space<semaphore_mem>>) src(%dma_wait3A_90 : memref<20000x128xf32, #tpu.memory_space<hbm>>) dst(%arg10 : memref<40x128xf32, #tpu.memory_space<vmem>>)
      %dma_wait3A_91 = arith.constant 0 : i32
      %dma_wait3A_92 = arith.constant 0 : i32
      %dma_wait3A_93 = tpu.memref_slice %arg8[%dma_wait3A_91, %dma_wait3A_92] : memref<3x40xi32, #tpu.memory_space<vmem>> -> memref<1x40xi32, #tpu.memory_space<vmem>>
      %dma_wait3A_94 = tpu.memref_squeeze %dma_wait3A_93 : memref<1x40xi32, #tpu.memory_space<vmem>> -> memref<40xi32, #tpu.memory_space<vmem>>
      %dma_wait3A_95 = arith.constant 0 : i32
      %dma_wait3A_96 = arith.constant 0 : i32
      %dma_wait3A_97 = tpu.memref_slice %arg3[%dma_wait3A_95, %dma_wait3A_96] : memref<20000x16xf32, #tpu.memory_space<hbm>> -> memref<20000x16xf32, #tpu.memory_space<hbm>>
      tpu.wait_indirect_dma semaphore(%arg18 : memref<!tpu.dma_semaphore, #tpu.memory_space<semaphore_mem>>) src(%dma_wait3A_97 : memref<20000x16xf32, #tpu.memory_space<hbm>>) dst(%arg12 : memref<40x16xf32, #tpu.memory_space<vmem>>)
      %dma_wait3A_98 = arith.constant 1 : i32
      %dma_wait3A_99 = arith.constant 0 : i32
      %dma_wait3A_100 = tpu.memref_slice %arg8[%dma_wait3A_98, %dma_wait3A_99] : memref<3x40xi32, #tpu.memory_space<vmem>> -> memref<1x40xi32, #tpu.memory_space<vmem>>
      %dma_wait3A_101 = tpu.memref_squeeze %dma_wait3A_100 : memref<1x40xi32, #tpu.memory_space<vmem>> -> memref<40xi32, #tpu.memory_space<vmem>>
      %dma_wait3A_102 = arith.constant 0 : i32
      %dma_wait3A_103 = arith.constant 0 : i32
      %dma_wait3A_104 = tpu.memref_slice %arg3[%dma_wait3A_102, %dma_wait3A_103] : memref<20000x16xf32, #tpu.memory_space<hbm>> -> memref<20000x16xf32, #tpu.memory_space<hbm>>
      tpu.wait_indirect_dma semaphore(%arg18 : memref<!tpu.dma_semaphore, #tpu.memory_space<semaphore_mem>>) src(%dma_wait3A_104 : memref<20000x16xf32, #tpu.memory_space<hbm>>) dst(%arg14 : memref<40x16xf32, #tpu.memory_space<vmem>>)
      %add3A_105 = arith.constant 1 : i32
      %add3A_106 = arith.addi %add3A_83, %add3A_105 : i32
      %dma_wait3A_107 = arith.constant 0 : i32
      %dma_wait3A_108 = arith.constant 0 : i32
      %dma_wait3A_109 = tpu.memref_slice %arg4[%arg0, %arg1, %add3A_106, %dma_wait3A_107, %dma_wait3A_108] : memref<2x16x502x3x40xi32, #tpu.memory_space<hbm>> -> memref<1x1x1x3x40xi32, #tpu.memory_space<hbm>>
      %dma_wait3A_110 = tpu.memref_squeeze %dma_wait3A_109 : memref<1x1x1x3x40xi32, #tpu.memory_space<hbm>> -> memref<3x40xi32, #tpu.memory_space<hbm>>
      %dma_wait3A_111 = arith.constant 0 : i32
      %dma_wait3A_112 = arith.constant 0 : i32
      %dma_wait3A_113 = tpu.memref_slice %arg4[%arg0, %arg1, %add3A_106, %dma_wait3A_111, %dma_wait3A_112] : memref<2x16x502x3x40xi32, #tpu.memory_space<hbm>> -> memref<1x1x1x3x40xi32, #tpu.memory_space<hbm>>
      %dma_wait3A_114 = tpu.memref_squeeze %dma_wait3A_113 : memref<1x1x1x3x40xi32, #tpu.memory_space<hbm>> -> memref<3x40xi32, #tpu.memory_space<hbm>>
      tpu.wait_dma2 semaphore(%arg21 : memref<!tpu.dma_semaphore, #tpu.memory_space<semaphore_mem>>) src(%dma_wait3A_114 : memref<3x40xi32, #tpu.memory_space<hbm>>) dst(%arg9 : memref<3x40xi32, #tpu.memory_space<vmem>>)
      %dma_start3A_115 = arith.constant 0 : i32
      %dma_start3A_116 = arith.constant 0 : i32
      %dma_start3A_117 = tpu.memref_slice %arg9[%dma_start3A_115, %dma_start3A_116] : memref<3x40xi32, #tpu.memory_space<vmem>> -> memref<1x40xi32, #tpu.memory_space<vmem>>
      %dma_start3A_118 = tpu.memref_squeeze %dma_start3A_117 : memref<1x40xi32, #tpu.memory_space<vmem>> -> memref<40xi32, #tpu.memory_space<vmem>>
      %dma_start3A_119 = arith.constant 0 : i32
      %dma_start3A_120 = arith.constant 0 : i32
      %dma_start3A_121 = tpu.memref_slice %arg2[%dma_start3A_119, %dma_start3A_120] : memref<20000x128xf32, #tpu.memory_space<hbm>> -> memref<20000x128xf32, #tpu.memory_space<hbm>>
      tpu.enqueue_indirect_dma source(%dma_start3A_121 : memref<20000x128xf32, #tpu.memory_space<hbm>>) target(%arg11 : memref<40x128xf32, #tpu.memory_space<vmem>>) offsets(%dma_start3A_118 : memref<40xi32, #tpu.memory_space<vmem>>) semaphore(%arg19 : memref<!tpu.dma_semaphore, #tpu.memory_space<semaphore_mem>>)
      %dma_start3A_122 = arith.constant 0 : i32
      %dma_start3A_123 = arith.constant 0 : i32
      %dma_start3A_124 = tpu.memref_slice %arg9[%dma_start3A_122, %dma_start3A_123] : memref<3x40xi32, #tpu.memory_space<vmem>> -> memref<1x40xi32, #tpu.memory_space<vmem>>
      %dma_start3A_125 = tpu.memref_squeeze %dma_start3A_124 : memref<1x40xi32, #tpu.memory_space<vmem>> -> memref<40xi32, #tpu.memory_space<vmem>>
      %dma_start3A_126 = arith.constant 0 : i32
      %dma_start3A_127 = arith.constant 0 : i32
      %dma_start3A_128 = tpu.memref_slice %arg3[%dma_start3A_126, %dma_start3A_127] : memref<20000x16xf32, #tpu.memory_space<hbm>> -> memref<20000x16xf32, #tpu.memory_space<hbm>>
      tpu.enqueue_indirect_dma source(%dma_start3A_128 : memref<20000x16xf32, #tpu.memory_space<hbm>>) target(%arg13 : memref<40x16xf32, #tpu.memory_space<vmem>>) offsets(%dma_start3A_125 : memref<40xi32, #tpu.memory_space<vmem>>) semaphore(%arg19 : memref<!tpu.dma_semaphore, #tpu.memory_space<semaphore_mem>>)
      %dma_start3A_129 = arith.constant 1 : i32
      %dma_start3A_130 = arith.constant 0 : i32
      %dma_start3A_131 = tpu.memref_slice %arg9[%dma_start3A_129, %dma_start3A_130] : memref<3x40xi32, #tpu.memory_space<vmem>> -> memref<1x40xi32, #tpu.memory_space<vmem>>
      %dma_start3A_132 = tpu.memref_squeeze %dma_start3A_131 : memref<1x40xi32, #tpu.memory_space<vmem>> -> memref<40xi32, #tpu.memory_space<vmem>>
      %dma_start3A_133 = arith.constant 0 : i32
      %dma_start3A_134 = arith.constant 0 : i32
      %dma_start3A_135 = tpu.memref_slice %arg3[%dma_start3A_133, %dma_start3A_134] : memref<20000x16xf32, #tpu.memory_space<hbm>> -> memref<20000x16xf32, #tpu.memory_space<hbm>>
      tpu.enqueue_indirect_dma source(%dma_start3A_135 : memref<20000x16xf32, #tpu.memory_space<hbm>>) target(%arg15 : memref<40x16xf32, #tpu.memory_space<vmem>>) offsets(%dma_start3A_132 : memref<40xi32, #tpu.memory_space<vmem>>) semaphore(%arg19 : memref<!tpu.dma_semaphore, #tpu.memory_space<semaphore_mem>>)
      %scan3A_136 = arith.constant 0 : i32
      %scan3A_137 = arith.constant 40 : i32
      %scan3A_138 = arith.addi %scan3A_136, %scan3A_137 : i32
      %scan3A_139 = arith.constant 1 : i32
      scf.for %scan3A_224 = %scan3A_136 to %scan3A_138 step %scan3A_139  : i32 {
        %mul3A_225 = arith.constant 1 : i32
        %mul3A_226 = arith.muli %scan3A_224, %mul3A_225 : i32
        %add3A_227 = arith.constant 0 : i32
        %add3A_228 = arith.addi %add3A_227, %mul3A_226 : i32
        %iota3A = tpu.iota {dimensions = array<i32: 0>} : vector<16xi32>
        %and3A = arith.constant 3 : i32
        %and3A_229 = vector.broadcast %and3A : i32 to vector<16xi32>
        %and3A_230 = arith.andi %iota3A, %and3A_229 : vector<16xi32>
        %add3A_231 = arith.constant 4 : i32
        %add3A_232 = vector.broadcast %add3A_231 : i32 to vector<16xi32>
        %add3A_233 = arith.addi %and3A_230, %add3A_232 : vector<16xi32>
        %get3A = arith.index_cast %add3A_228 : i32 to index
        %get3A_234 = arith.constant 0 : index
        %get3A_235 = tpu.vector_load %arg12[%get3A, %get3A_234] {strides = array<i32>} : memref<40x16xf32, #tpu.memory_space<vmem>>, vector<1x16xf32>,
        %get3A_236 = vector.shape_cast %get3A_235 : vector<1x16xf32> to vector<16xf32>
        %get3A_237 = arith.index_cast %add3A_228 : i32 to index
        %get3A_238 = arith.constant 0 : index
        %get3A_239 = tpu.vector_load %arg14[%get3A_237, %get3A_238] {strides = array<i32>} : memref<40x16xf32, #tpu.memory_space<vmem>>, vector<1x16xf32>,
        %get3A_240 = vector.shape_cast %get3A_239 : vector<1x16xf32> to vector<16xf32>
        %lt3A = arith.constant 0 : i32
        %lt3A_241 = vector.broadcast %lt3A : i32 to vector<16xi32>
        %lt3A_242 = arith.cmpi slt, %add3A_233, %lt3A_241 : vector<16xi32>
        %add3A_243 = arith.constant 16 : i32
        %add3A_244 = vector.broadcast %add3A_243 : i32 to vector<16xi32>
        %add3A_245 = arith.addi %add3A_233, %add3A_244 : vector<16xi32>
        %select_n3A = arith.select %lt3A_242, %add3A_245, %add3A_233 : vector<16xi1>, vector<16xi32>
        %broadcast_in_dim3A = vector.shape_cast %select_n3A : vector<16xi32> to vector<16x1xi32>
        %gather3A = vector.shape_cast %broadcast_in_dim3A : vector<16x1xi32> to vector<16xi32>
        %gather3A_246 = tpu.dynamic_gather %get3A_240[%gather3A] in [0] : vector<16xf32>, vector<16xi32> -> vector<16xf32>
        %lt3A_247 = arith.constant 4 : i32
        %lt3A_248 = vector.broadcast %lt3A_247 : i32 to vector<16xi32>
        %lt3A_249 = arith.cmpi slt, %iota3A, %lt3A_248 : vector<16xi32>
        %add3A_250 = arith.addf %get3A_236, %gather3A_246 : vector<16xf32>
        %ge3A = arith.constant 0.000000e+00 : f32
        %ge3A_251 = vector.broadcast %ge3A : f32 to vector<16xf32>
        %ge3A_252 = arith.cmpf oge, %add3A_250, %ge3A_251 : vector<16xf32>
        %mul3A_253 = arith.constant 2.000000e-01 : f32
        %mul3A_254 = vector.broadcast %mul3A_253 : f32 to vector<16xf32>
        %mul3A_255 = arith.mulf %mul3A_254, %add3A_250 : vector<16xf32>
        %select_n3A_256 = arith.select %ge3A_252, %add3A_250, %mul3A_255 : vector<16xi1>, vector<16xf32>
        %exp3A = math.exp %select_n3A_256 : vector<16xf32>
        %jit3A = arith.constant 0.000000e+00 : f32
        %broadcast_in_dim3A_257 = vector.broadcast %jit3A : f32 to vector<16xf32>
        %select_n3A_258 = arith.select %lt3A_249, %exp3A, %broadcast_in_dim3A_257 : vector<16xi1>, vector<16xf32>
        %iota3A_259 = tpu.iota {dimensions = array<i32: 0>} : vector<16xi32>
        %mul3A_260 = arith.constant 0 : i32
        %mul3A_261 = vector.broadcast %mul3A_260 : i32 to vector<16xi32>
        %mul3A_262 = arith.muli %iota3A_259, %mul3A_261 : vector<16xi32>
        %add3A_263 = arith.constant 0 : i32
        %add3A_264 = vector.broadcast %add3A_263 : i32 to vector<16xi32>
        %add3A_265 = arith.addi %mul3A_262, %add3A_264 : vector<16xi32>
        %lt3A_266 = arith.constant 0 : i32
        %lt3A_267 = vector.broadcast %lt3A_266 : i32 to vector<16xi32>
        %lt3A_268 = arith.cmpi slt, %add3A_265, %lt3A_267 : vector<16xi32>
        %add3A_269 = arith.constant 16 : i32
        %add3A_270 = vector.broadcast %add3A_269 : i32 to vector<16xi32>
        %add3A_271 = arith.addi %add3A_265, %add3A_270 : vector<16xi32>
        %select_n3A_272 = arith.select %lt3A_268, %add3A_271, %add3A_265 : vector<16xi1>, vector<16xi32>
        %broadcast_in_dim3A_273 = vector.shape_cast %select_n3A_272 : vector<16xi32> to vector<16x1xi32>
        %gather3A_274 = vector.shape_cast %broadcast_in_dim3A_273 : vector<16x1xi32> to vector<16xi32>
        %gather3A_275 = tpu.dynamic_gather %select_n3A_258[%gather3A_274] in [0] : vector<16xf32>, vector<16xi32> -> vector<16xf32>
        %get3A_276 = arith.index_cast %add3A_228 : i32 to index
        %get3A_277 = arith.constant 0 : index
        %get3A_278 = tpu.vector_load %arg10[%get3A_276, %get3A_277] {strides = array<i32>} : memref<40x128xf32, #tpu.memory_space<vmem>>, vector<1x16xf32>,
        %get3A_279 = vector.shape_cast %get3A_278 : vector<1x16xf32> to vector<16xf32>
        %mul3A_280 = arith.mulf %gather3A_275, %get3A_279 : vector<16xf32>
        %swap3A = arith.index_cast %add3A_228 : i32 to index
        %swap3A_281 = arith.constant 0 : index
        %swap3A_282 = tpu.vector_load %arg16[%swap3A, %swap3A_281] {strides = array<i32>} : memref<40x144xf32, #tpu.memory_space<vmem>>, vector<1x16xf32>,
        %swap3A_283 = vector.shape_cast %swap3A_282 : vector<1x16xf32> to vector<16xf32>
        %swap3A_284 = vector.shape_cast %mul3A_280 : vector<16xf32> to vector<1x16xf32>
        tpu.vector_store %arg16[%swap3A, %swap3A_281], %swap3A_284 {strides = array<i32>} : memref<40x144xf32, #tpu.memory_space<vmem>>, vector<1x16xf32>,
        %get3A_285 = arith.index_cast %add3A_228 : i32 to index
        %get3A_286 = arith.constant 16 : index
        %get3A_287 = tpu.vector_load %arg10[%get3A_285, %get3A_286] {strides = array<i32>} : memref<40x128xf32, #tpu.memory_space<vmem>>, vector<1x16xf32>,
        %get3A_288 = vector.shape_cast %get3A_287 : vector<1x16xf32> to vector<16xf32>
        %mul3A_289 = arith.mulf %gather3A_275, %get3A_288 : vector<16xf32>
        %swap3A_290 = arith.index_cast %add3A_228 : i32 to index
        %swap3A_291 = arith.constant 16 : index
        %swap3A_292 = tpu.vector_load %arg16[%swap3A_290, %swap3A_291] {strides = array<i32>} : memref<40x144xf32, #tpu.memory_space<vmem>>, vector<1x16xf32>,
        %swap3A_293 = vector.shape_cast %swap3A_292 : vector<1x16xf32> to vector<16xf32>
        %swap3A_294 = vector.shape_cast %mul3A_289 : vector<16xf32> to vector<1x16xf32>
        tpu.vector_store %arg16[%swap3A_290, %swap3A_291], %swap3A_294 {strides = array<i32>} : memref<40x144xf32, #tpu.memory_space<vmem>>, vector<1x16xf32>,
        %iota3A_295 = tpu.iota {dimensions = array<i32: 0>} : vector<16xi32>
        %mul3A_296 = arith.constant 0 : i32
        %mul3A_297 = vector.broadcast %mul3A_296 : i32 to vector<16xi32>
        %mul3A_298 = arith.muli %iota3A_295, %mul3A_297 : vector<16xi32>
        %add3A_299 = arith.constant 1 : i32
        %add3A_300 = vector.broadcast %add3A_299 : i32 to vector<16xi32>
        %add3A_301 = arith.addi %mul3A_298, %add3A_300 : vector<16xi32>
        %lt3A_302 = arith.constant 0 : i32
        %lt3A_303 = vector.broadcast %lt3A_302 : i32 to vector<16xi32>
        %lt3A_304 = arith.cmpi slt, %add3A_301, %lt3A_303 : vector<16xi32>
        %add3A_305 = arith.constant 16 : i32
        %add3A_306 = vector.broadcast %add3A_305 : i32 to vector<16xi32>
        %add3A_307 = arith.addi %add3A_301, %add3A_306 : vector<16xi32>
        %select_n3A_308 = arith.select %lt3A_304, %add3A_307, %add3A_301 : vector<16xi1>, vector<16xi32>
        %broadcast_in_dim3A_309 = vector.shape_cast %select_n3A_308 : vector<16xi32> to vector<16x1xi32>
        %gather3A_310 = vector.shape_cast %broadcast_in_dim3A_309 : vector<16x1xi32> to vector<16xi32>
        %gather3A_311 = tpu.dynamic_gather %select_n3A_258[%gather3A_310] in [0] : vector<16xf32>, vector<16xi32> -> vector<16xf32>
        %get3A_312 = arith.index_cast %add3A_228 : i32 to index
        %get3A_313 = arith.constant 32 : index
        %get3A_314 = tpu.vector_load %arg10[%get3A_312, %get3A_313] {strides = array<i32>} : memref<40x128xf32, #tpu.memory_space<vmem>>, vector<1x16xf32>,
        %get3A_315 = vector.shape_cast %get3A_314 : vector<1x16xf32> to vector<16xf32>
        %mul3A_316 = arith.mulf %gather3A_311, %get3A_315 : vector<16xf32>
        %swap3A_317 = arith.index_cast %add3A_228 : i32 to index
        %swap3A_318 = arith.constant 32 : index
        %swap3A_319 = tpu.vector_load %arg16[%swap3A_317, %swap3A_318] {strides = array<i32>} : memref<40x144xf32, #tpu.memory_space<vmem>>, vector<1x16xf32>,
        %swap3A_320 = vector.shape_cast %swap3A_319 : vector<1x16xf32> to vector<16xf32>
        %swap3A_321 = vector.shape_cast %mul3A_316 : vector<16xf32> to vector<1x16xf32>
        tpu.vector_store %arg16[%swap3A_317, %swap3A_318], %swap3A_321 {strides = array<i32>} : memref<40x144xf32, #tpu.memory_space<vmem>>, vector<1x16xf32>,
        %get3A_322 = arith.index_cast %add3A_228 : i32 to index
        %get3A_323 = arith.constant 48 : index
        %get3A_324 = tpu.vector_load %arg10[%get3A_322, %get3A_323] {strides = array<i32>} : memref<40x128xf32, #tpu.memory_space<vmem>>, vector<1x16xf32>,
        %get3A_325 = vector.shape_cast %get3A_324 : vector<1x16xf32> to vector<16xf32>
        %mul3A_326 = arith.mulf %gather3A_311, %get3A_325 : vector<16xf32>
        %swap3A_327 = arith.index_cast %add3A_228 : i32 to index
        %swap3A_328 = arith.constant 48 : index
        %swap3A_329 = tpu.vector_load %arg16[%swap3A_327, %swap3A_328] {strides = array<i32>} : memref<40x144xf32, #tpu.memory_space<vmem>>, vector<1x16xf32>,
        %swap3A_330 = vector.shape_cast %swap3A_329 : vector<1x16xf32> to vector<16xf32>
        %swap3A_331 = vector.shape_cast %mul3A_326 : vector<16xf32> to vector<1x16xf32>
        tpu.vector_store %arg16[%swap3A_327, %swap3A_328], %swap3A_331 {strides = array<i32>} : memref<40x144xf32, #tpu.memory_space<vmem>>, vector<1x16xf32>,
        %iota3A_332 = tpu.iota {dimensions = array<i32: 0>} : vector<16xi32>
        %mul3A_333 = arith.constant 0 : i32
        %mul3A_334 = vector.broadcast %mul3A_333 : i32 to vector<16xi32>
        %mul3A_335 = arith.muli %iota3A_332, %mul3A_334 : vector<16xi32>
        %add3A_336 = arith.constant 2 : i32
        %add3A_337 = vector.broadcast %add3A_336 : i32 to vector<16xi32>
        %add3A_338 = arith.addi %mul3A_335, %add3A_337 : vector<16xi32>
        %lt3A_339 = arith.constant 0 : i32
        %lt3A_340 = vector.broadcast %lt3A_339 : i32 to vector<16xi32>
        %lt3A_341 = arith.cmpi slt, %add3A_338, %lt3A_340 : vector<16xi32>
        %add3A_342 = arith.constant 16 : i32
        %add3A_343 = vector.broadcast %add3A_342 : i32 to vector<16xi32>
        %add3A_344 = arith.addi %add3A_338, %add3A_343 : vector<16xi32>
        %select_n3A_345 = arith.select %lt3A_341, %add3A_344, %add3A_338 : vector<16xi1>, vector<16xi32>
        %broadcast_in_dim3A_346 = vector.shape_cast %select_n3A_345 : vector<16xi32> to vector<16x1xi32>
        %gather3A_347 = vector.shape_cast %broadcast_in_dim3A_346 : vector<16x1xi32> to vector<16xi32>
        %gather3A_348 = tpu.dynamic_gather %select_n3A_258[%gather3A_347] in [0] : vector<16xf32>, vector<16xi32> -> vector<16xf32>
        %get3A_349 = arith.index_cast %add3A_228 : i32 to index
        %get3A_350 = arith.constant 64 : index
        %get3A_351 = tpu.vector_load %arg10[%get3A_349, %get3A_350] {strides = array<i32>} : memref<40x128xf32, #tpu.memory_space<vmem>>, vector<1x16xf32>,
        %get3A_352 = vector.shape_cast %get3A_351 : vector<1x16xf32> to vector<16xf32>
        %mul3A_353 = arith.mulf %gather3A_348, %get3A_352 : vector<16xf32>
        %swap3A_354 = arith.index_cast %add3A_228 : i32 to index
        %swap3A_355 = arith.constant 64 : index
        %swap3A_356 = tpu.vector_load %arg16[%swap3A_354, %swap3A_355] {strides = array<i32>} : memref<40x144xf32, #tpu.memory_space<vmem>>, vector<1x16xf32>,
        %swap3A_357 = vector.shape_cast %swap3A_356 : vector<1x16xf32> to vector<16xf32>
        %swap3A_358 = vector.shape_cast %mul3A_353 : vector<16xf32> to vector<1x16xf32>
        tpu.vector_store %arg16[%swap3A_354, %swap3A_355], %swap3A_358 {strides = array<i32>} : memref<40x144xf32, #tpu.memory_space<vmem>>, vector<1x16xf32>,
        %get3A_359 = arith.index_cast %add3A_228 : i32 to index
        %get3A_360 = arith.constant 80 : index
        %get3A_361 = tpu.vector_load %arg10[%get3A_359, %get3A_360] {strides = array<i32>} : memref<40x128xf32, #tpu.memory_space<vmem>>, vector<1x16xf32>,
        %get3A_362 = vector.shape_cast %get3A_361 : vector<1x16xf32> to vector<16xf32>
        %mul3A_363 = arith.mulf %gather3A_348, %get3A_362 : vector<16xf32>
        %swap3A_364 = arith.index_cast %add3A_228 : i32 to index
        %swap3A_365 = arith.constant 80 : index
        %swap3A_366 = tpu.vector_load %arg16[%swap3A_364, %swap3A_365] {strides = array<i32>} : memref<40x144xf32, #tpu.memory_space<vmem>>, vector<1x16xf32>,
        %swap3A_367 = vector.shape_cast %swap3A_366 : vector<1x16xf32> to vector<16xf32>
        %swap3A_368 = vector.shape_cast %mul3A_363 : vector<16xf32> to vector<1x16xf32>
        tpu.vector_store %arg16[%swap3A_364, %swap3A_365], %swap3A_368 {strides = array<i32>} : memref<40x144xf32, #tpu.memory_space<vmem>>, vector<1x16xf32>,
        %iota3A_369 = tpu.iota {dimensions = array<i32: 0>} : vector<16xi32>
        %mul3A_370 = arith.constant 0 : i32
        %mul3A_371 = vector.broadcast %mul3A_370 : i32 to vector<16xi32>
        %mul3A_372 = arith.muli %iota3A_369, %mul3A_371 : vector<16xi32>
        %add3A_373 = arith.constant 3 : i32
        %add3A_374 = vector.broadcast %add3A_373 : i32 to vector<16xi32>
        %add3A_375 = arith.addi %mul3A_372, %add3A_374 : vector<16xi32>
        %lt3A_376 = arith.constant 0 : i32
        %lt3A_377 = vector.broadcast %lt3A_376 : i32 to vector<16xi32>
        %lt3A_378 = arith.cmpi slt, %add3A_375, %lt3A_377 : vector<16xi32>
        %add3A_379 = arith.constant 16 : i32
        %add3A_380 = vector.broadcast %add3A_379 : i32 to vector<16xi32>
        %add3A_381 = arith.addi %add3A_375, %add3A_380 : vector<16xi32>
        %select_n3A_382 = arith.select %lt3A_378, %add3A_381, %add3A_375 : vector<16xi1>, vector<16xi32>
        %broadcast_in_dim3A_383 = vector.shape_cast %select_n3A_382 : vector<16xi32> to vector<16x1xi32>
        %gather3A_384 = vector.shape_cast %broadcast_in_dim3A_383 : vector<16x1xi32> to vector<16xi32>
        %gather3A_385 = tpu.dynamic_gather %select_n3A_258[%gather3A_384] in [0] : vector<16xf32>, vector<16xi32> -> vector<16xf32>
        %get3A_386 = arith.index_cast %add3A_228 : i32 to index
        %get3A_387 = arith.constant 96 : index
        %get3A_388 = tpu.vector_load %arg10[%get3A_386, %get3A_387] {strides = array<i32>} : memref<40x128xf32, #tpu.memory_space<vmem>>, vector<1x16xf32>,
        %get3A_389 = vector.shape_cast %get3A_388 : vector<1x16xf32> to vector<16xf32>
        %mul3A_390 = arith.mulf %gather3A_385, %get3A_389 : vector<16xf32>
        %swap3A_391 = arith.index_cast %add3A_228 : i32 to index
        %swap3A_392 = arith.constant 96 : index
        %swap3A_393 = tpu.vector_load %arg16[%swap3A_391, %swap3A_392] {strides = array<i32>} : memref<40x144xf32, #tpu.memory_space<vmem>>, vector<1x16xf32>,
        %swap3A_394 = vector.shape_cast %swap3A_393 : vector<1x16xf32> to vector<16xf32>
        %swap3A_395 = vector.shape_cast %mul3A_390 : vector<16xf32> to vector<1x16xf32>
        tpu.vector_store %arg16[%swap3A_391, %swap3A_392], %swap3A_395 {strides = array<i32>} : memref<40x144xf32, #tpu.memory_space<vmem>>, vector<1x16xf32>,
        %get3A_396 = arith.index_cast %add3A_228 : i32 to index
        %get3A_397 = arith.constant 112 : index
        %get3A_398 = tpu.vector_load %arg10[%get3A_396, %get3A_397] {strides = array<i32>} : memref<40x128xf32, #tpu.memory_space<vmem>>, vector<1x16xf32>,
        %get3A_399 = vector.shape_cast %get3A_398 : vector<1x16xf32> to vector<16xf32>
        %mul3A_400 = arith.mulf %gather3A_385, %get3A_399 : vector<16xf32>
        %swap3A_401 = arith.index_cast %add3A_228 : i32 to index
        %swap3A_402 = arith.constant 112 : index
        %swap3A_403 = tpu.vector_load %arg16[%swap3A_401, %swap3A_402] {strides = array<i32>} : memref<40x144xf32, #tpu.memory_space<vmem>>, vector<1x16xf32>,
        %swap3A_404 = vector.shape_cast %swap3A_403 : vector<1x16xf32> to vector<16xf32>
        %swap3A_405 = vector.shape_cast %mul3A_400 : vector<16xf32> to vector<1x16xf32>
        tpu.vector_store %arg16[%swap3A_401, %swap3A_402], %swap3A_405 {strides = array<i32>} : memref<40x144xf32, #tpu.memory_space<vmem>>, vector<1x16xf32>,
        %swap3A_406 = arith.index_cast %add3A_228 : i32 to index
        %swap3A_407 = arith.constant 128 : index
        %swap3A_408 = tpu.vector_load %arg16[%swap3A_406, %swap3A_407] {strides = array<i32>} : memref<40x144xf32, #tpu.memory_space<vmem>>, vector<1x16xf32>,
        %swap3A_409 = vector.shape_cast %swap3A_408 : vector<1x16xf32> to vector<16xf32>
        %swap3A_410 = vector.shape_cast %select_n3A_258 : vector<16xf32> to vector<1x16xf32>
        tpu.vector_store %arg16[%swap3A_406, %swap3A_407], %swap3A_410 {strides = array<i32>} : memref<40x144xf32, #tpu.memory_space<vmem>>, vector<1x16xf32>,
      }
      %scan3A_140 = arith.constant 40 : i32
      %run_scoped3A_141 = arith.constant 2 : i32
      "tpu.region"() ({
        %run_scoped3A_224 = tpu.sem_alloc : memref<!tpu.dma_semaphore, #tpu.memory_space<semaphore_mem>>
        %dma_start3A_225 = arith.constant 0 : i32
        %dma_start3A_226 = tpu.memref_slice %arg8[%run_scoped3A_141, %dma_start3A_225] : memref<3x40xi32, #tpu.memory_space<vmem>> -> memref<1x40xi32, #tpu.memory_space<vmem>>
        %dma_start3A_227 = tpu.memref_squeeze %dma_start3A_226 : memref<1x40xi32, #tpu.memory_space<vmem>> -> memref<40xi32, #tpu.memory_space<vmem>>
        %dma_start3A_228 = arith.constant 0 : i32
        %dma_start3A_229 = arith.constant 0 : i32
        %dma_start3A_230 = tpu.memref_slice %arg7[%dma_start3A_228, %dma_start3A_229] : memref<10112x144xf32, #tpu.memory_space<vmem_shared>> -> memref<10112x144xf32, #tpu.memory_space<vmem_shared>>
        tpu.enqueue_indirect_dma source(%arg16 : memref<40x144xf32, #tpu.memory_space<vmem>>) target(%dma_start3A_230 : memref<10112x144xf32, #tpu.memory_space<vmem_shared>>) offsets(%dma_start3A_227 : memref<40xi32, #tpu.memory_space<vmem>>) semaphore(%run_scoped3A_224 : memref<!tpu.dma_semaphore, #tpu.memory_space<semaphore_mem>>) {add = true}
        %dma_wait3A_231 = arith.constant 0 : i32
        %dma_wait3A_232 = tpu.memref_slice %arg8[%run_scoped3A_141, %dma_wait3A_231] : memref<3x40xi32, #tpu.memory_space<vmem>> -> memref<1x40xi32, #tpu.memory_space<vmem>>
        %dma_wait3A_233 = tpu.memref_squeeze %dma_wait3A_232 : memref<1x40xi32, #tpu.memory_space<vmem>> -> memref<40xi32, #tpu.memory_space<vmem>>
        %dma_wait3A_234 = arith.constant 0 : i32
        %dma_wait3A_235 = arith.constant 0 : i32
        %dma_wait3A_236 = tpu.memref_slice %arg7[%dma_wait3A_234, %dma_wait3A_235] : memref<10112x144xf32, #tpu.memory_space<vmem_shared>> -> memref<10112x144xf32, #tpu.memory_space<vmem_shared>>
        tpu.wait_indirect_dma semaphore(%run_scoped3A_224 : memref<!tpu.dma_semaphore, #tpu.memory_space<semaphore_mem>>) src(%arg16 : memref<40x144xf32, #tpu.memory_space<vmem>>) dst(%dma_wait3A_236 : memref<10112x144xf32, #tpu.memory_space<vmem_shared>>)
        tpu.yield
      }) : () -> ()
      %add3A_142 = arith.constant 2 : i32
      %add3A_143 = arith.addi %add3A_83, %add3A_142 : i32
      %dma_start3A_144 = arith.constant 0 : i32
      %dma_start3A_145 = arith.constant 0 : i32
      %dma_start3A_146 = tpu.memref_slice %arg4[%arg0, %arg1, %add3A_143, %dma_start3A_144, %dma_start3A_145] : memref<2x16x502x3x40xi32, #tpu.memory_space<hbm>> -> memref<1x1x1x3x40xi32, #tpu.memory_space<hbm>>
      %dma_start3A_147 = tpu.memref_squeeze %dma_start3A_146 : memref<1x1x1x3x40xi32, #tpu.memory_space<hbm>> -> memref<3x40xi32, #tpu.memory_space<hbm>>
      %dma_start3A_148 = arith.constant 0 : i32
      %dma_start3A_149 = arith.constant 0 : i32
      %dma_start3A_150 = tpu.memref_slice %arg4[%arg0, %arg1, %add3A_143, %dma_start3A_148, %dma_start3A_149] : memref<2x16x502x3x40xi32, #tpu.memory_space<hbm>> -> memref<1x1x1x3x40xi32, #tpu.memory_space<hbm>>
      %dma_start3A_151 = tpu.memref_squeeze %dma_start3A_150 : memref<1x1x1x3x40xi32, #tpu.memory_space<hbm>> -> memref<3x40xi32, #tpu.memory_space<hbm>>
      tpu.enqueue_dma source(%dma_start3A_151 : memref<3x40xi32, #tpu.memory_space<hbm>>) target(%arg8 : memref<3x40xi32, #tpu.memory_space<vmem>>) target_semaphore(%arg20 : memref<!tpu.dma_semaphore, #tpu.memory_space<semaphore_mem>>)
      %mul3A_152 = arith.constant 2 : i32
      %mul3A_153 = arith.muli %add3A_79, %mul3A_152 : i32
      %add3A_154 = arith.constant 1 : i32
      %add3A_155 = arith.addi %mul3A_153, %add3A_154 : i32
      %dma_wait3A_156 = arith.constant 0 : i32
      %dma_wait3A_157 = arith.constant 0 : i32
      %dma_wait3A_158 = tpu.memref_slice %arg9[%dma_wait3A_156, %dma_wait3A_157] : memref<3x40xi32, #tpu.memory_space<vmem>> -> memref<1x40xi32, #tpu.memory_space<vmem>>
      %dma_wait3A_159 = tpu.memref_squeeze %dma_wait3A_158 : memref<1x40xi32, #tpu.memory_space<vmem>> -> memref<40xi32, #tpu.memory_space<vmem>>
      %dma_wait3A_160 = arith.constant 0 : i32
      %dma_wait3A_161 = arith.constant 0 : i32
      %dma_wait3A_162 = tpu.memref_slice %arg2[%dma_wait3A_160, %dma_wait3A_161] : memref<20000x128xf32, #tpu.memory_space<hbm>> -> memref<20000x128xf32, #tpu.memory_space<hbm>>
      tpu.wait_indirect_dma semaphore(%arg19 : memref<!tpu.dma_semaphore, #tpu.memory_space<semaphore_mem>>) src(%dma_wait3A_162 : memref<20000x128xf32, #tpu.memory_space<hbm>>) dst(%arg11 : memref<40x128xf32, #tpu.memory_space<vmem>>)
      %dma_wait3A_163 = arith.constant 0 : i32
      %dma_wait3A_164 = arith.constant 0 : i32
      %dma_wait3A_165 = tpu.memref_slice %arg9[%dma_wait3A_163, %dma_wait3A_164] : memref<3x40xi32, #tpu.memory_space<vmem>> -> memref<1x40xi32, #tpu.memory_space<vmem>>
      %dma_wait3A_166 = tpu.memref_squeeze %dma_wait3A_165 : memref<1x40xi32, #tpu.memory_space<vmem>> -> memref<40xi32, #tpu.memory_space<vmem>>
      %dma_wait3A_167 = arith.constant 0 : i32
      %dma_wait3A_168 = arith.constant 0 : i32
      %dma_wait3A_169 = tpu.memref_slice %arg3[%dma_wait3A_167, %dma_wait3A_168] : memref<20000x16xf32, #tpu.memory_space<hbm>> -> memref<20000x16xf32, #tpu.memory_space<hbm>>
      tpu.wait_indirect_dma semaphore(%arg19 : memref<!tpu.dma_semaphore, #tpu.memory_space<semaphore_mem>>) src(%dma_wait3A_169 : memref<20000x16xf32, #tpu.memory_space<hbm>>) dst(%arg13 : memref<40x16xf32, #tpu.memory_space<vmem>>)
      %dma_wait3A_170 = arith.constant 1 : i32
      %dma_wait3A_171 = arith.constant 0 : i32
      %dma_wait3A_172 = tpu.memref_slice %arg9[%dma_wait3A_170, %dma_wait3A_171] : memref<3x40xi32, #tpu.memory_space<vmem>> -> memref<1x40xi32, #tpu.memory_space<vmem>>
      %dma_wait3A_173 = tpu.memref_squeeze %dma_wait3A_172 : memref<1x40xi32, #tpu.memory_space<vmem>> -> memref<40xi32, #tpu.memory_space<vmem>>
      %dma_wait3A_174 = arith.constant 0 : i32
      %dma_wait3A_175 = arith.constant 0 : i32
      %dma_wait3A_176 = tpu.memref_slice %arg3[%dma_wait3A_174, %dma_wait3A_175] : memref<20000x16xf32, #tpu.memory_space<hbm>> -> memref<20000x16xf32, #tpu.memory_space<hbm>>
      tpu.wait_indirect_dma semaphore(%arg19 : memref<!tpu.dma_semaphore, #tpu.memory_space<semaphore_mem>>) src(%dma_wait3A_176 : memref<20000x16xf32, #tpu.memory_space<hbm>>) dst(%arg15 : memref<40x16xf32, #tpu.memory_space<vmem>>)
      %add3A_177 = arith.constant 1 : i32
      %add3A_178 = arith.addi %add3A_155, %add3A_177 : i32
      %dma_wait3A_179 = arith.constant 0 : i32
      %dma_wait3A_180 = arith.constant 0 : i32
      %dma_wait3A_181 = tpu.memref_slice %arg4[%arg0, %arg1, %add3A_178, %dma_wait3A_179, %dma_wait3A_180] : memref<2x16x502x3x40xi32, #tpu.memory_space<hbm>> -> memref<1x1x1x3x40xi32, #tpu.memory_space<hbm>>
      %dma_wait3A_182 = tpu.memref_squeeze %dma_wait3A_181 : memref<1x1x1x3x40xi32, #tpu.memory_space<hbm>> -> memref<3x40xi32, #tpu.memory_space<hbm>>
      %dma_wait3A_183 = arith.constant 0 : i32
      %dma_wait3A_184 = arith.constant 0 : i32
      %dma_wait3A_185 = tpu.memref_slice %arg4[%arg0, %arg1, %add3A_178, %dma_wait3A_183, %dma_wait3A_184] : memref<2x16x502x3x40xi32, #tpu.memory_space<hbm>> -> memref<1x1x1x3x40xi32, #tpu.memory_space<hbm>>
      %dma_wait3A_186 = tpu.memref_squeeze %dma_wait3A_185 : memref<1x1x1x3x40xi32, #tpu.memory_space<hbm>> -> memref<3x40xi32, #tpu.memory_space<hbm>>
      tpu.wait_dma2 semaphore(%arg20 : memref<!tpu.dma_semaphore, #tpu.memory_space<semaphore_mem>>) src(%dma_wait3A_186 : memref<3x40xi32, #tpu.memory_space<hbm>>) dst(%arg8 : memref<3x40xi32, #tpu.memory_space<vmem>>)
      %dma_start3A_187 = arith.constant 0 : i32
      %dma_start3A_188 = arith.constant 0 : i32
      %dma_start3A_189 = tpu.memref_slice %arg8[%dma_start3A_187, %dma_start3A_188] : memref<3x40xi32, #tpu.memory_space<vmem>> -> memref<1x40xi32, #tpu.memory_space<vmem>>
      %dma_start3A_190 = tpu.memref_squeeze %dma_start3A_189 : memref<1x40xi32, #tpu.memory_space<vmem>> -> memref<40xi32, #tpu.memory_space<vmem>>
      %dma_start3A_191 = arith.constant 0 : i32
      %dma_start3A_192 = arith.constant 0 : i32
      %dma_start3A_193 = tpu.memref_slice %arg2[%dma_start3A_191, %dma_start3A_192] : memref<20000x128xf32, #tpu.memory_space<hbm>> -> memref<20000x128xf32, #tpu.memory_space<hbm>>
      tpu.enqueue_indirect_dma source(%dma_start3A_193 : memref<20000x128xf32, #tpu.memory_space<hbm>>) target(%arg10 : memref<40x128xf32, #tpu.memory_space<vmem>>) offsets(%dma_start3A_190 : memref<40xi32, #tpu.memory_space<vmem>>) semaphore(%arg18 : memref<!tpu.dma_semaphore, #tpu.memory_space<semaphore_mem>>)
      %dma_start3A_194 = arith.constant 0 : i32
      %dma_start3A_195 = arith.constant 0 : i32
      %dma_start3A_196 = tpu.memref_slice %arg8[%dma_start3A_194, %dma_start3A_195] : memref<3x40xi32, #tpu.memory_space<vmem>> -> memref<1x40xi32, #tpu.memory_space<vmem>>
      %dma_start3A_197 = tpu.memref_squeeze %dma_start3A_196 : memref<1x40xi32, #tpu.memory_space<vmem>> -> memref<40xi32, #tpu.memory_space<vmem>>
      %dma_start3A_198 = arith.constant 0 : i32
      %dma_start3A_199 = arith.constant 0 : i32
      %dma_start3A_200 = tpu.memref_slice %arg3[%dma_start3A_198, %dma_start3A_199] : memref<20000x16xf32, #tpu.memory_space<hbm>> -> memref<20000x16xf32, #tpu.memory_space<hbm>>
      tpu.enqueue_indirect_dma source(%dma_start3A_200 : memref<20000x16xf32, #tpu.memory_space<hbm>>) target(%arg12 : memref<40x16xf32, #tpu.memory_space<vmem>>) offsets(%dma_start3A_197 : memref<40xi32, #tpu.memory_space<vmem>>) semaphore(%arg18 : memref<!tpu.dma_semaphore, #tpu.memory_space<semaphore_mem>>)
      %dma_start3A_201 = arith.constant 1 : i32
      %dma_start3A_202 = arith.constant 0 : i32
      %dma_start3A_203 = tpu.memref_slice %arg8[%dma_start3A_201, %dma_start3A_202] : memref<3x40xi32, #tpu.memory_space<vmem>> -> memref<1x40xi32, #tpu.memory_space<vmem>>
      %dma_start3A_204 = tpu.memref_squeeze %dma_start3A_203 : memref<1x40xi32, #tpu.memory_space<vmem>> -> memref<40xi32, #tpu.memory_space<vmem>>
      %dma_start3A_205 = arith.constant 0 : i32
      %dma_start3A_206 = arith.constant 0 : i32
      %dma_start3A_207 = tpu.memref_slice %arg3[%dma_start3A_205, %dma_start3A_206] : memref<20000x16xf32, #tpu.memory_space<hbm>> -> memref<20000x16xf32, #tpu.memory_space<hbm>>
      tpu.enqueue_indirect_dma source(%dma_start3A_207 : memref<20000x16xf32, #tpu.memory_space<hbm>>) target(%arg14 : memref<40x16xf32, #tpu.memory_space<vmem>>) offsets(%dma_start3A_204 : memref<40xi32, #tpu.memory_space<vmem>>) semaphore(%arg18 : memref<!tpu.dma_semaphore, #tpu.memory_space<semaphore_mem>>)
      %scan3A_208 = arith.constant 0 : i32
      %scan3A_209 = arith.constant 40 : i32
      %scan3A_210 = arith.addi %scan3A_208, %scan3A_209 : i32
      %scan3A_211 = arith.constant 1 : i32
      scf.for %scan3A_224 = %scan3A_208 to %scan3A_210 step %scan3A_211  : i32 {
        %mul3A_225 = arith.constant 1 : i32
        %mul3A_226 = arith.muli %scan3A_224, %mul3A_225 : i32
        %add3A_227 = arith.constant 0 : i32
        %add3A_228 = arith.addi %add3A_227, %mul3A_226 : i32
        %iota3A = tpu.iota {dimensions = array<i32: 0>} : vector<16xi32>
        %and3A = arith.constant 3 : i32
        %and3A_229 = vector.broadcast %and3A : i32 to vector<16xi32>
        %and3A_230 = arith.andi %iota3A, %and3A_229 : vector<16xi32>
        %add3A_231 = arith.constant 4 : i32
        %add3A_232 = vector.broadcast %add3A_231 : i32 to vector<16xi32>
        %add3A_233 = arith.addi %and3A_230, %add3A_232 : vector<16xi32>
        %get3A = arith.index_cast %add3A_228 : i32 to index
        %get3A_234 = arith.constant 0 : index
        %get3A_235 = tpu.vector_load %arg13[%get3A, %get3A_234] {strides = array<i32>} : memref<40x16xf32, #tpu.memory_space<vmem>>, vector<1x16xf32>,
        %get3A_236 = vector.shape_cast %get3A_235 : vector<1x16xf32> to vector<16xf32>
        %get3A_237 = arith.index_cast %add3A_228 : i32 to index
        %get3A_238 = arith.constant 0 : index
        %get3A_239 = tpu.vector_load %arg15[%get3A_237, %get3A_238] {strides = array<i32>} : memref<40x16xf32, #tpu.memory_space<vmem>>, vector<1x16xf32>,
        %get3A_240 = vector.shape_cast %get3A_239 : vector<1x16xf32> to vector<16xf32>
        %lt3A = arith.constant 0 : i32
        %lt3A_241 = vector.broadcast %lt3A : i32 to vector<16xi32>
        %lt3A_242 = arith.cmpi slt, %add3A_233, %lt3A_241 : vector<16xi32>
        %add3A_243 = arith.constant 16 : i32
        %add3A_244 = vector.broadcast %add3A_243 : i32 to vector<16xi32>
        %add3A_245 = arith.addi %add3A_233, %add3A_244 : vector<16xi32>
        %select_n3A = arith.select %lt3A_242, %add3A_245, %add3A_233 : vector<16xi1>, vector<16xi32>
        %broadcast_in_dim3A = vector.shape_cast %select_n3A : vector<16xi32> to vector<16x1xi32>
        %gather3A = vector.shape_cast %broadcast_in_dim3A : vector<16x1xi32> to vector<16xi32>
        %gather3A_246 = tpu.dynamic_gather %get3A_240[%gather3A] in [0] : vector<16xf32>, vector<16xi32> -> vector<16xf32>
        %lt3A_247 = arith.constant 4 : i32
        %lt3A_248 = vector.broadcast %lt3A_247 : i32 to vector<16xi32>
        %lt3A_249 = arith.cmpi slt, %iota3A, %lt3A_248 : vector<16xi32>
        %add3A_250 = arith.addf %get3A_236, %gather3A_246 : vector<16xf32>
        %ge3A = arith.constant 0.000000e+00 : f32
        %ge3A_251 = vector.broadcast %ge3A : f32 to vector<16xf32>
        %ge3A_252 = arith.cmpf oge, %add3A_250, %ge3A_251 : vector<16xf32>
        %mul3A_253 = arith.constant 2.000000e-01 : f32
        %mul3A_254 = vector.broadcast %mul3A_253 : f32 to vector<16xf32>
        %mul3A_255 = arith.mulf %mul3A_254, %add3A_250 : vector<16xf32>
        %select_n3A_256 = arith.select %ge3A_252, %add3A_250, %mul3A_255 : vector<16xi1>, vector<16xf32>
        %exp3A = math.exp %select_n3A_256 : vector<16xf32>
        %jit3A = arith.constant 0.000000e+00 : f32
        %broadcast_in_dim3A_257 = vector.broadcast %jit3A : f32 to vector<16xf32>
        %select_n3A_258 = arith.select %lt3A_249, %exp3A, %broadcast_in_dim3A_257 : vector<16xi1>, vector<16xf32>
        %iota3A_259 = tpu.iota {dimensions = array<i32: 0>} : vector<16xi32>
        %mul3A_260 = arith.constant 0 : i32
        %mul3A_261 = vector.broadcast %mul3A_260 : i32 to vector<16xi32>
        %mul3A_262 = arith.muli %iota3A_259, %mul3A_261 : vector<16xi32>
        %add3A_263 = arith.constant 0 : i32
        %add3A_264 = vector.broadcast %add3A_263 : i32 to vector<16xi32>
        %add3A_265 = arith.addi %mul3A_262, %add3A_264 : vector<16xi32>
        %lt3A_266 = arith.constant 0 : i32
        %lt3A_267 = vector.broadcast %lt3A_266 : i32 to vector<16xi32>
        %lt3A_268 = arith.cmpi slt, %add3A_265, %lt3A_267 : vector<16xi32>
        %add3A_269 = arith.constant 16 : i32
        %add3A_270 = vector.broadcast %add3A_269 : i32 to vector<16xi32>
        %add3A_271 = arith.addi %add3A_265, %add3A_270 : vector<16xi32>
        %select_n3A_272 = arith.select %lt3A_268, %add3A_271, %add3A_265 : vector<16xi1>, vector<16xi32>
        %broadcast_in_dim3A_273 = vector.shape_cast %select_n3A_272 : vector<16xi32> to vector<16x1xi32>
        %gather3A_274 = vector.shape_cast %broadcast_in_dim3A_273 : vector<16x1xi32> to vector<16xi32>
        %gather3A_275 = tpu.dynamic_gather %select_n3A_258[%gather3A_274] in [0] : vector<16xf32>, vector<16xi32> -> vector<16xf32>
        %get3A_276 = arith.index_cast %add3A_228 : i32 to index
        %get3A_277 = arith.constant 0 : index
        %get3A_278 = tpu.vector_load %arg11[%get3A_276, %get3A_277] {strides = array<i32>} : memref<40x128xf32, #tpu.memory_space<vmem>>, vector<1x16xf32>,
        %get3A_279 = vector.shape_cast %get3A_278 : vector<1x16xf32> to vector<16xf32>
        %mul3A_280 = arith.mulf %gather3A_275, %get3A_279 : vector<16xf32>
        %swap3A = arith.index_cast %add3A_228 : i32 to index
        %swap3A_281 = arith.constant 0 : index
        %swap3A_282 = tpu.vector_load %arg17[%swap3A, %swap3A_281] {strides = array<i32>} : memref<40x144xf32, #tpu.memory_space<vmem>>, vector<1x16xf32>,
        %swap3A_283 = vector.shape_cast %swap3A_282 : vector<1x16xf32> to vector<16xf32>
        %swap3A_284 = vector.shape_cast %mul3A_280 : vector<16xf32> to vector<1x16xf32>
        tpu.vector_store %arg17[%swap3A, %swap3A_281], %swap3A_284 {strides = array<i32>} : memref<40x144xf32, #tpu.memory_space<vmem>>, vector<1x16xf32>,
        %get3A_285 = arith.index_cast %add3A_228 : i32 to index
        %get3A_286 = arith.constant 16 : index
        %get3A_287 = tpu.vector_load %arg11[%get3A_285, %get3A_286] {strides = array<i32>} : memref<40x128xf32, #tpu.memory_space<vmem>>, vector<1x16xf32>,
        %get3A_288 = vector.shape_cast %get3A_287 : vector<1x16xf32> to vector<16xf32>
        %mul3A_289 = arith.mulf %gather3A_275, %get3A_288 : vector<16xf32>
        %swap3A_290 = arith.index_cast %add3A_228 : i32 to index
        %swap3A_291 = arith.constant 16 : index
        %swap3A_292 = tpu.vector_load %arg17[%swap3A_290, %swap3A_291] {strides = array<i32>} : memref<40x144xf32, #tpu.memory_space<vmem>>, vector<1x16xf32>,
        %swap3A_293 = vector.shape_cast %swap3A_292 : vector<1x16xf32> to vector<16xf32>
        %swap3A_294 = vector.shape_cast %mul3A_289 : vector<16xf32> to vector<1x16xf32>
        tpu.vector_store %arg17[%swap3A_290, %swap3A_291], %swap3A_294 {strides = array<i32>} : memref<40x144xf32, #tpu.memory_space<vmem>>, vector<1x16xf32>,
        %iota3A_295 = tpu.iota {dimensions = array<i32: 0>} : vector<16xi32>
        %mul3A_296 = arith.constant 0 : i32
        %mul3A_297 = vector.broadcast %mul3A_296 : i32 to vector<16xi32>
        %mul3A_298 = arith.muli %iota3A_295, %mul3A_297 : vector<16xi32>
        %add3A_299 = arith.constant 1 : i32
        %add3A_300 = vector.broadcast %add3A_299 : i32 to vector<16xi32>
        %add3A_301 = arith.addi %mul3A_298, %add3A_300 : vector<16xi32>
        %lt3A_302 = arith.constant 0 : i32
        %lt3A_303 = vector.broadcast %lt3A_302 : i32 to vector<16xi32>
        %lt3A_304 = arith.cmpi slt, %add3A_301, %lt3A_303 : vector<16xi32>
        %add3A_305 = arith.constant 16 : i32
        %add3A_306 = vector.broadcast %add3A_305 : i32 to vector<16xi32>
        %add3A_307 = arith.addi %add3A_301, %add3A_306 : vector<16xi32>
        %select_n3A_308 = arith.select %lt3A_304, %add3A_307, %add3A_301 : vector<16xi1>, vector<16xi32>
        %broadcast_in_dim3A_309 = vector.shape_cast %select_n3A_308 : vector<16xi32> to vector<16x1xi32>
        %gather3A_310 = vector.shape_cast %broadcast_in_dim3A_309 : vector<16x1xi32> to vector<16xi32>
        %gather3A_311 = tpu.dynamic_gather %select_n3A_258[%gather3A_310] in [0] : vector<16xf32>, vector<16xi32> -> vector<16xf32>
        %get3A_312 = arith.index_cast %add3A_228 : i32 to index
        %get3A_313 = arith.constant 32 : index
        %get3A_314 = tpu.vector_load %arg11[%get3A_312, %get3A_313] {strides = array<i32>} : memref<40x128xf32, #tpu.memory_space<vmem>>, vector<1x16xf32>,
        %get3A_315 = vector.shape_cast %get3A_314 : vector<1x16xf32> to vector<16xf32>
        %mul3A_316 = arith.mulf %gather3A_311, %get3A_315 : vector<16xf32>
        %swap3A_317 = arith.index_cast %add3A_228 : i32 to index
        %swap3A_318 = arith.constant 32 : index
        %swap3A_319 = tpu.vector_load %arg17[%swap3A_317, %swap3A_318] {strides = array<i32>} : memref<40x144xf32, #tpu.memory_space<vmem>>, vector<1x16xf32>,
        %swap3A_320 = vector.shape_cast %swap3A_319 : vector<1x16xf32> to vector<16xf32>
        %swap3A_321 = vector.shape_cast %mul3A_316 : vector<16xf32> to vector<1x16xf32>
        tpu.vector_store %arg17[%swap3A_317, %swap3A_318], %swap3A_321 {strides = array<i32>} : memref<40x144xf32, #tpu.memory_space<vmem>>, vector<1x16xf32>,
        %get3A_322 = arith.index_cast %add3A_228 : i32 to index
        %get3A_323 = arith.constant 48 : index
        %get3A_324 = tpu.vector_load %arg11[%get3A_322, %get3A_323] {strides = array<i32>} : memref<40x128xf32, #tpu.memory_space<vmem>>, vector<1x16xf32>,
        %get3A_325 = vector.shape_cast %get3A_324 : vector<1x16xf32> to vector<16xf32>
        %mul3A_326 = arith.mulf %gather3A_311, %get3A_325 : vector<16xf32>
        %swap3A_327 = arith.index_cast %add3A_228 : i32 to index
        %swap3A_328 = arith.constant 48 : index
        %swap3A_329 = tpu.vector_load %arg17[%swap3A_327, %swap3A_328] {strides = array<i32>} : memref<40x144xf32, #tpu.memory_space<vmem>>, vector<1x16xf32>,
        %swap3A_330 = vector.shape_cast %swap3A_329 : vector<1x16xf32> to vector<16xf32>
        %swap3A_331 = vector.shape_cast %mul3A_326 : vector<16xf32> to vector<1x16xf32>
        tpu.vector_store %arg17[%swap3A_327, %swap3A_328], %swap3A_331 {strides = array<i32>} : memref<40x144xf32, #tpu.memory_space<vmem>>, vector<1x16xf32>,
        %iota3A_332 = tpu.iota {dimensions = array<i32: 0>} : vector<16xi32>
        %mul3A_333 = arith.constant 0 : i32
        %mul3A_334 = vector.broadcast %mul3A_333 : i32 to vector<16xi32>
        %mul3A_335 = arith.muli %iota3A_332, %mul3A_334 : vector<16xi32>
        %add3A_336 = arith.constant 2 : i32
        %add3A_337 = vector.broadcast %add3A_336 : i32 to vector<16xi32>
        %add3A_338 = arith.addi %mul3A_335, %add3A_337 : vector<16xi32>
        %lt3A_339 = arith.constant 0 : i32
        %lt3A_340 = vector.broadcast %lt3A_339 : i32 to vector<16xi32>
        %lt3A_341 = arith.cmpi slt, %add3A_338, %lt3A_340 : vector<16xi32>
        %add3A_342 = arith.constant 16 : i32
        %add3A_343 = vector.broadcast %add3A_342 : i32 to vector<16xi32>
        %add3A_344 = arith.addi %add3A_338, %add3A_343 : vector<16xi32>
        %select_n3A_345 = arith.select %lt3A_341, %add3A_344, %add3A_338 : vector<16xi1>, vector<16xi32>
        %broadcast_in_dim3A_346 = vector.shape_cast %select_n3A_345 : vector<16xi32> to vector<16x1xi32>
        %gather3A_347 = vector.shape_cast %broadcast_in_dim3A_346 : vector<16x1xi32> to vector<16xi32>
        %gather3A_348 = tpu.dynamic_gather %select_n3A_258[%gather3A_347] in [0] : vector<16xf32>, vector<16xi32> -> vector<16xf32>
        %get3A_349 = arith.index_cast %add3A_228 : i32 to index
        %get3A_350 = arith.constant 64 : index
        %get3A_351 = tpu.vector_load %arg11[%get3A_349, %get3A_350] {strides = array<i32>} : memref<40x128xf32, #tpu.memory_space<vmem>>, vector<1x16xf32>,
        %get3A_352 = vector.shape_cast %get3A_351 : vector<1x16xf32> to vector<16xf32>
        %mul3A_353 = arith.mulf %gather3A_348, %get3A_352 : vector<16xf32>
        %swap3A_354 = arith.index_cast %add3A_228 : i32 to index
        %swap3A_355 = arith.constant 64 : index
        %swap3A_356 = tpu.vector_load %arg17[%swap3A_354, %swap3A_355] {strides = array<i32>} : memref<40x144xf32, #tpu.memory_space<vmem>>, vector<1x16xf32>,
        %swap3A_357 = vector.shape_cast %swap3A_356 : vector<1x16xf32> to vector<16xf32>
        %swap3A_358 = vector.shape_cast %mul3A_353 : vector<16xf32> to vector<1x16xf32>
        tpu.vector_store %arg17[%swap3A_354, %swap3A_355], %swap3A_358 {strides = array<i32>} : memref<40x144xf32, #tpu.memory_space<vmem>>, vector<1x16xf32>,
        %get3A_359 = arith.index_cast %add3A_228 : i32 to index
        %get3A_360 = arith.constant 80 : index
        %get3A_361 = tpu.vector_load %arg11[%get3A_359, %get3A_360] {strides = array<i32>} : memref<40x128xf32, #tpu.memory_space<vmem>>, vector<1x16xf32>,
        %get3A_362 = vector.shape_cast %get3A_361 : vector<1x16xf32> to vector<16xf32>
        %mul3A_363 = arith.mulf %gather3A_348, %get3A_362 : vector<16xf32>
        %swap3A_364 = arith.index_cast %add3A_228 : i32 to index
        %swap3A_365 = arith.constant 80 : index
        %swap3A_366 = tpu.vector_load %arg17[%swap3A_364, %swap3A_365] {strides = array<i32>} : memref<40x144xf32, #tpu.memory_space<vmem>>, vector<1x16xf32>,
        %swap3A_367 = vector.shape_cast %swap3A_366 : vector<1x16xf32> to vector<16xf32>
        %swap3A_368 = vector.shape_cast %mul3A_363 : vector<16xf32> to vector<1x16xf32>
        tpu.vector_store %arg17[%swap3A_364, %swap3A_365], %swap3A_368 {strides = array<i32>} : memref<40x144xf32, #tpu.memory_space<vmem>>, vector<1x16xf32>,
        %iota3A_369 = tpu.iota {dimensions = array<i32: 0>} : vector<16xi32>
        %mul3A_370 = arith.constant 0 : i32
        %mul3A_371 = vector.broadcast %mul3A_370 : i32 to vector<16xi32>
        %mul3A_372 = arith.muli %iota3A_369, %mul3A_371 : vector<16xi32>
        %add3A_373 = arith.constant 3 : i32
        %add3A_374 = vector.broadcast %add3A_373 : i32 to vector<16xi32>
        %add3A_375 = arith.addi %mul3A_372, %add3A_374 : vector<16xi32>
        %lt3A_376 = arith.constant 0 : i32
        %lt3A_377 = vector.broadcast %lt3A_376 : i32 to vector<16xi32>
        %lt3A_378 = arith.cmpi slt, %add3A_375, %lt3A_377 : vector<16xi32>
        %add3A_379 = arith.constant 16 : i32
        %add3A_380 = vector.broadcast %add3A_379 : i32 to vector<16xi32>
        %add3A_381 = arith.addi %add3A_375, %add3A_380 : vector<16xi32>
        %select_n3A_382 = arith.select %lt3A_378, %add3A_381, %add3A_375 : vector<16xi1>, vector<16xi32>
        %broadcast_in_dim3A_383 = vector.shape_cast %select_n3A_382 : vector<16xi32> to vector<16x1xi32>
        %gather3A_384 = vector.shape_cast %broadcast_in_dim3A_383 : vector<16x1xi32> to vector<16xi32>
        %gather3A_385 = tpu.dynamic_gather %select_n3A_258[%gather3A_384] in [0] : vector<16xf32>, vector<16xi32> -> vector<16xf32>
        %get3A_386 = arith.index_cast %add3A_228 : i32 to index
        %get3A_387 = arith.constant 96 : index
        %get3A_388 = tpu.vector_load %arg11[%get3A_386, %get3A_387] {strides = array<i32>} : memref<40x128xf32, #tpu.memory_space<vmem>>, vector<1x16xf32>,
        %get3A_389 = vector.shape_cast %get3A_388 : vector<1x16xf32> to vector<16xf32>
        %mul3A_390 = arith.mulf %gather3A_385, %get3A_389 : vector<16xf32>
        %swap3A_391 = arith.index_cast %add3A_228 : i32 to index
        %swap3A_392 = arith.constant 96 : index
        %swap3A_393 = tpu.vector_load %arg17[%swap3A_391, %swap3A_392] {strides = array<i32>} : memref<40x144xf32, #tpu.memory_space<vmem>>, vector<1x16xf32>,
        %swap3A_394 = vector.shape_cast %swap3A_393 : vector<1x16xf32> to vector<16xf32>
        %swap3A_395 = vector.shape_cast %mul3A_390 : vector<16xf32> to vector<1x16xf32>
        tpu.vector_store %arg17[%swap3A_391, %swap3A_392], %swap3A_395 {strides = array<i32>} : memref<40x144xf32, #tpu.memory_space<vmem>>, vector<1x16xf32>,
        %get3A_396 = arith.index_cast %add3A_228 : i32 to index
        %get3A_397 = arith.constant 112 : index
        %get3A_398 = tpu.vector_load %arg11[%get3A_396, %get3A_397] {strides = array<i32>} : memref<40x128xf32, #tpu.memory_space<vmem>>, vector<1x16xf32>,
        %get3A_399 = vector.shape_cast %get3A_398 : vector<1x16xf32> to vector<16xf32>
        %mul3A_400 = arith.mulf %gather3A_385, %get3A_399 : vector<16xf32>
        %swap3A_401 = arith.index_cast %add3A_228 : i32 to index
        %swap3A_402 = arith.constant 112 : index
        %swap3A_403 = tpu.vector_load %arg17[%swap3A_401, %swap3A_402] {strides = array<i32>} : memref<40x144xf32, #tpu.memory_space<vmem>>, vector<1x16xf32>,
        %swap3A_404 = vector.shape_cast %swap3A_403 : vector<1x16xf32> to vector<16xf32>
        %swap3A_405 = vector.shape_cast %mul3A_400 : vector<16xf32> to vector<1x16xf32>
        tpu.vector_store %arg17[%swap3A_401, %swap3A_402], %swap3A_405 {strides = array<i32>} : memref<40x144xf32, #tpu.memory_space<vmem>>, vector<1x16xf32>,
        %swap3A_406 = arith.index_cast %add3A_228 : i32 to index
        %swap3A_407 = arith.constant 128 : index
        %swap3A_408 = tpu.vector_load %arg17[%swap3A_406, %swap3A_407] {strides = array<i32>} : memref<40x144xf32, #tpu.memory_space<vmem>>, vector<1x16xf32>,
        %swap3A_409 = vector.shape_cast %swap3A_408 : vector<1x16xf32> to vector<16xf32>
        %swap3A_410 = vector.shape_cast %select_n3A_258 : vector<16xf32> to vector<1x16xf32>
        tpu.vector_store %arg17[%swap3A_406, %swap3A_407], %swap3A_410 {strides = array<i32>} : memref<40x144xf32, #tpu.memory_space<vmem>>, vector<1x16xf32>,
      }
      %scan3A_212 = arith.constant 40 : i32
      %run_scoped3A_213 = arith.constant 2 : i32
      "tpu.region"() ({
        %run_scoped3A_224 = tpu.sem_alloc : memref<!tpu.dma_semaphore, #tpu.memory_space<semaphore_mem>>
        %dma_start3A_225 = arith.constant 0 : i32
        %dma_start3A_226 = tpu.memref_slice %arg9[%run_scoped3A_213, %dma_start3A_225] : memref<3x40xi32, #tpu.memory_space<vmem>> -> memref<1x40xi32, #tpu.memory_space<vmem>>
        %dma_start3A_227 = tpu.memref_squeeze %dma_start3A_226 : memref<1x40xi32, #tpu.memory_space<vmem>> -> memref<40xi32, #tpu.memory_space<vmem>>
        %dma_start3A_228 = arith.constant 0 : i32
        %dma_start3A_229 = arith.constant 0 : i32
        %dma_start3A_230 = tpu.memref_slice %arg7[%dma_start3A_228, %dma_start3A_229] : memref<10112x144xf32, #tpu.memory_space<vmem_shared>> -> memref<10112x144xf32, #tpu.memory_space<vmem_shared>>
        tpu.enqueue_indirect_dma source(%arg17 : memref<40x144xf32, #tpu.memory_space<vmem>>) target(%dma_start3A_230 : memref<10112x144xf32, #tpu.memory_space<vmem_shared>>) offsets(%dma_start3A_227 : memref<40xi32, #tpu.memory_space<vmem>>) semaphore(%run_scoped3A_224 : memref<!tpu.dma_semaphore, #tpu.memory_space<semaphore_mem>>) {add = true}
        %dma_wait3A_231 = arith.constant 0 : i32
        %dma_wait3A_232 = tpu.memref_slice %arg9[%run_scoped3A_213, %dma_wait3A_231] : memref<3x40xi32, #tpu.memory_space<vmem>> -> memref<1x40xi32, #tpu.memory_space<vmem>>
        %dma_wait3A_233 = tpu.memref_squeeze %dma_wait3A_232 : memref<1x40xi32, #tpu.memory_space<vmem>> -> memref<40xi32, #tpu.memory_space<vmem>>
        %dma_wait3A_234 = arith.constant 0 : i32
        %dma_wait3A_235 = arith.constant 0 : i32
        %dma_wait3A_236 = tpu.memref_slice %arg7[%dma_wait3A_234, %dma_wait3A_235] : memref<10112x144xf32, #tpu.memory_space<vmem_shared>> -> memref<10112x144xf32, #tpu.memory_space<vmem_shared>>
        tpu.wait_indirect_dma semaphore(%run_scoped3A_224 : memref<!tpu.dma_semaphore, #tpu.memory_space<semaphore_mem>>) src(%arg17 : memref<40x144xf32, #tpu.memory_space<vmem>>) dst(%dma_wait3A_236 : memref<10112x144xf32, #tpu.memory_space<vmem_shared>>)
        tpu.yield
      }) : () -> ()
      %add3A_214 = arith.constant 2 : i32
      %add3A_215 = arith.addi %add3A_155, %add3A_214 : i32
      %dma_start3A_216 = arith.constant 0 : i32
      %dma_start3A_217 = arith.constant 0 : i32
      %dma_start3A_218 = tpu.memref_slice %arg4[%arg0, %arg1, %add3A_215, %dma_start3A_216, %dma_start3A_217] : memref<2x16x502x3x40xi32, #tpu.memory_space<hbm>> -> memref<1x1x1x3x40xi32, #tpu.memory_space<hbm>>
      %dma_start3A_219 = tpu.memref_squeeze %dma_start3A_218 : memref<1x1x1x3x40xi32, #tpu.memory_space<hbm>> -> memref<3x40xi32, #tpu.memory_space<hbm>>
      %dma_start3A_220 = arith.constant 0 : i32
      %dma_start3A_221 = arith.constant 0 : i32
      %dma_start3A_222 = tpu.memref_slice %arg4[%arg0, %arg1, %add3A_215, %dma_start3A_220, %dma_start3A_221] : memref<2x16x502x3x40xi32, #tpu.memory_space<hbm>> -> memref<1x1x1x3x40xi32, #tpu.memory_space<hbm>>
      %dma_start3A_223 = tpu.memref_squeeze %dma_start3A_222 : memref<1x1x1x3x40xi32, #tpu.memory_space<hbm>> -> memref<3x40xi32, #tpu.memory_space<hbm>>
      tpu.enqueue_dma source(%dma_start3A_223 : memref<3x40xi32, #tpu.memory_space<hbm>>) target(%arg9 : memref<3x40xi32, #tpu.memory_space<vmem>>) target_semaphore(%arg21 : memref<!tpu.dma_semaphore, #tpu.memory_space<semaphore_mem>>)
    }
    %scan3A_37 = arith.constant 250 : i32
    %dma_wait3A = arith.constant 0 : i32
    %dma_wait3A_38 = arith.constant 0 : i32
    %dma_wait3A_39 = tpu.memref_slice %arg8[%dma_wait3A, %dma_wait3A_38] : memref<3x40xi32, #tpu.memory_space<vmem>> -> memref<1x40xi32, #tpu.memory_space<vmem>>
    %dma_wait3A_40 = tpu.memref_squeeze %dma_wait3A_39 : memref<1x40xi32, #tpu.memory_space<vmem>> -> memref<40xi32, #tpu.memory_space<vmem>>
    %dma_wait3A_41 = arith.constant 0 : i32
    %dma_wait3A_42 = arith.constant 0 : i32
    %dma_wait3A_43 = tpu.memref_slice %arg2[%dma_wait3A_41, %dma_wait3A_42] : memref<20000x128xf32, #tpu.memory_space<hbm>> -> memref<20000x128xf32, #tpu.memory_space<hbm>>
    tpu.wait_indirect_dma semaphore(%arg18 : memref<!tpu.dma_semaphore, #tpu.memory_space<semaphore_mem>>) src(%dma_wait3A_43 : memref<20000x128xf32, #tpu.memory_space<hbm>>) dst(%arg10 : memref<40x128xf32, #tpu.memory_space<vmem>>)
    %dma_wait3A_44 = arith.constant 0 : i32
    %dma_wait3A_45 = arith.constant 0 : i32
    %dma_wait3A_46 = tpu.memref_slice %arg8[%dma_wait3A_44, %dma_wait3A_45] : memref<3x40xi32, #tpu.memory_space<vmem>> -> memref<1x40xi32, #tpu.memory_space<vmem>>
    %dma_wait3A_47 = tpu.memref_squeeze %dma_wait3A_46 : memref<1x40xi32, #tpu.memory_space<vmem>> -> memref<40xi32, #tpu.memory_space<vmem>>
    %dma_wait3A_48 = arith.constant 0 : i32
    %dma_wait3A_49 = arith.constant 0 : i32
    %dma_wait3A_50 = tpu.memref_slice %arg3[%dma_wait3A_48, %dma_wait3A_49] : memref<20000x16xf32, #tpu.memory_space<hbm>> -> memref<20000x16xf32, #tpu.memory_space<hbm>>
    tpu.wait_indirect_dma semaphore(%arg18 : memref<!tpu.dma_semaphore, #tpu.memory_space<semaphore_mem>>) src(%dma_wait3A_50 : memref<20000x16xf32, #tpu.memory_space<hbm>>) dst(%arg12 : memref<40x16xf32, #tpu.memory_space<vmem>>)
    %dma_wait3A_51 = arith.constant 1 : i32
    %dma_wait3A_52 = arith.constant 0 : i32
    %dma_wait3A_53 = tpu.memref_slice %arg8[%dma_wait3A_51, %dma_wait3A_52] : memref<3x40xi32, #tpu.memory_space<vmem>> -> memref<1x40xi32, #tpu.memory_space<vmem>>
    %dma_wait3A_54 = tpu.memref_squeeze %dma_wait3A_53 : memref<1x40xi32, #tpu.memory_space<vmem>> -> memref<40xi32, #tpu.memory_space<vmem>>
    %dma_wait3A_55 = arith.constant 0 : i32
    %dma_wait3A_56 = arith.constant 0 : i32
    %dma_wait3A_57 = tpu.memref_slice %arg3[%dma_wait3A_55, %dma_wait3A_56] : memref<20000x16xf32, #tpu.memory_space<hbm>> -> memref<20000x16xf32, #tpu.memory_space<hbm>>
    tpu.wait_indirect_dma semaphore(%arg18 : memref<!tpu.dma_semaphore, #tpu.memory_space<semaphore_mem>>) src(%dma_wait3A_57 : memref<20000x16xf32, #tpu.memory_space<hbm>>) dst(%arg14 : memref<40x16xf32, #tpu.memory_space<vmem>>)
    %dma_wait3A_58 = arith.constant 501 : i32
    %dma_wait3A_59 = arith.constant 0 : i32
    %dma_wait3A_60 = arith.constant 0 : i32
    %dma_wait3A_61 = tpu.memref_slice %arg4[%arg0, %arg1, %dma_wait3A_58, %dma_wait3A_59, %dma_wait3A_60] : memref<2x16x502x3x40xi32, #tpu.memory_space<hbm>> -> memref<1x1x1x3x40xi32, #tpu.memory_space<hbm>>
    %dma_wait3A_62 = tpu.memref_squeeze %dma_wait3A_61 : memref<1x1x1x3x40xi32, #tpu.memory_space<hbm>> -> memref<3x40xi32, #tpu.memory_space<hbm>>
    %dma_wait3A_63 = arith.constant 0 : i32
    %dma_wait3A_64 = arith.constant 0 : i32
    %dma_wait3A_65 = tpu.memref_slice %arg4[%arg0, %arg1, %dma_wait3A_58, %dma_wait3A_63, %dma_wait3A_64] : memref<2x16x502x3x40xi32, #tpu.memory_space<hbm>> -> memref<1x1x1x3x40xi32, #tpu.memory_space<hbm>>
    %dma_wait3A_66 = tpu.memref_squeeze %dma_wait3A_65 : memref<1x1x1x3x40xi32, #tpu.memory_space<hbm>> -> memref<3x40xi32, #tpu.memory_space<hbm>>
    tpu.wait_dma2 semaphore(%arg21 : memref<!tpu.dma_semaphore, #tpu.memory_space<semaphore_mem>>) src(%dma_wait3A_66 : memref<3x40xi32, #tpu.memory_space<hbm>>) dst(%arg9 : memref<3x40xi32, #tpu.memory_space<vmem>>)
    %barrier3A_67 = arith.constant 0 : index
    tpu.barrier barrier_id(%barrier3A_67)
    %mul3A_68 = arith.constant 632 : i32
    %mul3A_69 = arith.muli %mul3A_68, %arg1 : i32
    %mul3A_70 = arith.constant 10112 : i32
    %mul3A_71 = arith.muli %mul3A_70, %arg0 : i32
    %mul3A_72 = arith.constant 632 : i32
    %mul3A_73 = arith.muli %mul3A_72, %arg1 : i32
    %add3A_74 = arith.addi %mul3A_71, %mul3A_73 : i32
    "tpu.region"() ({
      %run_scoped3A_75 = tpu.sem_alloc : memref<!tpu.dma_semaphore, #tpu.memory_space<semaphore_mem>>
      %dma_start3A_76 = arith.constant 0 : i32
      %dma_start3A_77 = tpu.memref_slice %arg6[%add3A_74, %dma_start3A_76] : memref<20224x144xf32, #tpu.memory_space<hbm>> -> memref<632x144xf32, #tpu.memory_space<hbm>>
      %dma_start3A_78 = arith.constant 0 : i32
      %dma_start3A_79 = tpu.memref_slice %arg7[%mul3A_69, %dma_start3A_78] : memref<10112x144xf32, #tpu.memory_space<vmem_shared>> -> memref<632x144xf32, #tpu.memory_space<vmem_shared>>
      tpu.enqueue_dma source(%dma_start3A_79 : memref<632x144xf32, #tpu.memory_space<vmem_shared>>) target(%dma_start3A_77 : memref<632x144xf32, #tpu.memory_space<hbm>>) target_semaphore(%run_scoped3A_75 : memref<!tpu.dma_semaphore, #tpu.memory_space<semaphore_mem>>)
      %dma_wait3A_80 = arith.constant 0 : i32
      %dma_wait3A_81 = tpu.memref_slice %arg6[%add3A_74, %dma_wait3A_80] : memref<20224x144xf32, #tpu.memory_space<hbm>> -> memref<632x144xf32, #tpu.memory_space<hbm>>
      %dma_wait3A_82 = arith.constant 0 : i32
      %dma_wait3A_83 = tpu.memref_slice %arg7[%mul3A_69, %dma_wait3A_82] : memref<10112x144xf32, #tpu.memory_space<vmem_shared>> -> memref<632x144xf32, #tpu.memory_space<vmem_shared>>
      tpu.wait_dma2 semaphore(%run_scoped3A_75 : memref<!tpu.dma_semaphore, #tpu.memory_space<semaphore_mem>>) src(%dma_wait3A_83 : memref<632x144xf32, #tpu.memory_space<vmem_shared>>) dst(%dma_wait3A_81 : memref<632x144xf32, #tpu.memory_space<hbm>>)
      tpu.yield
    }) : () -> ()
    return
  }
}

#map = affine_map<(d0, d1) -> (0, 0)>
#map1 = affine_map<(d0, d1) -> (0, 0, 0, 0)>
module attributes {stable_mosaic.version = 14 : i64} {
  func.func @_e2_body(%arg0: i32, %arg1: i32, %arg2: memref<10112x16xf32, #tpu.memory_space<hbm>>, %arg3: memref<16x502x2x40xi32, #tpu.memory_space<hbm>>, %arg4: memref<10112x16xf32, #tpu.memory_space<hbm>>, %arg5: memref<10112x16xf32, #tpu.memory_space<hbm>>, %arg6: memref<320000x16xf32, #tpu.memory_space<hbm>>, %arg7: memref<10112x16xf32, #tpu.memory_space<vmem_shared>>, %arg8: memref<2x40xi32, #tpu.memory_space<vmem>>, %arg9: memref<2x40xi32, #tpu.memory_space<vmem>>, %arg10: memref<40x16xf32, #tpu.memory_space<vmem>>, %arg11: memref<40x16xf32, #tpu.memory_space<vmem>>, %arg12: memref<40x16xf32, #tpu.memory_space<vmem>>, %arg13: memref<40x16xf32, #tpu.memory_space<vmem>>, %arg14: memref<40x16xf32, #tpu.memory_space<vmem>>, %arg15: memref<40x16xf32, #tpu.memory_space<vmem>>, %arg16: memref<632x16xf32, #tpu.memory_space<vmem>>, %arg17: memref<!tpu.dma_semaphore, #tpu.memory_space<semaphore_mem>>, %arg18: memref<!tpu.dma_semaphore, #tpu.memory_space<semaphore_mem>>, %arg19: memref<!tpu.dma_semaphore, #tpu.memory_space<semaphore_mem>>, %arg20: memref<!tpu.dma_semaphore, #tpu.memory_space<semaphore_mem>>, %arg21: memref<!tpu.dma_semaphore, #tpu.memory_space<semaphore_mem>>, %arg22: memref<!tpu.dma_semaphore, #tpu.memory_space<semaphore_mem>>) attributes {dimension_semantics = [#tpu.dimension_semantics<core_parallel>, #tpu.dimension_semantics<subcore_parallel>], iteration_bounds = array<i64: 2, 16>, scalar_prefetch = 0 : i64, scratch_operands = 16 : i64, tpu.core_type = #tpu.core_type<sc_vector_subcore>, window_params = [{transform_indices = #map}, {transform_indices = #map1}, {transform_indices = #map}, {transform_indices = #map}, {transform_indices = #map}]} {
    %mul3A = arith.constant 632 : i32
    %mul3A_0 = arith.muli %mul3A, %arg1 : i32
    %mul3A_1 = arith.constant 632 : i32
    %mul3A_2 = arith.muli %mul3A_1, %arg1 : i32
    "tpu.region"() ({
      %run_scoped3A_54 = tpu.sem_alloc : memref<!tpu.dma_semaphore, #tpu.memory_space<semaphore_mem>>
      %dma_start3A_55 = arith.constant 0 : i32
      %dma_start3A_56 = tpu.memref_slice %arg7[%mul3A_2, %dma_start3A_55] : memref<10112x16xf32, #tpu.memory_space<vmem_shared>> -> memref<632x16xf32, #tpu.memory_space<vmem_shared>>
      %dma_start3A_57 = arith.constant 0 : i32
      %dma_start3A_58 = tpu.memref_slice %arg4[%mul3A_0, %dma_start3A_57] : memref<10112x16xf32, #tpu.memory_space<hbm>> -> memref<632x16xf32, #tpu.memory_space<hbm>>
      tpu.enqueue_dma source(%dma_start3A_58 : memref<632x16xf32, #tpu.memory_space<hbm>>) target(%dma_start3A_56 : memref<632x16xf32, #tpu.memory_space<vmem_shared>>) target_semaphore(%run_scoped3A_54 : memref<!tpu.dma_semaphore, #tpu.memory_space<semaphore_mem>>)
      %dma_wait3A_59 = arith.constant 0 : i32
      %dma_wait3A_60 = tpu.memref_slice %arg7[%mul3A_2, %dma_wait3A_59] : memref<10112x16xf32, #tpu.memory_space<vmem_shared>> -> memref<632x16xf32, #tpu.memory_space<vmem_shared>>
      %dma_wait3A_61 = arith.constant 0 : i32
      %dma_wait3A_62 = tpu.memref_slice %arg4[%mul3A_0, %dma_wait3A_61] : memref<10112x16xf32, #tpu.memory_space<hbm>> -> memref<632x16xf32, #tpu.memory_space<hbm>>
      tpu.wait_dma2 semaphore(%run_scoped3A_54 : memref<!tpu.dma_semaphore, #tpu.memory_space<semaphore_mem>>) src(%dma_wait3A_62 : memref<632x16xf32, #tpu.memory_space<hbm>>) dst(%dma_wait3A_60 : memref<632x16xf32, #tpu.memory_space<vmem_shared>>)
      tpu.yield
    }) : () -> ()
    %run_scoped3A = arith.constant 0 : i32
    "tpu.region"() ({
      %run_scoped3A_54 = tpu.sem_alloc : memref<!tpu.dma_semaphore, #tpu.memory_space<semaphore_mem>>
      %dma_start3A_55 = arith.constant 0 : i32
      %dma_start3A_56 = arith.constant 0 : i32
      %dma_start3A_57 = tpu.memref_slice %arg3[%arg1, %run_scoped3A, %dma_start3A_55, %dma_start3A_56] : memref<16x502x2x40xi32, #tpu.memory_space<hbm>> -> memref<1x1x2x40xi32, #tpu.memory_space<hbm>>
      %dma_start3A_58 = tpu.memref_squeeze %dma_start3A_57 : memref<1x1x2x40xi32, #tpu.memory_space<hbm>> -> memref<2x40xi32, #tpu.memory_space<hbm>>
      %dma_start3A_59 = arith.constant 0 : i32
      %dma_start3A_60 = arith.constant 0 : i32
      %dma_start3A_61 = tpu.memref_slice %arg3[%arg1, %run_scoped3A, %dma_start3A_59, %dma_start3A_60] : memref<16x502x2x40xi32, #tpu.memory_space<hbm>> -> memref<1x1x2x40xi32, #tpu.memory_space<hbm>>
      %dma_start3A_62 = tpu.memref_squeeze %dma_start3A_61 : memref<1x1x2x40xi32, #tpu.memory_space<hbm>> -> memref<2x40xi32, #tpu.memory_space<hbm>>
      tpu.enqueue_dma source(%dma_start3A_62 : memref<2x40xi32, #tpu.memory_space<hbm>>) target(%arg8 : memref<2x40xi32, #tpu.memory_space<vmem>>) target_semaphore(%run_scoped3A_54 : memref<!tpu.dma_semaphore, #tpu.memory_space<semaphore_mem>>)
      %dma_wait3A_63 = arith.constant 0 : i32
      %dma_wait3A_64 = arith.constant 0 : i32
      %dma_wait3A_65 = tpu.memref_slice %arg3[%arg1, %run_scoped3A, %dma_wait3A_63, %dma_wait3A_64] : memref<16x502x2x40xi32, #tpu.memory_space<hbm>> -> memref<1x1x2x40xi32, #tpu.memory_space<hbm>>
      %dma_wait3A_66 = tpu.memref_squeeze %dma_wait3A_65 : memref<1x1x2x40xi32, #tpu.memory_space<hbm>> -> memref<2x40xi32, #tpu.memory_space<hbm>>
      %dma_wait3A_67 = arith.constant 0 : i32
      %dma_wait3A_68 = arith.constant 0 : i32
      %dma_wait3A_69 = tpu.memref_slice %arg3[%arg1, %run_scoped3A, %dma_wait3A_67, %dma_wait3A_68] : memref<16x502x2x40xi32, #tpu.memory_space<hbm>> -> memref<1x1x2x40xi32, #tpu.memory_space<hbm>>
      %dma_wait3A_70 = tpu.memref_squeeze %dma_wait3A_69 : memref<1x1x2x40xi32, #tpu.memory_space<hbm>> -> memref<2x40xi32, #tpu.memory_space<hbm>>
      tpu.wait_dma2 semaphore(%run_scoped3A_54 : memref<!tpu.dma_semaphore, #tpu.memory_space<semaphore_mem>>) src(%dma_wait3A_70 : memref<2x40xi32, #tpu.memory_space<hbm>>) dst(%arg8 : memref<2x40xi32, #tpu.memory_space<vmem>>)
      tpu.yield
    }) : () -> ()
    %dma_start3A = arith.constant 0 : i32
    %dma_start3A_3 = arith.constant 0 : i32
    %dma_start3A_4 = tpu.memref_slice %arg8[%dma_start3A, %dma_start3A_3] : memref<2x40xi32, #tpu.memory_space<vmem>> -> memref<1x40xi32, #tpu.memory_space<vmem>>
    %dma_start3A_5 = tpu.memref_squeeze %dma_start3A_4 : memref<1x40xi32, #tpu.memory_space<vmem>> -> memref<40xi32, #tpu.memory_space<vmem>>
    %dma_start3A_6 = arith.constant 0 : i32
    %dma_start3A_7 = arith.constant 0 : i32
    %dma_start3A_8 = tpu.memref_slice %arg2[%dma_start3A_6, %dma_start3A_7] : memref<10112x16xf32, #tpu.memory_space<hbm>> -> memref<10112x16xf32, #tpu.memory_space<hbm>>
    tpu.enqueue_indirect_dma source(%dma_start3A_8 : memref<10112x16xf32, #tpu.memory_space<hbm>>) target(%arg10 : memref<40x16xf32, #tpu.memory_space<vmem>>) offsets(%dma_start3A_5 : memref<40xi32, #tpu.memory_space<vmem>>) semaphore(%arg17 : memref<!tpu.dma_semaphore, #tpu.memory_space<semaphore_mem>>)
    %dma_start3A_9 = arith.constant 1 : i32
    %dma_start3A_10 = arith.constant 0 : i32
    %dma_start3A_11 = tpu.memref_slice %arg8[%dma_start3A_9, %dma_start3A_10] : memref<2x40xi32, #tpu.memory_space<vmem>> -> memref<1x40xi32, #tpu.memory_space<vmem>>
    %dma_start3A_12 = tpu.memref_squeeze %dma_start3A_11 : memref<1x40xi32, #tpu.memory_space<vmem>> -> memref<40xi32, #tpu.memory_space<vmem>>
    %dma_start3A_13 = arith.constant 0 : i32
    %dma_start3A_14 = arith.constant 0 : i32
    %dma_start3A_15 = tpu.memref_slice %arg2[%dma_start3A_13, %dma_start3A_14] : memref<10112x16xf32, #tpu.memory_space<hbm>> -> memref<10112x16xf32, #tpu.memory_space<hbm>>
    tpu.enqueue_indirect_dma source(%dma_start3A_15 : memref<10112x16xf32, #tpu.memory_space<hbm>>) target(%arg12 : memref<40x16xf32, #tpu.memory_space<vmem>>) offsets(%dma_start3A_12 : memref<40xi32, #tpu.memory_space<vmem>>) semaphore(%arg17 : memref<!tpu.dma_semaphore, #tpu.memory_space<semaphore_mem>>)
    %dma_start3A_16 = arith.constant 1 : i32
    %dma_start3A_17 = arith.constant 0 : i32
    %dma_start3A_18 = arith.constant 0 : i32
    %dma_start3A_19 = tpu.memref_slice %arg3[%arg1, %dma_start3A_16, %dma_start3A_17, %dma_start3A_18] : memref<16x502x2x40xi32, #tpu.memory_space<hbm>> -> memref<1x1x2x40xi32, #tpu.memory_space<hbm>>
    %dma_start3A_20 = tpu.memref_squeeze %dma_start3A_19 : memref<1x1x2x40xi32, #tpu.memory_space<hbm>> -> memref<2x40xi32, #tpu.memory_space<hbm>>
    %dma_start3A_21 = arith.constant 0 : i32
    %dma_start3A_22 = arith.constant 0 : i32
    %dma_start3A_23 = tpu.memref_slice %arg3[%arg1, %dma_start3A_16, %dma_start3A_21, %dma_start3A_22] : memref<16x502x2x40xi32, #tpu.memory_space<hbm>> -> memref<1x1x2x40xi32, #tpu.memory_space<hbm>>
    %dma_start3A_24 = tpu.memref_squeeze %dma_start3A_23 : memref<1x1x2x40xi32, #tpu.memory_space<hbm>> -> memref<2x40xi32, #tpu.memory_space<hbm>>
    tpu.enqueue_dma source(%dma_start3A_24 : memref<2x40xi32, #tpu.memory_space<hbm>>) target(%arg9 : memref<2x40xi32, #tpu.memory_space<vmem>>) target_semaphore(%arg20 : memref<!tpu.dma_semaphore, #tpu.memory_space<semaphore_mem>>)
    %barrier3A = arith.constant 0 : index
    tpu.barrier barrier_id(%barrier3A)
    %scan3A = arith.constant 0 : i32
    %scan3A_25 = arith.constant 250 : i32
    %scan3A_26 = arith.addi %scan3A, %scan3A_25 : i32
    %scan3A_27 = arith.constant 1 : i32
    scf.for %scan3A_54 = %scan3A to %scan3A_26 step %scan3A_27  : i32 {
      %mul3A_55 = arith.constant 1 : i32
      %mul3A_56 = arith.muli %scan3A_54, %mul3A_55 : i32
      %add3A = arith.constant 0 : i32
      %add3A_57 = arith.addi %add3A, %mul3A_56 : i32
      %mul3A_58 = arith.constant 2 : i32
      %mul3A_59 = arith.muli %add3A_57, %mul3A_58 : i32
      %add3A_60 = arith.constant 0 : i32
      %add3A_61 = arith.addi %mul3A_59, %add3A_60 : i32
      %dma_wait3A_62 = arith.constant 0 : i32
      %dma_wait3A_63 = arith.constant 0 : i32
      %dma_wait3A_64 = tpu.memref_slice %arg8[%dma_wait3A_62, %dma_wait3A_63] : memref<2x40xi32, #tpu.memory_space<vmem>> -> memref<1x40xi32, #tpu.memory_space<vmem>>
      %dma_wait3A_65 = tpu.memref_squeeze %dma_wait3A_64 : memref<1x40xi32, #tpu.memory_space<vmem>> -> memref<40xi32, #tpu.memory_space<vmem>>
      %dma_wait3A_66 = arith.constant 0 : i32
      %dma_wait3A_67 = arith.constant 0 : i32
      %dma_wait3A_68 = tpu.memref_slice %arg2[%dma_wait3A_66, %dma_wait3A_67] : memref<10112x16xf32, #tpu.memory_space<hbm>> -> memref<10112x16xf32, #tpu.memory_space<hbm>>
      tpu.wait_indirect_dma semaphore(%arg17 : memref<!tpu.dma_semaphore, #tpu.memory_space<semaphore_mem>>) src(%dma_wait3A_68 : memref<10112x16xf32, #tpu.memory_space<hbm>>) dst(%arg10 : memref<40x16xf32, #tpu.memory_space<vmem>>)
      %dma_wait3A_69 = arith.constant 1 : i32
      %dma_wait3A_70 = arith.constant 0 : i32
      %dma_wait3A_71 = tpu.memref_slice %arg8[%dma_wait3A_69, %dma_wait3A_70] : memref<2x40xi32, #tpu.memory_space<vmem>> -> memref<1x40xi32, #tpu.memory_space<vmem>>
      %dma_wait3A_72 = tpu.memref_squeeze %dma_wait3A_71 : memref<1x40xi32, #tpu.memory_space<vmem>> -> memref<40xi32, #tpu.memory_space<vmem>>
      %dma_wait3A_73 = arith.constant 0 : i32
      %dma_wait3A_74 = arith.constant 0 : i32
      %dma_wait3A_75 = tpu.memref_slice %arg2[%dma_wait3A_73, %dma_wait3A_74] : memref<10112x16xf32, #tpu.memory_space<hbm>> -> memref<10112x16xf32, #tpu.memory_space<hbm>>
      tpu.wait_indirect_dma semaphore(%arg17 : memref<!tpu.dma_semaphore, #tpu.memory_space<semaphore_mem>>) src(%dma_wait3A_75 : memref<10112x16xf32, #tpu.memory_space<hbm>>) dst(%arg12 : memref<40x16xf32, #tpu.memory_space<vmem>>)
      %add3A_76 = arith.constant 1 : i32
      %add3A_77 = arith.addi %add3A_61, %add3A_76 : i32
      %dma_wait3A_78 = arith.constant 0 : i32
      %dma_wait3A_79 = arith.constant 0 : i32
      %dma_wait3A_80 = tpu.memref_slice %arg3[%arg1, %add3A_77, %dma_wait3A_78, %dma_wait3A_79] : memref<16x502x2x40xi32, #tpu.memory_space<hbm>> -> memref<1x1x2x40xi32, #tpu.memory_space<hbm>>
      %dma_wait3A_81 = tpu.memref_squeeze %dma_wait3A_80 : memref<1x1x2x40xi32, #tpu.memory_space<hbm>> -> memref<2x40xi32, #tpu.memory_space<hbm>>
      %dma_wait3A_82 = arith.constant 0 : i32
      %dma_wait3A_83 = arith.constant 0 : i32
      %dma_wait3A_84 = tpu.memref_slice %arg3[%arg1, %add3A_77, %dma_wait3A_82, %dma_wait3A_83] : memref<16x502x2x40xi32, #tpu.memory_space<hbm>> -> memref<1x1x2x40xi32, #tpu.memory_space<hbm>>
      %dma_wait3A_85 = tpu.memref_squeeze %dma_wait3A_84 : memref<1x1x2x40xi32, #tpu.memory_space<hbm>> -> memref<2x40xi32, #tpu.memory_space<hbm>>
      tpu.wait_dma2 semaphore(%arg20 : memref<!tpu.dma_semaphore, #tpu.memory_space<semaphore_mem>>) src(%dma_wait3A_85 : memref<2x40xi32, #tpu.memory_space<hbm>>) dst(%arg9 : memref<2x40xi32, #tpu.memory_space<vmem>>)
      %dma_start3A_86 = arith.constant 0 : i32
      %dma_start3A_87 = arith.constant 0 : i32
      %dma_start3A_88 = tpu.memref_slice %arg9[%dma_start3A_86, %dma_start3A_87] : memref<2x40xi32, #tpu.memory_space<vmem>> -> memref<1x40xi32, #tpu.memory_space<vmem>>
      %dma_start3A_89 = tpu.memref_squeeze %dma_start3A_88 : memref<1x40xi32, #tpu.memory_space<vmem>> -> memref<40xi32, #tpu.memory_space<vmem>>
      %dma_start3A_90 = arith.constant 0 : i32
      %dma_start3A_91 = arith.constant 0 : i32
      %dma_start3A_92 = tpu.memref_slice %arg2[%dma_start3A_90, %dma_start3A_91] : memref<10112x16xf32, #tpu.memory_space<hbm>> -> memref<10112x16xf32, #tpu.memory_space<hbm>>
      tpu.enqueue_indirect_dma source(%dma_start3A_92 : memref<10112x16xf32, #tpu.memory_space<hbm>>) target(%arg11 : memref<40x16xf32, #tpu.memory_space<vmem>>) offsets(%dma_start3A_89 : memref<40xi32, #tpu.memory_space<vmem>>) semaphore(%arg18 : memref<!tpu.dma_semaphore, #tpu.memory_space<semaphore_mem>>)
      %dma_start3A_93 = arith.constant 1 : i32
      %dma_start3A_94 = arith.constant 0 : i32
      %dma_start3A_95 = tpu.memref_slice %arg9[%dma_start3A_93, %dma_start3A_94] : memref<2x40xi32, #tpu.memory_space<vmem>> -> memref<1x40xi32, #tpu.memory_space<vmem>>
      %dma_start3A_96 = tpu.memref_squeeze %dma_start3A_95 : memref<1x40xi32, #tpu.memory_space<vmem>> -> memref<40xi32, #tpu.memory_space<vmem>>
      %dma_start3A_97 = arith.constant 0 : i32
      %dma_start3A_98 = arith.constant 0 : i32
      %dma_start3A_99 = tpu.memref_slice %arg2[%dma_start3A_97, %dma_start3A_98] : memref<10112x16xf32, #tpu.memory_space<hbm>> -> memref<10112x16xf32, #tpu.memory_space<hbm>>
      tpu.enqueue_indirect_dma source(%dma_start3A_99 : memref<10112x16xf32, #tpu.memory_space<hbm>>) target(%arg13 : memref<40x16xf32, #tpu.memory_space<vmem>>) offsets(%dma_start3A_96 : memref<40xi32, #tpu.memory_space<vmem>>) semaphore(%arg18 : memref<!tpu.dma_semaphore, #tpu.memory_space<semaphore_mem>>)
      %scan3A_100 = arith.constant 0 : i32
      %scan3A_101 = arith.constant 40 : i32
      %scan3A_102 = arith.addi %scan3A_100, %scan3A_101 : i32
      %scan3A_103 = arith.constant 1 : i32
      scf.for %scan3A_184 = %scan3A_100 to %scan3A_102 step %scan3A_103  : i32 {
        %mul3A_185 = arith.constant 1 : i32
        %mul3A_186 = arith.muli %scan3A_184, %mul3A_185 : i32
        %add3A_187 = arith.constant 0 : i32
        %add3A_188 = arith.addi %add3A_187, %mul3A_186 : i32
        %iota3A = tpu.iota {dimensions = array<i32: 0>} : vector<16xi32>
        %and3A = arith.constant 7 : i32
        %and3A_189 = vector.broadcast %and3A : i32 to vector<16xi32>
        %and3A_190 = arith.andi %iota3A, %and3A_189 : vector<16xi32>
        %add3A_191 = arith.constant 8 : i32
        %add3A_192 = vector.broadcast %add3A_191 : i32 to vector<16xi32>
        %add3A_193 = arith.addi %and3A_190, %add3A_192 : vector<16xi32>
        %get3A = arith.index_cast %add3A_188 : i32 to index
        %get3A_194 = arith.constant 0 : index
        %get3A_195 = tpu.vector_load %arg10[%get3A, %get3A_194] {strides = array<i32>} : memref<40x16xf32, #tpu.memory_space<vmem>>, vector<1x16xf32>,
        %get3A_196 = vector.shape_cast %get3A_195 : vector<1x16xf32> to vector<16xf32>
        %get3A_197 = arith.index_cast %add3A_188 : i32 to index
        %get3A_198 = arith.constant 0 : index
        %get3A_199 = tpu.vector_load %arg12[%get3A_197, %get3A_198] {strides = array<i32>} : memref<40x16xf32, #tpu.memory_space<vmem>>, vector<1x16xf32>,
        %get3A_200 = vector.shape_cast %get3A_199 : vector<1x16xf32> to vector<16xf32>
        %lt3A = arith.constant 0 : i32
        %lt3A_201 = vector.broadcast %lt3A : i32 to vector<16xi32>
        %lt3A_202 = arith.cmpi slt, %add3A_193, %lt3A_201 : vector<16xi32>
        %add3A_203 = arith.constant 16 : i32
        %add3A_204 = vector.broadcast %add3A_203 : i32 to vector<16xi32>
        %add3A_205 = arith.addi %add3A_193, %add3A_204 : vector<16xi32>
        %select_n3A = arith.select %lt3A_202, %add3A_205, %add3A_193 : vector<16xi1>, vector<16xi32>
        %broadcast_in_dim3A = vector.shape_cast %select_n3A : vector<16xi32> to vector<16x1xi32>
        %gather3A = vector.shape_cast %broadcast_in_dim3A : vector<16x1xi32> to vector<16xi32>
        %gather3A_206 = tpu.dynamic_gather %get3A_200[%gather3A] in [0] : vector<16xf32>, vector<16xi32> -> vector<16xf32>
        %lt3A_207 = arith.constant 8 : i32
        %lt3A_208 = vector.broadcast %lt3A_207 : i32 to vector<16xi32>
        %lt3A_209 = arith.cmpi slt, %iota3A, %lt3A_208 : vector<16xi32>
        %add3A_210 = arith.addf %get3A_196, %gather3A_206 : vector<16xf32>
        %ge3A = arith.constant 0.000000e+00 : f32
        %ge3A_211 = vector.broadcast %ge3A : f32 to vector<16xf32>
        %ge3A_212 = arith.cmpf oge, %add3A_210, %ge3A_211 : vector<16xf32>
        %mul3A_213 = arith.constant 2.000000e-01 : f32
        %mul3A_214 = vector.broadcast %mul3A_213 : f32 to vector<16xf32>
        %mul3A_215 = arith.mulf %mul3A_214, %add3A_210 : vector<16xf32>
        %select_n3A_216 = arith.select %ge3A_212, %add3A_210, %mul3A_215 : vector<16xi1>, vector<16xf32>
        %exp3A = math.exp %select_n3A_216 : vector<16xf32>
        %jit3A = arith.constant 0.000000e+00 : f32
        %broadcast_in_dim3A_217 = vector.broadcast %jit3A : f32 to vector<16xf32>
        %select_n3A_218 = arith.select %lt3A_209, %exp3A, %broadcast_in_dim3A_217 : vector<16xi1>, vector<16xf32>
        %swap3A = arith.index_cast %add3A_188 : i32 to index
        %swap3A_219 = arith.constant 0 : index
        %swap3A_220 = tpu.vector_load %arg14[%swap3A, %swap3A_219] {strides = array<i32>} : memref<40x16xf32, #tpu.memory_space<vmem>>, vector<1x16xf32>,
        %swap3A_221 = vector.shape_cast %swap3A_220 : vector<1x16xf32> to vector<16xf32>
        %swap3A_222 = vector.shape_cast %select_n3A_218 : vector<16xf32> to vector<1x16xf32>
        tpu.vector_store %arg14[%swap3A, %swap3A_219], %swap3A_222 {strides = array<i32>} : memref<40x16xf32, #tpu.memory_space<vmem>>, vector<1x16xf32>,
      }
      %scan3A_104 = arith.constant 40 : i32
      %run_scoped3A_105 = arith.constant 1 : i32
      "tpu.region"() ({
        %run_scoped3A_184 = tpu.sem_alloc : memref<!tpu.dma_semaphore, #tpu.memory_space<semaphore_mem>>
        %dma_start3A_185 = arith.constant 0 : i32
        %dma_start3A_186 = tpu.memref_slice %arg8[%run_scoped3A_105, %dma_start3A_185] : memref<2x40xi32, #tpu.memory_space<vmem>> -> memref<1x40xi32, #tpu.memory_space<vmem>>
        %dma_start3A_187 = tpu.memref_squeeze %dma_start3A_186 : memref<1x40xi32, #tpu.memory_space<vmem>> -> memref<40xi32, #tpu.memory_space<vmem>>
        %dma_start3A_188 = arith.constant 0 : i32
        %dma_start3A_189 = arith.constant 0 : i32
        %dma_start3A_190 = tpu.memref_slice %arg7[%dma_start3A_188, %dma_start3A_189] : memref<10112x16xf32, #tpu.memory_space<vmem_shared>> -> memref<10112x16xf32, #tpu.memory_space<vmem_shared>>
        tpu.enqueue_indirect_dma source(%arg14 : memref<40x16xf32, #tpu.memory_space<vmem>>) target(%dma_start3A_190 : memref<10112x16xf32, #tpu.memory_space<vmem_shared>>) offsets(%dma_start3A_187 : memref<40xi32, #tpu.memory_space<vmem>>) semaphore(%run_scoped3A_184 : memref<!tpu.dma_semaphore, #tpu.memory_space<semaphore_mem>>) {add = true}
        %dma_wait3A_191 = arith.constant 0 : i32
        %dma_wait3A_192 = tpu.memref_slice %arg8[%run_scoped3A_105, %dma_wait3A_191] : memref<2x40xi32, #tpu.memory_space<vmem>> -> memref<1x40xi32, #tpu.memory_space<vmem>>
        %dma_wait3A_193 = tpu.memref_squeeze %dma_wait3A_192 : memref<1x40xi32, #tpu.memory_space<vmem>> -> memref<40xi32, #tpu.memory_space<vmem>>
        %dma_wait3A_194 = arith.constant 0 : i32
        %dma_wait3A_195 = arith.constant 0 : i32
        %dma_wait3A_196 = tpu.memref_slice %arg7[%dma_wait3A_194, %dma_wait3A_195] : memref<10112x16xf32, #tpu.memory_space<vmem_shared>> -> memref<10112x16xf32, #tpu.memory_space<vmem_shared>>
        tpu.wait_indirect_dma semaphore(%run_scoped3A_184 : memref<!tpu.dma_semaphore, #tpu.memory_space<semaphore_mem>>) src(%arg14 : memref<40x16xf32, #tpu.memory_space<vmem>>) dst(%dma_wait3A_196 : memref<10112x16xf32, #tpu.memory_space<vmem_shared>>)
        tpu.yield
      }) : () -> ()
      %eq3A_106 = arith.constant 0 : i32
      %eq3A_107 = arith.cmpi eq, %arg0, %eq3A_106 : i32
      %convert_element_type3A_108 = arith.extui %eq3A_107 : i1 to i32
      %cond3A_109 = arith.constant 0 : i32
      %cond3A_110 = arith.cmpi ne, %convert_element_type3A_108, %cond3A_109 : i32
      scf.if %cond3A_110 {
        %mul3A_184 = arith.constant 20000 : i32
        %mul3A_185 = arith.muli %arg1, %mul3A_184 : i32
        %mul3A_186 = arith.constant 40 : i32
        %mul3A_187 = arith.muli %add3A_61, %mul3A_186 : i32
        %add3A_188 = arith.addi %mul3A_185, %mul3A_187 : i32
        "tpu.region"() ({
          %run_scoped3A_189 = tpu.sem_alloc : memref<!tpu.dma_semaphore, #tpu.memory_space<semaphore_mem>>
          %dma_start3A_190 = arith.constant 0 : i32
          %dma_start3A_191 = tpu.memref_slice %arg6[%add3A_188, %dma_start3A_190] : memref<320000x16xf32, #tpu.memory_space<hbm>> -> memref<40x16xf32, #tpu.memory_space<hbm>>
          %dma_start3A_192 = arith.constant 0 : i32
          %dma_start3A_193 = tpu.memref_slice %arg6[%add3A_188, %dma_start3A_192] : memref<320000x16xf32, #tpu.memory_space<hbm>> -> memref<40x16xf32, #tpu.memory_space<hbm>>
          tpu.enqueue_dma source(%arg14 : memref<40x16xf32, #tpu.memory_space<vmem>>) target(%dma_start3A_193 : memref<40x16xf32, #tpu.memory_space<hbm>>) target_semaphore(%run_scoped3A_189 : memref<!tpu.dma_semaphore, #tpu.memory_space<semaphore_mem>>)
          %dma_wait3A_194 = arith.constant 0 : i32
          %dma_wait3A_195 = tpu.memref_slice %arg6[%add3A_188, %dma_wait3A_194] : memref<320000x16xf32, #tpu.memory_space<hbm>> -> memref<40x16xf32, #tpu.memory_space<hbm>>
          %dma_wait3A_196 = arith.constant 0 : i32
          %dma_wait3A_197 = tpu.memref_slice %arg6[%add3A_188, %dma_wait3A_196] : memref<320000x16xf32, #tpu.memory_space<hbm>> -> memref<40x16xf32, #tpu.memory_space<hbm>>
          tpu.wait_dma2 semaphore(%run_scoped3A_189 : memref<!tpu.dma_semaphore, #tpu.memory_space<semaphore_mem>>) src(%arg14 : memref<40x16xf32, #tpu.memory_space<vmem>>) dst(%dma_wait3A_197 : memref<40x16xf32, #tpu.memory_space<hbm>>)
          tpu.yield
        }) : () -> ()
      } else {
      }
      %add3A_111 = arith.constant 2 : i32
      %add3A_112 = arith.addi %add3A_61, %add3A_111 : i32
      %dma_start3A_113 = arith.constant 0 : i32
      %dma_start3A_114 = arith.constant 0 : i32
      %dma_start3A_115 = tpu.memref_slice %arg3[%arg1, %add3A_112, %dma_start3A_113, %dma_start3A_114] : memref<16x502x2x40xi32, #tpu.memory_space<hbm>> -> memref<1x1x2x40xi32, #tpu.memory_space<hbm>>
      %dma_start3A_116 = tpu.memref_squeeze %dma_start3A_115 : memref<1x1x2x40xi32, #tpu.memory_space<hbm>> -> memref<2x40xi32, #tpu.memory_space<hbm>>
      %dma_start3A_117 = arith.constant 0 : i32
      %dma_start3A_118 = arith.constant 0 : i32
      %dma_start3A_119 = tpu.memref_slice %arg3[%arg1, %add3A_112, %dma_start3A_117, %dma_start3A_118] : memref<16x502x2x40xi32, #tpu.memory_space<hbm>> -> memref<1x1x2x40xi32, #tpu.memory_space<hbm>>
      %dma_start3A_120 = tpu.memref_squeeze %dma_start3A_119 : memref<1x1x2x40xi32, #tpu.memory_space<hbm>> -> memref<2x40xi32, #tpu.memory_space<hbm>>
      tpu.enqueue_dma source(%dma_start3A_120 : memref<2x40xi32, #tpu.memory_space<hbm>>) target(%arg8 : memref<2x40xi32, #tpu.memory_space<vmem>>) target_semaphore(%arg19 : memref<!tpu.dma_semaphore, #tpu.memory_space<semaphore_mem>>)
      %mul3A_121 = arith.constant 2 : i32
      %mul3A_122 = arith.muli %add3A_57, %mul3A_121 : i32
      %add3A_123 = arith.constant 1 : i32
      %add3A_124 = arith.addi %mul3A_122, %add3A_123 : i32
      %dma_wait3A_125 = arith.constant 0 : i32
      %dma_wait3A_126 = arith.constant 0 : i32
      %dma_wait3A_127 = tpu.memref_slice %arg9[%dma_wait3A_125, %dma_wait3A_126] : memref<2x40xi32, #tpu.memory_space<vmem>> -> memref<1x40xi32, #tpu.memory_space<vmem>>
      %dma_wait3A_128 = tpu.memref_squeeze %dma_wait3A_127 : memref<1x40xi32, #tpu.memory_space<vmem>> -> memref<40xi32, #tpu.memory_space<vmem>>
      %dma_wait3A_129 = arith.constant 0 : i32
      %dma_wait3A_130 = arith.constant 0 : i32
      %dma_wait3A_131 = tpu.memref_slice %arg2[%dma_wait3A_129, %dma_wait3A_130] : memref<10112x16xf32, #tpu.memory_space<hbm>> -> memref<10112x16xf32, #tpu.memory_space<hbm>>
      tpu.wait_indirect_dma semaphore(%arg18 : memref<!tpu.dma_semaphore, #tpu.memory_space<semaphore_mem>>) src(%dma_wait3A_131 : memref<10112x16xf32, #tpu.memory_space<hbm>>) dst(%arg11 : memref<40x16xf32, #tpu.memory_space<vmem>>)
      %dma_wait3A_132 = arith.constant 1 : i32
      %dma_wait3A_133 = arith.constant 0 : i32
      %dma_wait3A_134 = tpu.memref_slice %arg9[%dma_wait3A_132, %dma_wait3A_133] : memref<2x40xi32, #tpu.memory_space<vmem>> -> memref<1x40xi32, #tpu.memory_space<vmem>>
      %dma_wait3A_135 = tpu.memref_squeeze %dma_wait3A_134 : memref<1x40xi32, #tpu.memory_space<vmem>> -> memref<40xi32, #tpu.memory_space<vmem>>
      %dma_wait3A_136 = arith.constant 0 : i32
      %dma_wait3A_137 = arith.constant 0 : i32
      %dma_wait3A_138 = tpu.memref_slice %arg2[%dma_wait3A_136, %dma_wait3A_137] : memref<10112x16xf32, #tpu.memory_space<hbm>> -> memref<10112x16xf32, #tpu.memory_space<hbm>>
      tpu.wait_indirect_dma semaphore(%arg18 : memref<!tpu.dma_semaphore, #tpu.memory_space<semaphore_mem>>) src(%dma_wait3A_138 : memref<10112x16xf32, #tpu.memory_space<hbm>>) dst(%arg13 : memref<40x16xf32, #tpu.memory_space<vmem>>)
      %add3A_139 = arith.constant 1 : i32
      %add3A_140 = arith.addi %add3A_124, %add3A_139 : i32
      %dma_wait3A_141 = arith.constant 0 : i32
      %dma_wait3A_142 = arith.constant 0 : i32
      %dma_wait3A_143 = tpu.memref_slice %arg3[%arg1, %add3A_140, %dma_wait3A_141, %dma_wait3A_142] : memref<16x502x2x40xi32, #tpu.memory_space<hbm>> -> memref<1x1x2x40xi32, #tpu.memory_space<hbm>>
      %dma_wait3A_144 = tpu.memref_squeeze %dma_wait3A_143 : memref<1x1x2x40xi32, #tpu.memory_space<hbm>> -> memref<2x40xi32, #tpu.memory_space<hbm>>
      %dma_wait3A_145 = arith.constant 0 : i32
      %dma_wait3A_146 = arith.constant 0 : i32
      %dma_wait3A_147 = tpu.memref_slice %arg3[%arg1, %add3A_140, %dma_wait3A_145, %dma_wait3A_146] : memref<16x502x2x40xi32, #tpu.memory_space<hbm>> -> memref<1x1x2x40xi32, #tpu.memory_space<hbm>>
      %dma_wait3A_148 = tpu.memref_squeeze %dma_wait3A_147 : memref<1x1x2x40xi32, #tpu.memory_space<hbm>> -> memref<2x40xi32, #tpu.memory_space<hbm>>
      tpu.wait_dma2 semaphore(%arg19 : memref<!tpu.dma_semaphore, #tpu.memory_space<semaphore_mem>>) src(%dma_wait3A_148 : memref<2x40xi32, #tpu.memory_space<hbm>>) dst(%arg8 : memref<2x40xi32, #tpu.memory_space<vmem>>)
      %dma_start3A_149 = arith.constant 0 : i32
      %dma_start3A_150 = arith.constant 0 : i32
      %dma_start3A_151 = tpu.memref_slice %arg8[%dma_start3A_149, %dma_start3A_150] : memref<2x40xi32, #tpu.memory_space<vmem>> -> memref<1x40xi32, #tpu.memory_space<vmem>>
      %dma_start3A_152 = tpu.memref_squeeze %dma_start3A_151 : memref<1x40xi32, #tpu.memory_space<vmem>> -> memref<40xi32, #tpu.memory_space<vmem>>
      %dma_start3A_153 = arith.constant 0 : i32
      %dma_start3A_154 = arith.constant 0 : i32
      %dma_start3A_155 = tpu.memref_slice %arg2[%dma_start3A_153, %dma_start3A_154] : memref<10112x16xf32, #tpu.memory_space<hbm>> -> memref<10112x16xf32, #tpu.memory_space<hbm>>
      tpu.enqueue_indirect_dma source(%dma_start3A_155 : memref<10112x16xf32, #tpu.memory_space<hbm>>) target(%arg10 : memref<40x16xf32, #tpu.memory_space<vmem>>) offsets(%dma_start3A_152 : memref<40xi32, #tpu.memory_space<vmem>>) semaphore(%arg17 : memref<!tpu.dma_semaphore, #tpu.memory_space<semaphore_mem>>)
      %dma_start3A_156 = arith.constant 1 : i32
      %dma_start3A_157 = arith.constant 0 : i32
      %dma_start3A_158 = tpu.memref_slice %arg8[%dma_start3A_156, %dma_start3A_157] : memref<2x40xi32, #tpu.memory_space<vmem>> -> memref<1x40xi32, #tpu.memory_space<vmem>>
      %dma_start3A_159 = tpu.memref_squeeze %dma_start3A_158 : memref<1x40xi32, #tpu.memory_space<vmem>> -> memref<40xi32, #tpu.memory_space<vmem>>
      %dma_start3A_160 = arith.constant 0 : i32
      %dma_start3A_161 = arith.constant 0 : i32
      %dma_start3A_162 = tpu.memref_slice %arg2[%dma_start3A_160, %dma_start3A_161] : memref<10112x16xf32, #tpu.memory_space<hbm>> -> memref<10112x16xf32, #tpu.memory_space<hbm>>
      tpu.enqueue_indirect_dma source(%dma_start3A_162 : memref<10112x16xf32, #tpu.memory_space<hbm>>) target(%arg12 : memref<40x16xf32, #tpu.memory_space<vmem>>) offsets(%dma_start3A_159 : memref<40xi32, #tpu.memory_space<vmem>>) semaphore(%arg17 : memref<!tpu.dma_semaphore, #tpu.memory_space<semaphore_mem>>)
      %scan3A_163 = arith.constant 0 : i32
      %scan3A_164 = arith.constant 40 : i32
      %scan3A_165 = arith.addi %scan3A_163, %scan3A_164 : i32
      %scan3A_166 = arith.constant 1 : i32
      scf.for %scan3A_184 = %scan3A_163 to %scan3A_165 step %scan3A_166  : i32 {
        %mul3A_185 = arith.constant 1 : i32
        %mul3A_186 = arith.muli %scan3A_184, %mul3A_185 : i32
        %add3A_187 = arith.constant 0 : i32
        %add3A_188 = arith.addi %add3A_187, %mul3A_186 : i32
        %iota3A = tpu.iota {dimensions = array<i32: 0>} : vector<16xi32>
        %and3A = arith.constant 7 : i32
        %and3A_189 = vector.broadcast %and3A : i32 to vector<16xi32>
        %and3A_190 = arith.andi %iota3A, %and3A_189 : vector<16xi32>
        %add3A_191 = arith.constant 8 : i32
        %add3A_192 = vector.broadcast %add3A_191 : i32 to vector<16xi32>
        %add3A_193 = arith.addi %and3A_190, %add3A_192 : vector<16xi32>
        %get3A = arith.index_cast %add3A_188 : i32 to index
        %get3A_194 = arith.constant 0 : index
        %get3A_195 = tpu.vector_load %arg11[%get3A, %get3A_194] {strides = array<i32>} : memref<40x16xf32, #tpu.memory_space<vmem>>, vector<1x16xf32>,
        %get3A_196 = vector.shape_cast %get3A_195 : vector<1x16xf32> to vector<16xf32>
        %get3A_197 = arith.index_cast %add3A_188 : i32 to index
        %get3A_198 = arith.constant 0 : index
        %get3A_199 = tpu.vector_load %arg13[%get3A_197, %get3A_198] {strides = array<i32>} : memref<40x16xf32, #tpu.memory_space<vmem>>, vector<1x16xf32>,
        %get3A_200 = vector.shape_cast %get3A_199 : vector<1x16xf32> to vector<16xf32>
        %lt3A = arith.constant 0 : i32
        %lt3A_201 = vector.broadcast %lt3A : i32 to vector<16xi32>
        %lt3A_202 = arith.cmpi slt, %add3A_193, %lt3A_201 : vector<16xi32>
        %add3A_203 = arith.constant 16 : i32
        %add3A_204 = vector.broadcast %add3A_203 : i32 to vector<16xi32>
        %add3A_205 = arith.addi %add3A_193, %add3A_204 : vector<16xi32>
        %select_n3A = arith.select %lt3A_202, %add3A_205, %add3A_193 : vector<16xi1>, vector<16xi32>
        %broadcast_in_dim3A = vector.shape_cast %select_n3A : vector<16xi32> to vector<16x1xi32>
        %gather3A = vector.shape_cast %broadcast_in_dim3A : vector<16x1xi32> to vector<16xi32>
        %gather3A_206 = tpu.dynamic_gather %get3A_200[%gather3A] in [0] : vector<16xf32>, vector<16xi32> -> vector<16xf32>
        %lt3A_207 = arith.constant 8 : i32
        %lt3A_208 = vector.broadcast %lt3A_207 : i32 to vector<16xi32>
        %lt3A_209 = arith.cmpi slt, %iota3A, %lt3A_208 : vector<16xi32>
        %add3A_210 = arith.addf %get3A_196, %gather3A_206 : vector<16xf32>
        %ge3A = arith.constant 0.000000e+00 : f32
        %ge3A_211 = vector.broadcast %ge3A : f32 to vector<16xf32>
        %ge3A_212 = arith.cmpf oge, %add3A_210, %ge3A_211 : vector<16xf32>
        %mul3A_213 = arith.constant 2.000000e-01 : f32
        %mul3A_214 = vector.broadcast %mul3A_213 : f32 to vector<16xf32>
        %mul3A_215 = arith.mulf %mul3A_214, %add3A_210 : vector<16xf32>
        %select_n3A_216 = arith.select %ge3A_212, %add3A_210, %mul3A_215 : vector<16xi1>, vector<16xf32>
        %exp3A = math.exp %select_n3A_216 : vector<16xf32>
        %jit3A = arith.constant 0.000000e+00 : f32
        %broadcast_in_dim3A_217 = vector.broadcast %jit3A : f32 to vector<16xf32>
        %select_n3A_218 = arith.select %lt3A_209, %exp3A, %broadcast_in_dim3A_217 : vector<16xi1>, vector<16xf32>
        %swap3A = arith.index_cast %add3A_188 : i32 to index
        %swap3A_219 = arith.constant 0 : index
        %swap3A_220 = tpu.vector_load %arg15[%swap3A, %swap3A_219] {strides = array<i32>} : memref<40x16xf32, #tpu.memory_space<vmem>>, vector<1x16xf32>,
        %swap3A_221 = vector.shape_cast %swap3A_220 : vector<1x16xf32> to vector<16xf32>
        %swap3A_222 = vector.shape_cast %select_n3A_218 : vector<16xf32> to vector<1x16xf32>
        tpu.vector_store %arg15[%swap3A, %swap3A_219], %swap3A_222 {strides = array<i32>} : memref<40x16xf32, #tpu.memory_space<vmem>>, vector<1x16xf32>,
      }
      %scan3A_167 = arith.constant 40 : i32
      %run_scoped3A_168 = arith.constant 1 : i32
      "tpu.region"() ({
        %run_scoped3A_184 = tpu.sem_alloc : memref<!tpu.dma_semaphore, #tpu.memory_space<semaphore_mem>>
        %dma_start3A_185 = arith.constant 0 : i32
        %dma_start3A_186 = tpu.memref_slice %arg9[%run_scoped3A_168, %dma_start3A_185] : memref<2x40xi32, #tpu.memory_space<vmem>> -> memref<1x40xi32, #tpu.memory_space<vmem>>
        %dma_start3A_187 = tpu.memref_squeeze %dma_start3A_186 : memref<1x40xi32, #tpu.memory_space<vmem>> -> memref<40xi32, #tpu.memory_space<vmem>>
        %dma_start3A_188 = arith.constant 0 : i32
        %dma_start3A_189 = arith.constant 0 : i32
        %dma_start3A_190 = tpu.memref_slice %arg7[%dma_start3A_188, %dma_start3A_189] : memref<10112x16xf32, #tpu.memory_space<vmem_shared>> -> memref<10112x16xf32, #tpu.memory_space<vmem_shared>>
        tpu.enqueue_indirect_dma source(%arg15 : memref<40x16xf32, #tpu.memory_space<vmem>>) target(%dma_start3A_190 : memref<10112x16xf32, #tpu.memory_space<vmem_shared>>) offsets(%dma_start3A_187 : memref<40xi32, #tpu.memory_space<vmem>>) semaphore(%run_scoped3A_184 : memref<!tpu.dma_semaphore, #tpu.memory_space<semaphore_mem>>) {add = true}
        %dma_wait3A_191 = arith.constant 0 : i32
        %dma_wait3A_192 = tpu.memref_slice %arg9[%run_scoped3A_168, %dma_wait3A_191] : memref<2x40xi32, #tpu.memory_space<vmem>> -> memref<1x40xi32, #tpu.memory_space<vmem>>
        %dma_wait3A_193 = tpu.memref_squeeze %dma_wait3A_192 : memref<1x40xi32, #tpu.memory_space<vmem>> -> memref<40xi32, #tpu.memory_space<vmem>>
        %dma_wait3A_194 = arith.constant 0 : i32
        %dma_wait3A_195 = arith.constant 0 : i32
        %dma_wait3A_196 = tpu.memref_slice %arg7[%dma_wait3A_194, %dma_wait3A_195] : memref<10112x16xf32, #tpu.memory_space<vmem_shared>> -> memref<10112x16xf32, #tpu.memory_space<vmem_shared>>
        tpu.wait_indirect_dma semaphore(%run_scoped3A_184 : memref<!tpu.dma_semaphore, #tpu.memory_space<semaphore_mem>>) src(%arg15 : memref<40x16xf32, #tpu.memory_space<vmem>>) dst(%dma_wait3A_196 : memref<10112x16xf32, #tpu.memory_space<vmem_shared>>)
        tpu.yield
      }) : () -> ()
      %eq3A_169 = arith.constant 0 : i32
      %eq3A_170 = arith.cmpi eq, %arg0, %eq3A_169 : i32
      %convert_element_type3A_171 = arith.extui %eq3A_170 : i1 to i32
      %cond3A_172 = arith.constant 0 : i32
      %cond3A_173 = arith.cmpi ne, %convert_element_type3A_171, %cond3A_172 : i32
      scf.if %cond3A_173 {
        %mul3A_184 = arith.constant 20000 : i32
        %mul3A_185 = arith.muli %arg1, %mul3A_184 : i32
        %mul3A_186 = arith.constant 40 : i32
        %mul3A_187 = arith.muli %add3A_124, %mul3A_186 : i32
        %add3A_188 = arith.addi %mul3A_185, %mul3A_187 : i32
        "tpu.region"() ({
          %run_scoped3A_189 = tpu.sem_alloc : memref<!tpu.dma_semaphore, #tpu.memory_space<semaphore_mem>>
          %dma_start3A_190 = arith.constant 0 : i32
          %dma_start3A_191 = tpu.memref_slice %arg6[%add3A_188, %dma_start3A_190] : memref<320000x16xf32, #tpu.memory_space<hbm>> -> memref<40x16xf32, #tpu.memory_space<hbm>>
          %dma_start3A_192 = arith.constant 0 : i32
          %dma_start3A_193 = tpu.memref_slice %arg6[%add3A_188, %dma_start3A_192] : memref<320000x16xf32, #tpu.memory_space<hbm>> -> memref<40x16xf32, #tpu.memory_space<hbm>>
          tpu.enqueue_dma source(%arg15 : memref<40x16xf32, #tpu.memory_space<vmem>>) target(%dma_start3A_193 : memref<40x16xf32, #tpu.memory_space<hbm>>) target_semaphore(%run_scoped3A_189 : memref<!tpu.dma_semaphore, #tpu.memory_space<semaphore_mem>>)
          %dma_wait3A_194 = arith.constant 0 : i32
          %dma_wait3A_195 = tpu.memref_slice %arg6[%add3A_188, %dma_wait3A_194] : memref<320000x16xf32, #tpu.memory_space<hbm>> -> memref<40x16xf32, #tpu.memory_space<hbm>>
          %dma_wait3A_196 = arith.constant 0 : i32
          %dma_wait3A_197 = tpu.memref_slice %arg6[%add3A_188, %dma_wait3A_196] : memref<320000x16xf32, #tpu.memory_space<hbm>> -> memref<40x16xf32, #tpu.memory_space<hbm>>
          tpu.wait_dma2 semaphore(%run_scoped3A_189 : memref<!tpu.dma_semaphore, #tpu.memory_space<semaphore_mem>>) src(%arg15 : memref<40x16xf32, #tpu.memory_space<vmem>>) dst(%dma_wait3A_197 : memref<40x16xf32, #tpu.memory_space<hbm>>)
          tpu.yield
        }) : () -> ()
      } else {
      }
      %add3A_174 = arith.constant 2 : i32
      %add3A_175 = arith.addi %add3A_124, %add3A_174 : i32
      %dma_start3A_176 = arith.constant 0 : i32
      %dma_start3A_177 = arith.constant 0 : i32
      %dma_start3A_178 = tpu.memref_slice %arg3[%arg1, %add3A_175, %dma_start3A_176, %dma_start3A_177] : memref<16x502x2x40xi32, #tpu.memory_space<hbm>> -> memref<1x1x2x40xi32, #tpu.memory_space<hbm>>
      %dma_start3A_179 = tpu.memref_squeeze %dma_start3A_178 : memref<1x1x2x40xi32, #tpu.memory_space<hbm>> -> memref<2x40xi32, #tpu.memory_space<hbm>>
      %dma_start3A_180 = arith.constant 0 : i32
      %dma_start3A_181 = arith.constant 0 : i32
      %dma_start3A_182 = tpu.memref_slice %arg3[%arg1, %add3A_175, %dma_start3A_180, %dma_start3A_181] : memref<16x502x2x40xi32, #tpu.memory_space<hbm>> -> memref<1x1x2x40xi32, #tpu.memory_space<hbm>>
      %dma_start3A_183 = tpu.memref_squeeze %dma_start3A_182 : memref<1x1x2x40xi32, #tpu.memory_space<hbm>> -> memref<2x40xi32, #tpu.memory_space<hbm>>
      tpu.enqueue_dma source(%dma_start3A_183 : memref<2x40xi32, #tpu.memory_space<hbm>>) target(%arg9 : memref<2x40xi32, #tpu.memory_space<vmem>>) target_semaphore(%arg20 : memref<!tpu.dma_semaphore, #tpu.memory_space<semaphore_mem>>)
    }
    %scan3A_28 = arith.constant 250 : i32
    %dma_wait3A = arith.constant 0 : i32
    %dma_wait3A_29 = arith.constant 0 : i32
    %dma_wait3A_30 = tpu.memref_slice %arg8[%dma_wait3A, %dma_wait3A_29] : memref<2x40xi32, #tpu.memory_space<vmem>> -> memref<1x40xi32, #tpu.memory_space<vmem>>
    %dma_wait3A_31 = tpu.memref_squeeze %dma_wait3A_30 : memref<1x40xi32, #tpu.memory_space<vmem>> -> memref<40xi32, #tpu.memory_space<vmem>>
    %dma_wait3A_32 = arith.constant 0 : i32
    %dma_wait3A_33 = arith.constant 0 : i32
    %dma_wait3A_34 = tpu.memref_slice %arg2[%dma_wait3A_32, %dma_wait3A_33] : memref<10112x16xf32, #tpu.memory_space<hbm>> -> memref<10112x16xf32, #tpu.memory_space<hbm>>
    tpu.wait_indirect_dma semaphore(%arg17 : memref<!tpu.dma_semaphore, #tpu.memory_space<semaphore_mem>>) src(%dma_wait3A_34 : memref<10112x16xf32, #tpu.memory_space<hbm>>) dst(%arg10 : memref<40x16xf32, #tpu.memory_space<vmem>>)
    %dma_wait3A_35 = arith.constant 1 : i32
    %dma_wait3A_36 = arith.constant 0 : i32
    %dma_wait3A_37 = tpu.memref_slice %arg8[%dma_wait3A_35, %dma_wait3A_36] : memref<2x40xi32, #tpu.memory_space<vmem>> -> memref<1x40xi32, #tpu.memory_space<vmem>>
    %dma_wait3A_38 = tpu.memref_squeeze %dma_wait3A_37 : memref<1x40xi32, #tpu.memory_space<vmem>> -> memref<40xi32, #tpu.memory_space<vmem>>
    %dma_wait3A_39 = arith.constant 0 : i32
    %dma_wait3A_40 = arith.constant 0 : i32
    %dma_wait3A_41 = tpu.memref_slice %arg2[%dma_wait3A_39, %dma_wait3A_40] : memref<10112x16xf32, #tpu.memory_space<hbm>> -> memref<10112x16xf32, #tpu.memory_space<hbm>>
    tpu.wait_indirect_dma semaphore(%arg17 : memref<!tpu.dma_semaphore, #tpu.memory_space<semaphore_mem>>) src(%dma_wait3A_41 : memref<10112x16xf32, #tpu.memory_space<hbm>>) dst(%arg12 : memref<40x16xf32, #tpu.memory_space<vmem>>)
    %dma_wait3A_42 = arith.constant 501 : i32
    %dma_wait3A_43 = arith.constant 0 : i32
    %dma_wait3A_44 = arith.constant 0 : i32
    %dma_wait3A_45 = tpu.memref_slice %arg3[%arg1, %dma_wait3A_42, %dma_wait3A_43, %dma_wait3A_44] : memref<16x502x2x40xi32, #tpu.memory_space<hbm>> -> memref<1x1x2x40xi32, #tpu.memory_space<hbm>>
    %dma_wait3A_46 = tpu.memref_squeeze %dma_wait3A_45 : memref<1x1x2x40xi32, #tpu.memory_space<hbm>> -> memref<2x40xi32, #tpu.memory_space<hbm>>
    %dma_wait3A_47 = arith.constant 0 : i32
    %dma_wait3A_48 = arith.constant 0 : i32
    %dma_wait3A_49 = tpu.memref_slice %arg3[%arg1, %dma_wait3A_42, %dma_wait3A_47, %dma_wait3A_48] : memref<16x502x2x40xi32, #tpu.memory_space<hbm>> -> memref<1x1x2x40xi32, #tpu.memory_space<hbm>>
    %dma_wait3A_50 = tpu.memref_squeeze %dma_wait3A_49 : memref<1x1x2x40xi32, #tpu.memory_space<hbm>> -> memref<2x40xi32, #tpu.memory_space<hbm>>
    tpu.wait_dma2 semaphore(%arg20 : memref<!tpu.dma_semaphore, #tpu.memory_space<semaphore_mem>>) src(%dma_wait3A_50 : memref<2x40xi32, #tpu.memory_space<hbm>>) dst(%arg9 : memref<2x40xi32, #tpu.memory_space<vmem>>)
    %barrier3A_51 = arith.constant 0 : index
    tpu.barrier barrier_id(%barrier3A_51)
    %eq3A = arith.constant 0 : i32
    %eq3A_52 = arith.cmpi eq, %arg0, %eq3A : i32
    %convert_element_type3A = arith.extui %eq3A_52 : i1 to i32
    %cond3A = arith.constant 0 : i32
    %cond3A_53 = arith.cmpi ne, %convert_element_type3A, %cond3A : i32
    scf.if %cond3A_53 {
      %mul3A_54 = arith.constant 632 : i32
      %mul3A_55 = arith.muli %mul3A_54, %arg1 : i32
      "tpu.region"() ({
        %run_scoped3A_63 = tpu.sem_alloc : memref<!tpu.dma_semaphore, #tpu.memory_space<semaphore_mem>>
        %dma_start3A_64 = arith.constant 0 : i32
        %dma_start3A_65 = tpu.memref_slice %arg7[%mul3A_55, %dma_start3A_64] : memref<10112x16xf32, #tpu.memory_space<vmem_shared>> -> memref<632x16xf32, #tpu.memory_space<vmem_shared>>
        %dma_start3A_66 = arith.constant 0 : i32
        %dma_start3A_67 = tpu.memref_slice %arg7[%mul3A_55, %dma_start3A_66] : memref<10112x16xf32, #tpu.memory_space<vmem_shared>> -> memref<632x16xf32, #tpu.memory_space<vmem_shared>>
        tpu.enqueue_dma source(%dma_start3A_67 : memref<632x16xf32, #tpu.memory_space<vmem_shared>>) target(%arg16 : memref<632x16xf32, #tpu.memory_space<vmem>>) target_semaphore(%run_scoped3A_63 : memref<!tpu.dma_semaphore, #tpu.memory_space<semaphore_mem>>)
        %dma_wait3A_68 = arith.constant 0 : i32
        %dma_wait3A_69 = tpu.memref_slice %arg7[%mul3A_55, %dma_wait3A_68] : memref<10112x16xf32, #tpu.memory_space<vmem_shared>> -> memref<632x16xf32, #tpu.memory_space<vmem_shared>>
        %dma_wait3A_70 = arith.constant 0 : i32
        %dma_wait3A_71 = tpu.memref_slice %arg7[%mul3A_55, %dma_wait3A_70] : memref<10112x16xf32, #tpu.memory_space<vmem_shared>> -> memref<632x16xf32, #tpu.memory_space<vmem_shared>>
        tpu.wait_dma2 semaphore(%run_scoped3A_63 : memref<!tpu.dma_semaphore, #tpu.memory_space<semaphore_mem>>) src(%dma_wait3A_71 : memref<632x16xf32, #tpu.memory_space<vmem_shared>>) dst(%arg16 : memref<632x16xf32, #tpu.memory_space<vmem>>)
        tpu.yield
      }) : () -> ()
      %scan3A_56 = arith.constant 0 : i32
      %scan3A_57 = arith.constant 632 : i32
      %scan3A_58 = arith.addi %scan3A_56, %scan3A_57 : i32
      %scan3A_59 = arith.constant 1 : i32
      scf.for %scan3A_63 = %scan3A_56 to %scan3A_58 step %scan3A_59  : i32 {
        %mul3A_64 = arith.constant 1 : i32
        %mul3A_65 = arith.muli %scan3A_63, %mul3A_64 : i32
        %add3A = arith.constant 0 : i32
        %add3A_66 = arith.addi %add3A, %mul3A_65 : i32
        %get3A = arith.index_cast %add3A_66 : i32 to index
        %get3A_67 = arith.constant 0 : index
        %get3A_68 = tpu.vector_load %arg16[%get3A, %get3A_67] {strides = array<i32>} : memref<632x16xf32, #tpu.memory_space<vmem>>, vector<1x16xf32>,
        %get3A_69 = vector.shape_cast %get3A_68 : vector<1x16xf32> to vector<16xf32>
        %div3A = arith.constant 1.000000e+00 : f32
        %div3A_70 = vector.broadcast %div3A : f32 to vector<16xf32>
        %div3A_71 = arith.divf %div3A_70, %get3A_69 : vector<16xf32>
        %swap3A = arith.index_cast %add3A_66 : i32 to index
        %swap3A_72 = arith.constant 0 : index
        %swap3A_73 = tpu.vector_load %arg16[%swap3A, %swap3A_72] {strides = array<i32>} : memref<632x16xf32, #tpu.memory_space<vmem>>, vector<1x16xf32>,
        %swap3A_74 = vector.shape_cast %swap3A_73 : vector<1x16xf32> to vector<16xf32>
        %swap3A_75 = vector.shape_cast %div3A_71 : vector<16xf32> to vector<1x16xf32>
        tpu.vector_store %arg16[%swap3A, %swap3A_72], %swap3A_75 {strides = array<i32>} : memref<632x16xf32, #tpu.memory_space<vmem>>, vector<1x16xf32>,
      }
      %scan3A_60 = arith.constant 632 : i32
      %mul3A_61 = arith.constant 632 : i32
      %mul3A_62 = arith.muli %mul3A_61, %arg1 : i32
      "tpu.region"() ({
        %run_scoped3A_63 = tpu.sem_alloc : memref<!tpu.dma_semaphore, #tpu.memory_space<semaphore_mem>>
        %dma_start3A_64 = arith.constant 0 : i32
        %dma_start3A_65 = tpu.memref_slice %arg5[%mul3A_62, %dma_start3A_64] : memref<10112x16xf32, #tpu.memory_space<hbm>> -> memref<632x16xf32, #tpu.memory_space<hbm>>
        %dma_start3A_66 = arith.constant 0 : i32
        %dma_start3A_67 = tpu.memref_slice %arg5[%mul3A_62, %dma_start3A_66] : memref<10112x16xf32, #tpu.memory_space<hbm>> -> memref<632x16xf32, #tpu.memory_space<hbm>>
        tpu.enqueue_dma source(%arg16 : memref<632x16xf32, #tpu.memory_space<vmem>>) target(%dma_start3A_67 : memref<632x16xf32, #tpu.memory_space<hbm>>) target_semaphore(%run_scoped3A_63 : memref<!tpu.dma_semaphore, #tpu.memory_space<semaphore_mem>>)
        %dma_wait3A_68 = arith.constant 0 : i32
        %dma_wait3A_69 = tpu.memref_slice %arg5[%mul3A_62, %dma_wait3A_68] : memref<10112x16xf32, #tpu.memory_space<hbm>> -> memref<632x16xf32, #tpu.memory_space<hbm>>
        %dma_wait3A_70 = arith.constant 0 : i32
        %dma_wait3A_71 = tpu.memref_slice %arg5[%mul3A_62, %dma_wait3A_70] : memref<10112x16xf32, #tpu.memory_space<hbm>> -> memref<632x16xf32, #tpu.memory_space<hbm>>
        tpu.wait_dma2 semaphore(%run_scoped3A_63 : memref<!tpu.dma_semaphore, #tpu.memory_space<semaphore_mem>>) src(%arg16 : memref<632x16xf32, #tpu.memory_space<vmem>>) dst(%dma_wait3A_71 : memref<632x16xf32, #tpu.memory_space<hbm>>)
        tpu.yield
      }) : () -> ()
    } else {
    }
    return
  }
}

#map = affine_map<(d0, d1) -> (0, 0)>
#map1 = affine_map<(d0, d1) -> (0, 0, 0, 0, 0)>
module attributes {stable_mosaic.version = 14 : i64} {
  func.func @_e3_body(%arg0: i32, %arg1: i32, %arg2: memref<20000x1024xf32, #tpu.memory_space<hbm>>, %arg3: memref<330280x16xf32, #tpu.memory_space<hbm>>, %arg4: memref<10112x16xf32, #tpu.memory_space<hbm>>, %arg5: memref<2x16x1034x2x20xi32, #tpu.memory_space<hbm>>, %arg6: memref<10112x128xf32, #tpu.memory_space<hbm>>, %arg7: memref<20224x128xf32, #tpu.memory_space<hbm>>, %arg8: memref<10112x128xf32, #tpu.memory_space<vmem_shared>>, %arg9: memref<2x20xi32, #tpu.memory_space<vmem>>, %arg10: memref<2x20xi32, #tpu.memory_space<vmem>>, %arg11: memref<20x1024xf32, #tpu.memory_space<vmem>>, %arg12: memref<20x1024xf32, #tpu.memory_space<vmem>>, %arg13: memref<20x16xf32, #tpu.memory_space<vmem>>, %arg14: memref<20x16xf32, #tpu.memory_space<vmem>>, %arg15: memref<20x16xf32, #tpu.memory_space<vmem>>, %arg16: memref<20x16xf32, #tpu.memory_space<vmem>>, %arg17: memref<20x128xf32, #tpu.memory_space<vmem>>, %arg18: memref<20x128xf32, #tpu.memory_space<vmem>>, %arg19: memref<!tpu.dma_semaphore, #tpu.memory_space<semaphore_mem>>, %arg20: memref<!tpu.dma_semaphore, #tpu.memory_space<semaphore_mem>>, %arg21: memref<!tpu.dma_semaphore, #tpu.memory_space<semaphore_mem>>, %arg22: memref<!tpu.dma_semaphore, #tpu.memory_space<semaphore_mem>>, %arg23: memref<!tpu.dma_semaphore, #tpu.memory_space<semaphore_mem>>, %arg24: memref<!tpu.dma_semaphore, #tpu.memory_space<semaphore_mem>>) attributes {dimension_semantics = [#tpu.dimension_semantics<core_parallel>, #tpu.dimension_semantics<subcore_parallel>], iteration_bounds = array<i64: 2, 16>, scalar_prefetch = 0 : i64, scratch_operands = 17 : i64, tpu.core_type = #tpu.core_type<sc_vector_subcore>, window_params = [{transform_indices = #map}, {transform_indices = #map}, {transform_indices = #map}, {transform_indices = #map1}, {transform_indices = #map}, {transform_indices = #map}]} {
    %mul3A = arith.constant 632 : i32
    %mul3A_0 = arith.muli %mul3A, %arg1 : i32
    %mul3A_1 = arith.constant 632 : i32
    %mul3A_2 = arith.muli %mul3A_1, %arg1 : i32
    "tpu.region"() ({
      %run_scoped3A_74 = tpu.sem_alloc : memref<!tpu.dma_semaphore, #tpu.memory_space<semaphore_mem>>
      %dma_start3A_75 = arith.constant 0 : i32
      %dma_start3A_76 = tpu.memref_slice %arg8[%mul3A_2, %dma_start3A_75] : memref<10112x128xf32, #tpu.memory_space<vmem_shared>> -> memref<632x128xf32, #tpu.memory_space<vmem_shared>>
      %dma_start3A_77 = arith.constant 0 : i32
      %dma_start3A_78 = tpu.memref_slice %arg6[%mul3A_0, %dma_start3A_77] : memref<10112x128xf32, #tpu.memory_space<hbm>> -> memref<632x128xf32, #tpu.memory_space<hbm>>
      tpu.enqueue_dma source(%dma_start3A_78 : memref<632x128xf32, #tpu.memory_space<hbm>>) target(%dma_start3A_76 : memref<632x128xf32, #tpu.memory_space<vmem_shared>>) target_semaphore(%run_scoped3A_74 : memref<!tpu.dma_semaphore, #tpu.memory_space<semaphore_mem>>)
      %dma_wait3A_79 = arith.constant 0 : i32
      %dma_wait3A_80 = tpu.memref_slice %arg8[%mul3A_2, %dma_wait3A_79] : memref<10112x128xf32, #tpu.memory_space<vmem_shared>> -> memref<632x128xf32, #tpu.memory_space<vmem_shared>>
      %dma_wait3A_81 = arith.constant 0 : i32
      %dma_wait3A_82 = tpu.memref_slice %arg6[%mul3A_0, %dma_wait3A_81] : memref<10112x128xf32, #tpu.memory_space<hbm>> -> memref<632x128xf32, #tpu.memory_space<hbm>>
      tpu.wait_dma2 semaphore(%run_scoped3A_74 : memref<!tpu.dma_semaphore, #tpu.memory_space<semaphore_mem>>) src(%dma_wait3A_82 : memref<632x128xf32, #tpu.memory_space<hbm>>) dst(%dma_wait3A_80 : memref<632x128xf32, #tpu.memory_space<vmem_shared>>)
      tpu.yield
    }) : () -> ()
    %run_scoped3A = arith.constant 0 : i32
    "tpu.region"() ({
      %run_scoped3A_74 = tpu.sem_alloc : memref<!tpu.dma_semaphore, #tpu.memory_space<semaphore_mem>>
      %dma_start3A_75 = arith.constant 0 : i32
      %dma_start3A_76 = arith.constant 0 : i32
      %dma_start3A_77 = tpu.memref_slice %arg5[%arg0, %arg1, %run_scoped3A, %dma_start3A_75, %dma_start3A_76] : memref<2x16x1034x2x20xi32, #tpu.memory_space<hbm>> -> memref<1x1x1x2x20xi32, #tpu.memory_space<hbm>>
      %dma_start3A_78 = tpu.memref_squeeze %dma_start3A_77 : memref<1x1x1x2x20xi32, #tpu.memory_space<hbm>> -> memref<2x20xi32, #tpu.memory_space<hbm>>
      %dma_start3A_79 = arith.constant 0 : i32
      %dma_start3A_80 = arith.constant 0 : i32
      %dma_start3A_81 = tpu.memref_slice %arg5[%arg0, %arg1, %run_scoped3A, %dma_start3A_79, %dma_start3A_80] : memref<2x16x1034x2x20xi32, #tpu.memory_space<hbm>> -> memref<1x1x1x2x20xi32, #tpu.memory_space<hbm>>
      %dma_start3A_82 = tpu.memref_squeeze %dma_start3A_81 : memref<1x1x1x2x20xi32, #tpu.memory_space<hbm>> -> memref<2x20xi32, #tpu.memory_space<hbm>>
      tpu.enqueue_dma source(%dma_start3A_82 : memref<2x20xi32, #tpu.memory_space<hbm>>) target(%arg9 : memref<2x20xi32, #tpu.memory_space<vmem>>) target_semaphore(%run_scoped3A_74 : memref<!tpu.dma_semaphore, #tpu.memory_space<semaphore_mem>>)
      %dma_wait3A_83 = arith.constant 0 : i32
      %dma_wait3A_84 = arith.constant 0 : i32
      %dma_wait3A_85 = tpu.memref_slice %arg5[%arg0, %arg1, %run_scoped3A, %dma_wait3A_83, %dma_wait3A_84] : memref<2x16x1034x2x20xi32, #tpu.memory_space<hbm>> -> memref<1x1x1x2x20xi32, #tpu.memory_space<hbm>>
      %dma_wait3A_86 = tpu.memref_squeeze %dma_wait3A_85 : memref<1x1x1x2x20xi32, #tpu.memory_space<hbm>> -> memref<2x20xi32, #tpu.memory_space<hbm>>
      %dma_wait3A_87 = arith.constant 0 : i32
      %dma_wait3A_88 = arith.constant 0 : i32
      %dma_wait3A_89 = tpu.memref_slice %arg5[%arg0, %arg1, %run_scoped3A, %dma_wait3A_87, %dma_wait3A_88] : memref<2x16x1034x2x20xi32, #tpu.memory_space<hbm>> -> memref<1x1x1x2x20xi32, #tpu.memory_space<hbm>>
      %dma_wait3A_90 = tpu.memref_squeeze %dma_wait3A_89 : memref<1x1x1x2x20xi32, #tpu.memory_space<hbm>> -> memref<2x20xi32, #tpu.memory_space<hbm>>
      tpu.wait_dma2 semaphore(%run_scoped3A_74 : memref<!tpu.dma_semaphore, #tpu.memory_space<semaphore_mem>>) src(%dma_wait3A_90 : memref<2x20xi32, #tpu.memory_space<hbm>>) dst(%arg9 : memref<2x20xi32, #tpu.memory_space<vmem>>)
      tpu.yield
    }) : () -> ()
    %dma_start3A = arith.constant 0 : i32
    %dma_start3A_3 = arith.constant 0 : i32
    %dma_start3A_4 = tpu.memref_slice %arg9[%dma_start3A, %dma_start3A_3] : memref<2x20xi32, #tpu.memory_space<vmem>> -> memref<1x20xi32, #tpu.memory_space<vmem>>
    %dma_start3A_5 = tpu.memref_squeeze %dma_start3A_4 : memref<1x20xi32, #tpu.memory_space<vmem>> -> memref<20xi32, #tpu.memory_space<vmem>>
    %dma_start3A_6 = arith.constant 0 : i32
    %dma_start3A_7 = arith.constant 0 : i32
    %dma_start3A_8 = tpu.memref_slice %arg2[%dma_start3A_6, %dma_start3A_7] : memref<20000x1024xf32, #tpu.memory_space<hbm>> -> memref<20000x1024xf32, #tpu.memory_space<hbm>>
    tpu.enqueue_indirect_dma source(%dma_start3A_8 : memref<20000x1024xf32, #tpu.memory_space<hbm>>) target(%arg11 : memref<20x1024xf32, #tpu.memory_space<vmem>>) offsets(%dma_start3A_5 : memref<20xi32, #tpu.memory_space<vmem>>) semaphore(%arg19 : memref<!tpu.dma_semaphore, #tpu.memory_space<semaphore_mem>>)
    %dma_start3A_9 = arith.constant 1 : i32
    %dma_start3A_10 = arith.constant 0 : i32
    %dma_start3A_11 = tpu.memref_slice %arg9[%dma_start3A_9, %dma_start3A_10] : memref<2x20xi32, #tpu.memory_space<vmem>> -> memref<1x20xi32, #tpu.memory_space<vmem>>
    %dma_start3A_12 = tpu.memref_squeeze %dma_start3A_11 : memref<1x20xi32, #tpu.memory_space<vmem>> -> memref<20xi32, #tpu.memory_space<vmem>>
    %dma_start3A_13 = arith.constant 0 : i32
    %dma_start3A_14 = arith.constant 0 : i32
    %dma_start3A_15 = tpu.memref_slice %arg4[%dma_start3A_13, %dma_start3A_14] : memref<10112x16xf32, #tpu.memory_space<hbm>> -> memref<10112x16xf32, #tpu.memory_space<hbm>>
    tpu.enqueue_indirect_dma source(%dma_start3A_15 : memref<10112x16xf32, #tpu.memory_space<hbm>>) target(%arg15 : memref<20x16xf32, #tpu.memory_space<vmem>>) offsets(%dma_start3A_12 : memref<20xi32, #tpu.memory_space<vmem>>) semaphore(%arg19 : memref<!tpu.dma_semaphore, #tpu.memory_space<semaphore_mem>>)
    %mul3A_16 = arith.constant 20640 : i32
    %mul3A_17 = arith.muli %arg1, %mul3A_16 : i32
    %add3A = arith.constant 0 : i32
    %add3A_18 = arith.addi %mul3A_17, %add3A : i32
    %dma_start3A_19 = arith.constant 0 : i32
    %dma_start3A_20 = tpu.memref_slice %arg3[%add3A_18, %dma_start3A_19] : memref<330280x16xf32, #tpu.memory_space<hbm>> -> memref<20x16xf32, #tpu.memory_space<hbm>>
    %dma_start3A_21 = arith.constant 0 : i32
    %dma_start3A_22 = tpu.memref_slice %arg3[%add3A_18, %dma_start3A_21] : memref<330280x16xf32, #tpu.memory_space<hbm>> -> memref<20x16xf32, #tpu.memory_space<hbm>>
    tpu.enqueue_dma source(%dma_start3A_22 : memref<20x16xf32, #tpu.memory_space<hbm>>) target(%arg13 : memref<20x16xf32, #tpu.memory_space<vmem>>) target_semaphore(%arg19 : memref<!tpu.dma_semaphore, #tpu.memory_space<semaphore_mem>>)
    %dma_start3A_23 = arith.constant 1 : i32
    %dma_start3A_24 = arith.constant 0 : i32
    %dma_start3A_25 = arith.constant 0 : i32
    %dma_start3A_26 = tpu.memref_slice %arg5[%arg0, %arg1, %dma_start3A_23, %dma_start3A_24, %dma_start3A_25] : memref<2x16x1034x2x20xi32, #tpu.memory_space<hbm>> -> memref<1x1x1x2x20xi32, #tpu.memory_space<hbm>>
    %dma_start3A_27 = tpu.memref_squeeze %dma_start3A_26 : memref<1x1x1x2x20xi32, #tpu.memory_space<hbm>> -> memref<2x20xi32, #tpu.memory_space<hbm>>
    %dma_start3A_28 = arith.constant 0 : i32
    %dma_start3A_29 = arith.constant 0 : i32
    %dma_start3A_30 = tpu.memref_slice %arg5[%arg0, %arg1, %dma_start3A_23, %dma_start3A_28, %dma_start3A_29] : memref<2x16x1034x2x20xi32, #tpu.memory_space<hbm>> -> memref<1x1x1x2x20xi32, #tpu.memory_space<hbm>>
    %dma_start3A_31 = tpu.memref_squeeze %dma_start3A_30 : memref<1x1x1x2x20xi32, #tpu.memory_space<hbm>> -> memref<2x20xi32, #tpu.memory_space<hbm>>
    tpu.enqueue_dma source(%dma_start3A_31 : memref<2x20xi32, #tpu.memory_space<hbm>>) target(%arg10 : memref<2x20xi32, #tpu.memory_space<vmem>>) target_semaphore(%arg22 : memref<!tpu.dma_semaphore, #tpu.memory_space<semaphore_mem>>)
    %barrier3A = arith.constant 0 : index
    tpu.barrier barrier_id(%barrier3A)
    %scan3A = arith.constant 0 : i32
    %scan3A_32 = arith.constant 516 : i32
    %scan3A_33 = arith.addi %scan3A, %scan3A_32 : i32
    %scan3A_34 = arith.constant 1 : i32
    scf.for %scan3A_74 = %scan3A to %scan3A_33 step %scan3A_34  : i32 {
      %mul3A_75 = arith.constant 1 : i32
      %mul3A_76 = arith.muli %scan3A_74, %mul3A_75 : i32
      %add3A_77 = arith.constant 0 : i32
      %add3A_78 = arith.addi %add3A_77, %mul3A_76 : i32
      %mul3A_79 = arith.constant 2 : i32
      %mul3A_80 = arith.muli %add3A_78, %mul3A_79 : i32
      %add3A_81 = arith.constant 0 : i32
      %add3A_82 = arith.addi %mul3A_80, %add3A_81 : i32
      %dma_wait3A_83 = arith.constant 0 : i32
      %dma_wait3A_84 = arith.constant 0 : i32
      %dma_wait3A_85 = tpu.memref_slice %arg9[%dma_wait3A_83, %dma_wait3A_84] : memref<2x20xi32, #tpu.memory_space<vmem>> -> memref<1x20xi32, #tpu.memory_space<vmem>>
      %dma_wait3A_86 = tpu.memref_squeeze %dma_wait3A_85 : memref<1x20xi32, #tpu.memory_space<vmem>> -> memref<20xi32, #tpu.memory_space<vmem>>
      %dma_wait3A_87 = arith.constant 0 : i32
      %dma_wait3A_88 = arith.constant 0 : i32
      %dma_wait3A_89 = tpu.memref_slice %arg2[%dma_wait3A_87, %dma_wait3A_88] : memref<20000x1024xf32, #tpu.memory_space<hbm>> -> memref<20000x1024xf32, #tpu.memory_space<hbm>>
      tpu.wait_indirect_dma semaphore(%arg19 : memref<!tpu.dma_semaphore, #tpu.memory_space<semaphore_mem>>) src(%dma_wait3A_89 : memref<20000x1024xf32, #tpu.memory_space<hbm>>) dst(%arg11 : memref<20x1024xf32, #tpu.memory_space<vmem>>)
      %dma_wait3A_90 = arith.constant 1 : i32
      %dma_wait3A_91 = arith.constant 0 : i32
      %dma_wait3A_92 = tpu.memref_slice %arg9[%dma_wait3A_90, %dma_wait3A_91] : memref<2x20xi32, #tpu.memory_space<vmem>> -> memref<1x20xi32, #tpu.memory_space<vmem>>
      %dma_wait3A_93 = tpu.memref_squeeze %dma_wait3A_92 : memref<1x20xi32, #tpu.memory_space<vmem>> -> memref<20xi32, #tpu.memory_space<vmem>>
      %dma_wait3A_94 = arith.constant 0 : i32
      %dma_wait3A_95 = arith.constant 0 : i32
      %dma_wait3A_96 = tpu.memref_slice %arg4[%dma_wait3A_94, %dma_wait3A_95] : memref<10112x16xf32, #tpu.memory_space<hbm>> -> memref<10112x16xf32, #tpu.memory_space<hbm>>
      tpu.wait_indirect_dma semaphore(%arg19 : memref<!tpu.dma_semaphore, #tpu.memory_space<semaphore_mem>>) src(%dma_wait3A_96 : memref<10112x16xf32, #tpu.memory_space<hbm>>) dst(%arg15 : memref<20x16xf32, #tpu.memory_space<vmem>>)
      %mul3A_97 = arith.constant 20640 : i32
      %mul3A_98 = arith.muli %arg1, %mul3A_97 : i32
      %mul3A_99 = arith.constant 20 : i32
      %mul3A_100 = arith.muli %add3A_82, %mul3A_99 : i32
      %add3A_101 = arith.addi %mul3A_98, %mul3A_100 : i32
      %dma_wait3A_102 = arith.constant 0 : i32
      %dma_wait3A_103 = tpu.memref_slice %arg3[%add3A_101, %dma_wait3A_102] : memref<330280x16xf32, #tpu.memory_space<hbm>> -> memref<20x16xf32, #tpu.memory_space<hbm>>
      %dma_wait3A_104 = arith.constant 0 : i32
      %dma_wait3A_105 = tpu.memref_slice %arg3[%add3A_101, %dma_wait3A_104] : memref<330280x16xf32, #tpu.memory_space<hbm>> -> memref<20x16xf32, #tpu.memory_space<hbm>>
      tpu.wait_dma2 semaphore(%arg19 : memref<!tpu.dma_semaphore, #tpu.memory_space<semaphore_mem>>) src(%dma_wait3A_105 : memref<20x16xf32, #tpu.memory_space<hbm>>) dst(%arg13 : memref<20x16xf32, #tpu.memory_space<vmem>>)
      %add3A_106 = arith.constant 1 : i32
      %add3A_107 = arith.addi %add3A_82, %add3A_106 : i32
      %dma_wait3A_108 = arith.constant 0 : i32
      %dma_wait3A_109 = arith.constant 0 : i32
      %dma_wait3A_110 = tpu.memref_slice %arg5[%arg0, %arg1, %add3A_107, %dma_wait3A_108, %dma_wait3A_109] : memref<2x16x1034x2x20xi32, #tpu.memory_space<hbm>> -> memref<1x1x1x2x20xi32, #tpu.memory_space<hbm>>
      %dma_wait3A_111 = tpu.memref_squeeze %dma_wait3A_110 : memref<1x1x1x2x20xi32, #tpu.memory_space<hbm>> -> memref<2x20xi32, #tpu.memory_space<hbm>>
      %dma_wait3A_112 = arith.constant 0 : i32
      %dma_wait3A_113 = arith.constant 0 : i32
      %dma_wait3A_114 = tpu.memref_slice %arg5[%arg0, %arg1, %add3A_107, %dma_wait3A_112, %dma_wait3A_113] : memref<2x16x1034x2x20xi32, #tpu.memory_space<hbm>> -> memref<1x1x1x2x20xi32, #tpu.memory_space<hbm>>
      %dma_wait3A_115 = tpu.memref_squeeze %dma_wait3A_114 : memref<1x1x1x2x20xi32, #tpu.memory_space<hbm>> -> memref<2x20xi32, #tpu.memory_space<hbm>>
      tpu.wait_dma2 semaphore(%arg22 : memref<!tpu.dma_semaphore, #tpu.memory_space<semaphore_mem>>) src(%dma_wait3A_115 : memref<2x20xi32, #tpu.memory_space<hbm>>) dst(%arg10 : memref<2x20xi32, #tpu.memory_space<vmem>>)
      %add3A_116 = arith.constant 1 : i32
      %add3A_117 = arith.addi %add3A_82, %add3A_116 : i32
      %dma_start3A_118 = arith.constant 0 : i32
      %dma_start3A_119 = arith.constant 0 : i32
      %dma_start3A_120 = tpu.memref_slice %arg10[%dma_start3A_118, %dma_start3A_119] : memref<2x20xi32, #tpu.memory_space<vmem>> -> memref<1x20xi32, #tpu.memory_space<vmem>>
      %dma_start3A_121 = tpu.memref_squeeze %dma_start3A_120 : memref<1x20xi32, #tpu.memory_space<vmem>> -> memref<20xi32, #tpu.memory_space<vmem>>
      %dma_start3A_122 = arith.constant 0 : i32
      %dma_start3A_123 = arith.constant 0 : i32
      %dma_start3A_124 = tpu.memref_slice %arg2[%dma_start3A_122, %dma_start3A_123] : memref<20000x1024xf32, #tpu.memory_space<hbm>> -> memref<20000x1024xf32, #tpu.memory_space<hbm>>
      tpu.enqueue_indirect_dma source(%dma_start3A_124 : memref<20000x1024xf32, #tpu.memory_space<hbm>>) target(%arg12 : memref<20x1024xf32, #tpu.memory_space<vmem>>) offsets(%dma_start3A_121 : memref<20xi32, #tpu.memory_space<vmem>>) semaphore(%arg20 : memref<!tpu.dma_semaphore, #tpu.memory_space<semaphore_mem>>)
      %dma_start3A_125 = arith.constant 1 : i32
      %dma_start3A_126 = arith.constant 0 : i32
      %dma_start3A_127 = tpu.memref_slice %arg10[%dma_start3A_125, %dma_start3A_126] : memref<2x20xi32, #tpu.memory_space<vmem>> -> memref<1x20xi32, #tpu.memory_space<vmem>>
      %dma_start3A_128 = tpu.memref_squeeze %dma_start3A_127 : memref<1x20xi32, #tpu.memory_space<vmem>> -> memref<20xi32, #tpu.memory_space<vmem>>
      %dma_start3A_129 = arith.constant 0 : i32
      %dma_start3A_130 = arith.constant 0 : i32
      %dma_start3A_131 = tpu.memref_slice %arg4[%dma_start3A_129, %dma_start3A_130] : memref<10112x16xf32, #tpu.memory_space<hbm>> -> memref<10112x16xf32, #tpu.memory_space<hbm>>
      tpu.enqueue_indirect_dma source(%dma_start3A_131 : memref<10112x16xf32, #tpu.memory_space<hbm>>) target(%arg16 : memref<20x16xf32, #tpu.memory_space<vmem>>) offsets(%dma_start3A_128 : memref<20xi32, #tpu.memory_space<vmem>>) semaphore(%arg20 : memref<!tpu.dma_semaphore, #tpu.memory_space<semaphore_mem>>)
      %mul3A_132 = arith.constant 20640 : i32
      %mul3A_133 = arith.muli %arg1, %mul3A_132 : i32
      %mul3A_134 = arith.constant 20 : i32
      %mul3A_135 = arith.muli %add3A_117, %mul3A_134 : i32
      %add3A_136 = arith.addi %mul3A_133, %mul3A_135 : i32
      %dma_start3A_137 = arith.constant 0 : i32
      %dma_start3A_138 = tpu.memref_slice %arg3[%add3A_136, %dma_start3A_137] : memref<330280x16xf32, #tpu.memory_space<hbm>> -> memref<20x16xf32, #tpu.memory_space<hbm>>
      %dma_start3A_139 = arith.constant 0 : i32
      %dma_start3A_140 = tpu.memref_slice %arg3[%add3A_136, %dma_start3A_139] : memref<330280x16xf32, #tpu.memory_space<hbm>> -> memref<20x16xf32, #tpu.memory_space<hbm>>
      tpu.enqueue_dma source(%dma_start3A_140 : memref<20x16xf32, #tpu.memory_space<hbm>>) target(%arg14 : memref<20x16xf32, #tpu.memory_space<vmem>>) target_semaphore(%arg20 : memref<!tpu.dma_semaphore, #tpu.memory_space<semaphore_mem>>)
      %scan3A_141 = arith.constant 0 : i32
      %scan3A_142 = arith.constant 20 : i32
      %scan3A_143 = arith.addi %scan3A_141, %scan3A_142 : i32
      %scan3A_144 = arith.constant 1 : i32
      scf.for %scan3A_235 = %scan3A_141 to %scan3A_143 step %scan3A_144  : i32 {
        %mul3A_236 = arith.constant 1 : i32
        %mul3A_237 = arith.muli %scan3A_235, %mul3A_236 : i32
        %add3A_238 = arith.constant 0 : i32
        %add3A_239 = arith.addi %add3A_238, %mul3A_237 : i32
        %get3A = arith.index_cast %add3A_239 : i32 to index
        %get3A_240 = arith.constant 0 : index
        %get3A_241 = tpu.vector_load %arg13[%get3A, %get3A_240] {strides = array<i32>} : memref<20x16xf32, #tpu.memory_space<vmem>>, vector<1x16xf32>,
        %get3A_242 = vector.shape_cast %get3A_241 : vector<1x16xf32> to vector<16xf32>
        %mul3A_243 = arith.constant 1.250000e-01 : f32
        %mul3A_244 = vector.broadcast %mul3A_243 : f32 to vector<16xf32>
        %mul3A_245 = arith.mulf %get3A_242, %mul3A_244 : vector<16xf32>
        %get3A_246 = arith.index_cast %add3A_239 : i32 to index
        %get3A_247 = arith.constant 0 : index
        %get3A_248 = tpu.vector_load %arg15[%get3A_246, %get3A_247] {strides = array<i32>} : memref<20x16xf32, #tpu.memory_space<vmem>>, vector<1x16xf32>,
        %get3A_249 = vector.shape_cast %get3A_248 : vector<1x16xf32> to vector<16xf32>
        %mul3A_250 = arith.mulf %mul3A_245, %get3A_249 : vector<16xf32>
        %iota3A = tpu.iota {dimensions = array<i32: 0>} : vector<16xi32>
        %mul3A_251 = arith.constant 0 : i32
        %mul3A_252 = vector.broadcast %mul3A_251 : i32 to vector<16xi32>
        %mul3A_253 = arith.muli %iota3A, %mul3A_252 : vector<16xi32>
        %add3A_254 = arith.constant 0 : i32
        %add3A_255 = vector.broadcast %add3A_254 : i32 to vector<16xi32>
        %add3A_256 = arith.addi %mul3A_253, %add3A_255 : vector<16xi32>
        %lt3A = arith.constant 0 : i32
        %lt3A_257 = vector.broadcast %lt3A : i32 to vector<16xi32>
        %lt3A_258 = arith.cmpi slt, %add3A_256, %lt3A_257 : vector<16xi32>
        %add3A_259 = arith.constant 16 : i32
        %add3A_260 = vector.broadcast %add3A_259 : i32 to vector<16xi32>
        %add3A_261 = arith.addi %add3A_256, %add3A_260 : vector<16xi32>
        %select_n3A = arith.select %lt3A_258, %add3A_261, %add3A_256 : vector<16xi1>, vector<16xi32>
        %broadcast_in_dim3A = vector.shape_cast %select_n3A : vector<16xi32> to vector<16x1xi32>
        %gather3A = vector.shape_cast %broadcast_in_dim3A : vector<16x1xi32> to vector<16xi32>
        %gather3A_262 = tpu.dynamic_gather %mul3A_250[%gather3A] in [0] : vector<16xf32>, vector<16xi32> -> vector<16xf32>
        %iota3A_263 = tpu.iota {dimensions = array<i32: 0>} : vector<16xi32>
        %mul3A_264 = arith.constant 0 : i32
        %mul3A_265 = vector.broadcast %mul3A_264 : i32 to vector<16xi32>
        %mul3A_266 = arith.muli %iota3A_263, %mul3A_265 : vector<16xi32>
        %add3A_267 = arith.constant 1 : i32
        %add3A_268 = vector.broadcast %add3A_267 : i32 to vector<16xi32>
        %add3A_269 = arith.addi %mul3A_266, %add3A_268 : vector<16xi32>
        %lt3A_270 = arith.constant 0 : i32
        %lt3A_271 = vector.broadcast %lt3A_270 : i32 to vector<16xi32>
        %lt3A_272 = arith.cmpi slt, %add3A_269, %lt3A_271 : vector<16xi32>
        %add3A_273 = arith.constant 16 : i32
        %add3A_274 = vector.broadcast %add3A_273 : i32 to vector<16xi32>
        %add3A_275 = arith.addi %add3A_269, %add3A_274 : vector<16xi32>
        %select_n3A_276 = arith.select %lt3A_272, %add3A_275, %add3A_269 : vector<16xi1>, vector<16xi32>
        %broadcast_in_dim3A_277 = vector.shape_cast %select_n3A_276 : vector<16xi32> to vector<16x1xi32>
        %gather3A_278 = vector.shape_cast %broadcast_in_dim3A_277 : vector<16x1xi32> to vector<16xi32>
        %gather3A_279 = tpu.dynamic_gather %mul3A_250[%gather3A_278] in [0] : vector<16xf32>, vector<16xi32> -> vector<16xf32>
        %iota3A_280 = tpu.iota {dimensions = array<i32: 0>} : vector<16xi32>
        %mul3A_281 = arith.constant 0 : i32
        %mul3A_282 = vector.broadcast %mul3A_281 : i32 to vector<16xi32>
        %mul3A_283 = arith.muli %iota3A_280, %mul3A_282 : vector<16xi32>
        %add3A_284 = arith.constant 2 : i32
        %add3A_285 = vector.broadcast %add3A_284 : i32 to vector<16xi32>
        %add3A_286 = arith.addi %mul3A_283, %add3A_285 : vector<16xi32>
        %lt3A_287 = arith.constant 0 : i32
        %lt3A_288 = vector.broadcast %lt3A_287 : i32 to vector<16xi32>
        %lt3A_289 = arith.cmpi slt, %add3A_286, %lt3A_288 : vector<16xi32>
        %add3A_290 = arith.constant 16 : i32
        %add3A_291 = vector.broadcast %add3A_290 : i32 to vector<16xi32>
        %add3A_292 = arith.addi %add3A_286, %add3A_291 : vector<16xi32>
        %select_n3A_293 = arith.select %lt3A_289, %add3A_292, %add3A_286 : vector<16xi1>, vector<16xi32>
        %broadcast_in_dim3A_294 = vector.shape_cast %select_n3A_293 : vector<16xi32> to vector<16x1xi32>
        %gather3A_295 = vector.shape_cast %broadcast_in_dim3A_294 : vector<16x1xi32> to vector<16xi32>
        %gather3A_296 = tpu.dynamic_gather %mul3A_250[%gather3A_295] in [0] : vector<16xf32>, vector<16xi32> -> vector<16xf32>
        %iota3A_297 = tpu.iota {dimensions = array<i32: 0>} : vector<16xi32>
        %mul3A_298 = arith.constant 0 : i32
        %mul3A_299 = vector.broadcast %mul3A_298 : i32 to vector<16xi32>
        %mul3A_300 = arith.muli %iota3A_297, %mul3A_299 : vector<16xi32>
        %add3A_301 = arith.constant 3 : i32
        %add3A_302 = vector.broadcast %add3A_301 : i32 to vector<16xi32>
        %add3A_303 = arith.addi %mul3A_300, %add3A_302 : vector<16xi32>
        %lt3A_304 = arith.constant 0 : i32
        %lt3A_305 = vector.broadcast %lt3A_304 : i32 to vector<16xi32>
        %lt3A_306 = arith.cmpi slt, %add3A_303, %lt3A_305 : vector<16xi32>
        %add3A_307 = arith.constant 16 : i32
        %add3A_308 = vector.broadcast %add3A_307 : i32 to vector<16xi32>
        %add3A_309 = arith.addi %add3A_303, %add3A_308 : vector<16xi32>
        %select_n3A_310 = arith.select %lt3A_306, %add3A_309, %add3A_303 : vector<16xi1>, vector<16xi32>
        %broadcast_in_dim3A_311 = vector.shape_cast %select_n3A_310 : vector<16xi32> to vector<16x1xi32>
        %gather3A_312 = vector.shape_cast %broadcast_in_dim3A_311 : vector<16x1xi32> to vector<16xi32>
        %gather3A_313 = tpu.dynamic_gather %mul3A_250[%gather3A_312] in [0] : vector<16xf32>, vector<16xi32> -> vector<16xf32>
        %iota3A_314 = tpu.iota {dimensions = array<i32: 0>} : vector<16xi32>
        %mul3A_315 = arith.constant 0 : i32
        %mul3A_316 = vector.broadcast %mul3A_315 : i32 to vector<16xi32>
        %mul3A_317 = arith.muli %iota3A_314, %mul3A_316 : vector<16xi32>
        %add3A_318 = arith.constant 4 : i32
        %add3A_319 = vector.broadcast %add3A_318 : i32 to vector<16xi32>
        %add3A_320 = arith.addi %mul3A_317, %add3A_319 : vector<16xi32>
        %lt3A_321 = arith.constant 0 : i32
        %lt3A_322 = vector.broadcast %lt3A_321 : i32 to vector<16xi32>
        %lt3A_323 = arith.cmpi slt, %add3A_320, %lt3A_322 : vector<16xi32>
        %add3A_324 = arith.constant 16 : i32
        %add3A_325 = vector.broadcast %add3A_324 : i32 to vector<16xi32>
        %add3A_326 = arith.addi %add3A_320, %add3A_325 : vector<16xi32>
        %select_n3A_327 = arith.select %lt3A_323, %add3A_326, %add3A_320 : vector<16xi1>, vector<16xi32>
        %broadcast_in_dim3A_328 = vector.shape_cast %select_n3A_327 : vector<16xi32> to vector<16x1xi32>
        %gather3A_329 = vector.shape_cast %broadcast_in_dim3A_328 : vector<16x1xi32> to vector<16xi32>
        %gather3A_330 = tpu.dynamic_gather %mul3A_250[%gather3A_329] in [0] : vector<16xf32>, vector<16xi32> -> vector<16xf32>
        %iota3A_331 = tpu.iota {dimensions = array<i32: 0>} : vector<16xi32>
        %mul3A_332 = arith.constant 0 : i32
        %mul3A_333 = vector.broadcast %mul3A_332 : i32 to vector<16xi32>
        %mul3A_334 = arith.muli %iota3A_331, %mul3A_333 : vector<16xi32>
        %add3A_335 = arith.constant 5 : i32
        %add3A_336 = vector.broadcast %add3A_335 : i32 to vector<16xi32>
        %add3A_337 = arith.addi %mul3A_334, %add3A_336 : vector<16xi32>
        %lt3A_338 = arith.constant 0 : i32
        %lt3A_339 = vector.broadcast %lt3A_338 : i32 to vector<16xi32>
        %lt3A_340 = arith.cmpi slt, %add3A_337, %lt3A_339 : vector<16xi32>
        %add3A_341 = arith.constant 16 : i32
        %add3A_342 = vector.broadcast %add3A_341 : i32 to vector<16xi32>
        %add3A_343 = arith.addi %add3A_337, %add3A_342 : vector<16xi32>
        %select_n3A_344 = arith.select %lt3A_340, %add3A_343, %add3A_337 : vector<16xi1>, vector<16xi32>
        %broadcast_in_dim3A_345 = vector.shape_cast %select_n3A_344 : vector<16xi32> to vector<16x1xi32>
        %gather3A_346 = vector.shape_cast %broadcast_in_dim3A_345 : vector<16x1xi32> to vector<16xi32>
        %gather3A_347 = tpu.dynamic_gather %mul3A_250[%gather3A_346] in [0] : vector<16xf32>, vector<16xi32> -> vector<16xf32>
        %iota3A_348 = tpu.iota {dimensions = array<i32: 0>} : vector<16xi32>
        %mul3A_349 = arith.constant 0 : i32
        %mul3A_350 = vector.broadcast %mul3A_349 : i32 to vector<16xi32>
        %mul3A_351 = arith.muli %iota3A_348, %mul3A_350 : vector<16xi32>
        %add3A_352 = arith.constant 6 : i32
        %add3A_353 = vector.broadcast %add3A_352 : i32 to vector<16xi32>
        %add3A_354 = arith.addi %mul3A_351, %add3A_353 : vector<16xi32>
        %lt3A_355 = arith.constant 0 : i32
        %lt3A_356 = vector.broadcast %lt3A_355 : i32 to vector<16xi32>
        %lt3A_357 = arith.cmpi slt, %add3A_354, %lt3A_356 : vector<16xi32>
        %add3A_358 = arith.constant 16 : i32
        %add3A_359 = vector.broadcast %add3A_358 : i32 to vector<16xi32>
        %add3A_360 = arith.addi %add3A_354, %add3A_359 : vector<16xi32>
        %select_n3A_361 = arith.select %lt3A_357, %add3A_360, %add3A_354 : vector<16xi1>, vector<16xi32>
        %broadcast_in_dim3A_362 = vector.shape_cast %select_n3A_361 : vector<16xi32> to vector<16x1xi32>
        %gather3A_363 = vector.shape_cast %broadcast_in_dim3A_362 : vector<16x1xi32> to vector<16xi32>
        %gather3A_364 = tpu.dynamic_gather %mul3A_250[%gather3A_363] in [0] : vector<16xf32>, vector<16xi32> -> vector<16xf32>
        %iota3A_365 = tpu.iota {dimensions = array<i32: 0>} : vector<16xi32>
        %mul3A_366 = arith.constant 0 : i32
        %mul3A_367 = vector.broadcast %mul3A_366 : i32 to vector<16xi32>
        %mul3A_368 = arith.muli %iota3A_365, %mul3A_367 : vector<16xi32>
        %add3A_369 = arith.constant 7 : i32
        %add3A_370 = vector.broadcast %add3A_369 : i32 to vector<16xi32>
        %add3A_371 = arith.addi %mul3A_368, %add3A_370 : vector<16xi32>
        %lt3A_372 = arith.constant 0 : i32
        %lt3A_373 = vector.broadcast %lt3A_372 : i32 to vector<16xi32>
        %lt3A_374 = arith.cmpi slt, %add3A_371, %lt3A_373 : vector<16xi32>
        %add3A_375 = arith.constant 16 : i32
        %add3A_376 = vector.broadcast %add3A_375 : i32 to vector<16xi32>
        %add3A_377 = arith.addi %add3A_371, %add3A_376 : vector<16xi32>
        %select_n3A_378 = arith.select %lt3A_374, %add3A_377, %add3A_371 : vector<16xi1>, vector<16xi32>
        %broadcast_in_dim3A_379 = vector.shape_cast %select_n3A_378 : vector<16xi32> to vector<16x1xi32>
        %gather3A_380 = vector.shape_cast %broadcast_in_dim3A_379 : vector<16x1xi32> to vector<16xi32>
        %gather3A_381 = tpu.dynamic_gather %mul3A_250[%gather3A_380] in [0] : vector<16xf32>, vector<16xi32> -> vector<16xf32>
        %get3A_382 = arith.index_cast %add3A_239 : i32 to index
        %get3A_383 = arith.constant 0 : index
        %get3A_384 = tpu.vector_load %arg11[%get3A_382, %get3A_383] {strides = array<i32>} : memref<20x1024xf32, #tpu.memory_space<vmem>>, vector<1x16xf32>,
        %get3A_385 = vector.shape_cast %get3A_384 : vector<1x16xf32> to vector<16xf32>
        %mul3A_386 = arith.mulf %gather3A_262, %get3A_385 : vector<16xf32>
        %get3A_387 = arith.index_cast %add3A_239 : i32 to index
        %get3A_388 = arith.constant 128 : index
        %get3A_389 = tpu.vector_load %arg11[%get3A_387, %get3A_388] {strides = array<i32>} : memref<20x1024xf32, #tpu.memory_space<vmem>>, vector<1x16xf32>,
        %get3A_390 = vector.shape_cast %get3A_389 : vector<1x16xf32> to vector<16xf32>
        %mul3A_391 = arith.mulf %gather3A_279, %get3A_390 : vector<16xf32>
        %add3A_392 = arith.addf %mul3A_386, %mul3A_391 : vector<16xf32>
        %get3A_393 = arith.index_cast %add3A_239 : i32 to index
        %get3A_394 = arith.constant 256 : index
        %get3A_395 = tpu.vector_load %arg11[%get3A_393, %get3A_394] {strides = array<i32>} : memref<20x1024xf32, #tpu.memory_space<vmem>>, vector<1x16xf32>,
        %get3A_396 = vector.shape_cast %get3A_395 : vector<1x16xf32> to vector<16xf32>
        %mul3A_397 = arith.mulf %gather3A_296, %get3A_396 : vector<16xf32>
        %add3A_398 = arith.addf %add3A_392, %mul3A_397 : vector<16xf32>
        %get3A_399 = arith.index_cast %add3A_239 : i32 to index
        %get3A_400 = arith.constant 384 : index
        %get3A_401 = tpu.vector_load %arg11[%get3A_399, %get3A_400] {strides = array<i32>} : memref<20x1024xf32, #tpu.memory_space<vmem>>, vector<1x16xf32>,
        %get3A_402 = vector.shape_cast %get3A_401 : vector<1x16xf32> to vector<16xf32>
        %mul3A_403 = arith.mulf %gather3A_313, %get3A_402 : vector<16xf32>
        %add3A_404 = arith.addf %add3A_398, %mul3A_403 : vector<16xf32>
        %get3A_405 = arith.index_cast %add3A_239 : i32 to index
        %get3A_406 = arith.constant 512 : index
        %get3A_407 = tpu.vector_load %arg11[%get3A_405, %get3A_406] {strides = array<i32>} : memref<20x1024xf32, #tpu.memory_space<vmem>>, vector<1x16xf32>,
        %get3A_408 = vector.shape_cast %get3A_407 : vector<1x16xf32> to vector<16xf32>
        %mul3A_409 = arith.mulf %gather3A_330, %get3A_408 : vector<16xf32>
        %add3A_410 = arith.addf %add3A_404, %mul3A_409 : vector<16xf32>
        %get3A_411 = arith.index_cast %add3A_239 : i32 to index
        %get3A_412 = arith.constant 640 : index
        %get3A_413 = tpu.vector_load %arg11[%get3A_411, %get3A_412] {strides = array<i32>} : memref<20x1024xf32, #tpu.memory_space<vmem>>, vector<1x16xf32>,
        %get3A_414 = vector.shape_cast %get3A_413 : vector<1x16xf32> to vector<16xf32>
        %mul3A_415 = arith.mulf %gather3A_347, %get3A_414 : vector<16xf32>
        %add3A_416 = arith.addf %add3A_410, %mul3A_415 : vector<16xf32>
        %get3A_417 = arith.index_cast %add3A_239 : i32 to index
        %get3A_418 = arith.constant 768 : index
        %get3A_419 = tpu.vector_load %arg11[%get3A_417, %get3A_418] {strides = array<i32>} : memref<20x1024xf32, #tpu.memory_space<vmem>>, vector<1x16xf32>,
        %get3A_420 = vector.shape_cast %get3A_419 : vector<1x16xf32> to vector<16xf32>
        %mul3A_421 = arith.mulf %gather3A_364, %get3A_420 : vector<16xf32>
        %add3A_422 = arith.addf %add3A_416, %mul3A_421 : vector<16xf32>
        %get3A_423 = arith.index_cast %add3A_239 : i32 to index
        %get3A_424 = arith.constant 896 : index
        %get3A_425 = tpu.vector_load %arg11[%get3A_423, %get3A_424] {strides = array<i32>} : memref<20x1024xf32, #tpu.memory_space<vmem>>, vector<1x16xf32>,
        %get3A_426 = vector.shape_cast %get3A_425 : vector<1x16xf32> to vector<16xf32>
        %mul3A_427 = arith.mulf %gather3A_381, %get3A_426 : vector<16xf32>
        %add3A_428 = arith.addf %add3A_422, %mul3A_427 : vector<16xf32>
        %swap3A = arith.index_cast %add3A_239 : i32 to index
        %swap3A_429 = arith.constant 0 : index
        %swap3A_430 = tpu.vector_load %arg17[%swap3A, %swap3A_429] {strides = array<i32>} : memref<20x128xf32, #tpu.memory_space<vmem>>, vector<1x16xf32>,
        %swap3A_431 = vector.shape_cast %swap3A_430 : vector<1x16xf32> to vector<16xf32>
        %swap3A_432 = vector.shape_cast %add3A_428 : vector<16xf32> to vector<1x16xf32>
        tpu.vector_store %arg17[%swap3A, %swap3A_429], %swap3A_432 {strides = array<i32>} : memref<20x128xf32, #tpu.memory_space<vmem>>, vector<1x16xf32>,
        %get3A_433 = arith.index_cast %add3A_239 : i32 to index
        %get3A_434 = arith.constant 16 : index
        %get3A_435 = tpu.vector_load %arg11[%get3A_433, %get3A_434] {strides = array<i32>} : memref<20x1024xf32, #tpu.memory_space<vmem>>, vector<1x16xf32>,
        %get3A_436 = vector.shape_cast %get3A_435 : vector<1x16xf32> to vector<16xf32>
        %mul3A_437 = arith.mulf %gather3A_262, %get3A_436 : vector<16xf32>
        %get3A_438 = arith.index_cast %add3A_239 : i32 to index
        %get3A_439 = arith.constant 144 : index
        %get3A_440 = tpu.vector_load %arg11[%get3A_438, %get3A_439] {strides = array<i32>} : memref<20x1024xf32, #tpu.memory_space<vmem>>, vector<1x16xf32>,
        %get3A_441 = vector.shape_cast %get3A_440 : vector<1x16xf32> to vector<16xf32>
        %mul3A_442 = arith.mulf %gather3A_279, %get3A_441 : vector<16xf32>
        %add3A_443 = arith.addf %mul3A_437, %mul3A_442 : vector<16xf32>
        %get3A_444 = arith.index_cast %add3A_239 : i32 to index
        %get3A_445 = arith.constant 272 : index
        %get3A_446 = tpu.vector_load %arg11[%get3A_444, %get3A_445] {strides = array<i32>} : memref<20x1024xf32, #tpu.memory_space<vmem>>, vector<1x16xf32>,
        %get3A_447 = vector.shape_cast %get3A_446 : vector<1x16xf32> to vector<16xf32>
        %mul3A_448 = arith.mulf %gather3A_296, %get3A_447 : vector<16xf32>
        %add3A_449 = arith.addf %add3A_443, %mul3A_448 : vector<16xf32>
        %get3A_450 = arith.index_cast %add3A_239 : i32 to index
        %get3A_451 = arith.constant 400 : index
        %get3A_452 = tpu.vector_load %arg11[%get3A_450, %get3A_451] {strides = array<i32>} : memref<20x1024xf32, #tpu.memory_space<vmem>>, vector<1x16xf32>,
        %get3A_453 = vector.shape_cast %get3A_452 : vector<1x16xf32> to vector<16xf32>
        %mul3A_454 = arith.mulf %gather3A_313, %get3A_453 : vector<16xf32>
        %add3A_455 = arith.addf %add3A_449, %mul3A_454 : vector<16xf32>
        %get3A_456 = arith.index_cast %add3A_239 : i32 to index
        %get3A_457 = arith.constant 528 : index
        %get3A_458 = tpu.vector_load %arg11[%get3A_456, %get3A_457] {strides = array<i32>} : memref<20x1024xf32, #tpu.memory_space<vmem>>, vector<1x16xf32>,
        %get3A_459 = vector.shape_cast %get3A_458 : vector<1x16xf32> to vector<16xf32>
        %mul3A_460 = arith.mulf %gather3A_330, %get3A_459 : vector<16xf32>
        %add3A_461 = arith.addf %add3A_455, %mul3A_460 : vector<16xf32>
        %get3A_462 = arith.index_cast %add3A_239 : i32 to index
        %get3A_463 = arith.constant 656 : index
        %get3A_464 = tpu.vector_load %arg11[%get3A_462, %get3A_463] {strides = array<i32>} : memref<20x1024xf32, #tpu.memory_space<vmem>>, vector<1x16xf32>,
        %get3A_465 = vector.shape_cast %get3A_464 : vector<1x16xf32> to vector<16xf32>
        %mul3A_466 = arith.mulf %gather3A_347, %get3A_465 : vector<16xf32>
        %add3A_467 = arith.addf %add3A_461, %mul3A_466 : vector<16xf32>
        %get3A_468 = arith.index_cast %add3A_239 : i32 to index
        %get3A_469 = arith.constant 784 : index
        %get3A_470 = tpu.vector_load %arg11[%get3A_468, %get3A_469] {strides = array<i32>} : memref<20x1024xf32, #tpu.memory_space<vmem>>, vector<1x16xf32>,
        %get3A_471 = vector.shape_cast %get3A_470 : vector<1x16xf32> to vector<16xf32>
        %mul3A_472 = arith.mulf %gather3A_364, %get3A_471 : vector<16xf32>
        %add3A_473 = arith.addf %add3A_467, %mul3A_472 : vector<16xf32>
        %get3A_474 = arith.index_cast %add3A_239 : i32 to index
        %get3A_475 = arith.constant 912 : index
        %get3A_476 = tpu.vector_load %arg11[%get3A_474, %get3A_475] {strides = array<i32>} : memref<20x1024xf32, #tpu.memory_space<vmem>>, vector<1x16xf32>,
        %get3A_477 = vector.shape_cast %get3A_476 : vector<1x16xf32> to vector<16xf32>
        %mul3A_478 = arith.mulf %gather3A_381, %get3A_477 : vector<16xf32>
        %add3A_479 = arith.addf %add3A_473, %mul3A_478 : vector<16xf32>
        %swap3A_480 = arith.index_cast %add3A_239 : i32 to index
        %swap3A_481 = arith.constant 16 : index
        %swap3A_482 = tpu.vector_load %arg17[%swap3A_480, %swap3A_481] {strides = array<i32>} : memref<20x128xf32, #tpu.memory_space<vmem>>, vector<1x16xf32>,
        %swap3A_483 = vector.shape_cast %swap3A_482 : vector<1x16xf32> to vector<16xf32>
        %swap3A_484 = vector.shape_cast %add3A_479 : vector<16xf32> to vector<1x16xf32>
        tpu.vector_store %arg17[%swap3A_480, %swap3A_481], %swap3A_484 {strides = array<i32>} : memref<20x128xf32, #tpu.memory_space<vmem>>, vector<1x16xf32>,
        %get3A_485 = arith.index_cast %add3A_239 : i32 to index
        %get3A_486 = arith.constant 32 : index
        %get3A_487 = tpu.vector_load %arg11[%get3A_485, %get3A_486] {strides = array<i32>} : memref<20x1024xf32, #tpu.memory_space<vmem>>, vector<1x16xf32>,
        %get3A_488 = vector.shape_cast %get3A_487 : vector<1x16xf32> to vector<16xf32>
        %mul3A_489 = arith.mulf %gather3A_262, %get3A_488 : vector<16xf32>
        %get3A_490 = arith.index_cast %add3A_239 : i32 to index
        %get3A_491 = arith.constant 160 : index
        %get3A_492 = tpu.vector_load %arg11[%get3A_490, %get3A_491] {strides = array<i32>} : memref<20x1024xf32, #tpu.memory_space<vmem>>, vector<1x16xf32>,
        %get3A_493 = vector.shape_cast %get3A_492 : vector<1x16xf32> to vector<16xf32>
        %mul3A_494 = arith.mulf %gather3A_279, %get3A_493 : vector<16xf32>
        %add3A_495 = arith.addf %mul3A_489, %mul3A_494 : vector<16xf32>
        %get3A_496 = arith.index_cast %add3A_239 : i32 to index
        %get3A_497 = arith.constant 288 : index
        %get3A_498 = tpu.vector_load %arg11[%get3A_496, %get3A_497] {strides = array<i32>} : memref<20x1024xf32, #tpu.memory_space<vmem>>, vector<1x16xf32>,
        %get3A_499 = vector.shape_cast %get3A_498 : vector<1x16xf32> to vector<16xf32>
        %mul3A_500 = arith.mulf %gather3A_296, %get3A_499 : vector<16xf32>
        %add3A_501 = arith.addf %add3A_495, %mul3A_500 : vector<16xf32>
        %get3A_502 = arith.index_cast %add3A_239 : i32 to index
        %get3A_503 = arith.constant 416 : index
        %get3A_504 = tpu.vector_load %arg11[%get3A_502, %get3A_503] {strides = array<i32>} : memref<20x1024xf32, #tpu.memory_space<vmem>>, vector<1x16xf32>,
        %get3A_505 = vector.shape_cast %get3A_504 : vector<1x16xf32> to vector<16xf32>
        %mul3A_506 = arith.mulf %gather3A_313, %get3A_505 : vector<16xf32>
        %add3A_507 = arith.addf %add3A_501, %mul3A_506 : vector<16xf32>
        %get3A_508 = arith.index_cast %add3A_239 : i32 to index
        %get3A_509 = arith.constant 544 : index
        %get3A_510 = tpu.vector_load %arg11[%get3A_508, %get3A_509] {strides = array<i32>} : memref<20x1024xf32, #tpu.memory_space<vmem>>, vector<1x16xf32>,
        %get3A_511 = vector.shape_cast %get3A_510 : vector<1x16xf32> to vector<16xf32>
        %mul3A_512 = arith.mulf %gather3A_330, %get3A_511 : vector<16xf32>
        %add3A_513 = arith.addf %add3A_507, %mul3A_512 : vector<16xf32>
        %get3A_514 = arith.index_cast %add3A_239 : i32 to index
        %get3A_515 = arith.constant 672 : index
        %get3A_516 = tpu.vector_load %arg11[%get3A_514, %get3A_515] {strides = array<i32>} : memref<20x1024xf32, #tpu.memory_space<vmem>>, vector<1x16xf32>,
        %get3A_517 = vector.shape_cast %get3A_516 : vector<1x16xf32> to vector<16xf32>
        %mul3A_518 = arith.mulf %gather3A_347, %get3A_517 : vector<16xf32>
        %add3A_519 = arith.addf %add3A_513, %mul3A_518 : vector<16xf32>
        %get3A_520 = arith.index_cast %add3A_239 : i32 to index
        %get3A_521 = arith.constant 800 : index
        %get3A_522 = tpu.vector_load %arg11[%get3A_520, %get3A_521] {strides = array<i32>} : memref<20x1024xf32, #tpu.memory_space<vmem>>, vector<1x16xf32>,
        %get3A_523 = vector.shape_cast %get3A_522 : vector<1x16xf32> to vector<16xf32>
        %mul3A_524 = arith.mulf %gather3A_364, %get3A_523 : vector<16xf32>
        %add3A_525 = arith.addf %add3A_519, %mul3A_524 : vector<16xf32>
        %get3A_526 = arith.index_cast %add3A_239 : i32 to index
        %get3A_527 = arith.constant 928 : index
        %get3A_528 = tpu.vector_load %arg11[%get3A_526, %get3A_527] {strides = array<i32>} : memref<20x1024xf32, #tpu.memory_space<vmem>>, vector<1x16xf32>,
        %get3A_529 = vector.shape_cast %get3A_528 : vector<1x16xf32> to vector<16xf32>
        %mul3A_530 = arith.mulf %gather3A_381, %get3A_529 : vector<16xf32>
        %add3A_531 = arith.addf %add3A_525, %mul3A_530 : vector<16xf32>
        %swap3A_532 = arith.index_cast %add3A_239 : i32 to index
        %swap3A_533 = arith.constant 32 : index
        %swap3A_534 = tpu.vector_load %arg17[%swap3A_532, %swap3A_533] {strides = array<i32>} : memref<20x128xf32, #tpu.memory_space<vmem>>, vector<1x16xf32>,
        %swap3A_535 = vector.shape_cast %swap3A_534 : vector<1x16xf32> to vector<16xf32>
        %swap3A_536 = vector.shape_cast %add3A_531 : vector<16xf32> to vector<1x16xf32>
        tpu.vector_store %arg17[%swap3A_532, %swap3A_533], %swap3A_536 {strides = array<i32>} : memref<20x128xf32, #tpu.memory_space<vmem>>, vector<1x16xf32>,
        %get3A_537 = arith.index_cast %add3A_239 : i32 to index
        %get3A_538 = arith.constant 48 : index
        %get3A_539 = tpu.vector_load %arg11[%get3A_537, %get3A_538] {strides = array<i32>} : memref<20x1024xf32, #tpu.memory_space<vmem>>, vector<1x16xf32>,
        %get3A_540 = vector.shape_cast %get3A_539 : vector<1x16xf32> to vector<16xf32>
        %mul3A_541 = arith.mulf %gather3A_262, %get3A_540 : vector<16xf32>
        %get3A_542 = arith.index_cast %add3A_239 : i32 to index
        %get3A_543 = arith.constant 176 : index
        %get3A_544 = tpu.vector_load %arg11[%get3A_542, %get3A_543] {strides = array<i32>} : memref<20x1024xf32, #tpu.memory_space<vmem>>, vector<1x16xf32>,
        %get3A_545 = vector.shape_cast %get3A_544 : vector<1x16xf32> to vector<16xf32>
        %mul3A_546 = arith.mulf %gather3A_279, %get3A_545 : vector<16xf32>
        %add3A_547 = arith.addf %mul3A_541, %mul3A_546 : vector<16xf32>
        %get3A_548 = arith.index_cast %add3A_239 : i32 to index
        %get3A_549 = arith.constant 304 : index
        %get3A_550 = tpu.vector_load %arg11[%get3A_548, %get3A_549] {strides = array<i32>} : memref<20x1024xf32, #tpu.memory_space<vmem>>, vector<1x16xf32>,
        %get3A_551 = vector.shape_cast %get3A_550 : vector<1x16xf32> to vector<16xf32>
        %mul3A_552 = arith.mulf %gather3A_296, %get3A_551 : vector<16xf32>
        %add3A_553 = arith.addf %add3A_547, %mul3A_552 : vector<16xf32>
        %get3A_554 = arith.index_cast %add3A_239 : i32 to index
        %get3A_555 = arith.constant 432 : index
        %get3A_556 = tpu.vector_load %arg11[%get3A_554, %get3A_555] {strides = array<i32>} : memref<20x1024xf32, #tpu.memory_space<vmem>>, vector<1x16xf32>,
        %get3A_557 = vector.shape_cast %get3A_556 : vector<1x16xf32> to vector<16xf32>
        %mul3A_558 = arith.mulf %gather3A_313, %get3A_557 : vector<16xf32>
        %add3A_559 = arith.addf %add3A_553, %mul3A_558 : vector<16xf32>
        %get3A_560 = arith.index_cast %add3A_239 : i32 to index
        %get3A_561 = arith.constant 560 : index
        %get3A_562 = tpu.vector_load %arg11[%get3A_560, %get3A_561] {strides = array<i32>} : memref<20x1024xf32, #tpu.memory_space<vmem>>, vector<1x16xf32>,
        %get3A_563 = vector.shape_cast %get3A_562 : vector<1x16xf32> to vector<16xf32>
        %mul3A_564 = arith.mulf %gather3A_330, %get3A_563 : vector<16xf32>
        %add3A_565 = arith.addf %add3A_559, %mul3A_564 : vector<16xf32>
        %get3A_566 = arith.index_cast %add3A_239 : i32 to index
        %get3A_567 = arith.constant 688 : index
        %get3A_568 = tpu.vector_load %arg11[%get3A_566, %get3A_567] {strides = array<i32>} : memref<20x1024xf32, #tpu.memory_space<vmem>>, vector<1x16xf32>,
        %get3A_569 = vector.shape_cast %get3A_568 : vector<1x16xf32> to vector<16xf32>
        %mul3A_570 = arith.mulf %gather3A_347, %get3A_569 : vector<16xf32>
        %add3A_571 = arith.addf %add3A_565, %mul3A_570 : vector<16xf32>
        %get3A_572 = arith.index_cast %add3A_239 : i32 to index
        %get3A_573 = arith.constant 816 : index
        %get3A_574 = tpu.vector_load %arg11[%get3A_572, %get3A_573] {strides = array<i32>} : memref<20x1024xf32, #tpu.memory_space<vmem>>, vector<1x16xf32>,
        %get3A_575 = vector.shape_cast %get3A_574 : vector<1x16xf32> to vector<16xf32>
        %mul3A_576 = arith.mulf %gather3A_364, %get3A_575 : vector<16xf32>
        %add3A_577 = arith.addf %add3A_571, %mul3A_576 : vector<16xf32>
        %get3A_578 = arith.index_cast %add3A_239 : i32 to index
        %get3A_579 = arith.constant 944 : index
        %get3A_580 = tpu.vector_load %arg11[%get3A_578, %get3A_579] {strides = array<i32>} : memref<20x1024xf32, #tpu.memory_space<vmem>>, vector<1x16xf32>,
        %get3A_581 = vector.shape_cast %get3A_580 : vector<1x16xf32> to vector<16xf32>
        %mul3A_582 = arith.mulf %gather3A_381, %get3A_581 : vector<16xf32>
        %add3A_583 = arith.addf %add3A_577, %mul3A_582 : vector<16xf32>
        %swap3A_584 = arith.index_cast %add3A_239 : i32 to index
        %swap3A_585 = arith.constant 48 : index
        %swap3A_586 = tpu.vector_load %arg17[%swap3A_584, %swap3A_585] {strides = array<i32>} : memref<20x128xf32, #tpu.memory_space<vmem>>, vector<1x16xf32>,
        %swap3A_587 = vector.shape_cast %swap3A_586 : vector<1x16xf32> to vector<16xf32>
        %swap3A_588 = vector.shape_cast %add3A_583 : vector<16xf32> to vector<1x16xf32>
        tpu.vector_store %arg17[%swap3A_584, %swap3A_585], %swap3A_588 {strides = array<i32>} : memref<20x128xf32, #tpu.memory_space<vmem>>, vector<1x16xf32>,
        %get3A_589 = arith.index_cast %add3A_239 : i32 to index
        %get3A_590 = arith.constant 64 : index
        %get3A_591 = tpu.vector_load %arg11[%get3A_589, %get3A_590] {strides = array<i32>} : memref<20x1024xf32, #tpu.memory_space<vmem>>, vector<1x16xf32>,
        %get3A_592 = vector.shape_cast %get3A_591 : vector<1x16xf32> to vector<16xf32>
        %mul3A_593 = arith.mulf %gather3A_262, %get3A_592 : vector<16xf32>
        %get3A_594 = arith.index_cast %add3A_239 : i32 to index
        %get3A_595 = arith.constant 192 : index
        %get3A_596 = tpu.vector_load %arg11[%get3A_594, %get3A_595] {strides = array<i32>} : memref<20x1024xf32, #tpu.memory_space<vmem>>, vector<1x16xf32>,
        %get3A_597 = vector.shape_cast %get3A_596 : vector<1x16xf32> to vector<16xf32>
        %mul3A_598 = arith.mulf %gather3A_279, %get3A_597 : vector<16xf32>
        %add3A_599 = arith.addf %mul3A_593, %mul3A_598 : vector<16xf32>
        %get3A_600 = arith.index_cast %add3A_239 : i32 to index
        %get3A_601 = arith.constant 320 : index
        %get3A_602 = tpu.vector_load %arg11[%get3A_600, %get3A_601] {strides = array<i32>} : memref<20x1024xf32, #tpu.memory_space<vmem>>, vector<1x16xf32>,
        %get3A_603 = vector.shape_cast %get3A_602 : vector<1x16xf32> to vector<16xf32>
        %mul3A_604 = arith.mulf %gather3A_296, %get3A_603 : vector<16xf32>
        %add3A_605 = arith.addf %add3A_599, %mul3A_604 : vector<16xf32>
        %get3A_606 = arith.index_cast %add3A_239 : i32 to index
        %get3A_607 = arith.constant 448 : index
        %get3A_608 = tpu.vector_load %arg11[%get3A_606, %get3A_607] {strides = array<i32>} : memref<20x1024xf32, #tpu.memory_space<vmem>>, vector<1x16xf32>,
        %get3A_609 = vector.shape_cast %get3A_608 : vector<1x16xf32> to vector<16xf32>
        %mul3A_610 = arith.mulf %gather3A_313, %get3A_609 : vector<16xf32>
        %add3A_611 = arith.addf %add3A_605, %mul3A_610 : vector<16xf32>
        %get3A_612 = arith.index_cast %add3A_239 : i32 to index
        %get3A_613 = arith.constant 576 : index
        %get3A_614 = tpu.vector_load %arg11[%get3A_612, %get3A_613] {strides = array<i32>} : memref<20x1024xf32, #tpu.memory_space<vmem>>, vector<1x16xf32>,
        %get3A_615 = vector.shape_cast %get3A_614 : vector<1x16xf32> to vector<16xf32>
        %mul3A_616 = arith.mulf %gather3A_330, %get3A_615 : vector<16xf32>
        %add3A_617 = arith.addf %add3A_611, %mul3A_616 : vector<16xf32>
        %get3A_618 = arith.index_cast %add3A_239 : i32 to index
        %get3A_619 = arith.constant 704 : index
        %get3A_620 = tpu.vector_load %arg11[%get3A_618, %get3A_619] {strides = array<i32>} : memref<20x1024xf32, #tpu.memory_space<vmem>>, vector<1x16xf32>,
        %get3A_621 = vector.shape_cast %get3A_620 : vector<1x16xf32> to vector<16xf32>
        %mul3A_622 = arith.mulf %gather3A_347, %get3A_621 : vector<16xf32>
        %add3A_623 = arith.addf %add3A_617, %mul3A_622 : vector<16xf32>
        %get3A_624 = arith.index_cast %add3A_239 : i32 to index
        %get3A_625 = arith.constant 832 : index
        %get3A_626 = tpu.vector_load %arg11[%get3A_624, %get3A_625] {strides = array<i32>} : memref<20x1024xf32, #tpu.memory_space<vmem>>, vector<1x16xf32>,
        %get3A_627 = vector.shape_cast %get3A_626 : vector<1x16xf32> to vector<16xf32>
        %mul3A_628 = arith.mulf %gather3A_364, %get3A_627 : vector<16xf32>
        %add3A_629 = arith.addf %add3A_623, %mul3A_628 : vector<16xf32>
        %get3A_630 = arith.index_cast %add3A_239 : i32 to index
        %get3A_631 = arith.constant 960 : index
        %get3A_632 = tpu.vector_load %arg11[%get3A_630, %get3A_631] {strides = array<i32>} : memref<20x1024xf32, #tpu.memory_space<vmem>>, vector<1x16xf32>,
        %get3A_633 = vector.shape_cast %get3A_632 : vector<1x16xf32> to vector<16xf32>
        %mul3A_634 = arith.mulf %gather3A_381, %get3A_633 : vector<16xf32>
        %add3A_635 = arith.addf %add3A_629, %mul3A_634 : vector<16xf32>
        %swap3A_636 = arith.index_cast %add3A_239 : i32 to index
        %swap3A_637 = arith.constant 64 : index
        %swap3A_638 = tpu.vector_load %arg17[%swap3A_636, %swap3A_637] {strides = array<i32>} : memref<20x128xf32, #tpu.memory_space<vmem>>, vector<1x16xf32>,
        %swap3A_639 = vector.shape_cast %swap3A_638 : vector<1x16xf32> to vector<16xf32>
        %swap3A_640 = vector.shape_cast %add3A_635 : vector<16xf32> to vector<1x16xf32>
        tpu.vector_store %arg17[%swap3A_636, %swap3A_637], %swap3A_640 {strides = array<i32>} : memref<20x128xf32, #tpu.memory_space<vmem>>, vector<1x16xf32>,
        %get3A_641 = arith.index_cast %add3A_239 : i32 to index
        %get3A_642 = arith.constant 80 : index
        %get3A_643 = tpu.vector_load %arg11[%get3A_641, %get3A_642] {strides = array<i32>} : memref<20x1024xf32, #tpu.memory_space<vmem>>, vector<1x16xf32>,
        %get3A_644 = vector.shape_cast %get3A_643 : vector<1x16xf32> to vector<16xf32>
        %mul3A_645 = arith.mulf %gather3A_262, %get3A_644 : vector<16xf32>
        %get3A_646 = arith.index_cast %add3A_239 : i32 to index
        %get3A_647 = arith.constant 208 : index
        %get3A_648 = tpu.vector_load %arg11[%get3A_646, %get3A_647] {strides = array<i32>} : memref<20x1024xf32, #tpu.memory_space<vmem>>, vector<1x16xf32>,
        %get3A_649 = vector.shape_cast %get3A_648 : vector<1x16xf32> to vector<16xf32>
        %mul3A_650 = arith.mulf %gather3A_279, %get3A_649 : vector<16xf32>
        %add3A_651 = arith.addf %mul3A_645, %mul3A_650 : vector<16xf32>
        %get3A_652 = arith.index_cast %add3A_239 : i32 to index
        %get3A_653 = arith.constant 336 : index
        %get3A_654 = tpu.vector_load %arg11[%get3A_652, %get3A_653] {strides = array<i32>} : memref<20x1024xf32, #tpu.memory_space<vmem>>, vector<1x16xf32>,
        %get3A_655 = vector.shape_cast %get3A_654 : vector<1x16xf32> to vector<16xf32>
        %mul3A_656 = arith.mulf %gather3A_296, %get3A_655 : vector<16xf32>
        %add3A_657 = arith.addf %add3A_651, %mul3A_656 : vector<16xf32>
        %get3A_658 = arith.index_cast %add3A_239 : i32 to index
        %get3A_659 = arith.constant 464 : index
        %get3A_660 = tpu.vector_load %arg11[%get3A_658, %get3A_659] {strides = array<i32>} : memref<20x1024xf32, #tpu.memory_space<vmem>>, vector<1x16xf32>,
        %get3A_661 = vector.shape_cast %get3A_660 : vector<1x16xf32> to vector<16xf32>
        %mul3A_662 = arith.mulf %gather3A_313, %get3A_661 : vector<16xf32>
        %add3A_663 = arith.addf %add3A_657, %mul3A_662 : vector<16xf32>
        %get3A_664 = arith.index_cast %add3A_239 : i32 to index
        %get3A_665 = arith.constant 592 : index
        %get3A_666 = tpu.vector_load %arg11[%get3A_664, %get3A_665] {strides = array<i32>} : memref<20x1024xf32, #tpu.memory_space<vmem>>, vector<1x16xf32>,
        %get3A_667 = vector.shape_cast %get3A_666 : vector<1x16xf32> to vector<16xf32>
        %mul3A_668 = arith.mulf %gather3A_330, %get3A_667 : vector<16xf32>
        %add3A_669 = arith.addf %add3A_663, %mul3A_668 : vector<16xf32>
        %get3A_670 = arith.index_cast %add3A_239 : i32 to index
        %get3A_671 = arith.constant 720 : index
        %get3A_672 = tpu.vector_load %arg11[%get3A_670, %get3A_671] {strides = array<i32>} : memref<20x1024xf32, #tpu.memory_space<vmem>>, vector<1x16xf32>,
        %get3A_673 = vector.shape_cast %get3A_672 : vector<1x16xf32> to vector<16xf32>
        %mul3A_674 = arith.mulf %gather3A_347, %get3A_673 : vector<16xf32>
        %add3A_675 = arith.addf %add3A_669, %mul3A_674 : vector<16xf32>
        %get3A_676 = arith.index_cast %add3A_239 : i32 to index
        %get3A_677 = arith.constant 848 : index
        %get3A_678 = tpu.vector_load %arg11[%get3A_676, %get3A_677] {strides = array<i32>} : memref<20x1024xf32, #tpu.memory_space<vmem>>, vector<1x16xf32>,
        %get3A_679 = vector.shape_cast %get3A_678 : vector<1x16xf32> to vector<16xf32>
        %mul3A_680 = arith.mulf %gather3A_364, %get3A_679 : vector<16xf32>
        %add3A_681 = arith.addf %add3A_675, %mul3A_680 : vector<16xf32>
        %get3A_682 = arith.index_cast %add3A_239 : i32 to index
        %get3A_683 = arith.constant 976 : index
        %get3A_684 = tpu.vector_load %arg11[%get3A_682, %get3A_683] {strides = array<i32>} : memref<20x1024xf32, #tpu.memory_space<vmem>>, vector<1x16xf32>,
        %get3A_685 = vector.shape_cast %get3A_684 : vector<1x16xf32> to vector<16xf32>
        %mul3A_686 = arith.mulf %gather3A_381, %get3A_685 : vector<16xf32>
        %add3A_687 = arith.addf %add3A_681, %mul3A_686 : vector<16xf32>
        %swap3A_688 = arith.index_cast %add3A_239 : i32 to index
        %swap3A_689 = arith.constant 80 : index
        %swap3A_690 = tpu.vector_load %arg17[%swap3A_688, %swap3A_689] {strides = array<i32>} : memref<20x128xf32, #tpu.memory_space<vmem>>, vector<1x16xf32>,
        %swap3A_691 = vector.shape_cast %swap3A_690 : vector<1x16xf32> to vector<16xf32>
        %swap3A_692 = vector.shape_cast %add3A_687 : vector<16xf32> to vector<1x16xf32>
        tpu.vector_store %arg17[%swap3A_688, %swap3A_689], %swap3A_692 {strides = array<i32>} : memref<20x128xf32, #tpu.memory_space<vmem>>, vector<1x16xf32>,
        %get3A_693 = arith.index_cast %add3A_239 : i32 to index
        %get3A_694 = arith.constant 96 : index
        %get3A_695 = tpu.vector_load %arg11[%get3A_693, %get3A_694] {strides = array<i32>} : memref<20x1024xf32, #tpu.memory_space<vmem>>, vector<1x16xf32>,
        %get3A_696 = vector.shape_cast %get3A_695 : vector<1x16xf32> to vector<16xf32>
        %mul3A_697 = arith.mulf %gather3A_262, %get3A_696 : vector<16xf32>
        %get3A_698 = arith.index_cast %add3A_239 : i32 to index
        %get3A_699 = arith.constant 224 : index
        %get3A_700 = tpu.vector_load %arg11[%get3A_698, %get3A_699] {strides = array<i32>} : memref<20x1024xf32, #tpu.memory_space<vmem>>, vector<1x16xf32>,
        %get3A_701 = vector.shape_cast %get3A_700 : vector<1x16xf32> to vector<16xf32>
        %mul3A_702 = arith.mulf %gather3A_279, %get3A_701 : vector<16xf32>
        %add3A_703 = arith.addf %mul3A_697, %mul3A_702 : vector<16xf32>
        %get3A_704 = arith.index_cast %add3A_239 : i32 to index
        %get3A_705 = arith.constant 352 : index
        %get3A_706 = tpu.vector_load %arg11[%get3A_704, %get3A_705] {strides = array<i32>} : memref<20x1024xf32, #tpu.memory_space<vmem>>, vector<1x16xf32>,
        %get3A_707 = vector.shape_cast %get3A_706 : vector<1x16xf32> to vector<16xf32>
        %mul3A_708 = arith.mulf %gather3A_296, %get3A_707 : vector<16xf32>
        %add3A_709 = arith.addf %add3A_703, %mul3A_708 : vector<16xf32>
        %get3A_710 = arith.index_cast %add3A_239 : i32 to index
        %get3A_711 = arith.constant 480 : index
        %get3A_712 = tpu.vector_load %arg11[%get3A_710, %get3A_711] {strides = array<i32>} : memref<20x1024xf32, #tpu.memory_space<vmem>>, vector<1x16xf32>,
        %get3A_713 = vector.shape_cast %get3A_712 : vector<1x16xf32> to vector<16xf32>
        %mul3A_714 = arith.mulf %gather3A_313, %get3A_713 : vector<16xf32>
        %add3A_715 = arith.addf %add3A_709, %mul3A_714 : vector<16xf32>
        %get3A_716 = arith.index_cast %add3A_239 : i32 to index
        %get3A_717 = arith.constant 608 : index
        %get3A_718 = tpu.vector_load %arg11[%get3A_716, %get3A_717] {strides = array<i32>} : memref<20x1024xf32, #tpu.memory_space<vmem>>, vector<1x16xf32>,
        %get3A_719 = vector.shape_cast %get3A_718 : vector<1x16xf32> to vector<16xf32>
        %mul3A_720 = arith.mulf %gather3A_330, %get3A_719 : vector<16xf32>
        %add3A_721 = arith.addf %add3A_715, %mul3A_720 : vector<16xf32>
        %get3A_722 = arith.index_cast %add3A_239 : i32 to index
        %get3A_723 = arith.constant 736 : index
        %get3A_724 = tpu.vector_load %arg11[%get3A_722, %get3A_723] {strides = array<i32>} : memref<20x1024xf32, #tpu.memory_space<vmem>>, vector<1x16xf32>,
        %get3A_725 = vector.shape_cast %get3A_724 : vector<1x16xf32> to vector<16xf32>
        %mul3A_726 = arith.mulf %gather3A_347, %get3A_725 : vector<16xf32>
        %add3A_727 = arith.addf %add3A_721, %mul3A_726 : vector<16xf32>
        %get3A_728 = arith.index_cast %add3A_239 : i32 to index
        %get3A_729 = arith.constant 864 : index
        %get3A_730 = tpu.vector_load %arg11[%get3A_728, %get3A_729] {strides = array<i32>} : memref<20x1024xf32, #tpu.memory_space<vmem>>, vector<1x16xf32>,
        %get3A_731 = vector.shape_cast %get3A_730 : vector<1x16xf32> to vector<16xf32>
        %mul3A_732 = arith.mulf %gather3A_364, %get3A_731 : vector<16xf32>
        %add3A_733 = arith.addf %add3A_727, %mul3A_732 : vector<16xf32>
        %get3A_734 = arith.index_cast %add3A_239 : i32 to index
        %get3A_735 = arith.constant 992 : index
        %get3A_736 = tpu.vector_load %arg11[%get3A_734, %get3A_735] {strides = array<i32>} : memref<20x1024xf32, #tpu.memory_space<vmem>>, vector<1x16xf32>,
        %get3A_737 = vector.shape_cast %get3A_736 : vector<1x16xf32> to vector<16xf32>
        %mul3A_738 = arith.mulf %gather3A_381, %get3A_737 : vector<16xf32>
        %add3A_739 = arith.addf %add3A_733, %mul3A_738 : vector<16xf32>
        %swap3A_740 = arith.index_cast %add3A_239 : i32 to index
        %swap3A_741 = arith.constant 96 : index
        %swap3A_742 = tpu.vector_load %arg17[%swap3A_740, %swap3A_741] {strides = array<i32>} : memref<20x128xf32, #tpu.memory_space<vmem>>, vector<1x16xf32>,
        %swap3A_743 = vector.shape_cast %swap3A_742 : vector<1x16xf32> to vector<16xf32>
        %swap3A_744 = vector.shape_cast %add3A_739 : vector<16xf32> to vector<1x16xf32>
        tpu.vector_store %arg17[%swap3A_740, %swap3A_741], %swap3A_744 {strides = array<i32>} : memref<20x128xf32, #tpu.memory_space<vmem>>, vector<1x16xf32>,
        %get3A_745 = arith.index_cast %add3A_239 : i32 to index
        %get3A_746 = arith.constant 112 : index
        %get3A_747 = tpu.vector_load %arg11[%get3A_745, %get3A_746] {strides = array<i32>} : memref<20x1024xf32, #tpu.memory_space<vmem>>, vector<1x16xf32>,
        %get3A_748 = vector.shape_cast %get3A_747 : vector<1x16xf32> to vector<16xf32>
        %mul3A_749 = arith.mulf %gather3A_262, %get3A_748 : vector<16xf32>
        %get3A_750 = arith.index_cast %add3A_239 : i32 to index
        %get3A_751 = arith.constant 240 : index
        %get3A_752 = tpu.vector_load %arg11[%get3A_750, %get3A_751] {strides = array<i32>} : memref<20x1024xf32, #tpu.memory_space<vmem>>, vector<1x16xf32>,
        %get3A_753 = vector.shape_cast %get3A_752 : vector<1x16xf32> to vector<16xf32>
        %mul3A_754 = arith.mulf %gather3A_279, %get3A_753 : vector<16xf32>
        %add3A_755 = arith.addf %mul3A_749, %mul3A_754 : vector<16xf32>
        %get3A_756 = arith.index_cast %add3A_239 : i32 to index
        %get3A_757 = arith.constant 368 : index
        %get3A_758 = tpu.vector_load %arg11[%get3A_756, %get3A_757] {strides = array<i32>} : memref<20x1024xf32, #tpu.memory_space<vmem>>, vector<1x16xf32>,
        %get3A_759 = vector.shape_cast %get3A_758 : vector<1x16xf32> to vector<16xf32>
        %mul3A_760 = arith.mulf %gather3A_296, %get3A_759 : vector<16xf32>
        %add3A_761 = arith.addf %add3A_755, %mul3A_760 : vector<16xf32>
        %get3A_762 = arith.index_cast %add3A_239 : i32 to index
        %get3A_763 = arith.constant 496 : index
        %get3A_764 = tpu.vector_load %arg11[%get3A_762, %get3A_763] {strides = array<i32>} : memref<20x1024xf32, #tpu.memory_space<vmem>>, vector<1x16xf32>,
        %get3A_765 = vector.shape_cast %get3A_764 : vector<1x16xf32> to vector<16xf32>
        %mul3A_766 = arith.mulf %gather3A_313, %get3A_765 : vector<16xf32>
        %add3A_767 = arith.addf %add3A_761, %mul3A_766 : vector<16xf32>
        %get3A_768 = arith.index_cast %add3A_239 : i32 to index
        %get3A_769 = arith.constant 624 : index
        %get3A_770 = tpu.vector_load %arg11[%get3A_768, %get3A_769] {strides = array<i32>} : memref<20x1024xf32, #tpu.memory_space<vmem>>, vector<1x16xf32>,
        %get3A_771 = vector.shape_cast %get3A_770 : vector<1x16xf32> to vector<16xf32>
        %mul3A_772 = arith.mulf %gather3A_330, %get3A_771 : vector<16xf32>
        %add3A_773 = arith.addf %add3A_767, %mul3A_772 : vector<16xf32>
        %get3A_774 = arith.index_cast %add3A_239 : i32 to index
        %get3A_775 = arith.constant 752 : index
        %get3A_776 = tpu.vector_load %arg11[%get3A_774, %get3A_775] {strides = array<i32>} : memref<20x1024xf32, #tpu.memory_space<vmem>>, vector<1x16xf32>,
        %get3A_777 = vector.shape_cast %get3A_776 : vector<1x16xf32> to vector<16xf32>
        %mul3A_778 = arith.mulf %gather3A_347, %get3A_777 : vector<16xf32>
        %add3A_779 = arith.addf %add3A_773, %mul3A_778 : vector<16xf32>
        %get3A_780 = arith.index_cast %add3A_239 : i32 to index
        %get3A_781 = arith.constant 880 : index
        %get3A_782 = tpu.vector_load %arg11[%get3A_780, %get3A_781] {strides = array<i32>} : memref<20x1024xf32, #tpu.memory_space<vmem>>, vector<1x16xf32>,
        %get3A_783 = vector.shape_cast %get3A_782 : vector<1x16xf32> to vector<16xf32>
        %mul3A_784 = arith.mulf %gather3A_364, %get3A_783 : vector<16xf32>
        %add3A_785 = arith.addf %add3A_779, %mul3A_784 : vector<16xf32>
        %get3A_786 = arith.index_cast %add3A_239 : i32 to index
        %get3A_787 = arith.constant 1008 : index
        %get3A_788 = tpu.vector_load %arg11[%get3A_786, %get3A_787] {strides = array<i32>} : memref<20x1024xf32, #tpu.memory_space<vmem>>, vector<1x16xf32>,
        %get3A_789 = vector.shape_cast %get3A_788 : vector<1x16xf32> to vector<16xf32>
        %mul3A_790 = arith.mulf %gather3A_381, %get3A_789 : vector<16xf32>
        %add3A_791 = arith.addf %add3A_785, %mul3A_790 : vector<16xf32>
        %swap3A_792 = arith.index_cast %add3A_239 : i32 to index
        %swap3A_793 = arith.constant 112 : index
        %swap3A_794 = tpu.vector_load %arg17[%swap3A_792, %swap3A_793] {strides = array<i32>} : memref<20x128xf32, #tpu.memory_space<vmem>>, vector<1x16xf32>,
        %swap3A_795 = vector.shape_cast %swap3A_794 : vector<1x16xf32> to vector<16xf32>
        %swap3A_796 = vector.shape_cast %add3A_791 : vector<16xf32> to vector<1x16xf32>
        tpu.vector_store %arg17[%swap3A_792, %swap3A_793], %swap3A_796 {strides = array<i32>} : memref<20x128xf32, #tpu.memory_space<vmem>>, vector<1x16xf32>,
      }
      %scan3A_145 = arith.constant 20 : i32
      %run_scoped3A_146 = arith.constant 1 : i32
      "tpu.region"() ({
        %run_scoped3A_235 = tpu.sem_alloc : memref<!tpu.dma_semaphore, #tpu.memory_space<semaphore_mem>>
        %dma_start3A_236 = arith.constant 0 : i32
        %dma_start3A_237 = tpu.memref_slice %arg9[%run_scoped3A_146, %dma_start3A_236] : memref<2x20xi32, #tpu.memory_space<vmem>> -> memref<1x20xi32, #tpu.memory_space<vmem>>
        %dma_start3A_238 = tpu.memref_squeeze %dma_start3A_237 : memref<1x20xi32, #tpu.memory_space<vmem>> -> memref<20xi32, #tpu.memory_space<vmem>>
        %dma_start3A_239 = arith.constant 0 : i32
        %dma_start3A_240 = arith.constant 0 : i32
        %dma_start3A_241 = tpu.memref_slice %arg8[%dma_start3A_239, %dma_start3A_240] : memref<10112x128xf32, #tpu.memory_space<vmem_shared>> -> memref<10112x128xf32, #tpu.memory_space<vmem_shared>>
        tpu.enqueue_indirect_dma source(%arg17 : memref<20x128xf32, #tpu.memory_space<vmem>>) target(%dma_start3A_241 : memref<10112x128xf32, #tpu.memory_space<vmem_shared>>) offsets(%dma_start3A_238 : memref<20xi32, #tpu.memory_space<vmem>>) semaphore(%run_scoped3A_235 : memref<!tpu.dma_semaphore, #tpu.memory_space<semaphore_mem>>) {add = true}
        %dma_wait3A_242 = arith.constant 0 : i32
        %dma_wait3A_243 = tpu.memref_slice %arg9[%run_scoped3A_146, %dma_wait3A_242] : memref<2x20xi32, #tpu.memory_space<vmem>> -> memref<1x20xi32, #tpu.memory_space<vmem>>
        %dma_wait3A_244 = tpu.memref_squeeze %dma_wait3A_243 : memref<1x20xi32, #tpu.memory_space<vmem>> -> memref<20xi32, #tpu.memory_space<vmem>>
        %dma_wait3A_245 = arith.constant 0 : i32
        %dma_wait3A_246 = arith.constant 0 : i32
        %dma_wait3A_247 = tpu.memref_slice %arg8[%dma_wait3A_245, %dma_wait3A_246] : memref<10112x128xf32, #tpu.memory_space<vmem_shared>> -> memref<10112x128xf32, #tpu.memory_space<vmem_shared>>
        tpu.wait_indirect_dma semaphore(%run_scoped3A_235 : memref<!tpu.dma_semaphore, #tpu.memory_space<semaphore_mem>>) src(%arg17 : memref<20x128xf32, #tpu.memory_space<vmem>>) dst(%dma_wait3A_247 : memref<10112x128xf32, #tpu.memory_space<vmem_shared>>)
        tpu.yield
      }) : () -> ()
      %add3A_147 = arith.constant 2 : i32
      %add3A_148 = arith.addi %add3A_82, %add3A_147 : i32
      %dma_start3A_149 = arith.constant 0 : i32
      %dma_start3A_150 = arith.constant 0 : i32
      %dma_start3A_151 = tpu.memref_slice %arg5[%arg0, %arg1, %add3A_148, %dma_start3A_149, %dma_start3A_150] : memref<2x16x1034x2x20xi32, #tpu.memory_space<hbm>> -> memref<1x1x1x2x20xi32, #tpu.memory_space<hbm>>
      %dma_start3A_152 = tpu.memref_squeeze %dma_start3A_151 : memref<1x1x1x2x20xi32, #tpu.memory_space<hbm>> -> memref<2x20xi32, #tpu.memory_space<hbm>>
      %dma_start3A_153 = arith.constant 0 : i32
      %dma_start3A_154 = arith.constant 0 : i32
      %dma_start3A_155 = tpu.memref_slice %arg5[%arg0, %arg1, %add3A_148, %dma_start3A_153, %dma_start3A_154] : memref<2x16x1034x2x20xi32, #tpu.memory_space<hbm>> -> memref<1x1x1x2x20xi32, #tpu.memory_space<hbm>>
      %dma_start3A_156 = tpu.memref_squeeze %dma_start3A_155 : memref<1x1x1x2x20xi32, #tpu.memory_space<hbm>> -> memref<2x20xi32, #tpu.memory_space<hbm>>
      tpu.enqueue_dma source(%dma_start3A_156 : memref<2x20xi32, #tpu.memory_space<hbm>>) target(%arg9 : memref<2x20xi32, #tpu.memory_space<vmem>>) target_semaphore(%arg21 : memref<!tpu.dma_semaphore, #tpu.memory_space<semaphore_mem>>)
      %mul3A_157 = arith.constant 2 : i32
      %mul3A_158 = arith.muli %add3A_78, %mul3A_157 : i32
      %add3A_159 = arith.constant 1 : i32
      %add3A_160 = arith.addi %mul3A_158, %add3A_159 : i32
      %dma_wait3A_161 = arith.constant 0 : i32
      %dma_wait3A_162 = arith.constant 0 : i32
      %dma_wait3A_163 = tpu.memref_slice %arg10[%dma_wait3A_161, %dma_wait3A_162] : memref<2x20xi32, #tpu.memory_space<vmem>> -> memref<1x20xi32, #tpu.memory_space<vmem>>
      %dma_wait3A_164 = tpu.memref_squeeze %dma_wait3A_163 : memref<1x20xi32, #tpu.memory_space<vmem>> -> memref<20xi32, #tpu.memory_space<vmem>>
      %dma_wait3A_165 = arith.constant 0 : i32
      %dma_wait3A_166 = arith.constant 0 : i32
      %dma_wait3A_167 = tpu.memref_slice %arg2[%dma_wait3A_165, %dma_wait3A_166] : memref<20000x1024xf32, #tpu.memory_space<hbm>> -> memref<20000x1024xf32, #tpu.memory_space<hbm>>
      tpu.wait_indirect_dma semaphore(%arg20 : memref<!tpu.dma_semaphore, #tpu.memory_space<semaphore_mem>>) src(%dma_wait3A_167 : memref<20000x1024xf32, #tpu.memory_space<hbm>>) dst(%arg12 : memref<20x1024xf32, #tpu.memory_space<vmem>>)
      %dma_wait3A_168 = arith.constant 1 : i32
      %dma_wait3A_169 = arith.constant 0 : i32
      %dma_wait3A_170 = tpu.memref_slice %arg10[%dma_wait3A_168, %dma_wait3A_169] : memref<2x20xi32, #tpu.memory_space<vmem>> -> memref<1x20xi32, #tpu.memory_space<vmem>>
      %dma_wait3A_171 = tpu.memref_squeeze %dma_wait3A_170 : memref<1x20xi32, #tpu.memory_space<vmem>> -> memref<20xi32, #tpu.memory_space<vmem>>
      %dma_wait3A_172 = arith.constant 0 : i32
      %dma_wait3A_173 = arith.constant 0 : i32
      %dma_wait3A_174 = tpu.memref_slice %arg4[%dma_wait3A_172, %dma_wait3A_173] : memref<10112x16xf32, #tpu.memory_space<hbm>> -> memref<10112x16xf32, #tpu.memory_space<hbm>>
      tpu.wait_indirect_dma semaphore(%arg20 : memref<!tpu.dma_semaphore, #tpu.memory_space<semaphore_mem>>) src(%dma_wait3A_174 : memref<10112x16xf32, #tpu.memory_space<hbm>>) dst(%arg16 : memref<20x16xf32, #tpu.memory_space<vmem>>)
      %mul3A_175 = arith.constant 20640 : i32
      %mul3A_176 = arith.muli %arg1, %mul3A_175 : i32
      %mul3A_177 = arith.constant 20 : i32
      %mul3A_178 = arith.muli %add3A_160, %mul3A_177 : i32
      %add3A_179 = arith.addi %mul3A_176, %mul3A_178 : i32
      %dma_wait3A_180 = arith.constant 0 : i32
      %dma_wait3A_181 = tpu.memref_slice %arg3[%add3A_179, %dma_wait3A_180] : memref<330280x16xf32, #tpu.memory_space<hbm>> -> memref<20x16xf32, #tpu.memory_space<hbm>>
      %dma_wait3A_182 = arith.constant 0 : i32
      %dma_wait3A_183 = tpu.memref_slice %arg3[%add3A_179, %dma_wait3A_182] : memref<330280x16xf32, #tpu.memory_space<hbm>> -> memref<20x16xf32, #tpu.memory_space<hbm>>
      tpu.wait_dma2 semaphore(%arg20 : memref<!tpu.dma_semaphore, #tpu.memory_space<semaphore_mem>>) src(%dma_wait3A_183 : memref<20x16xf32, #tpu.memory_space<hbm>>) dst(%arg14 : memref<20x16xf32, #tpu.memory_space<vmem>>)
      %add3A_184 = arith.constant 1 : i32
      %add3A_185 = arith.addi %add3A_160, %add3A_184 : i32
      %dma_wait3A_186 = arith.constant 0 : i32
      %dma_wait3A_187 = arith.constant 0 : i32
      %dma_wait3A_188 = tpu.memref_slice %arg5[%arg0, %arg1, %add3A_185, %dma_wait3A_186, %dma_wait3A_187] : memref<2x16x1034x2x20xi32, #tpu.memory_space<hbm>> -> memref<1x1x1x2x20xi32, #tpu.memory_space<hbm>>
      %dma_wait3A_189 = tpu.memref_squeeze %dma_wait3A_188 : memref<1x1x1x2x20xi32, #tpu.memory_space<hbm>> -> memref<2x20xi32, #tpu.memory_space<hbm>>
      %dma_wait3A_190 = arith.constant 0 : i32
      %dma_wait3A_191 = arith.constant 0 : i32
      %dma_wait3A_192 = tpu.memref_slice %arg5[%arg0, %arg1, %add3A_185, %dma_wait3A_190, %dma_wait3A_191] : memref<2x16x1034x2x20xi32, #tpu.memory_space<hbm>> -> memref<1x1x1x2x20xi32, #tpu.memory_space<hbm>>
      %dma_wait3A_193 = tpu.memref_squeeze %dma_wait3A_192 : memref<1x1x1x2x20xi32, #tpu.memory_space<hbm>> -> memref<2x20xi32, #tpu.memory_space<hbm>>
      tpu.wait_dma2 semaphore(%arg21 : memref<!tpu.dma_semaphore, #tpu.memory_space<semaphore_mem>>) src(%dma_wait3A_193 : memref<2x20xi32, #tpu.memory_space<hbm>>) dst(%arg9 : memref<2x20xi32, #tpu.memory_space<vmem>>)
      %add3A_194 = arith.constant 1 : i32
      %add3A_195 = arith.addi %add3A_160, %add3A_194 : i32
      %dma_start3A_196 = arith.constant 0 : i32
      %dma_start3A_197 = arith.constant 0 : i32
      %dma_start3A_198 = tpu.memref_slice %arg9[%dma_start3A_196, %dma_start3A_197] : memref<2x20xi32, #tpu.memory_space<vmem>> -> memref<1x20xi32, #tpu.memory_space<vmem>>
      %dma_start3A_199 = tpu.memref_squeeze %dma_start3A_198 : memref<1x20xi32, #tpu.memory_space<vmem>> -> memref<20xi32, #tpu.memory_space<vmem>>
      %dma_start3A_200 = arith.constant 0 : i32
      %dma_start3A_201 = arith.constant 0 : i32
      %dma_start3A_202 = tpu.memref_slice %arg2[%dma_start3A_200, %dma_start3A_201] : memref<20000x1024xf32, #tpu.memory_space<hbm>> -> memref<20000x1024xf32, #tpu.memory_space<hbm>>
      tpu.enqueue_indirect_dma source(%dma_start3A_202 : memref<20000x1024xf32, #tpu.memory_space<hbm>>) target(%arg11 : memref<20x1024xf32, #tpu.memory_space<vmem>>) offsets(%dma_start3A_199 : memref<20xi32, #tpu.memory_space<vmem>>) semaphore(%arg19 : memref<!tpu.dma_semaphore, #tpu.memory_space<semaphore_mem>>)
      %dma_start3A_203 = arith.constant 1 : i32
      %dma_start3A_204 = arith.constant 0 : i32
      %dma_start3A_205 = tpu.memref_slice %arg9[%dma_start3A_203, %dma_start3A_204] : memref<2x20xi32, #tpu.memory_space<vmem>> -> memref<1x20xi32, #tpu.memory_space<vmem>>
      %dma_start3A_206 = tpu.memref_squeeze %dma_start3A_205 : memref<1x20xi32, #tpu.memory_space<vmem>> -> memref<20xi32, #tpu.memory_space<vmem>>
      %dma_start3A_207 = arith.constant 0 : i32
      %dma_start3A_208 = arith.constant 0 : i32
      %dma_start3A_209 = tpu.memref_slice %arg4[%dma_start3A_207, %dma_start3A_208] : memref<10112x16xf32, #tpu.memory_space<hbm>> -> memref<10112x16xf32, #tpu.memory_space<hbm>>
      tpu.enqueue_indirect_dma source(%dma_start3A_209 : memref<10112x16xf32, #tpu.memory_space<hbm>>) target(%arg15 : memref<20x16xf32, #tpu.memory_space<vmem>>) offsets(%dma_start3A_206 : memref<20xi32, #tpu.memory_space<vmem>>) semaphore(%arg19 : memref<!tpu.dma_semaphore, #tpu.memory_space<semaphore_mem>>)
      %mul3A_210 = arith.constant 20640 : i32
      %mul3A_211 = arith.muli %arg1, %mul3A_210 : i32
      %mul3A_212 = arith.constant 20 : i32
      %mul3A_213 = arith.muli %add3A_195, %mul3A_212 : i32
      %add3A_214 = arith.addi %mul3A_211, %mul3A_213 : i32
      %dma_start3A_215 = arith.constant 0 : i32
      %dma_start3A_216 = tpu.memref_slice %arg3[%add3A_214, %dma_start3A_215] : memref<330280x16xf32, #tpu.memory_space<hbm>> -> memref<20x16xf32, #tpu.memory_space<hbm>>
      %dma_start3A_217 = arith.constant 0 : i32
      %dma_start3A_218 = tpu.memref_slice %arg3[%add3A_214, %dma_start3A_217] : memref<330280x16xf32, #tpu.memory_space<hbm>> -> memref<20x16xf32, #tpu.memory_space<hbm>>
      tpu.enqueue_dma source(%dma_start3A_218 : memref<20x16xf32, #tpu.memory_space<hbm>>) target(%arg13 : memref<20x16xf32, #tpu.memory_space<vmem>>) target_semaphore(%arg19 : memref<!tpu.dma_semaphore, #tpu.memory_space<semaphore_mem>>)
      %scan3A_219 = arith.constant 0 : i32
      %scan3A_220 = arith.constant 20 : i32
      %scan3A_221 = arith.addi %scan3A_219, %scan3A_220 : i32
      %scan3A_222 = arith.constant 1 : i32
      scf.for %scan3A_235 = %scan3A_219 to %scan3A_221 step %scan3A_222  : i32 {
        %mul3A_236 = arith.constant 1 : i32
        %mul3A_237 = arith.muli %scan3A_235, %mul3A_236 : i32
        %add3A_238 = arith.constant 0 : i32
        %add3A_239 = arith.addi %add3A_238, %mul3A_237 : i32
        %get3A = arith.index_cast %add3A_239 : i32 to index
        %get3A_240 = arith.constant 0 : index
        %get3A_241 = tpu.vector_load %arg14[%get3A, %get3A_240] {strides = array<i32>} : memref<20x16xf32, #tpu.memory_space<vmem>>, vector<1x16xf32>,
        %get3A_242 = vector.shape_cast %get3A_241 : vector<1x16xf32> to vector<16xf32>
        %mul3A_243 = arith.constant 1.250000e-01 : f32
        %mul3A_244 = vector.broadcast %mul3A_243 : f32 to vector<16xf32>
        %mul3A_245 = arith.mulf %get3A_242, %mul3A_244 : vector<16xf32>
        %get3A_246 = arith.index_cast %add3A_239 : i32 to index
        %get3A_247 = arith.constant 0 : index
        %get3A_248 = tpu.vector_load %arg16[%get3A_246, %get3A_247] {strides = array<i32>} : memref<20x16xf32, #tpu.memory_space<vmem>>, vector<1x16xf32>,
        %get3A_249 = vector.shape_cast %get3A_248 : vector<1x16xf32> to vector<16xf32>
        %mul3A_250 = arith.mulf %mul3A_245, %get3A_249 : vector<16xf32>
        %iota3A = tpu.iota {dimensions = array<i32: 0>} : vector<16xi32>
        %mul3A_251 = arith.constant 0 : i32
        %mul3A_252 = vector.broadcast %mul3A_251 : i32 to vector<16xi32>
        %mul3A_253 = arith.muli %iota3A, %mul3A_252 : vector<16xi32>
        %add3A_254 = arith.constant 0 : i32
        %add3A_255 = vector.broadcast %add3A_254 : i32 to vector<16xi32>
        %add3A_256 = arith.addi %mul3A_253, %add3A_255 : vector<16xi32>
        %lt3A = arith.constant 0 : i32
        %lt3A_257 = vector.broadcast %lt3A : i32 to vector<16xi32>
        %lt3A_258 = arith.cmpi slt, %add3A_256, %lt3A_257 : vector<16xi32>
        %add3A_259 = arith.constant 16 : i32
        %add3A_260 = vector.broadcast %add3A_259 : i32 to vector<16xi32>
        %add3A_261 = arith.addi %add3A_256, %add3A_260 : vector<16xi32>
        %select_n3A = arith.select %lt3A_258, %add3A_261, %add3A_256 : vector<16xi1>, vector<16xi32>
        %broadcast_in_dim3A = vector.shape_cast %select_n3A : vector<16xi32> to vector<16x1xi32>
        %gather3A = vector.shape_cast %broadcast_in_dim3A : vector<16x1xi32> to vector<16xi32>
        %gather3A_262 = tpu.dynamic_gather %mul3A_250[%gather3A] in [0] : vector<16xf32>, vector<16xi32> -> vector<16xf32>
        %iota3A_263 = tpu.iota {dimensions = array<i32: 0>} : vector<16xi32>
        %mul3A_264 = arith.constant 0 : i32
        %mul3A_265 = vector.broadcast %mul3A_264 : i32 to vector<16xi32>
        %mul3A_266 = arith.muli %iota3A_263, %mul3A_265 : vector<16xi32>
        %add3A_267 = arith.constant 1 : i32
        %add3A_268 = vector.broadcast %add3A_267 : i32 to vector<16xi32>
        %add3A_269 = arith.addi %mul3A_266, %add3A_268 : vector<16xi32>
        %lt3A_270 = arith.constant 0 : i32
        %lt3A_271 = vector.broadcast %lt3A_270 : i32 to vector<16xi32>
        %lt3A_272 = arith.cmpi slt, %add3A_269, %lt3A_271 : vector<16xi32>
        %add3A_273 = arith.constant 16 : i32
        %add3A_274 = vector.broadcast %add3A_273 : i32 to vector<16xi32>
        %add3A_275 = arith.addi %add3A_269, %add3A_274 : vector<16xi32>
        %select_n3A_276 = arith.select %lt3A_272, %add3A_275, %add3A_269 : vector<16xi1>, vector<16xi32>
        %broadcast_in_dim3A_277 = vector.shape_cast %select_n3A_276 : vector<16xi32> to vector<16x1xi32>
        %gather3A_278 = vector.shape_cast %broadcast_in_dim3A_277 : vector<16x1xi32> to vector<16xi32>
        %gather3A_279 = tpu.dynamic_gather %mul3A_250[%gather3A_278] in [0] : vector<16xf32>, vector<16xi32> -> vector<16xf32>
        %iota3A_280 = tpu.iota {dimensions = array<i32: 0>} : vector<16xi32>
        %mul3A_281 = arith.constant 0 : i32
        %mul3A_282 = vector.broadcast %mul3A_281 : i32 to vector<16xi32>
        %mul3A_283 = arith.muli %iota3A_280, %mul3A_282 : vector<16xi32>
        %add3A_284 = arith.constant 2 : i32
        %add3A_285 = vector.broadcast %add3A_284 : i32 to vector<16xi32>
        %add3A_286 = arith.addi %mul3A_283, %add3A_285 : vector<16xi32>
        %lt3A_287 = arith.constant 0 : i32
        %lt3A_288 = vector.broadcast %lt3A_287 : i32 to vector<16xi32>
        %lt3A_289 = arith.cmpi slt, %add3A_286, %lt3A_288 : vector<16xi32>
        %add3A_290 = arith.constant 16 : i32
        %add3A_291 = vector.broadcast %add3A_290 : i32 to vector<16xi32>
        %add3A_292 = arith.addi %add3A_286, %add3A_291 : vector<16xi32>
        %select_n3A_293 = arith.select %lt3A_289, %add3A_292, %add3A_286 : vector<16xi1>, vector<16xi32>
        %broadcast_in_dim3A_294 = vector.shape_cast %select_n3A_293 : vector<16xi32> to vector<16x1xi32>
        %gather3A_295 = vector.shape_cast %broadcast_in_dim3A_294 : vector<16x1xi32> to vector<16xi32>
        %gather3A_296 = tpu.dynamic_gather %mul3A_250[%gather3A_295] in [0] : vector<16xf32>, vector<16xi32> -> vector<16xf32>
        %iota3A_297 = tpu.iota {dimensions = array<i32: 0>} : vector<16xi32>
        %mul3A_298 = arith.constant 0 : i32
        %mul3A_299 = vector.broadcast %mul3A_298 : i32 to vector<16xi32>
        %mul3A_300 = arith.muli %iota3A_297, %mul3A_299 : vector<16xi32>
        %add3A_301 = arith.constant 3 : i32
        %add3A_302 = vector.broadcast %add3A_301 : i32 to vector<16xi32>
        %add3A_303 = arith.addi %mul3A_300, %add3A_302 : vector<16xi32>
        %lt3A_304 = arith.constant 0 : i32
        %lt3A_305 = vector.broadcast %lt3A_304 : i32 to vector<16xi32>
        %lt3A_306 = arith.cmpi slt, %add3A_303, %lt3A_305 : vector<16xi32>
        %add3A_307 = arith.constant 16 : i32
        %add3A_308 = vector.broadcast %add3A_307 : i32 to vector<16xi32>
        %add3A_309 = arith.addi %add3A_303, %add3A_308 : vector<16xi32>
        %select_n3A_310 = arith.select %lt3A_306, %add3A_309, %add3A_303 : vector<16xi1>, vector<16xi32>
        %broadcast_in_dim3A_311 = vector.shape_cast %select_n3A_310 : vector<16xi32> to vector<16x1xi32>
        %gather3A_312 = vector.shape_cast %broadcast_in_dim3A_311 : vector<16x1xi32> to vector<16xi32>
        %gather3A_313 = tpu.dynamic_gather %mul3A_250[%gather3A_312] in [0] : vector<16xf32>, vector<16xi32> -> vector<16xf32>
        %iota3A_314 = tpu.iota {dimensions = array<i32: 0>} : vector<16xi32>
        %mul3A_315 = arith.constant 0 : i32
        %mul3A_316 = vector.broadcast %mul3A_315 : i32 to vector<16xi32>
        %mul3A_317 = arith.muli %iota3A_314, %mul3A_316 : vector<16xi32>
        %add3A_318 = arith.constant 4 : i32
        %add3A_319 = vector.broadcast %add3A_318 : i32 to vector<16xi32>
        %add3A_320 = arith.addi %mul3A_317, %add3A_319 : vector<16xi32>
        %lt3A_321 = arith.constant 0 : i32
        %lt3A_322 = vector.broadcast %lt3A_321 : i32 to vector<16xi32>
        %lt3A_323 = arith.cmpi slt, %add3A_320, %lt3A_322 : vector<16xi32>
        %add3A_324 = arith.constant 16 : i32
        %add3A_325 = vector.broadcast %add3A_324 : i32 to vector<16xi32>
        %add3A_326 = arith.addi %add3A_320, %add3A_325 : vector<16xi32>
        %select_n3A_327 = arith.select %lt3A_323, %add3A_326, %add3A_320 : vector<16xi1>, vector<16xi32>
        %broadcast_in_dim3A_328 = vector.shape_cast %select_n3A_327 : vector<16xi32> to vector<16x1xi32>
        %gather3A_329 = vector.shape_cast %broadcast_in_dim3A_328 : vector<16x1xi32> to vector<16xi32>
        %gather3A_330 = tpu.dynamic_gather %mul3A_250[%gather3A_329] in [0] : vector<16xf32>, vector<16xi32> -> vector<16xf32>
        %iota3A_331 = tpu.iota {dimensions = array<i32: 0>} : vector<16xi32>
        %mul3A_332 = arith.constant 0 : i32
        %mul3A_333 = vector.broadcast %mul3A_332 : i32 to vector<16xi32>
        %mul3A_334 = arith.muli %iota3A_331, %mul3A_333 : vector<16xi32>
        %add3A_335 = arith.constant 5 : i32
        %add3A_336 = vector.broadcast %add3A_335 : i32 to vector<16xi32>
        %add3A_337 = arith.addi %mul3A_334, %add3A_336 : vector<16xi32>
        %lt3A_338 = arith.constant 0 : i32
        %lt3A_339 = vector.broadcast %lt3A_338 : i32 to vector<16xi32>
        %lt3A_340 = arith.cmpi slt, %add3A_337, %lt3A_339 : vector<16xi32>
        %add3A_341 = arith.constant 16 : i32
        %add3A_342 = vector.broadcast %add3A_341 : i32 to vector<16xi32>
        %add3A_343 = arith.addi %add3A_337, %add3A_342 : vector<16xi32>
        %select_n3A_344 = arith.select %lt3A_340, %add3A_343, %add3A_337 : vector<16xi1>, vector<16xi32>
        %broadcast_in_dim3A_345 = vector.shape_cast %select_n3A_344 : vector<16xi32> to vector<16x1xi32>
        %gather3A_346 = vector.shape_cast %broadcast_in_dim3A_345 : vector<16x1xi32> to vector<16xi32>
        %gather3A_347 = tpu.dynamic_gather %mul3A_250[%gather3A_346] in [0] : vector<16xf32>, vector<16xi32> -> vector<16xf32>
        %iota3A_348 = tpu.iota {dimensions = array<i32: 0>} : vector<16xi32>
        %mul3A_349 = arith.constant 0 : i32
        %mul3A_350 = vector.broadcast %mul3A_349 : i32 to vector<16xi32>
        %mul3A_351 = arith.muli %iota3A_348, %mul3A_350 : vector<16xi32>
        %add3A_352 = arith.constant 6 : i32
        %add3A_353 = vector.broadcast %add3A_352 : i32 to vector<16xi32>
        %add3A_354 = arith.addi %mul3A_351, %add3A_353 : vector<16xi32>
        %lt3A_355 = arith.constant 0 : i32
        %lt3A_356 = vector.broadcast %lt3A_355 : i32 to vector<16xi32>
        %lt3A_357 = arith.cmpi slt, %add3A_354, %lt3A_356 : vector<16xi32>
        %add3A_358 = arith.constant 16 : i32
        %add3A_359 = vector.broadcast %add3A_358 : i32 to vector<16xi32>
        %add3A_360 = arith.addi %add3A_354, %add3A_359 : vector<16xi32>
        %select_n3A_361 = arith.select %lt3A_357, %add3A_360, %add3A_354 : vector<16xi1>, vector<16xi32>
        %broadcast_in_dim3A_362 = vector.shape_cast %select_n3A_361 : vector<16xi32> to vector<16x1xi32>
        %gather3A_363 = vector.shape_cast %broadcast_in_dim3A_362 : vector<16x1xi32> to vector<16xi32>
        %gather3A_364 = tpu.dynamic_gather %mul3A_250[%gather3A_363] in [0] : vector<16xf32>, vector<16xi32> -> vector<16xf32>
        %iota3A_365 = tpu.iota {dimensions = array<i32: 0>} : vector<16xi32>
        %mul3A_366 = arith.constant 0 : i32
        %mul3A_367 = vector.broadcast %mul3A_366 : i32 to vector<16xi32>
        %mul3A_368 = arith.muli %iota3A_365, %mul3A_367 : vector<16xi32>
        %add3A_369 = arith.constant 7 : i32
        %add3A_370 = vector.broadcast %add3A_369 : i32 to vector<16xi32>
        %add3A_371 = arith.addi %mul3A_368, %add3A_370 : vector<16xi32>
        %lt3A_372 = arith.constant 0 : i32
        %lt3A_373 = vector.broadcast %lt3A_372 : i32 to vector<16xi32>
        %lt3A_374 = arith.cmpi slt, %add3A_371, %lt3A_373 : vector<16xi32>
        %add3A_375 = arith.constant 16 : i32
        %add3A_376 = vector.broadcast %add3A_375 : i32 to vector<16xi32>
        %add3A_377 = arith.addi %add3A_371, %add3A_376 : vector<16xi32>
        %select_n3A_378 = arith.select %lt3A_374, %add3A_377, %add3A_371 : vector<16xi1>, vector<16xi32>
        %broadcast_in_dim3A_379 = vector.shape_cast %select_n3A_378 : vector<16xi32> to vector<16x1xi32>
        %gather3A_380 = vector.shape_cast %broadcast_in_dim3A_379 : vector<16x1xi32> to vector<16xi32>
        %gather3A_381 = tpu.dynamic_gather %mul3A_250[%gather3A_380] in [0] : vector<16xf32>, vector<16xi32> -> vector<16xf32>
        %get3A_382 = arith.index_cast %add3A_239 : i32 to index
        %get3A_383 = arith.constant 0 : index
        %get3A_384 = tpu.vector_load %arg12[%get3A_382, %get3A_383] {strides = array<i32>} : memref<20x1024xf32, #tpu.memory_space<vmem>>, vector<1x16xf32>,
        %get3A_385 = vector.shape_cast %get3A_384 : vector<1x16xf32> to vector<16xf32>
        %mul3A_386 = arith.mulf %gather3A_262, %get3A_385 : vector<16xf32>
        %get3A_387 = arith.index_cast %add3A_239 : i32 to index
        %get3A_388 = arith.constant 128 : index
        %get3A_389 = tpu.vector_load %arg12[%get3A_387, %get3A_388] {strides = array<i32>} : memref<20x1024xf32, #tpu.memory_space<vmem>>, vector<1x16xf32>,
        %get3A_390 = vector.shape_cast %get3A_389 : vector<1x16xf32> to vector<16xf32>
        %mul3A_391 = arith.mulf %gather3A_279, %get3A_390 : vector<16xf32>
        %add3A_392 = arith.addf %mul3A_386, %mul3A_391 : vector<16xf32>
        %get3A_393 = arith.index_cast %add3A_239 : i32 to index
        %get3A_394 = arith.constant 256 : index
        %get3A_395 = tpu.vector_load %arg12[%get3A_393, %get3A_394] {strides = array<i32>} : memref<20x1024xf32, #tpu.memory_space<vmem>>, vector<1x16xf32>,
        %get3A_396 = vector.shape_cast %get3A_395 : vector<1x16xf32> to vector<16xf32>
        %mul3A_397 = arith.mulf %gather3A_296, %get3A_396 : vector<16xf32>
        %add3A_398 = arith.addf %add3A_392, %mul3A_397 : vector<16xf32>
        %get3A_399 = arith.index_cast %add3A_239 : i32 to index
        %get3A_400 = arith.constant 384 : index
        %get3A_401 = tpu.vector_load %arg12[%get3A_399, %get3A_400] {strides = array<i32>} : memref<20x1024xf32, #tpu.memory_space<vmem>>, vector<1x16xf32>,
        %get3A_402 = vector.shape_cast %get3A_401 : vector<1x16xf32> to vector<16xf32>
        %mul3A_403 = arith.mulf %gather3A_313, %get3A_402 : vector<16xf32>
        %add3A_404 = arith.addf %add3A_398, %mul3A_403 : vector<16xf32>
        %get3A_405 = arith.index_cast %add3A_239 : i32 to index
        %get3A_406 = arith.constant 512 : index
        %get3A_407 = tpu.vector_load %arg12[%get3A_405, %get3A_406] {strides = array<i32>} : memref<20x1024xf32, #tpu.memory_space<vmem>>, vector<1x16xf32>,
        %get3A_408 = vector.shape_cast %get3A_407 : vector<1x16xf32> to vector<16xf32>
        %mul3A_409 = arith.mulf %gather3A_330, %get3A_408 : vector<16xf32>
        %add3A_410 = arith.addf %add3A_404, %mul3A_409 : vector<16xf32>
        %get3A_411 = arith.index_cast %add3A_239 : i32 to index
        %get3A_412 = arith.constant 640 : index
        %get3A_413 = tpu.vector_load %arg12[%get3A_411, %get3A_412] {strides = array<i32>} : memref<20x1024xf32, #tpu.memory_space<vmem>>, vector<1x16xf32>,
        %get3A_414 = vector.shape_cast %get3A_413 : vector<1x16xf32> to vector<16xf32>
        %mul3A_415 = arith.mulf %gather3A_347, %get3A_414 : vector<16xf32>
        %add3A_416 = arith.addf %add3A_410, %mul3A_415 : vector<16xf32>
        %get3A_417 = arith.index_cast %add3A_239 : i32 to index
        %get3A_418 = arith.constant 768 : index
        %get3A_419 = tpu.vector_load %arg12[%get3A_417, %get3A_418] {strides = array<i32>} : memref<20x1024xf32, #tpu.memory_space<vmem>>, vector<1x16xf32>,
        %get3A_420 = vector.shape_cast %get3A_419 : vector<1x16xf32> to vector<16xf32>
        %mul3A_421 = arith.mulf %gather3A_364, %get3A_420 : vector<16xf32>
        %add3A_422 = arith.addf %add3A_416, %mul3A_421 : vector<16xf32>
        %get3A_423 = arith.index_cast %add3A_239 : i32 to index
        %get3A_424 = arith.constant 896 : index
        %get3A_425 = tpu.vector_load %arg12[%get3A_423, %get3A_424] {strides = array<i32>} : memref<20x1024xf32, #tpu.memory_space<vmem>>, vector<1x16xf32>,
        %get3A_426 = vector.shape_cast %get3A_425 : vector<1x16xf32> to vector<16xf32>
        %mul3A_427 = arith.mulf %gather3A_381, %get3A_426 : vector<16xf32>
        %add3A_428 = arith.addf %add3A_422, %mul3A_427 : vector<16xf32>
        %swap3A = arith.index_cast %add3A_239 : i32 to index
        %swap3A_429 = arith.constant 0 : index
        %swap3A_430 = tpu.vector_load %arg18[%swap3A, %swap3A_429] {strides = array<i32>} : memref<20x128xf32, #tpu.memory_space<vmem>>, vector<1x16xf32>,
        %swap3A_431 = vector.shape_cast %swap3A_430 : vector<1x16xf32> to vector<16xf32>
        %swap3A_432 = vector.shape_cast %add3A_428 : vector<16xf32> to vector<1x16xf32>
        tpu.vector_store %arg18[%swap3A, %swap3A_429], %swap3A_432 {strides = array<i32>} : memref<20x128xf32, #tpu.memory_space<vmem>>, vector<1x16xf32>,
        %get3A_433 = arith.index_cast %add3A_239 : i32 to index
        %get3A_434 = arith.constant 16 : index
        %get3A_435 = tpu.vector_load %arg12[%get3A_433, %get3A_434] {strides = array<i32>} : memref<20x1024xf32, #tpu.memory_space<vmem>>, vector<1x16xf32>,
        %get3A_436 = vector.shape_cast %get3A_435 : vector<1x16xf32> to vector<16xf32>
        %mul3A_437 = arith.mulf %gather3A_262, %get3A_436 : vector<16xf32>
        %get3A_438 = arith.index_cast %add3A_239 : i32 to index
        %get3A_439 = arith.constant 144 : index
        %get3A_440 = tpu.vector_load %arg12[%get3A_438, %get3A_439] {strides = array<i32>} : memref<20x1024xf32, #tpu.memory_space<vmem>>, vector<1x16xf32>,
        %get3A_441 = vector.shape_cast %get3A_440 : vector<1x16xf32> to vector<16xf32>
        %mul3A_442 = arith.mulf %gather3A_279, %get3A_441 : vector<16xf32>
        %add3A_443 = arith.addf %mul3A_437, %mul3A_442 : vector<16xf32>
        %get3A_444 = arith.index_cast %add3A_239 : i32 to index
        %get3A_445 = arith.constant 272 : index
        %get3A_446 = tpu.vector_load %arg12[%get3A_444, %get3A_445] {strides = array<i32>} : memref<20x1024xf32, #tpu.memory_space<vmem>>, vector<1x16xf32>,
        %get3A_447 = vector.shape_cast %get3A_446 : vector<1x16xf32> to vector<16xf32>
        %mul3A_448 = arith.mulf %gather3A_296, %get3A_447 : vector<16xf32>
        %add3A_449 = arith.addf %add3A_443, %mul3A_448 : vector<16xf32>
        %get3A_450 = arith.index_cast %add3A_239 : i32 to index
        %get3A_451 = arith.constant 400 : index
        %get3A_452 = tpu.vector_load %arg12[%get3A_450, %get3A_451] {strides = array<i32>} : memref<20x1024xf32, #tpu.memory_space<vmem>>, vector<1x16xf32>,
        %get3A_453 = vector.shape_cast %get3A_452 : vector<1x16xf32> to vector<16xf32>
        %mul3A_454 = arith.mulf %gather3A_313, %get3A_453 : vector<16xf32>
        %add3A_455 = arith.addf %add3A_449, %mul3A_454 : vector<16xf32>
        %get3A_456 = arith.index_cast %add3A_239 : i32 to index
        %get3A_457 = arith.constant 528 : index
        %get3A_458 = tpu.vector_load %arg12[%get3A_456, %get3A_457] {strides = array<i32>} : memref<20x1024xf32, #tpu.memory_space<vmem>>, vector<1x16xf32>,
        %get3A_459 = vector.shape_cast %get3A_458 : vector<1x16xf32> to vector<16xf32>
        %mul3A_460 = arith.mulf %gather3A_330, %get3A_459 : vector<16xf32>
        %add3A_461 = arith.addf %add3A_455, %mul3A_460 : vector<16xf32>
        %get3A_462 = arith.index_cast %add3A_239 : i32 to index
        %get3A_463 = arith.constant 656 : index
        %get3A_464 = tpu.vector_load %arg12[%get3A_462, %get3A_463] {strides = array<i32>} : memref<20x1024xf32, #tpu.memory_space<vmem>>, vector<1x16xf32>,
        %get3A_465 = vector.shape_cast %get3A_464 : vector<1x16xf32> to vector<16xf32>
        %mul3A_466 = arith.mulf %gather3A_347, %get3A_465 : vector<16xf32>
        %add3A_467 = arith.addf %add3A_461, %mul3A_466 : vector<16xf32>
        %get3A_468 = arith.index_cast %add3A_239 : i32 to index
        %get3A_469 = arith.constant 784 : index
        %get3A_470 = tpu.vector_load %arg12[%get3A_468, %get3A_469] {strides = array<i32>} : memref<20x1024xf32, #tpu.memory_space<vmem>>, vector<1x16xf32>,
        %get3A_471 = vector.shape_cast %get3A_470 : vector<1x16xf32> to vector<16xf32>
        %mul3A_472 = arith.mulf %gather3A_364, %get3A_471 : vector<16xf32>
        %add3A_473 = arith.addf %add3A_467, %mul3A_472 : vector<16xf32>
        %get3A_474 = arith.index_cast %add3A_239 : i32 to index
        %get3A_475 = arith.constant 912 : index
        %get3A_476 = tpu.vector_load %arg12[%get3A_474, %get3A_475] {strides = array<i32>} : memref<20x1024xf32, #tpu.memory_space<vmem>>, vector<1x16xf32>,
        %get3A_477 = vector.shape_cast %get3A_476 : vector<1x16xf32> to vector<16xf32>
        %mul3A_478 = arith.mulf %gather3A_381, %get3A_477 : vector<16xf32>
        %add3A_479 = arith.addf %add3A_473, %mul3A_478 : vector<16xf32>
        %swap3A_480 = arith.index_cast %add3A_239 : i32 to index
        %swap3A_481 = arith.constant 16 : index
        %swap3A_482 = tpu.vector_load %arg18[%swap3A_480, %swap3A_481] {strides = array<i32>} : memref<20x128xf32, #tpu.memory_space<vmem>>, vector<1x16xf32>,
        %swap3A_483 = vector.shape_cast %swap3A_482 : vector<1x16xf32> to vector<16xf32>
        %swap3A_484 = vector.shape_cast %add3A_479 : vector<16xf32> to vector<1x16xf32>
        tpu.vector_store %arg18[%swap3A_480, %swap3A_481], %swap3A_484 {strides = array<i32>} : memref<20x128xf32, #tpu.memory_space<vmem>>, vector<1x16xf32>,
        %get3A_485 = arith.index_cast %add3A_239 : i32 to index
        %get3A_486 = arith.constant 32 : index
        %get3A_487 = tpu.vector_load %arg12[%get3A_485, %get3A_486] {strides = array<i32>} : memref<20x1024xf32, #tpu.memory_space<vmem>>, vector<1x16xf32>,
        %get3A_488 = vector.shape_cast %get3A_487 : vector<1x16xf32> to vector<16xf32>
        %mul3A_489 = arith.mulf %gather3A_262, %get3A_488 : vector<16xf32>
        %get3A_490 = arith.index_cast %add3A_239 : i32 to index
        %get3A_491 = arith.constant 160 : index
        %get3A_492 = tpu.vector_load %arg12[%get3A_490, %get3A_491] {strides = array<i32>} : memref<20x1024xf32, #tpu.memory_space<vmem>>, vector<1x16xf32>,
        %get3A_493 = vector.shape_cast %get3A_492 : vector<1x16xf32> to vector<16xf32>
        %mul3A_494 = arith.mulf %gather3A_279, %get3A_493 : vector<16xf32>
        %add3A_495 = arith.addf %mul3A_489, %mul3A_494 : vector<16xf32>
        %get3A_496 = arith.index_cast %add3A_239 : i32 to index
        %get3A_497 = arith.constant 288 : index
        %get3A_498 = tpu.vector_load %arg12[%get3A_496, %get3A_497] {strides = array<i32>} : memref<20x1024xf32, #tpu.memory_space<vmem>>, vector<1x16xf32>,
        %get3A_499 = vector.shape_cast %get3A_498 : vector<1x16xf32> to vector<16xf32>
        %mul3A_500 = arith.mulf %gather3A_296, %get3A_499 : vector<16xf32>
        %add3A_501 = arith.addf %add3A_495, %mul3A_500 : vector<16xf32>
        %get3A_502 = arith.index_cast %add3A_239 : i32 to index
        %get3A_503 = arith.constant 416 : index
        %get3A_504 = tpu.vector_load %arg12[%get3A_502, %get3A_503] {strides = array<i32>} : memref<20x1024xf32, #tpu.memory_space<vmem>>, vector<1x16xf32>,
        %get3A_505 = vector.shape_cast %get3A_504 : vector<1x16xf32> to vector<16xf32>
        %mul3A_506 = arith.mulf %gather3A_313, %get3A_505 : vector<16xf32>
        %add3A_507 = arith.addf %add3A_501, %mul3A_506 : vector<16xf32>
        %get3A_508 = arith.index_cast %add3A_239 : i32 to index
        %get3A_509 = arith.constant 544 : index
        %get3A_510 = tpu.vector_load %arg12[%get3A_508, %get3A_509] {strides = array<i32>} : memref<20x1024xf32, #tpu.memory_space<vmem>>, vector<1x16xf32>,
        %get3A_511 = vector.shape_cast %get3A_510 : vector<1x16xf32> to vector<16xf32>
        %mul3A_512 = arith.mulf %gather3A_330, %get3A_511 : vector<16xf32>
        %add3A_513 = arith.addf %add3A_507, %mul3A_512 : vector<16xf32>
        %get3A_514 = arith.index_cast %add3A_239 : i32 to index
        %get3A_515 = arith.constant 672 : index
        %get3A_516 = tpu.vector_load %arg12[%get3A_514, %get3A_515] {strides = array<i32>} : memref<20x1024xf32, #tpu.memory_space<vmem>>, vector<1x16xf32>,
        %get3A_517 = vector.shape_cast %get3A_516 : vector<1x16xf32> to vector<16xf32>
        %mul3A_518 = arith.mulf %gather3A_347, %get3A_517 : vector<16xf32>
        %add3A_519 = arith.addf %add3A_513, %mul3A_518 : vector<16xf32>
        %get3A_520 = arith.index_cast %add3A_239 : i32 to index
        %get3A_521 = arith.constant 800 : index
        %get3A_522 = tpu.vector_load %arg12[%get3A_520, %get3A_521] {strides = array<i32>} : memref<20x1024xf32, #tpu.memory_space<vmem>>, vector<1x16xf32>,
        %get3A_523 = vector.shape_cast %get3A_522 : vector<1x16xf32> to vector<16xf32>
        %mul3A_524 = arith.mulf %gather3A_364, %get3A_523 : vector<16xf32>
        %add3A_525 = arith.addf %add3A_519, %mul3A_524 : vector<16xf32>
        %get3A_526 = arith.index_cast %add3A_239 : i32 to index
        %get3A_527 = arith.constant 928 : index
        %get3A_528 = tpu.vector_load %arg12[%get3A_526, %get3A_527] {strides = array<i32>} : memref<20x1024xf32, #tpu.memory_space<vmem>>, vector<1x16xf32>,
        %get3A_529 = vector.shape_cast %get3A_528 : vector<1x16xf32> to vector<16xf32>
        %mul3A_530 = arith.mulf %gather3A_381, %get3A_529 : vector<16xf32>
        %add3A_531 = arith.addf %add3A_525, %mul3A_530 : vector<16xf32>
        %swap3A_532 = arith.index_cast %add3A_239 : i32 to index
        %swap3A_533 = arith.constant 32 : index
        %swap3A_534 = tpu.vector_load %arg18[%swap3A_532, %swap3A_533] {strides = array<i32>} : memref<20x128xf32, #tpu.memory_space<vmem>>, vector<1x16xf32>,
        %swap3A_535 = vector.shape_cast %swap3A_534 : vector<1x16xf32> to vector<16xf32>
        %swap3A_536 = vector.shape_cast %add3A_531 : vector<16xf32> to vector<1x16xf32>
        tpu.vector_store %arg18[%swap3A_532, %swap3A_533], %swap3A_536 {strides = array<i32>} : memref<20x128xf32, #tpu.memory_space<vmem>>, vector<1x16xf32>,
        %get3A_537 = arith.index_cast %add3A_239 : i32 to index
        %get3A_538 = arith.constant 48 : index
        %get3A_539 = tpu.vector_load %arg12[%get3A_537, %get3A_538] {strides = array<i32>} : memref<20x1024xf32, #tpu.memory_space<vmem>>, vector<1x16xf32>,
        %get3A_540 = vector.shape_cast %get3A_539 : vector<1x16xf32> to vector<16xf32>
        %mul3A_541 = arith.mulf %gather3A_262, %get3A_540 : vector<16xf32>
        %get3A_542 = arith.index_cast %add3A_239 : i32 to index
        %get3A_543 = arith.constant 176 : index
        %get3A_544 = tpu.vector_load %arg12[%get3A_542, %get3A_543] {strides = array<i32>} : memref<20x1024xf32, #tpu.memory_space<vmem>>, vector<1x16xf32>,
        %get3A_545 = vector.shape_cast %get3A_544 : vector<1x16xf32> to vector<16xf32>
        %mul3A_546 = arith.mulf %gather3A_279, %get3A_545 : vector<16xf32>
        %add3A_547 = arith.addf %mul3A_541, %mul3A_546 : vector<16xf32>
        %get3A_548 = arith.index_cast %add3A_239 : i32 to index
        %get3A_549 = arith.constant 304 : index
        %get3A_550 = tpu.vector_load %arg12[%get3A_548, %get3A_549] {strides = array<i32>} : memref<20x1024xf32, #tpu.memory_space<vmem>>, vector<1x16xf32>,
        %get3A_551 = vector.shape_cast %get3A_550 : vector<1x16xf32> to vector<16xf32>
        %mul3A_552 = arith.mulf %gather3A_296, %get3A_551 : vector<16xf32>
        %add3A_553 = arith.addf %add3A_547, %mul3A_552 : vector<16xf32>
        %get3A_554 = arith.index_cast %add3A_239 : i32 to index
        %get3A_555 = arith.constant 432 : index
        %get3A_556 = tpu.vector_load %arg12[%get3A_554, %get3A_555] {strides = array<i32>} : memref<20x1024xf32, #tpu.memory_space<vmem>>, vector<1x16xf32>,
        %get3A_557 = vector.shape_cast %get3A_556 : vector<1x16xf32> to vector<16xf32>
        %mul3A_558 = arith.mulf %gather3A_313, %get3A_557 : vector<16xf32>
        %add3A_559 = arith.addf %add3A_553, %mul3A_558 : vector<16xf32>
        %get3A_560 = arith.index_cast %add3A_239 : i32 to index
        %get3A_561 = arith.constant 560 : index
        %get3A_562 = tpu.vector_load %arg12[%get3A_560, %get3A_561] {strides = array<i32>} : memref<20x1024xf32, #tpu.memory_space<vmem>>, vector<1x16xf32>,
        %get3A_563 = vector.shape_cast %get3A_562 : vector<1x16xf32> to vector<16xf32>
        %mul3A_564 = arith.mulf %gather3A_330, %get3A_563 : vector<16xf32>
        %add3A_565 = arith.addf %add3A_559, %mul3A_564 : vector<16xf32>
        %get3A_566 = arith.index_cast %add3A_239 : i32 to index
        %get3A_567 = arith.constant 688 : index
        %get3A_568 = tpu.vector_load %arg12[%get3A_566, %get3A_567] {strides = array<i32>} : memref<20x1024xf32, #tpu.memory_space<vmem>>, vector<1x16xf32>,
        %get3A_569 = vector.shape_cast %get3A_568 : vector<1x16xf32> to vector<16xf32>
        %mul3A_570 = arith.mulf %gather3A_347, %get3A_569 : vector<16xf32>
        %add3A_571 = arith.addf %add3A_565, %mul3A_570 : vector<16xf32>
        %get3A_572 = arith.index_cast %add3A_239 : i32 to index
        %get3A_573 = arith.constant 816 : index
        %get3A_574 = tpu.vector_load %arg12[%get3A_572, %get3A_573] {strides = array<i32>} : memref<20x1024xf32, #tpu.memory_space<vmem>>, vector<1x16xf32>,
        %get3A_575 = vector.shape_cast %get3A_574 : vector<1x16xf32> to vector<16xf32>
        %mul3A_576 = arith.mulf %gather3A_364, %get3A_575 : vector<16xf32>
        %add3A_577 = arith.addf %add3A_571, %mul3A_576 : vector<16xf32>
        %get3A_578 = arith.index_cast %add3A_239 : i32 to index
        %get3A_579 = arith.constant 944 : index
        %get3A_580 = tpu.vector_load %arg12[%get3A_578, %get3A_579] {strides = array<i32>} : memref<20x1024xf32, #tpu.memory_space<vmem>>, vector<1x16xf32>,
        %get3A_581 = vector.shape_cast %get3A_580 : vector<1x16xf32> to vector<16xf32>
        %mul3A_582 = arith.mulf %gather3A_381, %get3A_581 : vector<16xf32>
        %add3A_583 = arith.addf %add3A_577, %mul3A_582 : vector<16xf32>
        %swap3A_584 = arith.index_cast %add3A_239 : i32 to index
        %swap3A_585 = arith.constant 48 : index
        %swap3A_586 = tpu.vector_load %arg18[%swap3A_584, %swap3A_585] {strides = array<i32>} : memref<20x128xf32, #tpu.memory_space<vmem>>, vector<1x16xf32>,
        %swap3A_587 = vector.shape_cast %swap3A_586 : vector<1x16xf32> to vector<16xf32>
        %swap3A_588 = vector.shape_cast %add3A_583 : vector<16xf32> to vector<1x16xf32>
        tpu.vector_store %arg18[%swap3A_584, %swap3A_585], %swap3A_588 {strides = array<i32>} : memref<20x128xf32, #tpu.memory_space<vmem>>, vector<1x16xf32>,
        %get3A_589 = arith.index_cast %add3A_239 : i32 to index
        %get3A_590 = arith.constant 64 : index
        %get3A_591 = tpu.vector_load %arg12[%get3A_589, %get3A_590] {strides = array<i32>} : memref<20x1024xf32, #tpu.memory_space<vmem>>, vector<1x16xf32>,
        %get3A_592 = vector.shape_cast %get3A_591 : vector<1x16xf32> to vector<16xf32>
        %mul3A_593 = arith.mulf %gather3A_262, %get3A_592 : vector<16xf32>
        %get3A_594 = arith.index_cast %add3A_239 : i32 to index
        %get3A_595 = arith.constant 192 : index
        %get3A_596 = tpu.vector_load %arg12[%get3A_594, %get3A_595] {strides = array<i32>} : memref<20x1024xf32, #tpu.memory_space<vmem>>, vector<1x16xf32>,
        %get3A_597 = vector.shape_cast %get3A_596 : vector<1x16xf32> to vector<16xf32>
        %mul3A_598 = arith.mulf %gather3A_279, %get3A_597 : vector<16xf32>
        %add3A_599 = arith.addf %mul3A_593, %mul3A_598 : vector<16xf32>
        %get3A_600 = arith.index_cast %add3A_239 : i32 to index
        %get3A_601 = arith.constant 320 : index
        %get3A_602 = tpu.vector_load %arg12[%get3A_600, %get3A_601] {strides = array<i32>} : memref<20x1024xf32, #tpu.memory_space<vmem>>, vector<1x16xf32>,
        %get3A_603 = vector.shape_cast %get3A_602 : vector<1x16xf32> to vector<16xf32>
        %mul3A_604 = arith.mulf %gather3A_296, %get3A_603 : vector<16xf32>
        %add3A_605 = arith.addf %add3A_599, %mul3A_604 : vector<16xf32>
        %get3A_606 = arith.index_cast %add3A_239 : i32 to index
        %get3A_607 = arith.constant 448 : index
        %get3A_608 = tpu.vector_load %arg12[%get3A_606, %get3A_607] {strides = array<i32>} : memref<20x1024xf32, #tpu.memory_space<vmem>>, vector<1x16xf32>,
        %get3A_609 = vector.shape_cast %get3A_608 : vector<1x16xf32> to vector<16xf32>
        %mul3A_610 = arith.mulf %gather3A_313, %get3A_609 : vector<16xf32>
        %add3A_611 = arith.addf %add3A_605, %mul3A_610 : vector<16xf32>
        %get3A_612 = arith.index_cast %add3A_239 : i32 to index
        %get3A_613 = arith.constant 576 : index
        %get3A_614 = tpu.vector_load %arg12[%get3A_612, %get3A_613] {strides = array<i32>} : memref<20x1024xf32, #tpu.memory_space<vmem>>, vector<1x16xf32>,
        %get3A_615 = vector.shape_cast %get3A_614 : vector<1x16xf32> to vector<16xf32>
        %mul3A_616 = arith.mulf %gather3A_330, %get3A_615 : vector<16xf32>
        %add3A_617 = arith.addf %add3A_611, %mul3A_616 : vector<16xf32>
        %get3A_618 = arith.index_cast %add3A_239 : i32 to index
        %get3A_619 = arith.constant 704 : index
        %get3A_620 = tpu.vector_load %arg12[%get3A_618, %get3A_619] {strides = array<i32>} : memref<20x1024xf32, #tpu.memory_space<vmem>>, vector<1x16xf32>,
        %get3A_621 = vector.shape_cast %get3A_620 : vector<1x16xf32> to vector<16xf32>
        %mul3A_622 = arith.mulf %gather3A_347, %get3A_621 : vector<16xf32>
        %add3A_623 = arith.addf %add3A_617, %mul3A_622 : vector<16xf32>
        %get3A_624 = arith.index_cast %add3A_239 : i32 to index
        %get3A_625 = arith.constant 832 : index
        %get3A_626 = tpu.vector_load %arg12[%get3A_624, %get3A_625] {strides = array<i32>} : memref<20x1024xf32, #tpu.memory_space<vmem>>, vector<1x16xf32>,
        %get3A_627 = vector.shape_cast %get3A_626 : vector<1x16xf32> to vector<16xf32>
        %mul3A_628 = arith.mulf %gather3A_364, %get3A_627 : vector<16xf32>
        %add3A_629 = arith.addf %add3A_623, %mul3A_628 : vector<16xf32>
        %get3A_630 = arith.index_cast %add3A_239 : i32 to index
        %get3A_631 = arith.constant 960 : index
        %get3A_632 = tpu.vector_load %arg12[%get3A_630, %get3A_631] {strides = array<i32>} : memref<20x1024xf32, #tpu.memory_space<vmem>>, vector<1x16xf32>,
        %get3A_633 = vector.shape_cast %get3A_632 : vector<1x16xf32> to vector<16xf32>
        %mul3A_634 = arith.mulf %gather3A_381, %get3A_633 : vector<16xf32>
        %add3A_635 = arith.addf %add3A_629, %mul3A_634 : vector<16xf32>
        %swap3A_636 = arith.index_cast %add3A_239 : i32 to index
        %swap3A_637 = arith.constant 64 : index
        %swap3A_638 = tpu.vector_load %arg18[%swap3A_636, %swap3A_637] {strides = array<i32>} : memref<20x128xf32, #tpu.memory_space<vmem>>, vector<1x16xf32>,
        %swap3A_639 = vector.shape_cast %swap3A_638 : vector<1x16xf32> to vector<16xf32>
        %swap3A_640 = vector.shape_cast %add3A_635 : vector<16xf32> to vector<1x16xf32>
        tpu.vector_store %arg18[%swap3A_636, %swap3A_637], %swap3A_640 {strides = array<i32>} : memref<20x128xf32, #tpu.memory_space<vmem>>, vector<1x16xf32>,
        %get3A_641 = arith.index_cast %add3A_239 : i32 to index
        %get3A_642 = arith.constant 80 : index
        %get3A_643 = tpu.vector_load %arg12[%get3A_641, %get3A_642] {strides = array<i32>} : memref<20x1024xf32, #tpu.memory_space<vmem>>, vector<1x16xf32>,
        %get3A_644 = vector.shape_cast %get3A_643 : vector<1x16xf32> to vector<16xf32>
        %mul3A_645 = arith.mulf %gather3A_262, %get3A_644 : vector<16xf32>
        %get3A_646 = arith.index_cast %add3A_239 : i32 to index
        %get3A_647 = arith.constant 208 : index
        %get3A_648 = tpu.vector_load %arg12[%get3A_646, %get3A_647] {strides = array<i32>} : memref<20x1024xf32, #tpu.memory_space<vmem>>, vector<1x16xf32>,
        %get3A_649 = vector.shape_cast %get3A_648 : vector<1x16xf32> to vector<16xf32>
        %mul3A_650 = arith.mulf %gather3A_279, %get3A_649 : vector<16xf32>
        %add3A_651 = arith.addf %mul3A_645, %mul3A_650 : vector<16xf32>
        %get3A_652 = arith.index_cast %add3A_239 : i32 to index
        %get3A_653 = arith.constant 336 : index
        %get3A_654 = tpu.vector_load %arg12[%get3A_652, %get3A_653] {strides = array<i32>} : memref<20x1024xf32, #tpu.memory_space<vmem>>, vector<1x16xf32>,
        %get3A_655 = vector.shape_cast %get3A_654 : vector<1x16xf32> to vector<16xf32>
        %mul3A_656 = arith.mulf %gather3A_296, %get3A_655 : vector<16xf32>
        %add3A_657 = arith.addf %add3A_651, %mul3A_656 : vector<16xf32>
        %get3A_658 = arith.index_cast %add3A_239 : i32 to index
        %get3A_659 = arith.constant 464 : index
        %get3A_660 = tpu.vector_load %arg12[%get3A_658, %get3A_659] {strides = array<i32>} : memref<20x1024xf32, #tpu.memory_space<vmem>>, vector<1x16xf32>,
        %get3A_661 = vector.shape_cast %get3A_660 : vector<1x16xf32> to vector<16xf32>
        %mul3A_662 = arith.mulf %gather3A_313, %get3A_661 : vector<16xf32>
        %add3A_663 = arith.addf %add3A_657, %mul3A_662 : vector<16xf32>
        %get3A_664 = arith.index_cast %add3A_239 : i32 to index
        %get3A_665 = arith.constant 592 : index
        %get3A_666 = tpu.vector_load %arg12[%get3A_664, %get3A_665] {strides = array<i32>} : memref<20x1024xf32, #tpu.memory_space<vmem>>, vector<1x16xf32>,
        %get3A_667 = vector.shape_cast %get3A_666 : vector<1x16xf32> to vector<16xf32>
        %mul3A_668 = arith.mulf %gather3A_330, %get3A_667 : vector<16xf32>
        %add3A_669 = arith.addf %add3A_663, %mul3A_668 : vector<16xf32>
        %get3A_670 = arith.index_cast %add3A_239 : i32 to index
        %get3A_671 = arith.constant 720 : index
        %get3A_672 = tpu.vector_load %arg12[%get3A_670, %get3A_671] {strides = array<i32>} : memref<20x1024xf32, #tpu.memory_space<vmem>>, vector<1x16xf32>,
        %get3A_673 = vector.shape_cast %get3A_672 : vector<1x16xf32> to vector<16xf32>
        %mul3A_674 = arith.mulf %gather3A_347, %get3A_673 : vector<16xf32>
        %add3A_675 = arith.addf %add3A_669, %mul3A_674 : vector<16xf32>
        %get3A_676 = arith.index_cast %add3A_239 : i32 to index
        %get3A_677 = arith.constant 848 : index
        %get3A_678 = tpu.vector_load %arg12[%get3A_676, %get3A_677] {strides = array<i32>} : memref<20x1024xf32, #tpu.memory_space<vmem>>, vector<1x16xf32>,
        %get3A_679 = vector.shape_cast %get3A_678 : vector<1x16xf32> to vector<16xf32>
        %mul3A_680 = arith.mulf %gather3A_364, %get3A_679 : vector<16xf32>
        %add3A_681 = arith.addf %add3A_675, %mul3A_680 : vector<16xf32>
        %get3A_682 = arith.index_cast %add3A_239 : i32 to index
        %get3A_683 = arith.constant 976 : index
        %get3A_684 = tpu.vector_load %arg12[%get3A_682, %get3A_683] {strides = array<i32>} : memref<20x1024xf32, #tpu.memory_space<vmem>>, vector<1x16xf32>,
        %get3A_685 = vector.shape_cast %get3A_684 : vector<1x16xf32> to vector<16xf32>
        %mul3A_686 = arith.mulf %gather3A_381, %get3A_685 : vector<16xf32>
        %add3A_687 = arith.addf %add3A_681, %mul3A_686 : vector<16xf32>
        %swap3A_688 = arith.index_cast %add3A_239 : i32 to index
        %swap3A_689 = arith.constant 80 : index
        %swap3A_690 = tpu.vector_load %arg18[%swap3A_688, %swap3A_689] {strides = array<i32>} : memref<20x128xf32, #tpu.memory_space<vmem>>, vector<1x16xf32>,
        %swap3A_691 = vector.shape_cast %swap3A_690 : vector<1x16xf32> to vector<16xf32>
        %swap3A_692 = vector.shape_cast %add3A_687 : vector<16xf32> to vector<1x16xf32>
        tpu.vector_store %arg18[%swap3A_688, %swap3A_689], %swap3A_692 {strides = array<i32>} : memref<20x128xf32, #tpu.memory_space<vmem>>, vector<1x16xf32>,
        %get3A_693 = arith.index_cast %add3A_239 : i32 to index
        %get3A_694 = arith.constant 96 : index
        %get3A_695 = tpu.vector_load %arg12[%get3A_693, %get3A_694] {strides = array<i32>} : memref<20x1024xf32, #tpu.memory_space<vmem>>, vector<1x16xf32>,
        %get3A_696 = vector.shape_cast %get3A_695 : vector<1x16xf32> to vector<16xf32>
        %mul3A_697 = arith.mulf %gather3A_262, %get3A_696 : vector<16xf32>
        %get3A_698 = arith.index_cast %add3A_239 : i32 to index
        %get3A_699 = arith.constant 224 : index
        %get3A_700 = tpu.vector_load %arg12[%get3A_698, %get3A_699] {strides = array<i32>} : memref<20x1024xf32, #tpu.memory_space<vmem>>, vector<1x16xf32>,
        %get3A_701 = vector.shape_cast %get3A_700 : vector<1x16xf32> to vector<16xf32>
        %mul3A_702 = arith.mulf %gather3A_279, %get3A_701 : vector<16xf32>
        %add3A_703 = arith.addf %mul3A_697, %mul3A_702 : vector<16xf32>
        %get3A_704 = arith.index_cast %add3A_239 : i32 to index
        %get3A_705 = arith.constant 352 : index
        %get3A_706 = tpu.vector_load %arg12[%get3A_704, %get3A_705] {strides = array<i32>} : memref<20x1024xf32, #tpu.memory_space<vmem>>, vector<1x16xf32>,
        %get3A_707 = vector.shape_cast %get3A_706 : vector<1x16xf32> to vector<16xf32>
        %mul3A_708 = arith.mulf %gather3A_296, %get3A_707 : vector<16xf32>
        %add3A_709 = arith.addf %add3A_703, %mul3A_708 : vector<16xf32>
        %get3A_710 = arith.index_cast %add3A_239 : i32 to index
        %get3A_711 = arith.constant 480 : index
        %get3A_712 = tpu.vector_load %arg12[%get3A_710, %get3A_711] {strides = array<i32>} : memref<20x1024xf32, #tpu.memory_space<vmem>>, vector<1x16xf32>,
        %get3A_713 = vector.shape_cast %get3A_712 : vector<1x16xf32> to vector<16xf32>
        %mul3A_714 = arith.mulf %gather3A_313, %get3A_713 : vector<16xf32>
        %add3A_715 = arith.addf %add3A_709, %mul3A_714 : vector<16xf32>
        %get3A_716 = arith.index_cast %add3A_239 : i32 to index
        %get3A_717 = arith.constant 608 : index
        %get3A_718 = tpu.vector_load %arg12[%get3A_716, %get3A_717] {strides = array<i32>} : memref<20x1024xf32, #tpu.memory_space<vmem>>, vector<1x16xf32>,
        %get3A_719 = vector.shape_cast %get3A_718 : vector<1x16xf32> to vector<16xf32>
        %mul3A_720 = arith.mulf %gather3A_330, %get3A_719 : vector<16xf32>
        %add3A_721 = arith.addf %add3A_715, %mul3A_720 : vector<16xf32>
        %get3A_722 = arith.index_cast %add3A_239 : i32 to index
        %get3A_723 = arith.constant 736 : index
        %get3A_724 = tpu.vector_load %arg12[%get3A_722, %get3A_723] {strides = array<i32>} : memref<20x1024xf32, #tpu.memory_space<vmem>>, vector<1x16xf32>,
        %get3A_725 = vector.shape_cast %get3A_724 : vector<1x16xf32> to vector<16xf32>
        %mul3A_726 = arith.mulf %gather3A_347, %get3A_725 : vector<16xf32>
        %add3A_727 = arith.addf %add3A_721, %mul3A_726 : vector<16xf32>
        %get3A_728 = arith.index_cast %add3A_239 : i32 to index
        %get3A_729 = arith.constant 864 : index
        %get3A_730 = tpu.vector_load %arg12[%get3A_728, %get3A_729] {strides = array<i32>} : memref<20x1024xf32, #tpu.memory_space<vmem>>, vector<1x16xf32>,
        %get3A_731 = vector.shape_cast %get3A_730 : vector<1x16xf32> to vector<16xf32>
        %mul3A_732 = arith.mulf %gather3A_364, %get3A_731 : vector<16xf32>
        %add3A_733 = arith.addf %add3A_727, %mul3A_732 : vector<16xf32>
        %get3A_734 = arith.index_cast %add3A_239 : i32 to index
        %get3A_735 = arith.constant 992 : index
        %get3A_736 = tpu.vector_load %arg12[%get3A_734, %get3A_735] {strides = array<i32>} : memref<20x1024xf32, #tpu.memory_space<vmem>>, vector<1x16xf32>,
        %get3A_737 = vector.shape_cast %get3A_736 : vector<1x16xf32> to vector<16xf32>
        %mul3A_738 = arith.mulf %gather3A_381, %get3A_737 : vector<16xf32>
        %add3A_739 = arith.addf %add3A_733, %mul3A_738 : vector<16xf32>
        %swap3A_740 = arith.index_cast %add3A_239 : i32 to index
        %swap3A_741 = arith.constant 96 : index
        %swap3A_742 = tpu.vector_load %arg18[%swap3A_740, %swap3A_741] {strides = array<i32>} : memref<20x128xf32, #tpu.memory_space<vmem>>, vector<1x16xf32>,
        %swap3A_743 = vector.shape_cast %swap3A_742 : vector<1x16xf32> to vector<16xf32>
        %swap3A_744 = vector.shape_cast %add3A_739 : vector<16xf32> to vector<1x16xf32>
        tpu.vector_store %arg18[%swap3A_740, %swap3A_741], %swap3A_744 {strides = array<i32>} : memref<20x128xf32, #tpu.memory_space<vmem>>, vector<1x16xf32>,
        %get3A_745 = arith.index_cast %add3A_239 : i32 to index
        %get3A_746 = arith.constant 112 : index
        %get3A_747 = tpu.vector_load %arg12[%get3A_745, %get3A_746] {strides = array<i32>} : memref<20x1024xf32, #tpu.memory_space<vmem>>, vector<1x16xf32>,
        %get3A_748 = vector.shape_cast %get3A_747 : vector<1x16xf32> to vector<16xf32>
        %mul3A_749 = arith.mulf %gather3A_262, %get3A_748 : vector<16xf32>
        %get3A_750 = arith.index_cast %add3A_239 : i32 to index
        %get3A_751 = arith.constant 240 : index
        %get3A_752 = tpu.vector_load %arg12[%get3A_750, %get3A_751] {strides = array<i32>} : memref<20x1024xf32, #tpu.memory_space<vmem>>, vector<1x16xf32>,
        %get3A_753 = vector.shape_cast %get3A_752 : vector<1x16xf32> to vector<16xf32>
        %mul3A_754 = arith.mulf %gather3A_279, %get3A_753 : vector<16xf32>
        %add3A_755 = arith.addf %mul3A_749, %mul3A_754 : vector<16xf32>
        %get3A_756 = arith.index_cast %add3A_239 : i32 to index
        %get3A_757 = arith.constant 368 : index
        %get3A_758 = tpu.vector_load %arg12[%get3A_756, %get3A_757] {strides = array<i32>} : memref<20x1024xf32, #tpu.memory_space<vmem>>, vector<1x16xf32>,
        %get3A_759 = vector.shape_cast %get3A_758 : vector<1x16xf32> to vector<16xf32>
        %mul3A_760 = arith.mulf %gather3A_296, %get3A_759 : vector<16xf32>
        %add3A_761 = arith.addf %add3A_755, %mul3A_760 : vector<16xf32>
        %get3A_762 = arith.index_cast %add3A_239 : i32 to index
        %get3A_763 = arith.constant 496 : index
        %get3A_764 = tpu.vector_load %arg12[%get3A_762, %get3A_763] {strides = array<i32>} : memref<20x1024xf32, #tpu.memory_space<vmem>>, vector<1x16xf32>,
        %get3A_765 = vector.shape_cast %get3A_764 : vector<1x16xf32> to vector<16xf32>
        %mul3A_766 = arith.mulf %gather3A_313, %get3A_765 : vector<16xf32>
        %add3A_767 = arith.addf %add3A_761, %mul3A_766 : vector<16xf32>
        %get3A_768 = arith.index_cast %add3A_239 : i32 to index
        %get3A_769 = arith.constant 624 : index
        %get3A_770 = tpu.vector_load %arg12[%get3A_768, %get3A_769] {strides = array<i32>} : memref<20x1024xf32, #tpu.memory_space<vmem>>, vector<1x16xf32>,
        %get3A_771 = vector.shape_cast %get3A_770 : vector<1x16xf32> to vector<16xf32>
        %mul3A_772 = arith.mulf %gather3A_330, %get3A_771 : vector<16xf32>
        %add3A_773 = arith.addf %add3A_767, %mul3A_772 : vector<16xf32>
        %get3A_774 = arith.index_cast %add3A_239 : i32 to index
        %get3A_775 = arith.constant 752 : index
        %get3A_776 = tpu.vector_load %arg12[%get3A_774, %get3A_775] {strides = array<i32>} : memref<20x1024xf32, #tpu.memory_space<vmem>>, vector<1x16xf32>,
        %get3A_777 = vector.shape_cast %get3A_776 : vector<1x16xf32> to vector<16xf32>
        %mul3A_778 = arith.mulf %gather3A_347, %get3A_777 : vector<16xf32>
        %add3A_779 = arith.addf %add3A_773, %mul3A_778 : vector<16xf32>
        %get3A_780 = arith.index_cast %add3A_239 : i32 to index
        %get3A_781 = arith.constant 880 : index
        %get3A_782 = tpu.vector_load %arg12[%get3A_780, %get3A_781] {strides = array<i32>} : memref<20x1024xf32, #tpu.memory_space<vmem>>, vector<1x16xf32>,
        %get3A_783 = vector.shape_cast %get3A_782 : vector<1x16xf32> to vector<16xf32>
        %mul3A_784 = arith.mulf %gather3A_364, %get3A_783 : vector<16xf32>
        %add3A_785 = arith.addf %add3A_779, %mul3A_784 : vector<16xf32>
        %get3A_786 = arith.index_cast %add3A_239 : i32 to index
        %get3A_787 = arith.constant 1008 : index
        %get3A_788 = tpu.vector_load %arg12[%get3A_786, %get3A_787] {strides = array<i32>} : memref<20x1024xf32, #tpu.memory_space<vmem>>, vector<1x16xf32>,
        %get3A_789 = vector.shape_cast %get3A_788 : vector<1x16xf32> to vector<16xf32>
        %mul3A_790 = arith.mulf %gather3A_381, %get3A_789 : vector<16xf32>
        %add3A_791 = arith.addf %add3A_785, %mul3A_790 : vector<16xf32>
        %swap3A_792 = arith.index_cast %add3A_239 : i32 to index
        %swap3A_793 = arith.constant 112 : index
        %swap3A_794 = tpu.vector_load %arg18[%swap3A_792, %swap3A_793] {strides = array<i32>} : memref<20x128xf32, #tpu.memory_space<vmem>>, vector<1x16xf32>,
        %swap3A_795 = vector.shape_cast %swap3A_794 : vector<1x16xf32> to vector<16xf32>
        %swap3A_796 = vector.shape_cast %add3A_791 : vector<16xf32> to vector<1x16xf32>
        tpu.vector_store %arg18[%swap3A_792, %swap3A_793], %swap3A_796 {strides = array<i32>} : memref<20x128xf32, #tpu.memory_space<vmem>>, vector<1x16xf32>,
      }
      %scan3A_223 = arith.constant 20 : i32
      %run_scoped3A_224 = arith.constant 1 : i32
      "tpu.region"() ({
        %run_scoped3A_235 = tpu.sem_alloc : memref<!tpu.dma_semaphore, #tpu.memory_space<semaphore_mem>>
        %dma_start3A_236 = arith.constant 0 : i32
        %dma_start3A_237 = tpu.memref_slice %arg10[%run_scoped3A_224, %dma_start3A_236] : memref<2x20xi32, #tpu.memory_space<vmem>> -> memref<1x20xi32, #tpu.memory_space<vmem>>
        %dma_start3A_238 = tpu.memref_squeeze %dma_start3A_237 : memref<1x20xi32, #tpu.memory_space<vmem>> -> memref<20xi32, #tpu.memory_space<vmem>>
        %dma_start3A_239 = arith.constant 0 : i32
        %dma_start3A_240 = arith.constant 0 : i32
        %dma_start3A_241 = tpu.memref_slice %arg8[%dma_start3A_239, %dma_start3A_240] : memref<10112x128xf32, #tpu.memory_space<vmem_shared>> -> memref<10112x128xf32, #tpu.memory_space<vmem_shared>>
        tpu.enqueue_indirect_dma source(%arg18 : memref<20x128xf32, #tpu.memory_space<vmem>>) target(%dma_start3A_241 : memref<10112x128xf32, #tpu.memory_space<vmem_shared>>) offsets(%dma_start3A_238 : memref<20xi32, #tpu.memory_space<vmem>>) semaphore(%run_scoped3A_235 : memref<!tpu.dma_semaphore, #tpu.memory_space<semaphore_mem>>) {add = true}
        %dma_wait3A_242 = arith.constant 0 : i32
        %dma_wait3A_243 = tpu.memref_slice %arg10[%run_scoped3A_224, %dma_wait3A_242] : memref<2x20xi32, #tpu.memory_space<vmem>> -> memref<1x20xi32, #tpu.memory_space<vmem>>
        %dma_wait3A_244 = tpu.memref_squeeze %dma_wait3A_243 : memref<1x20xi32, #tpu.memory_space<vmem>> -> memref<20xi32, #tpu.memory_space<vmem>>
        %dma_wait3A_245 = arith.constant 0 : i32
        %dma_wait3A_246 = arith.constant 0 : i32
        %dma_wait3A_247 = tpu.memref_slice %arg8[%dma_wait3A_245, %dma_wait3A_246] : memref<10112x128xf32, #tpu.memory_space<vmem_shared>> -> memref<10112x128xf32, #tpu.memory_space<vmem_shared>>
        tpu.wait_indirect_dma semaphore(%run_scoped3A_235 : memref<!tpu.dma_semaphore, #tpu.memory_space<semaphore_mem>>) src(%arg18 : memref<20x128xf32, #tpu.memory_space<vmem>>) dst(%dma_wait3A_247 : memref<10112x128xf32, #tpu.memory_space<vmem_shared>>)
        tpu.yield
      }) : () -> ()
      %add3A_225 = arith.constant 2 : i32
      %add3A_226 = arith.addi %add3A_160, %add3A_225 : i32
      %dma_start3A_227 = arith.constant 0 : i32
      %dma_start3A_228 = arith.constant 0 : i32
      %dma_start3A_229 = tpu.memref_slice %arg5[%arg0, %arg1, %add3A_226, %dma_start3A_227, %dma_start3A_228] : memref<2x16x1034x2x20xi32, #tpu.memory_space<hbm>> -> memref<1x1x1x2x20xi32, #tpu.memory_space<hbm>>
      %dma_start3A_230 = tpu.memref_squeeze %dma_start3A_229 : memref<1x1x1x2x20xi32, #tpu.memory_space<hbm>> -> memref<2x20xi32, #tpu.memory_space<hbm>>
      %dma_start3A_231 = arith.constant 0 : i32
      %dma_start3A_232 = arith.constant 0 : i32
      %dma_start3A_233 = tpu.memref_slice %arg5[%arg0, %arg1, %add3A_226, %dma_start3A_231, %dma_start3A_232] : memref<2x16x1034x2x20xi32, #tpu.memory_space<hbm>> -> memref<1x1x1x2x20xi32, #tpu.memory_space<hbm>>
      %dma_start3A_234 = tpu.memref_squeeze %dma_start3A_233 : memref<1x1x1x2x20xi32, #tpu.memory_space<hbm>> -> memref<2x20xi32, #tpu.memory_space<hbm>>
      tpu.enqueue_dma source(%dma_start3A_234 : memref<2x20xi32, #tpu.memory_space<hbm>>) target(%arg10 : memref<2x20xi32, #tpu.memory_space<vmem>>) target_semaphore(%arg22 : memref<!tpu.dma_semaphore, #tpu.memory_space<semaphore_mem>>)
    }
    %scan3A_35 = arith.constant 516 : i32
    %dma_wait3A = arith.constant 0 : i32
    %dma_wait3A_36 = arith.constant 0 : i32
    %dma_wait3A_37 = tpu.memref_slice %arg9[%dma_wait3A, %dma_wait3A_36] : memref<2x20xi32, #tpu.memory_space<vmem>> -> memref<1x20xi32, #tpu.memory_space<vmem>>
    %dma_wait3A_38 = tpu.memref_squeeze %dma_wait3A_37 : memref<1x20xi32, #tpu.memory_space<vmem>> -> memref<20xi32, #tpu.memory_space<vmem>>
    %dma_wait3A_39 = arith.constant 0 : i32
    %dma_wait3A_40 = arith.constant 0 : i32
    %dma_wait3A_41 = tpu.memref_slice %arg2[%dma_wait3A_39, %dma_wait3A_40] : memref<20000x1024xf32, #tpu.memory_space<hbm>> -> memref<20000x1024xf32, #tpu.memory_space<hbm>>
    tpu.wait_indirect_dma semaphore(%arg19 : memref<!tpu.dma_semaphore, #tpu.memory_space<semaphore_mem>>) src(%dma_wait3A_41 : memref<20000x1024xf32, #tpu.memory_space<hbm>>) dst(%arg11 : memref<20x1024xf32, #tpu.memory_space<vmem>>)
    %dma_wait3A_42 = arith.constant 1 : i32
    %dma_wait3A_43 = arith.constant 0 : i32
    %dma_wait3A_44 = tpu.memref_slice %arg9[%dma_wait3A_42, %dma_wait3A_43] : memref<2x20xi32, #tpu.memory_space<vmem>> -> memref<1x20xi32, #tpu.memory_space<vmem>>
    %dma_wait3A_45 = tpu.memref_squeeze %dma_wait3A_44 : memref<1x20xi32, #tpu.memory_space<vmem>> -> memref<20xi32, #tpu.memory_space<vmem>>
    %dma_wait3A_46 = arith.constant 0 : i32
    %dma_wait3A_47 = arith.constant 0 : i32
    %dma_wait3A_48 = tpu.memref_slice %arg4[%dma_wait3A_46, %dma_wait3A_47] : memref<10112x16xf32, #tpu.memory_space<hbm>> -> memref<10112x16xf32, #tpu.memory_space<hbm>>
    tpu.wait_indirect_dma semaphore(%arg19 : memref<!tpu.dma_semaphore, #tpu.memory_space<semaphore_mem>>) src(%dma_wait3A_48 : memref<10112x16xf32, #tpu.memory_space<hbm>>) dst(%arg15 : memref<20x16xf32, #tpu.memory_space<vmem>>)
    %mul3A_49 = arith.constant 20640 : i32
    %mul3A_50 = arith.muli %arg1, %mul3A_49 : i32
    %add3A_51 = arith.constant 20640 : i32
    %add3A_52 = arith.addi %mul3A_50, %add3A_51 : i32
    %dma_wait3A_53 = arith.constant 0 : i32
    %dma_wait3A_54 = tpu.memref_slice %arg3[%add3A_52, %dma_wait3A_53] : memref<330280x16xf32, #tpu.memory_space<hbm>> -> memref<20x16xf32, #tpu.memory_space<hbm>>
    %dma_wait3A_55 = arith.constant 0 : i32
    %dma_wait3A_56 = tpu.memref_slice %arg3[%add3A_52, %dma_wait3A_55] : memref<330280x16xf32, #tpu.memory_space<hbm>> -> memref<20x16xf32, #tpu.memory_space<hbm>>
    tpu.wait_dma2 semaphore(%arg19 : memref<!tpu.dma_semaphore, #tpu.memory_space<semaphore_mem>>) src(%dma_wait3A_56 : memref<20x16xf32, #tpu.memory_space<hbm>>) dst(%arg13 : memref<20x16xf32, #tpu.memory_space<vmem>>)
    %dma_wait3A_57 = arith.constant 1033 : i32
    %dma_wait3A_58 = arith.constant 0 : i32
    %dma_wait3A_59 = arith.constant 0 : i32
    %dma_wait3A_60 = tpu.memref_slice %arg5[%arg0, %arg1, %dma_wait3A_57, %dma_wait3A_58, %dma_wait3A_59] : memref<2x16x1034x2x20xi32, #tpu.memory_space<hbm>> -> memref<1x1x1x2x20xi32, #tpu.memory_space<hbm>>
    %dma_wait3A_61 = tpu.memref_squeeze %dma_wait3A_60 : memref<1x1x1x2x20xi32, #tpu.memory_space<hbm>> -> memref<2x20xi32, #tpu.memory_space<hbm>>
    %dma_wait3A_62 = arith.constant 0 : i32
    %dma_wait3A_63 = arith.constant 0 : i32
    %dma_wait3A_64 = tpu.memref_slice %arg5[%arg0, %arg1, %dma_wait3A_57, %dma_wait3A_62, %dma_wait3A_63] : memref<2x16x1034x2x20xi32, #tpu.memory_space<hbm>> -> memref<1x1x1x2x20xi32, #tpu.memory_space<hbm>>
    %dma_wait3A_65 = tpu.memref_squeeze %dma_wait3A_64 : memref<1x1x1x2x20xi32, #tpu.memory_space<hbm>> -> memref<2x20xi32, #tpu.memory_space<hbm>>
    tpu.wait_dma2 semaphore(%arg22 : memref<!tpu.dma_semaphore, #tpu.memory_space<semaphore_mem>>) src(%dma_wait3A_65 : memref<2x20xi32, #tpu.memory_space<hbm>>) dst(%arg10 : memref<2x20xi32, #tpu.memory_space<vmem>>)
    %barrier3A_66 = arith.constant 0 : index
    tpu.barrier barrier_id(%barrier3A_66)
    %mul3A_67 = arith.constant 632 : i32
    %mul3A_68 = arith.muli %mul3A_67, %arg1 : i32
    %mul3A_69 = arith.constant 10112 : i32
    %mul3A_70 = arith.muli %mul3A_69, %arg0 : i32
    %mul3A_71 = arith.constant 632 : i32
    %mul3A_72 = arith.muli %mul3A_71, %arg1 : i32
    %add3A_73 = arith.addi %mul3A_70, %mul3A_72 : i32
    "tpu.region"() ({
      %run_scoped3A_74 = tpu.sem_alloc : memref<!tpu.dma_semaphore, #tpu.memory_space<semaphore_mem>>
      %dma_start3A_75 = arith.constant 0 : i32
      %dma_start3A_76 = tpu.memref_slice %arg7[%add3A_73, %dma_start3A_75] : memref<20224x128xf32, #tpu.memory_space<hbm>> -> memref<632x128xf32, #tpu.memory_space<hbm>>
      %dma_start3A_77 = arith.constant 0 : i32
      %dma_start3A_78 = tpu.memref_slice %arg8[%mul3A_68, %dma_start3A_77] : memref<10112x128xf32, #tpu.memory_space<vmem_shared>> -> memref<632x128xf32, #tpu.memory_space<vmem_shared>>
      tpu.enqueue_dma source(%dma_start3A_78 : memref<632x128xf32, #tpu.memory_space<vmem_shared>>) target(%dma_start3A_76 : memref<632x128xf32, #tpu.memory_space<hbm>>) target_semaphore(%run_scoped3A_74 : memref<!tpu.dma_semaphore, #tpu.memory_space<semaphore_mem>>)
      %dma_wait3A_79 = arith.constant 0 : i32
      %dma_wait3A_80 = tpu.memref_slice %arg7[%add3A_73, %dma_wait3A_79] : memref<20224x128xf32, #tpu.memory_space<hbm>> -> memref<632x128xf32, #tpu.memory_space<hbm>>
      %dma_wait3A_81 = arith.constant 0 : i32
      %dma_wait3A_82 = tpu.memref_slice %arg8[%mul3A_68, %dma_wait3A_81] : memref<10112x128xf32, #tpu.memory_space<vmem_shared>> -> memref<632x128xf32, #tpu.memory_space<vmem_shared>>
      tpu.wait_dma2 semaphore(%run_scoped3A_74 : memref<!tpu.dma_semaphore, #tpu.memory_space<semaphore_mem>>) src(%dma_wait3A_82 : memref<632x128xf32, #tpu.memory_space<vmem_shared>>) dst(%dma_wait3A_80 : memref<632x128xf32, #tpu.memory_space<hbm>>)
      tpu.yield
    }) : () -> ()
    return
  }
}

module attributes {stable_mosaic.version = 14 : i64} {
  func.func @_stage_a_body(%arg0: i32, %arg1: i32, %arg2: memref<1000x128xf32, #tpu.memory_space<vmem>>, %arg3: memref<128x128xf32, #tpu.memory_space<vmem>>, %arg4: memref<1x128x4xf32, #tpu.memory_space<vmem>>, %arg5: memref<1x128x4xf32, #tpu.memory_space<vmem>>, %arg6: memref<1000x128xf32, #tpu.memory_space<vmem>>, %arg7: memref<1000x16xf32, #tpu.memory_space<vmem>>, %arg8: memref<1000x144xf32, #tpu.memory_space<vmem>>) attributes {dimension_semantics = [#tpu.dimension_semantics<arbitrary>, #tpu.dimension_semantics<arbitrary>], iteration_bounds = array<i64: 10, 2>, scalar_prefetch = 0 : i64, scratch_operands = 0 : i64, tpu.core_type = #tpu.core_type<tc>, window_params = [{transform_indices = @transform_0, window_bounds = array<i64: 1000, 128>}, {transform_indices = @transform_1, window_bounds = array<i64: 128, 128>}, {transform_indices = @transform_2, window_bounds = array<i64: 1, 128, 4>}, {transform_indices = @transform_3, window_bounds = array<i64: 1, 128, 4>}, {transform_indices = @transform_4, window_bounds = array<i64: 1000, 128>}, {transform_indices = @transform_5, window_bounds = array<i64: 1000, 16>}, {transform_indices = @transform_6, window_bounds = array<i64: 1000, 144>}]} {
    %get3A = arith.constant 0 : index
    %get3A_0 = arith.constant 0 : index
    %get3A_1 = vector.load %arg2[%get3A, %get3A_0] : memref<1000x128xf32, #tpu.memory_space<vmem>>, vector<1000x128xf32>
    %get3A_2 = arith.constant 0 : index
    %get3A_3 = arith.constant 0 : index
    %get3A_4 = vector.load %arg3[%get3A_2, %get3A_3] : memref<128x128xf32, #tpu.memory_space<vmem>>, vector<128x128xf32>
    %dot_general3A = arith.constant dense<0.000000e+00> : vector<1000x128xf32>
    %dot_general3A_5 = tpu.matmul %get3A_1, %get3A_4, %dot_general3A {dimension_numbers = #tpu.dot_dimension_numbers<[1], [0], [0], [1], [0, 0, 1, 1], [], []>, transpose_lhs_hint = false} : vector<1000x128xf32>, vector<128x128xf32>, vector<1000x128xf32> -> vector<1000x128xf32>
    %get3A_6 = arith.constant 0 : index
    %get3A_7 = arith.constant 0 : index
    %get3A_8 = arith.constant 0 : index
    %get3A_9 = vector.load %arg4[%get3A_6, %get3A_7, %get3A_8] : memref<1x128x4xf32, #tpu.memory_space<vmem>>, vector<1x128x4xf32>
    %get3A_10 = vector.shape_cast %get3A_9 : vector<1x128x4xf32> to vector<128x4xf32>
    %dot_general3A_11 = arith.constant dense<0.000000e+00> : vector<1000x4xf32>
    %dot_general3A_12 = tpu.matmul %dot_general3A_5, %get3A_10, %dot_general3A_11 {dimension_numbers = #tpu.dot_dimension_numbers<[1], [0], [0], [1], [0, 0, 1, 1], [], []>, transpose_lhs_hint = false} : vector<1000x128xf32>, vector<128x4xf32>, vector<1000x4xf32> -> vector<1000x4xf32>
    %get3A_13 = arith.constant 0 : index
    %get3A_14 = arith.constant 0 : index
    %get3A_15 = arith.constant 0 : index
    %get3A_16 = vector.load %arg5[%get3A_13, %get3A_14, %get3A_15] : memref<1x128x4xf32, #tpu.memory_space<vmem>>, vector<1x128x4xf32>
    %get3A_17 = vector.shape_cast %get3A_16 : vector<1x128x4xf32> to vector<128x4xf32>
    %dot_general3A_18 = arith.constant dense<0.000000e+00> : vector<1000x4xf32>
    %dot_general3A_19 = tpu.matmul %dot_general3A_5, %get3A_17, %dot_general3A_18 {dimension_numbers = #tpu.dot_dimension_numbers<[1], [0], [0], [1], [0, 0, 1, 1], [], []>, transpose_lhs_hint = false} : vector<1000x128xf32>, vector<128x4xf32>, vector<1000x4xf32> -> vector<1000x4xf32>
    %swap3A = arith.constant 0 : index
    %swap3A_20 = arith.constant 0 : index
    %swap3A_21 = vector.load %arg6[%swap3A, %swap3A_20] : memref<1000x128xf32, #tpu.memory_space<vmem>>, vector<1000x128xf32>
    tpu.vector_store %arg6[%swap3A, %swap3A_20], %dot_general3A_5 {strides = array<i32>} : memref<1000x128xf32, #tpu.memory_space<vmem>>, vector<1000x128xf32>,
    %broadcast_in_dim3A = arith.constant 0.000000e+00 : f32
    %broadcast_in_dim3A_22 = vector.broadcast %broadcast_in_dim3A : f32 to vector<1000x8xf32>
    %concatenate3A = tpu.concatenate %dot_general3A_12, %dot_general3A_19, %broadcast_in_dim3A_22 in 1 : vector<1000x4xf32>, vector<1000x4xf32>, vector<1000x8xf32> -> vector<1000x16xf32>
    %swap3A_23 = arith.constant 0 : index
    %swap3A_24 = arith.constant 0 : index
    %swap3A_25 = vector.load %arg7[%swap3A_23, %swap3A_24] : memref<1000x16xf32, #tpu.memory_space<vmem>>, vector<1000x16xf32>
    tpu.vector_store %arg7[%swap3A_23, %swap3A_24], %concatenate3A {strides = array<i32>} : memref<1000x16xf32, #tpu.memory_space<vmem>>, vector<1000x16xf32>,
    %add3A = arith.addf %dot_general3A_12, %dot_general3A_19 : vector<1000x4xf32>
    %ge3A = arith.constant 0.000000e+00 : f32
    %ge3A_26 = vector.broadcast %ge3A : f32 to vector<1000x4xf32>
    %ge3A_27 = arith.cmpf oge, %add3A, %ge3A_26 : vector<1000x4xf32>
    %mul3A = arith.constant 2.000000e-01 : f32
    %mul3A_28 = vector.broadcast %mul3A : f32 to vector<1000x4xf32>
    %mul3A_29 = arith.mulf %mul3A_28, %add3A : vector<1000x4xf32>
    %select_n3A = arith.select %ge3A_27, %add3A, %mul3A_29 : vector<1000x4xi1>, vector<1000x4xf32>
    %exp3A = math.exp %select_n3A : vector<1000x4xf32>
    %slice3A = vector.extract_strided_slice %dot_general3A_5 {offsets = [0, 0], sizes = [1000, 32], strides = [1, 1]} : vector<1000x128xf32> to vector<1000x32xf32>
    %slice3A_30 = vector.extract_strided_slice %exp3A {offsets = [0, 0], sizes = [1000, 1], strides = [1, 1]} : vector<1000x4xf32> to vector<1000x1xf32>
    %mul3A_31 = vector.broadcast %slice3A_30 : vector<1000x1xf32> to vector<1000x32xf32>
    %mul3A_32 = arith.mulf %slice3A, %mul3A_31 : vector<1000x32xf32>
    %slice3A_33 = vector.extract_strided_slice %dot_general3A_5 {offsets = [0, 32], sizes = [1000, 32], strides = [1, 1]} : vector<1000x128xf32> to vector<1000x32xf32>
    %slice3A_34 = vector.extract_strided_slice %exp3A {offsets = [0, 1], sizes = [1000, 1], strides = [1, 1]} : vector<1000x4xf32> to vector<1000x1xf32>
    %mul3A_35 = vector.broadcast %slice3A_34 : vector<1000x1xf32> to vector<1000x32xf32>
    %mul3A_36 = arith.mulf %slice3A_33, %mul3A_35 : vector<1000x32xf32>
    %slice3A_37 = vector.extract_strided_slice %dot_general3A_5 {offsets = [0, 64], sizes = [1000, 32], strides = [1, 1]} : vector<1000x128xf32> to vector<1000x32xf32>
    %slice3A_38 = vector.extract_strided_slice %exp3A {offsets = [0, 2], sizes = [1000, 1], strides = [1, 1]} : vector<1000x4xf32> to vector<1000x1xf32>
    %mul3A_39 = vector.broadcast %slice3A_38 : vector<1000x1xf32> to vector<1000x32xf32>
    %mul3A_40 = arith.mulf %slice3A_37, %mul3A_39 : vector<1000x32xf32>
    %slice3A_41 = vector.extract_strided_slice %dot_general3A_5 {offsets = [0, 96], sizes = [1000, 32], strides = [1, 1]} : vector<1000x128xf32> to vector<1000x32xf32>
    %slice3A_42 = vector.extract_strided_slice %exp3A {offsets = [0, 3], sizes = [1000, 1], strides = [1, 1]} : vector<1000x4xf32> to vector<1000x1xf32>
    %mul3A_43 = vector.broadcast %slice3A_42 : vector<1000x1xf32> to vector<1000x32xf32>
    %mul3A_44 = arith.mulf %slice3A_41, %mul3A_43 : vector<1000x32xf32>
    %broadcast_in_dim3A_45 = arith.constant 0.000000e+00 : f32
    %broadcast_in_dim3A_46 = vector.broadcast %broadcast_in_dim3A_45 : f32 to vector<1000x12xf32>
    %concatenate3A_47 = tpu.concatenate %mul3A_32, %mul3A_36, %mul3A_40, %mul3A_44, %exp3A, %broadcast_in_dim3A_46 in 1 : vector<1000x32xf32>, vector<1000x32xf32>, vector<1000x32xf32>, vector<1000x32xf32>, vector<1000x4xf32>, vector<1000x12xf32> -> vector<1000x144xf32>
    %swap3A_48 = arith.constant 0 : index
    %swap3A_49 = arith.constant 0 : index
    %swap3A_50 = vector.load %arg8[%swap3A_48, %swap3A_49] : memref<1000x144xf32, #tpu.memory_space<vmem>>, vector<1000x144xf32>
    tpu.vector_store %arg8[%swap3A_48, %swap3A_49], %concatenate3A_47 {strides = array<i32>} : memref<1000x144xf32, #tpu.memory_space<vmem>>, vector<1000x144xf32>,
    return
  }
  func.func @transform_0(%arg0: i32, %arg1: i32) -> (i32, i32) {
    %c0_i32 = arith.constant 0 : i32
    %c0_i32_0 = arith.constant 0 : i32
    return %arg0, %c0_i32 : i32, i32
  }
  func.func @transform_1(%arg0: i32, %arg1: i32) -> (i32, i32) {
    %c0_i32 = arith.constant 0 : i32
    %c0_i32_0 = arith.constant 0 : i32
    return %c0_i32, %arg1 : i32, i32
  }
  func.func @transform_2(%arg0: i32, %arg1: i32) -> (i32, i32, i32) {
    %c0_i32 = arith.constant 0 : i32
    %c0_i32_0 = arith.constant 0 : i32
    %c0_i32_1 = arith.constant 0 : i32
    return %arg1, %c0_i32, %c0_i32_0 : i32, i32, i32
  }
  func.func @transform_3(%arg0: i32, %arg1: i32) -> (i32, i32, i32) {
    %c0_i32 = arith.constant 0 : i32
    %c0_i32_0 = arith.constant 0 : i32
    %c0_i32_1 = arith.constant 0 : i32
    return %arg1, %c0_i32, %c0_i32_0 : i32, i32, i32
  }
  func.func @transform_4(%arg0: i32, %arg1: i32) -> (i32, i32) {
    %mul3A = arith.constant 10 : i32
    %mul3A_0 = arith.muli %arg1, %mul3A : i32
    %add3A = arith.addi %mul3A_0, %arg0 : i32
    %c0_i32 = arith.constant 0 : i32
    %c0_i32_1 = arith.constant 0 : i32
    return %add3A, %c0_i32 : i32, i32
  }
  func.func @transform_5(%arg0: i32, %arg1: i32) -> (i32, i32) {
    %mul3A = arith.constant 10 : i32
    %mul3A_0 = arith.muli %arg1, %mul3A : i32
    %add3A = arith.addi %mul3A_0, %arg0 : i32
    %c0_i32 = arith.constant 0 : i32
    %c0_i32_1 = arith.constant 0 : i32
    return %add3A, %c0_i32 : i32, i32
  }
  func.func @transform_6(%arg0: i32, %arg1: i32) -> (i32, i32) {
    %mul3A = arith.constant 10 : i32
    %mul3A_0 = arith.muli %arg1, %mul3A : i32
    %add3A = arith.addi %mul3A_0, %arg0 : i32
    %c0_i32 = arith.constant 0 : i32
    %c0_i32_1 = arith.constant 0 : i32
    return %add3A, %c0_i32 : i32, i32
  }
}

module attributes {stable_mosaic.version = 14 : i64} {
  func.func @_stage_c_body(%arg0: i32, %arg1: i32, %arg2: memref<1000x144xf32, #tpu.memory_space<vmem>>, %arg3: memref<1000x144xf32, #tpu.memory_space<vmem>>, %arg4: memref<1x256xf32, #tpu.memory_space<vmem>>, %arg5: memref<256x1024xf32, #tpu.memory_space<vmem>>, %arg6: memref<1x1024x8xf32, #tpu.memory_space<vmem>>, %arg7: memref<1x1024x8xf32, #tpu.memory_space<vmem>>, %arg8: memref<1000x1024xf32, #tpu.memory_space<vmem>>, %arg9: memref<1000x16xf32, #tpu.memory_space<vmem>>, %arg10: memref<1000x16xf32, #tpu.memory_space<vmem>>) attributes {dimension_semantics = [#tpu.dimension_semantics<arbitrary>, #tpu.dimension_semantics<arbitrary>], iteration_bounds = array<i64: 10, 2>, scalar_prefetch = 0 : i64, scratch_operands = 0 : i64, tpu.core_type = #tpu.core_type<tc>, window_params = [{transform_indices = @transform_0, window_bounds = array<i64: 1000, 144>}, {transform_indices = @transform_1, window_bounds = array<i64: 1000, 144>}, {pipeline_mode = #tpu.pipeline_mode<synchronous>, transform_indices = @transform_2, window_bounds = array<i64: 1, 256>}, {transform_indices = @transform_3, window_bounds = array<i64: 256, 1024>}, {transform_indices = @transform_4, window_bounds = array<i64: 1, 1024, 8>}, {transform_indices = @transform_5, window_bounds = array<i64: 1, 1024, 8>}, {transform_indices = @transform_6, window_bounds = array<i64: 1000, 1024>}, {transform_indices = @transform_7, window_bounds = array<i64: 1000, 16>}, {transform_indices = @transform_8, window_bounds = array<i64: 1000, 16>}]} {
    %get3A = arith.constant 0 : index
    %get3A_0 = arith.constant 0 : index
    %get3A_1 = vector.load %arg2[%get3A, %get3A_0] : memref<1000x144xf32, #tpu.memory_space<vmem>>, vector<1000x144xf32>
    %slice3A = vector.extract_strided_slice %get3A_1 {offsets = [0, 0], sizes = [1000, 32], strides = [1, 1]} : vector<1000x144xf32> to vector<1000x32xf32>
    %slice3A_2 = vector.extract_strided_slice %get3A_1 {offsets = [0, 128], sizes = [1000, 1], strides = [1, 1]} : vector<1000x144xf32> to vector<1000x1xf32>
    %div3A = vector.broadcast %slice3A_2 : vector<1000x1xf32> to vector<1000x32xf32>
    %div3A_3 = arith.divf %slice3A, %div3A : vector<1000x32xf32>
    %slice3A_4 = vector.extract_strided_slice %get3A_1 {offsets = [0, 32], sizes = [1000, 32], strides = [1, 1]} : vector<1000x144xf32> to vector<1000x32xf32>
    %slice3A_5 = vector.extract_strided_slice %get3A_1 {offsets = [0, 129], sizes = [1000, 1], strides = [1, 1]} : vector<1000x144xf32> to vector<1000x1xf32>
    %div3A_6 = vector.broadcast %slice3A_5 : vector<1000x1xf32> to vector<1000x32xf32>
    %div3A_7 = arith.divf %slice3A_4, %div3A_6 : vector<1000x32xf32>
    %slice3A_8 = vector.extract_strided_slice %get3A_1 {offsets = [0, 64], sizes = [1000, 32], strides = [1, 1]} : vector<1000x144xf32> to vector<1000x32xf32>
    %slice3A_9 = vector.extract_strided_slice %get3A_1 {offsets = [0, 130], sizes = [1000, 1], strides = [1, 1]} : vector<1000x144xf32> to vector<1000x1xf32>
    %div3A_10 = vector.broadcast %slice3A_9 : vector<1000x1xf32> to vector<1000x32xf32>
    %div3A_11 = arith.divf %slice3A_8, %div3A_10 : vector<1000x32xf32>
    %slice3A_12 = vector.extract_strided_slice %get3A_1 {offsets = [0, 96], sizes = [1000, 32], strides = [1, 1]} : vector<1000x144xf32> to vector<1000x32xf32>
    %slice3A_13 = vector.extract_strided_slice %get3A_1 {offsets = [0, 131], sizes = [1000, 1], strides = [1, 1]} : vector<1000x144xf32> to vector<1000x1xf32>
    %div3A_14 = vector.broadcast %slice3A_13 : vector<1000x1xf32> to vector<1000x32xf32>
    %div3A_15 = arith.divf %slice3A_12, %div3A_14 : vector<1000x32xf32>
    %get3A_16 = arith.constant 0 : index
    %get3A_17 = arith.constant 0 : index
    %get3A_18 = vector.load %arg3[%get3A_16, %get3A_17] : memref<1000x144xf32, #tpu.memory_space<vmem>>, vector<1000x144xf32>
    %slice3A_19 = vector.extract_strided_slice %get3A_18 {offsets = [0, 0], sizes = [1000, 32], strides = [1, 1]} : vector<1000x144xf32> to vector<1000x32xf32>
    %slice3A_20 = vector.extract_strided_slice %get3A_18 {offsets = [0, 128], sizes = [1000, 1], strides = [1, 1]} : vector<1000x144xf32> to vector<1000x1xf32>
    %div3A_21 = vector.broadcast %slice3A_20 : vector<1000x1xf32> to vector<1000x32xf32>
    %div3A_22 = arith.divf %slice3A_19, %div3A_21 : vector<1000x32xf32>
    %slice3A_23 = vector.extract_strided_slice %get3A_18 {offsets = [0, 32], sizes = [1000, 32], strides = [1, 1]} : vector<1000x144xf32> to vector<1000x32xf32>
    %slice3A_24 = vector.extract_strided_slice %get3A_18 {offsets = [0, 129], sizes = [1000, 1], strides = [1, 1]} : vector<1000x144xf32> to vector<1000x1xf32>
    %div3A_25 = vector.broadcast %slice3A_24 : vector<1000x1xf32> to vector<1000x32xf32>
    %div3A_26 = arith.divf %slice3A_23, %div3A_25 : vector<1000x32xf32>
    %slice3A_27 = vector.extract_strided_slice %get3A_18 {offsets = [0, 64], sizes = [1000, 32], strides = [1, 1]} : vector<1000x144xf32> to vector<1000x32xf32>
    %slice3A_28 = vector.extract_strided_slice %get3A_18 {offsets = [0, 130], sizes = [1000, 1], strides = [1, 1]} : vector<1000x144xf32> to vector<1000x1xf32>
    %div3A_29 = vector.broadcast %slice3A_28 : vector<1000x1xf32> to vector<1000x32xf32>
    %div3A_30 = arith.divf %slice3A_27, %div3A_29 : vector<1000x32xf32>
    %slice3A_31 = vector.extract_strided_slice %get3A_18 {offsets = [0, 96], sizes = [1000, 32], strides = [1, 1]} : vector<1000x144xf32> to vector<1000x32xf32>
    %slice3A_32 = vector.extract_strided_slice %get3A_18 {offsets = [0, 131], sizes = [1000, 1], strides = [1, 1]} : vector<1000x144xf32> to vector<1000x1xf32>
    %div3A_33 = vector.broadcast %slice3A_32 : vector<1000x1xf32> to vector<1000x32xf32>
    %div3A_34 = arith.divf %slice3A_31, %div3A_33 : vector<1000x32xf32>
    %concatenate3A = tpu.concatenate %div3A_3, %div3A_7, %div3A_11, %div3A_15, %div3A_22, %div3A_26, %div3A_30, %div3A_34 in 1 : vector<1000x32xf32>, vector<1000x32xf32>, vector<1000x32xf32>, vector<1000x32xf32>, vector<1000x32xf32>, vector<1000x32xf32>, vector<1000x32xf32>, vector<1000x32xf32> -> vector<1000x256xf32>
    %get3A_35 = arith.constant 0 : index
    %get3A_36 = arith.constant 0 : index
    %get3A_37 = vector.load %arg4[%get3A_35, %get3A_36] : memref<1x256xf32, #tpu.memory_space<vmem>>, vector<1x256xf32>
    %add3A = vector.broadcast %get3A_37 : vector<1x256xf32> to vector<1000x256xf32>
    %add3A_38 = arith.addf %concatenate3A, %add3A : vector<1000x256xf32>
    %max3A = arith.constant 0.000000e+00 : f32
    %max3A_39 = vector.broadcast %max3A : f32 to vector<1000x256xf32>
    %max3A_40 = arith.maximumf %add3A_38, %max3A_39 : vector<1000x256xf32>
    %get3A_41 = arith.constant 0 : index
    %get3A_42 = arith.constant 0 : index
    %get3A_43 = vector.load %arg5[%get3A_41, %get3A_42] : memref<256x1024xf32, #tpu.memory_space<vmem>>, vector<256x1024xf32>
    %dot_general3A = arith.constant dense<0.000000e+00> : vector<1000x1024xf32>
    %dot_general3A_44 = tpu.matmul %max3A_40, %get3A_43, %dot_general3A {dimension_numbers = #tpu.dot_dimension_numbers<[1], [0], [0], [1], [0, 0, 1, 1], [], []>, transpose_lhs_hint = false} : vector<1000x256xf32>, vector<256x1024xf32>, vector<1000x1024xf32> -> vector<1000x1024xf32>
    %swap3A = arith.constant 0 : index
    %swap3A_45 = arith.constant 0 : index
    %swap3A_46 = vector.load %arg8[%swap3A, %swap3A_45] : memref<1000x1024xf32, #tpu.memory_space<vmem>>, vector<1000x1024xf32>
    tpu.vector_store %arg8[%swap3A, %swap3A_45], %dot_general3A_44 {strides = array<i32>} : memref<1000x1024xf32, #tpu.memory_space<vmem>>, vector<1000x1024xf32>,
    %get3A_47 = arith.constant 0 : index
    %get3A_48 = arith.constant 0 : index
    %get3A_49 = arith.constant 0 : index
    %get3A_50 = vector.load %arg6[%get3A_47, %get3A_48, %get3A_49] : memref<1x1024x8xf32, #tpu.memory_space<vmem>>, vector<1x1024x8xf32>
    %get3A_51 = vector.shape_cast %get3A_50 : vector<1x1024x8xf32> to vector<1024x8xf32>
    %dot_general3A_52 = arith.constant dense<0.000000e+00> : vector<1000x8xf32>
    %dot_general3A_53 = tpu.matmul %dot_general3A_44, %get3A_51, %dot_general3A_52 {dimension_numbers = #tpu.dot_dimension_numbers<[1], [0], [0], [1], [0, 0, 1, 1], [], []>, transpose_lhs_hint = false} : vector<1000x1024xf32>, vector<1024x8xf32>, vector<1000x8xf32> -> vector<1000x8xf32>
    %get3A_54 = arith.constant 0 : index
    %get3A_55 = arith.constant 0 : index
    %get3A_56 = arith.constant 0 : index
    %get3A_57 = vector.load %arg7[%get3A_54, %get3A_55, %get3A_56] : memref<1x1024x8xf32, #tpu.memory_space<vmem>>, vector<1x1024x8xf32>
    %get3A_58 = vector.shape_cast %get3A_57 : vector<1x1024x8xf32> to vector<1024x8xf32>
    %dot_general3A_59 = arith.constant dense<0.000000e+00> : vector<1000x8xf32>
    %dot_general3A_60 = tpu.matmul %dot_general3A_44, %get3A_58, %dot_general3A_59 {dimension_numbers = #tpu.dot_dimension_numbers<[1], [0], [0], [1], [0, 0, 1, 1], [], []>, transpose_lhs_hint = false} : vector<1000x1024xf32>, vector<1024x8xf32>, vector<1000x8xf32> -> vector<1000x8xf32>
    %concatenate3A_61 = tpu.concatenate %dot_general3A_53, %dot_general3A_60 in 1 : vector<1000x8xf32>, vector<1000x8xf32> -> vector<1000x16xf32>
    %eq3A = arith.constant 0 : i32
    %eq3A_62 = arith.cmpi eq, %arg1, %eq3A : i32
    %convert_element_type3A = arith.extui %eq3A_62 : i1 to i32
    %cond3A = arith.constant 0 : i32
    %cond3A_63 = arith.cmpi ne, %convert_element_type3A, %cond3A : i32
    scf.if %cond3A_63 {
      %swap3A_69 = arith.constant 0 : index
      %swap3A_70 = arith.constant 0 : index
      %swap3A_71 = vector.load %arg9[%swap3A_69, %swap3A_70] : memref<1000x16xf32, #tpu.memory_space<vmem>>, vector<1000x16xf32>
      tpu.vector_store %arg9[%swap3A_69, %swap3A_70], %concatenate3A_61 {strides = array<i32>} : memref<1000x16xf32, #tpu.memory_space<vmem>>, vector<1000x16xf32>,
    } else {
    }
    %eq3A_64 = arith.constant 1 : i32
    %eq3A_65 = arith.cmpi eq, %arg1, %eq3A_64 : i32
    %convert_element_type3A_66 = arith.extui %eq3A_65 : i1 to i32
    %cond3A_67 = arith.constant 0 : i32
    %cond3A_68 = arith.cmpi ne, %convert_element_type3A_66, %cond3A_67 : i32
    scf.if %cond3A_68 {
      %get3A_69 = arith.constant 0 : index
      %get3A_70 = arith.constant 0 : index
      %get3A_71 = vector.load %arg9[%get3A_69, %get3A_70] : memref<1000x16xf32, #tpu.memory_space<vmem>>, vector<1000x16xf32>
      %add3A_72 = arith.addf %get3A_71, %concatenate3A_61 : vector<1000x16xf32>
      %swap3A_73 = arith.constant 0 : index
      %swap3A_74 = arith.constant 0 : index
      %swap3A_75 = vector.load %arg9[%swap3A_73, %swap3A_74] : memref<1000x16xf32, #tpu.memory_space<vmem>>, vector<1000x16xf32>
      tpu.vector_store %arg9[%swap3A_73, %swap3A_74], %add3A_72 {strides = array<i32>} : memref<1000x16xf32, #tpu.memory_space<vmem>>, vector<1000x16xf32>,
      %slice3A_76 = vector.extract_strided_slice %add3A_72 {offsets = [0, 0], sizes = [1000, 8], strides = [1, 1]} : vector<1000x16xf32> to vector<1000x8xf32>
      %slice3A_77 = vector.extract_strided_slice %add3A_72 {offsets = [0, 8], sizes = [1000, 8], strides = [1, 1]} : vector<1000x16xf32> to vector<1000x8xf32>
      %add3A_78 = arith.addf %slice3A_76, %slice3A_77 : vector<1000x8xf32>
      %ge3A = arith.constant 0.000000e+00 : f32
      %ge3A_79 = vector.broadcast %ge3A : f32 to vector<1000x8xf32>
      %ge3A_80 = arith.cmpf oge, %add3A_78, %ge3A_79 : vector<1000x8xf32>
      %mul3A = arith.constant 2.000000e-01 : f32
      %mul3A_81 = vector.broadcast %mul3A : f32 to vector<1000x8xf32>
      %mul3A_82 = arith.mulf %mul3A_81, %add3A_78 : vector<1000x8xf32>
      %select_n3A = arith.select %ge3A_80, %add3A_78, %mul3A_82 : vector<1000x8xi1>, vector<1000x8xf32>
      %exp3A = math.exp %select_n3A : vector<1000x8xf32>
      %concatenate3A_83 = tpu.concatenate %exp3A, %exp3A in 1 : vector<1000x8xf32>, vector<1000x8xf32> -> vector<1000x16xf32>
      %swap3A_84 = arith.constant 0 : index
      %swap3A_85 = arith.constant 0 : index
      %swap3A_86 = vector.load %arg10[%swap3A_84, %swap3A_85] : memref<1000x16xf32, #tpu.memory_space<vmem>>, vector<1000x16xf32>
      tpu.vector_store %arg10[%swap3A_84, %swap3A_85], %concatenate3A_83 {strides = array<i32>} : memref<1000x16xf32, #tpu.memory_space<vmem>>, vector<1000x16xf32>,
    } else {
    }
    return
  }
  func.func @transform_0(%arg0: i32, %arg1: i32) -> (i32, i32) {
    %c0_i32 = arith.constant 0 : i32
    %c0_i32_0 = arith.constant 0 : i32
    return %arg0, %c0_i32 : i32, i32
  }
  func.func @transform_1(%arg0: i32, %arg1: i32) -> (i32, i32) {
    %c0_i32 = arith.constant 0 : i32
    %c0_i32_0 = arith.constant 0 : i32
    return %arg0, %c0_i32 : i32, i32
  }
  func.func @transform_2(%arg0: i32, %arg1: i32) -> (i32, i32) {
    %c0_i32 = arith.constant 0 : i32
    %c0_i32_0 = arith.constant 0 : i32
    %c0_i32_1 = arith.constant 0 : i32
    return %c0_i32, %c0_i32_0 : i32, i32
  }
  func.func @transform_3(%arg0: i32, %arg1: i32) -> (i32, i32) {
    %c0_i32 = arith.constant 0 : i32
    %c0_i32_0 = arith.constant 0 : i32
    return %c0_i32, %arg1 : i32, i32
  }
  func.func @transform_4(%arg0: i32, %arg1: i32) -> (i32, i32, i32) {
    %c0_i32 = arith.constant 0 : i32
    %c0_i32_0 = arith.constant 0 : i32
    %c0_i32_1 = arith.constant 0 : i32
    return %arg1, %c0_i32, %c0_i32_0 : i32, i32, i32
  }
  func.func @transform_5(%arg0: i32, %arg1: i32) -> (i32, i32, i32) {
    %c0_i32 = arith.constant 0 : i32
    %c0_i32_0 = arith.constant 0 : i32
    %c0_i32_1 = arith.constant 0 : i32
    return %arg1, %c0_i32, %c0_i32_0 : i32, i32, i32
  }
  func.func @transform_6(%arg0: i32, %arg1: i32) -> (i32, i32) {
    %mul3A = arith.constant 10 : i32
    %mul3A_0 = arith.muli %arg1, %mul3A : i32
    %add3A = arith.addi %mul3A_0, %arg0 : i32
    %c0_i32 = arith.constant 0 : i32
    %c0_i32_1 = arith.constant 0 : i32
    return %add3A, %c0_i32 : i32, i32
  }
  func.func @transform_7(%arg0: i32, %arg1: i32) -> (i32, i32) {
    %c0_i32 = arith.constant 0 : i32
    %c0_i32_0 = arith.constant 0 : i32
    return %arg0, %c0_i32 : i32, i32
  }
  func.func @transform_8(%arg0: i32, %arg1: i32) -> (i32, i32) {
    %c0_i32 = arith.constant 0 : i32
    %c0_i32_0 = arith.constant 0 : i32
    return %arg0, %c0_i32 : i32, i32
  }
}

module attributes {stable_mosaic.version = 14 : i64} {
  func.func @_stage_f_body(%arg0: i32, %arg1: memref<1000x128xf32, #tpu.memory_space<vmem>>, %arg2: memref<1000x128xf32, #tpu.memory_space<vmem>>, %arg3: memref<1x256xf32, #tpu.memory_space<vmem>>, %arg4: memref<1x1x1000xi32, #tpu.memory_space<vmem>>, %arg5: memref<256x10xf32, #tpu.memory_space<vmem>>, %arg6: memref<1x10xf32, #tpu.memory_space<vmem>>, %arg7: memref<64x10xf32, #tpu.memory_space<vmem>>, %arg8: memref<64x256xf32, #tpu.memory_space<vmem>>, %arg9: memref<64x128xf32, #tpu.memory_space<vmem>>) attributes {dimension_semantics = [#tpu.dimension_semantics<arbitrary>], iteration_bounds = array<i64: 10>, scalar_prefetch = 0 : i64, scratch_operands = 2 : i64, tpu.core_type = #tpu.core_type<tc>, window_params = [{transform_indices = @transform_0, window_bounds = array<i64: 1000, 128>}, {transform_indices = @transform_1, window_bounds = array<i64: 1000, 128>}, {pipeline_mode = #tpu.pipeline_mode<synchronous>, transform_indices = @transform_2, window_bounds = array<i64: 1, 256>}, {transform_indices = @transform_3, window_bounds = array<i64: 1, 1, 1000>}, {pipeline_mode = #tpu.pipeline_mode<synchronous>, transform_indices = @transform_4, window_bounds = array<i64: 256, 10>}, {pipeline_mode = #tpu.pipeline_mode<synchronous>, transform_indices = @transform_5, window_bounds = array<i64: 1, 10>}, {pipeline_mode = #tpu.pipeline_mode<synchronous>, transform_indices = @transform_6, window_bounds = array<i64: 64, 10>}]} {
    %get3A = arith.constant 0 : index
    %get3A_0 = arith.constant 0 : index
    %get3A_1 = vector.load %arg1[%get3A, %get3A_0] : memref<1000x128xf32, #tpu.memory_space<vmem>>, vector<1000x128xf32>
    %get3A_2 = arith.constant 0 : index
    %get3A_3 = arith.constant 0 : index
    %get3A_4 = vector.load %arg2[%get3A_2, %get3A_3] : memref<1000x128xf32, #tpu.memory_space<vmem>>, vector<1000x128xf32>
    %concatenate3A = tpu.concatenate %get3A_1, %get3A_4 in 1 : vector<1000x128xf32>, vector<1000x128xf32> -> vector<1000x256xf32>
    %get3A_5 = arith.constant 0 : index
    %get3A_6 = arith.constant 0 : index
    %get3A_7 = vector.load %arg3[%get3A_5, %get3A_6] : memref<1x256xf32, #tpu.memory_space<vmem>>, vector<1x256xf32>
    %add3A = vector.broadcast %get3A_7 : vector<1x256xf32> to vector<1000x256xf32>
    %add3A_8 = arith.addf %concatenate3A, %add3A : vector<1000x256xf32>
    %get3A_9 = arith.constant 0 : index
    %get3A_10 = arith.constant 0 : index
    %get3A_11 = arith.constant 0 : index
    %get3A_12 = vector.load %arg4[%get3A_9, %get3A_10, %get3A_11] : memref<1x1x1000xi32, #tpu.memory_space<vmem>>, vector<1x1x1000xi32>
    %get3A_13 = vector.shape_cast %get3A_12 : vector<1x1x1000xi32> to vector<1000xi32>
    %broadcast_in_dim3A = vector.shape_cast %get3A_13 : vector<1000xi32> to vector<1000x1xi32>
    %iota3A = tpu.iota {dimensions = array<i32: 1>} : vector<1x64xi32>
    %eq3A = vector.broadcast %broadcast_in_dim3A : vector<1000x1xi32> to vector<1000x64xi32>
    %eq3A_14 = vector.broadcast %iota3A : vector<1x64xi32> to vector<1000x64xi32>
    %eq3A_15 = arith.cmpi eq, %eq3A, %eq3A_14 : vector<1000x64xi32>
    %convert_element_type3A = arith.extui %eq3A_15 : vector<1000x64xi1> to vector<1000x64xi32>
    %convert_element_type3A_16 = arith.sitofp %convert_element_type3A : vector<1000x64xi32> to vector<1000x64xf32>
    %dot_general3A = arith.constant dense<0.000000e+00> : vector<64x256xf32>
    %dot_general3A_17 = tpu.matmul %convert_element_type3A_16, %add3A_8, %dot_general3A {dimension_numbers = #tpu.dot_dimension_numbers<[0], [0], [1], [1], [0, 1, 1, 1], [], []>, transpose_lhs_hint = false} : vector<1000x64xf32>, vector<1000x256xf32>, vector<64x256xf32> -> vector<64x256xf32>
    %broadcast_in_dim3A_18 = arith.constant 1.000000e+00 : f32
    %broadcast_in_dim3A_19 = vector.broadcast %broadcast_in_dim3A_18 : f32 to vector<1000x128xf32>
    %dot_general3A_20 = arith.constant dense<0.000000e+00> : vector<64x128xf32>
    %dot_general3A_21 = tpu.matmul %convert_element_type3A_16, %broadcast_in_dim3A_19, %dot_general3A_20 {dimension_numbers = #tpu.dot_dimension_numbers<[0], [0], [1], [1], [0, 1, 1, 1], [], []>, transpose_lhs_hint = false} : vector<1000x64xf32>, vector<1000x128xf32>, vector<64x128xf32> -> vector<64x128xf32>
    %eq3A_22 = arith.constant 0 : i32
    %eq3A_23 = arith.cmpi eq, %arg0, %eq3A_22 : i32
    %convert_element_type3A_24 = arith.extui %eq3A_23 : i1 to i32
    %cond3A = arith.constant 0 : i32
    %cond3A_25 = arith.cmpi ne, %convert_element_type3A_24, %cond3A : i32
    scf.if %cond3A_25 {
      %broadcast_in_dim3A_44 = arith.constant 0.000000e+00 : f32
      %broadcast_in_dim3A_45 = vector.broadcast %broadcast_in_dim3A_44 : f32 to vector<64x256xf32>
      %swap3A_46 = arith.constant 0 : index
      %swap3A_47 = arith.constant 0 : index
      %swap3A_48 = vector.load %arg8[%swap3A_46, %swap3A_47] : memref<64x256xf32, #tpu.memory_space<vmem>>, vector<64x256xf32>
      tpu.vector_store %arg8[%swap3A_46, %swap3A_47], %broadcast_in_dim3A_45 {strides = array<i32>} : memref<64x256xf32, #tpu.memory_space<vmem>>, vector<64x256xf32>,
      %broadcast_in_dim3A_49 = arith.constant 0.000000e+00 : f32
      %broadcast_in_dim3A_50 = vector.broadcast %broadcast_in_dim3A_49 : f32 to vector<64x128xf32>
      %swap3A_51 = arith.constant 0 : index
      %swap3A_52 = arith.constant 0 : index
      %swap3A_53 = vector.load %arg9[%swap3A_51, %swap3A_52] : memref<64x128xf32, #tpu.memory_space<vmem>>, vector<64x128xf32>
      tpu.vector_store %arg9[%swap3A_51, %swap3A_52], %broadcast_in_dim3A_50 {strides = array<i32>} : memref<64x128xf32, #tpu.memory_space<vmem>>, vector<64x128xf32>,
    } else {
    }
    %get3A_26 = arith.constant 0 : index
    %get3A_27 = arith.constant 0 : index
    %get3A_28 = vector.load %arg8[%get3A_26, %get3A_27] : memref<64x256xf32, #tpu.memory_space<vmem>>, vector<64x256xf32>
    %add3A_29 = arith.addf %get3A_28, %dot_general3A_17 : vector<64x256xf32>
    %swap3A = arith.constant 0 : index
    %swap3A_30 = arith.constant 0 : index
    %swap3A_31 = vector.load %arg8[%swap3A, %swap3A_30] : memref<64x256xf32, #tpu.memory_space<vmem>>, vector<64x256xf32>
    tpu.vector_store %arg8[%swap3A, %swap3A_30], %add3A_29 {strides = array<i32>} : memref<64x256xf32, #tpu.memory_space<vmem>>, vector<64x256xf32>,
    %get3A_32 = arith.constant 0 : index
    %get3A_33 = arith.constant 0 : index
    %get3A_34 = vector.load %arg9[%get3A_32, %get3A_33] : memref<64x128xf32, #tpu.memory_space<vmem>>, vector<64x128xf32>
    %add3A_35 = arith.addf %get3A_34, %dot_general3A_21 : vector<64x128xf32>
    %swap3A_36 = arith.constant 0 : index
    %swap3A_37 = arith.constant 0 : index
    %swap3A_38 = vector.load %arg9[%swap3A_36, %swap3A_37] : memref<64x128xf32, #tpu.memory_space<vmem>>, vector<64x128xf32>
    tpu.vector_store %arg9[%swap3A_36, %swap3A_37], %add3A_35 {strides = array<i32>} : memref<64x128xf32, #tpu.memory_space<vmem>>, vector<64x128xf32>,
    %eq3A_39 = arith.constant 9 : i32
    %eq3A_40 = arith.cmpi eq, %arg0, %eq3A_39 : i32
    %convert_element_type3A_41 = arith.extui %eq3A_40 : i1 to i32
    %cond3A_42 = arith.constant 0 : i32
    %cond3A_43 = arith.cmpi ne, %convert_element_type3A_41, %cond3A_42 : i32
    scf.if %cond3A_43 {
      %get3A_44 = arith.constant 0 : index
      %get3A_45 = arith.constant 0 : index
      %get3A_46 = vector.load %arg8[%get3A_44, %get3A_45] : memref<64x256xf32, #tpu.memory_space<vmem>>, vector<64x256xf32>
      %get3A_47 = arith.constant 0 : index
      %get3A_48 = arith.constant 0 : index
      %get3A_49 = vector.load %arg9[%get3A_47, %get3A_48] : memref<64x128xf32, #tpu.memory_space<vmem>>, vector<64x128xf32>
      %slice3A = vector.extract_strided_slice %get3A_49 {offsets = [0, 0], sizes = [64, 1], strides = [1, 1]} : vector<64x128xf32> to vector<64x1xf32>
      %max3A = arith.constant 1.000000e+00 : f32
      %max3A_50 = vector.broadcast %max3A : f32 to vector<64x1xf32>
      %max3A_51 = arith.maximumf %slice3A, %max3A_50 : vector<64x1xf32>
      %div3A = vector.broadcast %max3A_51 : vector<64x1xf32> to vector<64x256xf32>
      %div3A_52 = arith.divf %get3A_46, %div3A : vector<64x256xf32>
      %get3A_53 = arith.constant 0 : index
      %get3A_54 = arith.constant 0 : index
      %get3A_55 = vector.load %arg5[%get3A_53, %get3A_54] : memref<256x10xf32, #tpu.memory_space<vmem>>, vector<256x10xf32>
      %dot_general3A_56 = arith.constant dense<0.000000e+00> : vector<64x10xf32>
      %dot_general3A_57 = tpu.matmul %div3A_52, %get3A_55, %dot_general3A_56 {dimension_numbers = #tpu.dot_dimension_numbers<[1], [0], [0], [1], [0, 0, 1, 1], [], []>, transpose_lhs_hint = false} : vector<64x256xf32>, vector<256x10xf32>, vector<64x10xf32> -> vector<64x10xf32>
      %get3A_58 = arith.constant 0 : index
      %get3A_59 = arith.constant 0 : index
      %get3A_60 = vector.load %arg6[%get3A_58, %get3A_59] : memref<1x10xf32, #tpu.memory_space<vmem>>, vector<1x10xf32>
      %add3A_61 = vector.broadcast %get3A_60 : vector<1x10xf32> to vector<64x10xf32>
      %add3A_62 = arith.addf %dot_general3A_57, %add3A_61 : vector<64x10xf32>
      %swap3A_63 = arith.constant 0 : index
      %swap3A_64 = arith.constant 0 : index
      %swap3A_65 = vector.load %arg7[%swap3A_63, %swap3A_64] : memref<64x10xf32, #tpu.memory_space<vmem>>, vector<64x10xf32>
      tpu.vector_store %arg7[%swap3A_63, %swap3A_64], %add3A_62 {strides = array<i32>} : memref<64x10xf32, #tpu.memory_space<vmem>>, vector<64x10xf32>,
    } else {
    }
    return
  }
  func.func @transform_0(%arg0: i32) -> (i32, i32) {
    %c0_i32 = arith.constant 0 : i32
    %c0_i32_0 = arith.constant 0 : i32
    return %arg0, %c0_i32 : i32, i32
  }
  func.func @transform_1(%arg0: i32) -> (i32, i32) {
    %c0_i32 = arith.constant 0 : i32
    %c0_i32_0 = arith.constant 0 : i32
    return %arg0, %c0_i32 : i32, i32
  }
  func.func @transform_2(%arg0: i32) -> (i32, i32) {
    %c0_i32 = arith.constant 0 : i32
    %c0_i32_0 = arith.constant 0 : i32
    %c0_i32_1 = arith.constant 0 : i32
    return %c0_i32, %c0_i32_0 : i32, i32
  }
  func.func @transform_3(%arg0: i32) -> (i32, i32, i32) {
    %c0_i32 = arith.constant 0 : i32
    %c0_i32_0 = arith.constant 0 : i32
    %c0_i32_1 = arith.constant 0 : i32
    return %arg0, %c0_i32, %c0_i32_0 : i32, i32, i32
  }
  func.func @transform_4(%arg0: i32) -> (i32, i32) {
    %c0_i32 = arith.constant 0 : i32
    %c0_i32_0 = arith.constant 0 : i32
    %c0_i32_1 = arith.constant 0 : i32
    return %c0_i32, %c0_i32_0 : i32, i32
  }
  func.func @transform_5(%arg0: i32) -> (i32, i32) {
    %c0_i32 = arith.constant 0 : i32
    %c0_i32_0 = arith.constant 0 : i32
    %c0_i32_1 = arith.constant 0 : i32
    return %c0_i32, %c0_i32_0 : i32, i32
  }
  func.func @transform_6(%arg0: i32) -> (i32, i32) {
    %c0_i32 = arith.constant 0 : i32
    %c0_i32_0 = arith.constant 0 : i32
    %c0_i32_1 = arith.constant 0 : i32
    return %c0_i32, %c0_i32_0 : i32, i32
  }
}

</mosaic_0001>

<sc_bundles>
// kernel: kernel.11.cloned.1.call-start
scs
__scs_entry_jumppad:
0x0: {  	(pc) =	sbr.rel $0x88, $3  }
0x1: {  	(tag) =	ssettag $0x0;
	lr =	simm.s32 $0x1  }
0x2: {  	[smem:$0x3F94] =	sst lr;
	_ =	strace $0xD0000000  }
0x3: {  	_ = 	snop  }
0x4: {  	_ = 	snop  }
0x5: {  	_ = 	snop  }
0x6: {  	_ = 	snop  }
0x7: {  	_ = 	snop  }
__scs_overlays_trampoline_lowered:
0x8: {  	[smem:$0x3FA3] =	sst s0  }
0x9: {  	[smem:$0x3FA4] =	sst s1  }
0xa: {  	[smem:$0x3FA5] =	sst s2  }
0xb: {  	[smem:$0x3FA6] =	sst s3  }
0xc: {  	[smem:$0x3FA7] =	sst s4  }
0xd: {  	[smem:$0x3FA8] =	sst s5  }
0xe: {  	[smem:$0x3FA9] =	sst s6  }
0xf: {  	[smem:$0x3FAA] =	sst s7  }
0x10: {  	[smem:$0x3FAB] =	sst s8  }
0x11: {  	[smem:$0x3FAC] =	sst s9;
	s0 =	simm.s32 @!p0 $0x0  }
0x12: {  	s1 =	sld [smem:$0x3F92];
	s0 =	simm.s32 @p0 $0x1  }
0x13: {  	[smem:$0x3FAD] =	sst s0;
	s0 =	simm.s32 @!p1 $0x0  }
0x14: {  	s2 =	sld [smem:$0x3F91];
	s0 =	simm.s32 @p1 $0x1  }
0x15: {  	[smem:$0x3FAE] =	sst s0;
	s0 =	simm.s32 @!p2 $0x0  }
0x16: {  	s3 =	sld [smem:$0x3FDB];
	s0 =	simm.s32 @p2 $0x1  }
0x17: {  	s4 =	simm.s32 $0x1BF5;
	[smem:$0x3FB0] =	sst s0  }
0x18: {  	s0 =	sld [smem:$0x3F93];
	_ =	swait.ge [sflag:s4], $0x0  }
0x19: {  	s7 =	sld [smem:$0x3F94]  }
0x1a: {  	s8 =	sadd.s32 $0xFFFFE003, lr  }
0x1b: {  	s9 =	sadd.s32 $0xFFFFFEF7, lr;
	s5 =	simm.s32 $0xFFFFFFFF;
	p2 =	slt.u32 s8, $0xFFFFF086  }
0x1c: {  	p1 =	slt.u32 s9, $0xF7A;
	s5 =	simm.s32 @!p2 $0x0  }
0x1d: {  	s5 =	simm.s32 @p1 $0x1;
	p0 =	seq.s32 s7, s2  }
0x1e: {  	s7 =	smul.u32 @!p0 $0xF7A, s2;
	p2 =	seq.s32 @!p0 s5, $0x0  }
0x1f: {  	s9 =	smul.u32 $0xF7A, s1;
	s8 =	simm.s32 @!p0 $0x1BF5;
	p2 =	por !p2, p0  }
0x20: {  	[sflag:s8] =	ssyncset.s32 @!p0 $0xFFFFF086;
	s6 =	sadd.s32 @!p0 s3, s7;
	s7 =	simm.s32 @!p0 $0x108  }
0x21: {  	s3 =	sadd.s32 s3, s9;
	s6 =	sadd.s32 @!p0 $0x88, s6;
	s7 =	simm.s32 @p2 $0x1082  }
0x22: {  	[simem:s7], [sflag:s8] =	dma.local @!p0 [hbm:s6], $0xF7A  }
0x23: {  	s9 =	sor.u32 $0xD0000000, s2;
	s6 =	simm.s32 $0x108;
	_ =	swait.ge @!p0 [sflag:s8], $0x0  }
0x24: {  	s3 =	sadd.s32 $0x88, s3;
	s6 =	simm.s32 @!p1 $0x1082;
	[sflag:s4] =	ssyncset.s32 $0xFFFFF086  }
0x25: {  	[simem:s6], [sflag:s4] =	dma.local [hbm:s3], $0xF7A  }
0x26: {  	[smem:$0x3F94] =	sst s1;
	(tag) =	ssettag s2;
	_ =	strace s9  }
0x27: {  	s1 =	sld [smem:$0x3FA4]  }
0x28: {  	s2 =	sld [smem:$0x3FA5]  }
0x29: {  	s4 =	sld [smem:$0x3FA7]  }
0x2a: {  	p0 =	seq.s32 s5, $0x0;
	s5 =	sld [smem:$0x3FA8]  }
0x2b: {  	s6 =	sld [smem:$0x3FA9]  }
0x2c: {  	s7 =	sld [smem:$0x3FAA]  }
0x2d: {  	s3 =	simm.s32 $0x108;
	s8 =	sld [smem:$0x3FAB]  }
0x2e: {  	s3 =	simm.s32 @!p0 $0x1082;
	s9 =	sld [smem:$0x3FAC]  }
0x2f: {  	lr =	sadd.s32 s0, s3;
	s0 =	sld [smem:$0x3FA3]  }
0x30: {  	s3 =	sld [smem:$0x3FA6]  }
0x31: {  	[smem:$0x3FAF] =	sst s10  }
0x32: {  	s10 =	sld [smem:$0x3FAD];
	_ =	sdelay $0x3  }
0x33: {  	p0 =	seq.s32 s10, $0x1;
	s10 =	sld [smem:$0x3FAF];
	_ =	sdelay $0x3  }
0x34: {  	[smem:$0x3FAF] =	sst s10  }
0x35: {  	s10 =	sld [smem:$0x3FAE];
	_ =	sdelay $0x3  }
0x36: {  	p1 =	seq.s32 s10, $0x1;
	s10 =	sld [smem:$0x3FAF];
	_ =	sdelay $0x3  }
0x37: {  	[smem:$0x3FAF] =	sst s10  }
0x38: {  	s10 =	sld [smem:$0x3FB0]  }
0x39: {  	_ = 	snop;
	(pc) =	sbr.ind lr, $3  }
0x3a: {  	_ = 	snop  }
0x3b: {  	_ = 	snop  }
0x3c: {  	p2 =	seq.s32 s10, $0x1;
	s10 =	sld [smem:$0x3FAF]  }
0x3d: {  	_ =	shalt  }
0x3e: {  	_ =	shalt  }
0x3f: {  	_ =	shalt  }
0x40: {  	_ =	shalt  }
0x41: {  	_ =	shalt  }
0x42: {  	_ =	shalt  }
0x43: {  	_ =	shalt  }
0x44: {  	_ =	shalt  }
0x45: {  	_ =	shalt  }
0x46: {  	_ =	shalt  }
0x47: {  	_ =	shalt  }
0x48: {  	_ =	shalt  }
0x49: {  	_ =	shalt  }
0x4a: {  	_ =	shalt  }
0x4b: {  	_ =	shalt  }
0x4c: {  	_ =	shalt  }
0x4d: {  	_ =	shalt  }
0x4e: {  	_ =	shalt  }
0x4f: {  	_ =	shalt  }
0x50: {  	_ =	shalt  }
0x51: {  	_ =	shalt  }
0x52: {  	_ =	shalt  }
0x53: {  	_ =	shalt  }
0x54: {  	_ =	shalt  }
0x55: {  	_ =	shalt  }
0x56: {  	_ =	shalt  }
0x57: {  	_ =	shalt  }
0x58: {  	_ =	shalt  }
0x59: {  	_ =	shalt  }
0x5a: {  	_ =	shalt  }
0x5b: {  	_ =	shalt  }
0x5c: {  	_ =	shalt  }
0x5d: {  	_ =	shalt  }
0x5e: {  	_ =	shalt  }
0x5f: {  	_ =	shalt  }
0x60: {  	_ =	shalt  }
0x61: {  	_ =	shalt  }
0x62: {  	_ =	shalt  }
0x63: {  	_ =	shalt  }
0x64: {  	_ =	shalt  }
0x65: {  	_ =	shalt  }
0x66: {  	_ =	shalt  }
0x67: {  	_ =	shalt  }
0x68: {  	_ =	shalt  }
0x69: {  	_ =	shalt  }
0x6a: {  	_ =	shalt  }
0x6b: {  	_ =	shalt  }
0x6c: {  	_ =	shalt  }
0x6d: {  	_ =	shalt  }
0x6e: {  	_ =	shalt  }
0x6f: {  	_ =	shalt  }
0x70: {  	_ =	shalt  }
0x71: {  	_ =	shalt  }
0x72: {  	_ =	shalt  }
0x73: {  	_ =	shalt  }
0x74: {  	_ =	shalt  }
0x75: {  	_ =	shalt  }
0x76: {  	_ =	shalt  }
0x77: {  	_ =	shalt  }
0x78: {  	_ =	shalt  }
0x79: {  	_ =	shalt  }
0x7a: {  	_ =	shalt  }
0x7b: {  	_ =	shalt  }
0x7c: {  	_ =	shalt  }
0x7d: {  	_ =	shalt  }
0x7e: {  	_ =	shalt  }
0x7f: {  	_ =	shalt  }
0x80: {  	_ =	shalt  }
0x81: {  	_ =	shalt  }
0x82: {  	_ =	shalt  }
0x83: {  	_ =	shalt  }
0x84: {  	_ =	shalt  }
0x85: {  	_ =	shalt  }
0x86: {  	_ =	shalt  }
0x87: {  	_ =	shalt  }
.Lfunc_end0:
.L_simem_size_0:
called_computation.2_lowered:
.L_overlay_start_0:
0x88: {  	s2 =	sld [smem:$0x3FD9]  }
0x89: {  	s3 =	sld [smem:$0x3FFE];
	_ =	sdelay $0x1  }
0x8a: {  	s1 =	srdreg.scid  }
0x8b: {  	s0 =	sand.u32 $0x1, s1  }
0x8c: {  	s16 =	sshll.u32 s0, $0xA;
	s2 =	sadd.s32 s3, s2  }
0x8d: {  	s2 =	sadd.s32 s2, s16  }
0x8e: {  	[smem:$0x3FBB] =	sst s2  }
0x8f: {  	_ = 	snop  }
0x90: {  	(tm) =	ssettm $0x1  }
0x91: {  	s17 =	sld [smem:$0x3FFB];
	_ =	sdelay $0x3  }
0x92: {  	_ =	strace s17  }
0x93: {  	s2 =	sld [smem:$0x3FFC];
	_ =	sdelay $0x3  }
0x94: {  	_ =	strace s2  }
0x95: {  	s2 =	sld [smem:$0x3FFD];
	_ =	sdelay $0x3  }
0x96: {  	_ =	strace s2  }
0x97: {  	_ =	strace $0x8FFFFFFF  }
0x98: {  	s18 =	sld [smem:$0x3FDB];
	_ =	sdelay $0x1  }
0x99: {  	s19 =	simm.s32 $_scs_section_size  }
0x9a: {  	s4 =	simm.s32 $_size__tile_overlayer_lowered;
	s5 =	simm.s32 $_tile_overlayer_lowered  }
0x9b: {  	s22 =	simm.s32 $0x1BFF;
	s21 =	sshll.u32 s5, $0x1;
	s2 =	sadd.s32 s19, s18  }
0x9c: {  	s6 =	simm.s32 $0x0;
	s20 =	sshll.u32 s4, $0x1;
	s4 =	sadd.s32 s21, s2  }
0x9d: {  	[timem:s6], [sflag:s22] =	dma.local [hbm:s4], s20  }
0x9e: {  	_ =	swait.ge [sflag:s22], s20  }
0x9f: {  	s3 =	ssub.s32 $0x0, s20;
	[sflag:s22] =	ssyncset.done $0x0  }
0xa0: {  	[sflag:s22] =	ssyncadd.s32 s3;
	_ =	sdelay $0x1  }
0xa1: {  	s23 =	simm.s32 $0x1B8B  }
0xa2: {  	_ =	swait.ge [sflag:s23], $0x1  }
0xa3: {  	[sflag:s23] =	ssyncset.done $0x0  }
0xa4: {  	s25 =	simm.s32 $0x1B8E;
	s24 =	sld [smem:$0x3FFE];
	[sflag:s23] =	ssyncadd.s32 $0xFFFFFFFF  }
0xa5: {  	s26 =	simm.s32 $execute0_lowered;
	[smem:$0x3FD2] =	sst s25  }
0xa6: {  	s4 =	sshll.u32 s26, $0x1;
	_ =	strace $0x80000049;
	[dreg:$0x1] =	wrdreg $0xFFFFFFFF  }
0xa7: {  	s28 =	simm.s32 $_size_execute0_lowered;
	s2 =	sadd.s32 s2, s4;
	[dreg:$0x0] =	wrdreg $0x0  }
0xa8: {  	s4 =	sshll.u32 s28, $0x1;
	[dreg:$0x2] =	wrdreg s2  }
0xa9: {  	[dreg:$0x3] =	wrdreg s4  }
0xaa: {  	[dreg:$0x4] =	wrdreg $0xC0  }
0xab: {  	_ =	task [dreg:s6], $0x5FFFF  }
0xac: {  	[dreg:$0x1] =	wrdreg $0xFFFFFFFF  }
0xad: {  	[dreg:$0x0] =	wrdreg $0x60  }
0xae: {  	[dreg:$0x2] =	wrdreg s24  }
0xaf: {  	[dreg:$0x3] =	wrdreg $0x0  }
0xb0: {  	[dreg:$0x4] =	wrdreg $0xA  }
0xb1: {  	_ =	task.clear_ibuf [dreg:s6], $0x5FFFF;
	_ =	strace $0x90000049  }
0xb2: {  	s29 =	simm.s32 $0xA;
	_ =	strace $0x8000004B  }
0xb3: {  	_ =	swait.ge [sflag:s29], $0x1  }
0xb4: {  	[sflag:s29] =	ssyncadd.s32 $0xFFFFFFFF  }
0xb5: {  	_ =	strace $0x9000004B  }
0xb6: {  	_ =	sfence  }
0xb7: {  	s30 =	sld [smem:$0x0];
	_ =	sdelay $0x2  }
0xb8: {  	s31 =	sshll.u32 s1, $0xD;
	s1 =	sshrl.u32 s1, $0x2  }
0xb9: {  	s3 =	sand.u32 $0x4000, s31;
	s1 =	sadd.s32 s1, s30  }
0xba: {  	s0 =	sor.u32 s3, s0;
	s1 =	sshll.u32 s1, $0x11  }
0xbb: {  	s0 =	sor.u32 s1, s0  }
0xbc: {  	s0 =	sadd.s32 $0x8F2B, s0  }
0xbd: {  	[sflag:s0] =	ssyncadd.remote.s32 $0x1  }
0xbe: {  	_ =	sfence.sel $0xFFFF  }
0xbf: {  	[dreg:$0x0] =	wrdreg $0xFFFFFFFF;
	(pc) =	sbr.abs _section_cstart, $3  }
0xc0: {  	[dreg:$0x1] =	wrdreg $0xFFFFFFFF  }
0xc1: {  	_ =	task.clear_ibuf [dreg:s6], $0x2FFFF;
	_ =	strace $0x9FFFFFFF  }
0xc2: {  	(tm) =	ssettm $0x7FFFFFFF  }
0xc3: {  	_ =	shalt  }
tec
execute0_lowered:
.L_overlay_start_1:
0x0: {  	(tag) =	ssettag $0x1  }
0x1: {  	s0 =	rddreg [dreg:$0x0]  }
0x2: {  	s2 =	rddreg [dreg:$0x1];
	s1 =	simm.s32 $0x0  }
0x3: {  	s11 =	stileid.u32;
	s3 =	srdreg.scid;
	s19 =	simm.s32 $0x5  }
0x4: {  	s28 =	simm.s32 $0x4;
	s30 =	simm.s32 $0x27F8;
	s20 =	smul.u32 $0x2780, s11  }
0x5: {  	s31 =	simm.s32 $0x0;
	[smem:$0x7FF] =	sst s1;
	s9 =	smul.u32 $0x9CE0, s11  }
0x6: {  	s4 =	sadd.s32 $0xB5A00, s0;
	s3 =	sand.u32 $0x1, s3;
	s10 =	smul.u32 $0x9C40, s11  }
0x7: {  	s5 =	sadd.s32 $0xA2000, s0;
	s23 =	sshll.u32 s11, $0x6;
	s25 =	smul.u32 $0x4E20, s11  }
0x8: {  	_ =	strace $0x8000004A;
	s8 =	ssub.s32 $0x2, s3;
	s1 =	sor.u32 $0x1C05, s23  }
0x9: {  	s23 =	simm.s32 $0x27A8;
	p0 =	sne.s32 s3, $0x0;
	s6 =	sshrl.u32 s20, $0x3  }
0xa: {  	s21 =	sshrl.u32 s8, $0x1;
	s16 =	sadd.s32 s20, s2;
	s24 =	sshrl.u32 s9, $0x3  }
0xb: {  	[dreg:$0x5] =	wrdreg s1;
	s13 =	sadd.s32 $0xA0, s9;
	s14 =	sadd.s32 $0x28, s25  }
0xc: {  	s15 =	sadd.s32 $0xF0, s9;
	s20 =	simm.s32 $0x2780;
	s25 =	simm.s32 $0x27D0  }
0xd: {  	s1 =	simm.s32 $0x2;
	s7 =	sadd.s32 s6, s0;
	s6 =	sadd.s32 $0x374C00, s0  }
0xe: {  	s0 =	ssub.s32 s8, s21;
	s8 =	sadd.s32 s5, s24;
	[dreg:$0x3] =	wrdreg s16  }
0xf: {  	s29 =	sshrl.u32 s16, $0x3;
	s21 =	simm.s32 $0x28;
	[dreg:$0x6] =	wrdreg s8  }
0x10: {  	s24 =	simm.s32 $0x2D20;
	s22 =	sadd.s32 $0xBAA00, s7;
	[dreg:$0xa] =	wrdreg s29  }
.Ltmp0:
0x11: {  	s8 =	sadd.s32 $0xA, s8;
	[dreg:$0x4] =	wrdreg s22;
	(pc) =	sbr.rel .LBB2_1-.Ltmp0, $4  }
0x12: {  	s16 =	simm.s32 $0x3;
	s26 =	sadd.s32 $0xBFA00, s7;
	[dreg:$0x7] =	wrdreg s8  }
0x13: {  	s12 =	sadd.s32 s6, s10;
	s0 =	smax.u32 s0, $0x1;
	[dreg:$0x8] =	wrdreg s26  }
0x14: {  	v0 =	vlaneseq.u32;
	s7 =	simm.s32 $0x34A0;
	[dreg:$0x9] =	wrdreg s0;
	s22 =	simm.s32 $0x2820  }
0x15: {  	vm0 =	vmmov $0xff;
	v0 =	vor.u32 $0x8, v0;
	s26 =	simm.s32 $0x1;
	s0 =	simm.s32 $0x3220;
	s8 =	simm.s32 $0x0  }
.LBB2_11:
0x16: {  	s8 =	sadd.s32 $0x1, s8;
	s3 =	rddreg [dreg:$0x9]  }
0x17: {  	p1 =	sne.s32 s8, s3  }
.Ltmp1:
0x18: {  	_ = 	snop;
	(pc) =	sbr.rel @!p1 .LBB2_12-.Ltmp1, $1  }
0x19: {  	_ =	sdelay $0x3  }
.LBB2_1:
0x1a: {  	[dreg:$0xb] =	wrdreg s8  }
0x1b: {  	s3 =	rddreg [dreg:$0x4]  }
0x1c: {  	s11 =	rddreg [dreg:$0x5]  }
0x1d: {  	s9 =	rddreg [dreg:$0xa]  }
0x1e: {  	[spmem:s9], [sflag:s11] =	dma.local [hbm:s3], $0x4F0  }
0x1f: {  	_ =	swait.ge [sflag:s19], $0x4F0  }
0x20: {  	[sflag:s19] =	ssyncset.done $0x0  }
0x21: {  	s17 =	simm.s32 $0x0;
	s18 =	rddreg [dreg:$0x6];
	[sflag:s19] =	ssyncadd.s32 $0xFFFFFB10  }
0x22: {  	[tilespmem:s20], [sflag:$0x5] =	stream.linear.gather [hbm4b:s18+s17], $0x50, $0x38;
	[tilespmem:$0x5EA0] =	vst v63  }
0x23: {  	_ =	swait.ge [sflag:s19], $0x50  }
0x24: {  	[sflag:s19] =	ssyncset.done $0x0  }
0x25: {  	[sflag:s19] =	ssyncadd.s32 $0xFFFFFFB0  }
0x26: {  	[tilespmem:s22], [sflag:$0x1] =	stream.indirect.gather [hbm4b:s4+s21], $0x10, s20, s21, $0xb8;
	[tilespmem:$0x5EA0] =	vst v63  }
0x27: {  	_ = 	snop  }
0x28: {  	[tilespmem:s24], [sflag:$0x1] =	stream.indirect.gather [hbm4b:s4+s21], $0x10, s23, s21, $0xb8;
	[tilespmem:$0x5EA0] =	vst v63  }
0x29: {  	s29 =	rddreg [dreg:$0x7]  }
0x2a: {  	[tilespmem:s25], [sflag:$0x4] =	stream.linear.gather [hbm4b:s29+s17], $0x50, $0x38;
	[tilespmem:$0x5EA0] =	vst v63  }
0x2b: {  	s9 =	simm.s32 $0x0;
	[bflag:$0x0] =	sbarrier.arrive $0xFFFF  }
.LBB2_2:
0x2c: {  	_ =	swait.ge [sflag:s26], $0x280  }
0x2d: {  	[sflag:s26] =	ssyncset.done $0x0  }
0x2e: {  	[sflag:s26] =	ssyncadd.s32 $0xFFFFFD80  }
0x2f: {  	_ =	swait.ge [sflag:s26], $0x280  }
0x30: {  	[sflag:s26] =	ssyncset.done $0x0  }
0x31: {  	[sflag:s26] =	ssyncadd.s32 $0xFFFFFD80  }
0x32: {  	_ =	swait.ge [sflag:s28], $0x50  }
0x33: {  	[sflag:s28] =	ssyncset.done $0x0  }
0x34: {  	s3 =	simm.s32 $0x2AA0;
	[sflag:s28] =	ssyncadd.s32 $0xFFFFFFB0  }
0x35: {  	[tilespmem:s3], [sflag:$0x2] =	stream.indirect.gather [hbm4b:s4+s21], $0x10, s25, s21, $0xb8;
	[tilespmem:$0x5EA0] =	vst v63  }
0x36: {  	s29 =	simm.s32 $0x2FA0;
	s17 =	simm.s32 $0x0  }
0x37: {  	[tilespmem:s29], [sflag:$0x2] =	stream.indirect.gather [hbm4b:s4+s21], $0x10, s30, s21, $0xb8;
	[tilespmem:$0x5EA0] =	vst v63  }
0x38: {  	s11 =	simm.s32 $0x10;
	v1 =	vld [tilespmem:s17+$0x2D20]  }
0x39: {  	v2 =	vld [tilespmem:s11+$0x2D20]  }
0x3a: {  	v3 =	vld [tilespmem:s17+$0x2820];
	_ =	sdelay $0x1  }
0x3b: {  	v4 =	vld [tilespmem:s11+$0x2820]  }
0x3c: {  	v1 =	vperm.xlane v1, v0  }
0x3d: {  	s18 =	simm.s32 $0x20  }
0x3e: {  	v5 =	vld [tilespmem:s18+$0x2D20];
	v2 =	vperm.xlane v2, v0;
	v1 =	vadd.f32 v1, v3;
	_ =	sdelay $0x1  }
0x3f: {  	v2 =	vadd.f32 v2, v4;
	v4 =	vmul.f32 $2.000000030e-01, v1  }
0x40: {  	vm1 =	vge.f32 v1, $0.0e+00  }
0x41: {  	v1 =	vsel vm1, v1, v4  }
0x42: {  	v4 =	vperm.xlane v5, v0;
	v5 =	vmul.f32 $1.442695020e+00, v1;
	_ =	sdelay $0x1  }
0x43: {  	v3 =	vld [tilespmem:s18+$0x2820];
	v6 =	vmul.f32 $2.000000030e-01, v2;
	(erf) = vpow2.f32 v5  }
0x44: {  	vm1 =	vge.f32 v2, $0.0e+00  }
0x45: {  	v2 =	vsel vm1, v2, v6  }
0x46: {  	s10 =	simm.s32 $0x30;
	v6 =	vmul.f32 $1.442695020e+00, v2  }
0x47: {  	v2 =	vld [tilespmem:s10+$0x2D20]  }
0x48: {  	v1 =	vadd.f32 v4, v3;
	(erf) = vpow2.f32 v6  }
0x49: {  	v3 =	vld [tilespmem:s10+$0x2820]  }
0x4a: {  	v4 =	vmul.f32 $2.000000030e-01, v1  }
0x4b: {  	s8 =	simm.s32 $0x100;
	vm1 =	vge.f32 v1, $0.0e+00  }
.LBB2_3:
0x4c: {  	s3 =	sshra.s32 s8, $0x2;
	p1 =	sne.s32 s8, $0x9C0;
	s8 =	sadd.s32 $0x40, s8;
	v5 =	vperm.xlane v2, v0;
	v1 =	vsel vm1, v1, v4;
	v4 =	vpop (erf)  }
.Ltmp2:
0x4d: {  	v2 =	vld [tilespmem:s3+$0x2D20];
	v6 =	vmul.f32 $1.442695020e+00, v1;
	v4 =	vnsel vm0, $0x0, v4;
	(pc) =	sbr.rel @p1 .LBB2_3-.Ltmp2, $4  }
0x4e: {  	v1 =	vadd.f32 v5, v3;
	[tilespmem:s17+$0x3220] =	vst v4;
	s17 =	smov.u32 s11;
	s11 =	smov.u32 s18;
	s18 =	smov.u32 s10  }
0x4f: {  	s10 =	smov.u32 s3;
	v3 =	vld [tilespmem:s3+$0x2820];
	(erf) = vpow2.f32 v6  }
0x50: {  	v4 =	vmul.f32 $2.000000030e-01, v1  }
0x51: {  	vm1 =	vge.f32 v1, $0.0e+00  }
0x52: {  	v2 =	vperm.xlane v2, v0;
	_ =	sdelay $0x1  }
0x53: {  	v2 =	vadd.f32 v2, v3;
	_ =	sdelay $0x1  }
0x54: {  	v3 =	vmul.f32 $2.000000030e-01, v2  }
0x55: {  	v1 =	vsel vm1, v1, v4;
	vm1 =	vge.f32 v2, $0.0e+00  }
0x56: {  	v1 =	vmul.f32 $1.442695020e+00, v1;
	v2 =	vsel vm1, v2, v3  }
0x57: {  	v2 =	vmul.f32 $1.442695020e+00, v2  }
0x58: {  	(erf) = vpow2.f32 v1  }
0x59: {  	(erf) = vpow2.f32 v2;
	_ =	sdelay $0x5  }
0x5a: {  	v1 =	vpop (erf)  }
0x5b: {  	v1 =	vnsel vm0, $0x0, v1;
	v2 =	vpop (erf)  }
0x5c: {  	[tilespmem:s17+$0x3220] =	vst v1;
	v1 =	vnsel vm0, $0x0, v2;
	v2 =	vpop (erf)  }
0x5d: {  	[tilespmem:s11+$0x3220] =	vst v1;
	v1 =	vnsel vm0, $0x0, v2;
	v2 =	vpop (erf)  }
0x5e: {  	[tilespmem:s18+$0x3220] =	vst v1;
	v1 =	vnsel vm0, $0x0, v2  }
0x5f: {  	[tilespmem:s10+$0x3220] =	vst v1  }
0x60: {  	[spmem:s2] =	stream.indirect.scatter.add.f32 [tilespmem:s0], [sflag:$0x5], $0x10, s23, s21, $0xb8;
	[tilespmem:$0x5EA0] =	vst v63  }
0x61: {  	s11 =	smul.u32 $0xA0, s9;
	_ =	swait.ge [sflag:s19], $0x280  }
0x62: {  	s8 =	simm.s32 @!p0 $0x0;
	[sflag:s19] =	ssyncset.done $0x0  }
0x63: {  	s3 =	sadd.s32 @!p0 s12, s11;
	s10 =	simm.s32 @!p0 $0x3220;
	[sflag:s19] =	ssyncadd.s32 $0xFFFFFD80  }
0x64: {  	[hbm4b:s3+s8] =	stream.linear.scatter @!p0 [tilespmem:s10], [sflag:$0x5], $0x280, $0x38;
	[tilespmem:$0x5EA0] =	vst v63  }
0x65: {  	s3 =	simm.s32 @!p0 $0x5  }
0x66: {  	s17 =	sadd.s32 s11, s13;
	_ =	swait.ge @!p0 [sflag:s3], $0x280  }
0x67: {  	s8 =	sshrl.u32 s17, $0x3;
	[sflag:s3] =	ssyncset.done @!p0 $0x0  }
0x68: {  	s29 =	simm.s32 $0x0;
	s18 =	sadd.s32 s5, s8;
	[sflag:s3] =	ssyncadd.s32 @!p0 $0xFFFFFD80  }
0x69: {  	[tilespmem:s20], [sflag:$0x3] =	stream.linear.gather [hbm4b:s18+s29], $0x50, $0x38;
	[tilespmem:$0x5EA0] =	vst v63  }
0x6a: {  	_ =	swait.ge [sflag:s1], $0x280  }
0x6b: {  	[sflag:s1] =	ssyncset.done $0x0  }
0x6c: {  	[sflag:s1] =	ssyncadd.s32 $0xFFFFFD80  }
0x6d: {  	_ =	swait.ge [sflag:s1], $0x280  }
0x6e: {  	[sflag:s1] =	ssyncset.done $0x0  }
0x6f: {  	[sflag:s1] =	ssyncadd.s32 $0xFFFFFD80  }
0x70: {  	_ =	swait.ge [sflag:s16], $0x50  }
0x71: {  	[sflag:s16] =	ssyncset.done $0x0  }
0x72: {  	[sflag:s16] =	ssyncadd.s32 $0xFFFFFFB0  }
0x73: {  	[tilespmem:s22], [sflag:$0x1] =	stream.indirect.gather [hbm4b:s4+s21], $0x10, s20, s21, $0xb8;
	[tilespmem:$0x5EA0] =	vst v63  }
0x74: {  	s18 =	simm.s32 $0x0  }
0x75: {  	[tilespmem:s24], [sflag:$0x1] =	stream.indirect.gather [hbm4b:s4+s21], $0x10, s23, s21, $0xb8;
	[tilespmem:$0x5EA0] =	vst v63  }
0x76: {  	s17 =	simm.s32 $0x10;
	v1 =	vld [tilespmem:s18+$0x2FA0]  }
0x77: {  	v2 =	vld [tilespmem:s17+$0x2FA0]  }
0x78: {  	v3 =	vld [tilespmem:s18+$0x2AA0];
	_ =	sdelay $0x1  }
0x79: {  	v4 =	vld [tilespmem:s17+$0x2AA0]  }
0x7a: {  	v1 =	vperm.xlane v1, v0  }
0x7b: {  	s10 =	simm.s32 $0x20  }
0x7c: {  	v5 =	vld [tilespmem:s10+$0x2FA0];
	v2 =	vperm.xlane v2, v0;
	v1 =	vadd.f32 v1, v3;
	_ =	sdelay $0x1  }
0x7d: {  	v2 =	vadd.f32 v2, v4;
	v4 =	vmul.f32 $2.000000030e-01, v1  }
0x7e: {  	vm1 =	vge.f32 v1, $0.0e+00  }
0x7f: {  	v1 =	vsel vm1, v1, v4  }
0x80: {  	v4 =	vperm.xlane v5, v0;
	v5 =	vmul.f32 $1.442695020e+00, v1;
	_ =	sdelay $0x1  }
0x81: {  	v3 =	vld [tilespmem:s10+$0x2AA0];
	v6 =	vmul.f32 $2.000000030e-01, v2;
	(erf) = vpow2.f32 v5  }
0x82: {  	vm1 =	vge.f32 v2, $0.0e+00  }
0x83: {  	v2 =	vsel vm1, v2, v6  }
0x84: {  	s8 =	simm.s32 $0x30;
	v6 =	vmul.f32 $1.442695020e+00, v2  }
0x85: {  	v2 =	vld [tilespmem:s8+$0x2FA0]  }
0x86: {  	v1 =	vadd.f32 v4, v3;
	(erf) = vpow2.f32 v6  }
0x87: {  	v3 =	vld [tilespmem:s8+$0x2AA0]  }
0x88: {  	v4 =	vmul.f32 $2.000000030e-01, v1  }
0x89: {  	s3 =	simm.s32 $0x100;
	vm1 =	vge.f32 v1, $0.0e+00  }
.LBB2_5:
0x8a: {  	s29 =	sshra.s32 s3, $0x2;
	p1 =	sne.s32 s3, $0x9C0;
	s3 =	sadd.s32 $0x40, s3;
	v5 =	vperm.xlane v2, v0;
	v1 =	vsel vm1, v1, v4;
	v4 =	vpop (erf)  }
.Ltmp3:
0x8b: {  	v2 =	vld [tilespmem:s29+$0x2FA0];
	v6 =	vmul.f32 $1.442695020e+00, v1;
	v4 =	vnsel vm0, $0x0, v4;
	(pc) =	sbr.rel @p1 .LBB2_5-.Ltmp3, $4  }
0x8c: {  	v1 =	vadd.f32 v5, v3;
	[tilespmem:s18+$0x34A0] =	vst v4;
	s18 =	smov.u32 s17;
	s17 =	smov.u32 s10;
	s10 =	smov.u32 s8  }
0x8d: {  	s8 =	smov.u32 s29;
	v3 =	vld [tilespmem:s29+$0x2AA0];
	(erf) = vpow2.f32 v6  }
0x8e: {  	v4 =	vmul.f32 $2.000000030e-01, v1  }
0x8f: {  	vm1 =	vge.f32 v1, $0.0e+00  }
0x90: {  	v2 =	vperm.xlane v2, v0;
	_ =	sdelay $0x1  }
0x91: {  	v2 =	vadd.f32 v2, v3;
	_ =	sdelay $0x1  }
0x92: {  	v3 =	vmul.f32 $2.000000030e-01, v2  }
0x93: {  	v1 =	vsel vm1, v1, v4;
	vm1 =	vge.f32 v2, $0.0e+00  }
0x94: {  	v1 =	vmul.f32 $1.442695020e+00, v1;
	v2 =	vsel vm1, v2, v3  }
0x95: {  	v2 =	vmul.f32 $1.442695020e+00, v2  }
0x96: {  	(erf) = vpow2.f32 v1  }
0x97: {  	(erf) = vpow2.f32 v2;
	_ =	sdelay $0x5  }
0x98: {  	v1 =	vpop (erf)  }
0x99: {  	v1 =	vnsel vm0, $0x0, v1;
	v2 =	vpop (erf)  }
0x9a: {  	[tilespmem:s18+$0x34A0] =	vst v1;
	v1 =	vnsel vm0, $0x0, v2;
	v2 =	vpop (erf)  }
0x9b: {  	s3 =	smul.u32 @!p0 $0x50, s9;
	[tilespmem:s17+$0x34A0] =	vst v1;
	v1 =	vnsel vm0, $0x0, v2;
	v2 =	vpop (erf)  }
0x9c: {  	[tilespmem:s10+$0x34A0] =	vst v1;
	v1 =	vnsel vm0, $0x0, v2  }
0x9d: {  	s3 =	sadd.s32 @!p0 s3, s14;
	[tilespmem:s8+$0x34A0] =	vst v1  }
0x9e: {  	[spmem:s2] =	stream.indirect.scatter.add.f32 [tilespmem:s7], [sflag:$0x5], $0x10, s30, s21, $0xb8;
	[tilespmem:$0x5EA0] =	vst v63  }
0x9f: {  	s9 =	sadd.s32 $0x1, s9;
	s3 =	sshll.u32 @!p0 s3, $0x1;
	_ =	swait.ge [sflag:s19], $0x280  }
0xa0: {  	p1 =	sne.s32 s9, $0xFA;
	s3 =	sadd.s32 @!p0 s6, s3;
	[sflag:s19] =	ssyncset.done $0x0  }
0xa1: {  	s10 =	simm.s32 @!p0 $0x34A0;
	s8 =	simm.s32 @!p0 $0x0;
	[sflag:s19] =	ssyncadd.s32 $0xFFFFFD80  }
0xa2: {  	[hbm4b:s3+s8] =	stream.linear.scatter @!p0 [tilespmem:s10], [sflag:$0x5], $0x280, $0x38;
	[tilespmem:$0x5EA0] =	vst v63  }
.Ltmp4:
0xa3: {  	s3 =	simm.s32 @!p0 $0x5;
	(pc) =	sbr.rel @p1 .LBB2_2-.Ltmp4, $4  }
0xa4: {  	s18 =	sadd.s32 s11, s15;
	_ =	swait.ge @!p0 [sflag:s3], $0x280  }
0xa5: {  	s8 =	sshrl.u32 s18, $0x3;
	[sflag:s3] =	ssyncset.done @!p0 $0x0  }
0xa6: {  	s29 =	sadd.s32 s5, s8;
	[sflag:s3] =	ssyncadd.s32 @!p0 $0xFFFFFD80  }
0xa7: {  	[tilespmem:s25], [sflag:$0x4] =	stream.linear.gather [hbm4b:s29+s31], $0x50, $0x38;
	[tilespmem:$0x5EA0] =	vst v63  }
0xa8: {  	_ =	swait.ge [sflag:s26], $0x280  }
0xa9: {  	[sflag:s26] =	ssyncset.done $0x0  }
0xaa: {  	[sflag:s26] =	ssyncadd.s32 $0xFFFFFD80  }
0xab: {  	_ =	swait.ge [sflag:s26], $0x280  }
0xac: {  	[sflag:s26] =	ssyncset.done $0x0  }
0xad: {  	[sflag:s26] =	ssyncadd.s32 $0xFFFFFD80  }
.Ltmp5:
0xae: {  	_ =	swait.ge [sflag:s28], $0x50;
	(pc) =	sbr.rel @p0 .LBB2_11-.Ltmp5, $4  }
0xaf: {  	[sflag:s28] =	ssyncset.done $0x0  }
0xb0: {  	[sflag:s28] =	ssyncadd.s32 $0xFFFFFFB0  }
0xb1: {  	[bflag:$0x0] =	sbarrier.arrive $0xFFFF  }
0xb2: {  	s8 =	rddreg [dreg:$0xb]  }
0xb3: {  	s3 =	rddreg [dreg:$0x3];
	s8 =	simm.s32 $0x3720  }
0xb4: {  	[tilespmem:s8], [sflag:$0x5] =	stream.linear.gather [spmem:s3], $0x2780, $0x38;
	[tilespmem:$0x5EA0] =	vst v63  }
0xb5: {  	_ =	swait.ge [sflag:s19], $0x2780  }
0xb6: {  	[sflag:s19] =	ssyncset.done $0x0  }
0xb7: {  	s3 =	simm.s32 $0x0;
	s8 =	simm.s32 $0x40;
	[sflag:s19] =	ssyncadd.s32 $0xFFFFD880  }
.LBB2_9:
0xb8: {  	p1 =	sne.s32 s8, $0x9DC0;
	v1 =	vld [tilespmem:s3+$0x3720];
	_ =	sdelay $0x4  }
0xb9: {  	(erf) = vrcp.f32 v1;
	_ =	sdelay $0x5  }
.Ltmp6:
0xba: {  	(pc) =	sbr.rel @p1 .LBB2_9-.Ltmp6, $3  }
0xbb: {  	_ =	sdelay $0x1  }
0xbc: {  	v1 =	vpop (erf)  }
0xbd: {  	[tilespmem:s3+$0x3720] =	vst v1;
	s3 =	sshra.s32 s8, $0x2;
	s8 =	sadd.s32 $0x40, s8  }
0xbe: {  	v1 =	vld [tilespmem:s3+$0x3720];
	_ =	sdelay $0x4  }
0xbf: {  	(erf) = vrcp.f32 v1;
	_ =	sdelay $0x8  }
0xc0: {  	v1 =	vpop (erf)  }
.Ltmp7:
0xc1: {  	s29 =	rddreg [dreg:$0x8];
	s8 =	simm.s32 $0x3720;
	[tilespmem:s3+$0x3720] =	vst v1;
	(pc) =	sbr.rel .LBB2_11-.Ltmp7, $4  }
0xc2: {  	[hbm4b:s29+s31] =	stream.linear.scatter [tilespmem:s8], [sflag:$0x5], $0x2780, $0x38;
	[tilespmem:$0x5EA0] =	vst v63  }
0xc3: {  	_ =	swait.ge [sflag:s19], $0x2780  }
0xc4: {  	[sflag:s19] =	ssyncset.done $0x0  }
0xc5: {  	s8 =	rddreg [dreg:$0xb];
	[sflag:s19] =	ssyncadd.s32 $0xFFFFD880  }
.LBB2_12:
0xc6: {  	_ =	sfence.sel $0x180000  }
0xc7: {  	[bflag:$0x0] =	sbarrier.arrive $0xFFFF  }
0xc8: {  	_ =	strace $0x9000004A  }
0xc9: {  	s0 =	stileid.u32;
	[bflag:$0x2] =	sbarrier.arrive $0xFFFF  }
0xca: {  	p0 =	sne.s32 s0, $0x0;
	s0 =	rddreg [dreg:$0x2]  }
0xcb: {  	s0 =	sadd.s32 @!p0 $0x100000, s0  }
0xcc: {  	[sflag:s0] =	ssyncadd.tile.s32 @!p0 $0x1;
	_ =	shalt  }
.Lfunc_end2:
_tile_overlayer_lowered:
.L_overlay_start_2:
0xcd: {  	(tag) =	ssettag $0x2  }
0xce: {  	s0 =	rddreg [dreg:$0x0];
	s2 =	stileid.u32  }
0xcf: {  	s1 =	rddreg [dreg:$0x1];
	p0 =	sne.s32 s2, $0x0  }
0xd0: {  	s3 =	rddreg [dreg:$0x2];
	[bflag:$0x3] =	sbarrier.arrive $0xFFFF;
	s2 =	simm.s32 @!p0 $0x1C05  }
0xd1: {  	[timem:s3], [sflag:s2] =	dma.local @!p0 [hbm:s0], s1  }
0xd2: {  	s0 =	simm.s32 @!p0 $0x5  }
0xd3: {  	_ =	swait.ge @!p0 [sflag:s0], s1  }
0xd4: {  	s1 =	ssub.s32 @!p0 $0x0, s1;
	[sflag:s0] =	ssyncset.done @!p0 $0x0  }
0xd5: {  	[sflag:s0] =	ssyncadd.s32 @!p0 s1  }
0xd6: {  	[bflag:$0x3] =	sbarrier.arrive $0xFFFF  }
0xd7: {  	_ =	shalt  }

// kernel: kernel.14.cloned.1.call-start
scs
__scs_entry_jumppad:
0x0: {  	(pc) =	sbr.rel $0x88, $3  }
0x1: {  	(tag) =	ssettag $0x0;
	lr =	simm.s32 $0x1  }
0x2: {  	[smem:$0x3F94] =	sst lr;
	_ =	strace $0xD0000000  }
0x3: {  	_ = 	snop  }
0x4: {  	_ = 	snop  }
0x5: {  	_ = 	snop  }
0x6: {  	_ = 	snop  }
0x7: {  	_ = 	snop  }
__scs_overlays_trampoline_lowered:
0x8: {  	[smem:$0x3FA3] =	sst s0  }
0x9: {  	[smem:$0x3FA4] =	sst s1  }
0xa: {  	[smem:$0x3FA5] =	sst s2  }
0xb: {  	[smem:$0x3FA6] =	sst s3  }
0xc: {  	[smem:$0x3FA7] =	sst s4  }
0xd: {  	[smem:$0x3FA8] =	sst s5  }
0xe: {  	[smem:$0x3FA9] =	sst s6  }
0xf: {  	[smem:$0x3FAA] =	sst s7  }
0x10: {  	[smem:$0x3FAB] =	sst s8  }
0x11: {  	[smem:$0x3FAC] =	sst s9;
	s0 =	simm.s32 @!p0 $0x0  }
0x12: {  	s1 =	sld [smem:$0x3F92];
	s0 =	simm.s32 @p0 $0x1  }
0x13: {  	[smem:$0x3FAD] =	sst s0;
	s0 =	simm.s32 @!p1 $0x0  }
0x14: {  	s2 =	sld [smem:$0x3F91];
	s0 =	simm.s32 @p1 $0x1  }
0x15: {  	[smem:$0x3FAE] =	sst s0;
	s0 =	simm.s32 @!p2 $0x0  }
0x16: {  	s3 =	sld [smem:$0x3FDB];
	s0 =	simm.s32 @p2 $0x1  }
0x17: {  	s4 =	simm.s32 $0x1BF5;
	[smem:$0x3FB0] =	sst s0  }
0x18: {  	s0 =	sld [smem:$0x3F93];
	_ =	swait.ge [sflag:s4], $0x0  }
0x19: {  	s7 =	sld [smem:$0x3F94]  }
0x1a: {  	s8 =	sadd.s32 $0xFFFFE003, lr  }
0x1b: {  	s9 =	sadd.s32 $0xFFFFFEF7, lr;
	s5 =	simm.s32 $0xFFFFFFFF;
	p2 =	slt.u32 s8, $0xFFFFF086  }
0x1c: {  	p1 =	slt.u32 s9, $0xF7A;
	s5 =	simm.s32 @!p2 $0x0  }
0x1d: {  	s5 =	simm.s32 @p1 $0x1;
	p0 =	seq.s32 s7, s2  }
0x1e: {  	s7 =	smul.u32 @!p0 $0xF7A, s2;
	p2 =	seq.s32 @!p0 s5, $0x0  }
0x1f: {  	s9 =	smul.u32 $0xF7A, s1;
	s8 =	simm.s32 @!p0 $0x1BF5;
	p2 =	por !p2, p0  }
0x20: {  	[sflag:s8] =	ssyncset.s32 @!p0 $0xFFFFF086;
	s6 =	sadd.s32 @!p0 s3, s7;
	s7 =	simm.s32 @!p0 $0x108  }
0x21: {  	s3 =	sadd.s32 s3, s9;
	s6 =	sadd.s32 @!p0 $0x88, s6;
	s7 =	simm.s32 @p2 $0x1082  }
0x22: {  	[simem:s7], [sflag:s8] =	dma.local @!p0 [hbm:s6], $0xF7A  }
0x23: {  	s9 =	sor.u32 $0xD0000000, s2;
	s6 =	simm.s32 $0x108;
	_ =	swait.ge @!p0 [sflag:s8], $0x0  }
0x24: {  	s3 =	sadd.s32 $0x88, s3;
	s6 =	simm.s32 @!p1 $0x1082;
	[sflag:s4] =	ssyncset.s32 $0xFFFFF086  }
0x25: {  	[simem:s6], [sflag:s4] =	dma.local [hbm:s3], $0xF7A  }
0x26: {  	[smem:$0x3F94] =	sst s1;
	(tag) =	ssettag s2;
	_ =	strace s9  }
0x27: {  	s1 =	sld [smem:$0x3FA4]  }
0x28: {  	s2 =	sld [smem:$0x3FA5]  }
0x29: {  	s4 =	sld [smem:$0x3FA7]  }
0x2a: {  	p0 =	seq.s32 s5, $0x0;
	s5 =	sld [smem:$0x3FA8]  }
0x2b: {  	s6 =	sld [smem:$0x3FA9]  }
0x2c: {  	s7 =	sld [smem:$0x3FAA]  }
0x2d: {  	s3 =	simm.s32 $0x108;
	s8 =	sld [smem:$0x3FAB]  }
0x2e: {  	s3 =	simm.s32 @!p0 $0x1082;
	s9 =	sld [smem:$0x3FAC]  }
0x2f: {  	lr =	sadd.s32 s0, s3;
	s0 =	sld [smem:$0x3FA3]  }
0x30: {  	s3 =	sld [smem:$0x3FA6]  }
0x31: {  	[smem:$0x3FAF] =	sst s10  }
0x32: {  	s10 =	sld [smem:$0x3FAD];
	_ =	sdelay $0x3  }
0x33: {  	p0 =	seq.s32 s10, $0x1;
	s10 =	sld [smem:$0x3FAF];
	_ =	sdelay $0x3  }
0x34: {  	[smem:$0x3FAF] =	sst s10  }
0x35: {  	s10 =	sld [smem:$0x3FAE];
	_ =	sdelay $0x3  }
0x36: {  	p1 =	seq.s32 s10, $0x1;
	s10 =	sld [smem:$0x3FAF];
	_ =	sdelay $0x3  }
0x37: {  	[smem:$0x3FAF] =	sst s10  }
0x38: {  	s10 =	sld [smem:$0x3FB0]  }
0x39: {  	_ = 	snop;
	(pc) =	sbr.ind lr, $3  }
0x3a: {  	_ = 	snop  }
0x3b: {  	_ = 	snop  }
0x3c: {  	p2 =	seq.s32 s10, $0x1;
	s10 =	sld [smem:$0x3FAF]  }
0x3d: {  	_ =	shalt  }
0x3e: {  	_ =	shalt  }
0x3f: {  	_ =	shalt  }
0x40: {  	_ =	shalt  }
0x41: {  	_ =	shalt  }
0x42: {  	_ =	shalt  }
0x43: {  	_ =	shalt  }
0x44: {  	_ =	shalt  }
0x45: {  	_ =	shalt  }
0x46: {  	_ =	shalt  }
0x47: {  	_ =	shalt  }
0x48: {  	_ =	shalt  }
0x49: {  	_ =	shalt  }
0x4a: {  	_ =	shalt  }
0x4b: {  	_ =	shalt  }
0x4c: {  	_ =	shalt  }
0x4d: {  	_ =	shalt  }
0x4e: {  	_ =	shalt  }
0x4f: {  	_ =	shalt  }
0x50: {  	_ =	shalt  }
0x51: {  	_ =	shalt  }
0x52: {  	_ =	shalt  }
0x53: {  	_ =	shalt  }
0x54: {  	_ =	shalt  }
0x55: {  	_ =	shalt  }
0x56: {  	_ =	shalt  }
0x57: {  	_ =	shalt  }
0x58: {  	_ =	shalt  }
0x59: {  	_ =	shalt  }
0x5a: {  	_ =	shalt  }
0x5b: {  	_ =	shalt  }
0x5c: {  	_ =	shalt  }
0x5d: {  	_ =	shalt  }
0x5e: {  	_ =	shalt  }
0x5f: {  	_ =	shalt  }
0x60: {  	_ =	shalt  }
0x61: {  	_ =	shalt  }
0x62: {  	_ =	shalt  }
0x63: {  	_ =	shalt  }
0x64: {  	_ =	shalt  }
0x65: {  	_ =	shalt  }
0x66: {  	_ =	shalt  }
0x67: {  	_ =	shalt  }
0x68: {  	_ =	shalt  }
0x69: {  	_ =	shalt  }
0x6a: {  	_ =	shalt  }
0x6b: {  	_ =	shalt  }
0x6c: {  	_ =	shalt  }
0x6d: {  	_ =	shalt  }
0x6e: {  	_ =	shalt  }
0x6f: {  	_ =	shalt  }
0x70: {  	_ =	shalt  }
0x71: {  	_ =	shalt  }
0x72: {  	_ =	shalt  }
0x73: {  	_ =	shalt  }
0x74: {  	_ =	shalt  }
0x75: {  	_ =	shalt  }
0x76: {  	_ =	shalt  }
0x77: {  	_ =	shalt  }
0x78: {  	_ =	shalt  }
0x79: {  	_ =	shalt  }
0x7a: {  	_ =	shalt  }
0x7b: {  	_ =	shalt  }
0x7c: {  	_ =	shalt  }
0x7d: {  	_ =	shalt  }
0x7e: {  	_ =	shalt  }
0x7f: {  	_ =	shalt  }
0x80: {  	_ =	shalt  }
0x81: {  	_ =	shalt  }
0x82: {  	_ =	shalt  }
0x83: {  	_ =	shalt  }
0x84: {  	_ =	shalt  }
0x85: {  	_ =	shalt  }
0x86: {  	_ =	shalt  }
0x87: {  	_ =	shalt  }
.Lfunc_end0:
.L_simem_size_0:
called_computation.3_lowered:
.L_overlay_start_0:
0x88: {  	s2 =	sld [smem:$0x3FD9]  }
0x89: {  	s3 =	sld [smem:$0x3FFE];
	_ =	sdelay $0x1  }
0x8a: {  	s1 =	srdreg.scid  }
0x8b: {  	s0 =	sand.u32 $0x1, s1  }
0x8c: {  	s16 =	sshll.u32 s0, $0xA;
	s2 =	sadd.s32 s3, s2  }
0x8d: {  	s2 =	sadd.s32 s2, s16  }
0x8e: {  	[smem:$0x3FBB] =	sst s2  }
0x8f: {  	_ = 	snop  }
0x90: {  	(tm) =	ssettm $0x1  }
0x91: {  	s17 =	sld [smem:$0x3FFB];
	_ =	sdelay $0x3  }
0x92: {  	_ =	strace s17  }
0x93: {  	s2 =	sld [smem:$0x3FFC];
	_ =	sdelay $0x3  }
0x94: {  	_ =	strace s2  }
0x95: {  	s2 =	sld [smem:$0x3FFD];
	_ =	sdelay $0x3  }
0x96: {  	_ =	strace s2  }
0x97: {  	_ =	strace $0x8FFFFFFF  }
0x98: {  	s18 =	sld [smem:$0x3FDB];
	_ =	sdelay $0x1  }
0x99: {  	s19 =	simm.s32 $_scs_section_size  }
0x9a: {  	s4 =	simm.s32 $_size__tile_overlayer_lowered;
	s5 =	simm.s32 $_tile_overlayer_lowered  }
0x9b: {  	s22 =	simm.s32 $0x1BFF;
	s21 =	sshll.u32 s5, $0x1;
	s2 =	sadd.s32 s19, s18  }
0x9c: {  	s6 =	simm.s32 $0x0;
	s20 =	sshll.u32 s4, $0x1;
	s4 =	sadd.s32 s21, s2  }
0x9d: {  	[timem:s6], [sflag:s22] =	dma.local [hbm:s4], s20  }
0x9e: {  	_ =	swait.ge [sflag:s22], s20  }
0x9f: {  	s3 =	ssub.s32 $0x0, s20;
	[sflag:s22] =	ssyncset.done $0x0  }
0xa0: {  	[sflag:s22] =	ssyncadd.s32 s3;
	_ =	sdelay $0x1  }
0xa1: {  	s23 =	simm.s32 $0x1B8B  }
0xa2: {  	_ =	swait.ge [sflag:s23], $0x1  }
0xa3: {  	[sflag:s23] =	ssyncset.done $0x0  }
0xa4: {  	s25 =	simm.s32 $0x1B8E;
	s24 =	sld [smem:$0x3FFE];
	[sflag:s23] =	ssyncadd.s32 $0xFFFFFFFF  }
0xa5: {  	s26 =	simm.s32 $execute0_lowered;
	[smem:$0x3FD2] =	sst s25  }
0xa6: {  	s4 =	sshll.u32 s26, $0x1;
	_ =	strace $0x8000004F;
	[dreg:$0x1] =	wrdreg $0xFFFFFFFF  }
0xa7: {  	s28 =	simm.s32 $_size_execute0_lowered;
	s2 =	sadd.s32 s2, s4;
	[dreg:$0x0] =	wrdreg $0x0  }
0xa8: {  	s4 =	sshll.u32 s28, $0x1;
	[dreg:$0x2] =	wrdreg s2  }
0xa9: {  	[dreg:$0x3] =	wrdreg s4  }
0xaa: {  	[dreg:$0x4] =	wrdreg $0xC0  }
0xab: {  	_ =	task [dreg:s6], $0x5FFFF  }
0xac: {  	[dreg:$0x1] =	wrdreg $0xFFFFFFFF  }
0xad: {  	[dreg:$0x0] =	wrdreg $0x60  }
0xae: {  	[dreg:$0x2] =	wrdreg s24  }
0xaf: {  	[dreg:$0x3] =	wrdreg $0x0  }
0xb0: {  	[dreg:$0x4] =	wrdreg $0x9  }
0xb1: {  	_ =	task.clear_ibuf [dreg:s6], $0x5FFFF;
	_ =	strace $0x9000004F  }
0xb2: {  	s29 =	simm.s32 $0x9;
	_ =	strace $0x80000051  }
0xb3: {  	_ =	swait.ge [sflag:s29], $0x1  }
0xb4: {  	[sflag:s29] =	ssyncadd.s32 $0xFFFFFFFF  }
0xb5: {  	_ =	strace $0x90000051  }
0xb6: {  	_ =	sfence  }
0xb7: {  	s30 =	sld [smem:$0x0];
	_ =	sdelay $0x2  }
0xb8: {  	s31 =	sshll.u32 s1, $0xD;
	s1 =	sshrl.u32 s1, $0x2  }
0xb9: {  	s3 =	sand.u32 $0x4000, s31;
	s1 =	sadd.s32 s1, s30  }
0xba: {  	s0 =	sor.u32 s3, s0;
	s1 =	sshll.u32 s1, $0x11  }
0xbb: {  	s0 =	sor.u32 s1, s0  }
0xbc: {  	s0 =	sadd.s32 $0x8F2B, s0  }
0xbd: {  	[sflag:s0] =	ssyncadd.remote.s32 $0x1  }
0xbe: {  	_ =	sfence.sel $0xFFFF  }
0xbf: {  	[dreg:$0x0] =	wrdreg $0xFFFFFFFF;
	(pc) =	sbr.abs _section_cstart, $3  }
0xc0: {  	[dreg:$0x1] =	wrdreg $0xFFFFFFFF  }
0xc1: {  	_ =	task.clear_ibuf [dreg:s6], $0x2FFFF;
	_ =	strace $0x9FFFFFFF  }
0xc2: {  	(tm) =	ssettm $0x7FFFFFFF  }
0xc3: {  	_ =	shalt  }
tec
execute0_lowered:
.L_overlay_start_1:
0x0: {  	(tag) =	ssettag $0x1  }
0x1: {  	s0 =	rddreg [dreg:$0x0]  }
0x2: {  	s2 =	rddreg [dreg:$0x1];
	s3 =	simm.s32 $0x0  }
0x3: {  	s14 =	stileid.u32;
	s5 =	srdreg.scid;
	s20 =	simm.s32 $0x5  }
0x4: {  	s21 =	simm.s32 $0x13C00;
	s28 =	simm.s32 $0x13C30;
	s29 =	simm.s32 $0x1  }
0x5: {  	s30 =	simm.s32 $0x4;
	s17 =	simm.s32 $0x3;
	s1 =	smul.u32 $0x13C00, s14  }
0x6: {  	s18 =	simm.s32 $0x1EB60;
	[smem:$0x7FF] =	sst s3;
	s9 =	smul.u32 $0x2780, s14  }
0x7: {  	s4 =	sadd.s32 $0x411000, s0;
	s8 =	sand.u32 $0x1, s5;
	s22 =	smul.u32 $0xC1E0, s14  }
0x8: {  	s5 =	sadd.s32 $0x4200, s0;
	s6 =	sadd.s32 $0xBFA00, s0;
	s26 =	smul.u32 $0xA140, s14  }
0x9: {  	s7 =	sadd.s32 $0xC4A00, s0;
	s13 =	sshll.u32 s14, $0x6;
	s10 =	smul.u32 $0x27800, s8  }
0xa: {  	_ =	strace $0x80000050;
	s12 =	smul.u32 $0xC1E00, s8;
	s8 =	ssub.s32 $0x2, s8  }
0xb: {  	s13 =	sor.u32 $0x1C05, s13;
	s11 =	sshrl.u32 s1, $0x3;
	s23 =	sshrl.u32 s8, $0x1  }
0xc: {  	s1 =	sadd.s32 s1, s2;
	[dreg:$0x5] =	wrdreg s13;
	s9 =	sadd.s32 s9, s10  }
0xd: {  	s11 =	sadd.s32 s11, s0;
	s0 =	sadd.s32 s9, s0;
	s9 =	ssub.s32 s8, s23  }
0xe: {  	s8 =	sadd.s32 s22, s12;
	s24 =	sadd.s32 $0xF5200, s11;
	s11 =	smul.u32 $0x50A0, s14  }
0xf: {  	s12 =	sadd.s32 s5, s26;
	s22 =	simm.s32 $0x14;
	s23 =	simm.s32 $0x13C60  }
0x10: {  	s26 =	simm.s32 $0x1DC60;
	s14 =	simm.s32 $0x2;
	[dreg:$0x3] =	wrdreg s24  }
0x11: {  	s25 =	sshrl.u32 s8, $0x3;
	[dreg:$0x6] =	wrdreg s12;
	s0 =	sadd.s32 $0x11CA00, s0  }
0x12: {  	s16 =	sadd.s32 $0x90, s8;
	s31 =	smax.u32 s9, $0x1;
	[dreg:$0x8] =	wrdreg s0  }
0x13: {  	s9 =	sshrl.u32 s1, $0x3;
	s24 =	simm.s32 $0x13C18;
	[dreg:$0x9] =	wrdreg s31  }
0x14: {  	v0 =	vimm.s32 $0x0;
	v1 =	vimm.s32 $0x1;
	s10 =	sadd.s32 s7, s25;
	s15 =	sor.u32 $0x14, s11;
	[dreg:$0xa] =	wrdreg s9  }
0x15: {  	v2 =	vimm.s32 $0x2;
	v3 =	vimm.s32 $0x3;
	v4 =	vimm.s32 $0x4;
	s25 =	simm.s32 $0x1DEE0;
	[dreg:$0x4] =	wrdreg s10;
	s10 =	sadd.s32 $0x6, s10  }
0x16: {  	v5 =	vimm.s32 $0x5;
	v6 =	vimm.s32 $0x6;
	v7 =	vimm.s32 $0x7;
	s0 =	simm.s32 $0x13C48;
	[dreg:$0x7] =	wrdreg s10;
	s10 =	simm.s32 $0x0  }
.LBB2_1:
0x17: {  	[dreg:$0xb] =	wrdreg s10  }
0x18: {  	s1 =	rddreg [dreg:$0x3]  }
0x19: {  	[spmem:s9], [sflag:s13] =	dma.local [hbm:s1], $0x2780  }
0x1a: {  	_ =	swait.ge [sflag:s20], $0x2780  }
0x1b: {  	[sflag:s20] =	ssyncset.done $0x0  }
0x1c: {  	s13 =	rddreg [dreg:$0x4];
	[sflag:s20] =	ssyncadd.s32 $0xFFFFD880  }
0x1d: {  	[tilespmem:s21], [sflag:$0x5] =	stream.linear.gather [hbm4b:s13+s3], $0x30, $0x38;
	[tilespmem:$0x1F560] =	vst v63  }
0x1e: {  	_ =	swait.ge [sflag:s20], $0x30  }
0x1f: {  	[sflag:s20] =	ssyncset.done $0x0  }
0x20: {  	[sflag:s20] =	ssyncadd.s32 $0xFFFFFFD0  }
0x21: {  	[tilespmem:s23], [sflag:$0x1] =	stream.indirect.gather [hbm4b:s4+s22], $0x400, s21, s22, $0xb8;
	[tilespmem:$0x1F560] =	vst v63  }
0x22: {  	_ = 	snop  }
0x23: {  	[tilespmem:s25], [sflag:$0x1] =	stream.indirect.gather [hbm4b:s6+s22], $0x10, s24, s22, $0xb8;
	[tilespmem:$0x1F560] =	vst v63  }
0x24: {  	s19 =	rddreg [dreg:$0x6]  }
0x25: {  	[tilespmem:s26], [sflag:$0x1] =	stream.linear.gather [hbm4b:s19+s3], $0x140, $0x38;
	[tilespmem:$0x1F560] =	vst v63  }
0x26: {  	s31 =	rddreg [dreg:$0x7]  }
0x27: {  	[tilespmem:s28], [sflag:$0x4] =	stream.linear.gather [hbm4b:s31+s3], $0x30, $0x38;
	[tilespmem:$0x1F560] =	vst v63  }
0x28: {  	s12 =	simm.s32 $0x0;
	[bflag:$0x0] =	sbarrier.arrive $0xFFFF  }
.LBB2_2:
0x29: {  	_ =	swait.ge [sflag:s29], $0x5000  }
0x2a: {  	[sflag:s29] =	ssyncset.done $0x0  }
0x2b: {  	[sflag:s29] =	ssyncadd.s32 $0xFFFFB000  }
0x2c: {  	_ =	swait.ge [sflag:s29], $0x140  }
0x2d: {  	[sflag:s29] =	ssyncset.done $0x0  }
0x2e: {  	[sflag:s29] =	ssyncadd.s32 $0xFFFFFEC0  }
0x2f: {  	_ =	swait.ge [sflag:s29], $0x140  }
0x30: {  	[sflag:s29] =	ssyncset.done $0x0  }
0x31: {  	[sflag:s29] =	ssyncadd.s32 $0xFFFFFEC0  }
0x32: {  	_ =	swait.ge [sflag:s30], $0x30  }
0x33: {  	[sflag:s30] =	ssyncset.done $0x0  }
0x34: {  	s1 =	simm.s32 $0x18C60;
	s10 =	smul.u32 $0x28, s12;
	[sflag:s30] =	ssyncadd.s32 $0xFFFFFFD0  }
0x35: {  	[tilespmem:s1], [sflag:$0x2] =	stream.indirect.gather [hbm4b:s4+s22], $0x400, s28, s22, $0xb8;
	[tilespmem:$0x1F560] =	vst v63  }
0x36: {  	s1 =	sadd.s32 s10, s15  }
0x37: {  	s9 =	simm.s32 $0x1E020;
	s13 =	simm.s32 $0x0;
	s1 =	sshll.u32 s1, $0x1  }
0x38: {  	[tilespmem:s9], [sflag:$0x2] =	stream.indirect.gather [hbm4b:s6+s22], $0x10, s0, s22, $0xb8;
	[tilespmem:$0x1F560] =	vst v63  }
0x39: {  	s19 =	simm.s32 $0x0;
	s10 =	simm.s32 $0x1DDA0;
	s1 =	sadd.s32 s5, s1  }
0x3a: {  	[tilespmem:s10], [sflag:$0x2] =	stream.linear.gather [hbm4b:s1+s13], $0x140, $0x38;
	[tilespmem:$0x1F560] =	vst v63  }
0x3b: {  	v8 =	vld [tilespmem:s19+$0x1DC60];
	_ =	sdelay $0x1  }
0x3c: {  	v9 =	vld [tilespmem:s19+$0x1DEE0];
	_ =	sdelay $0x1  }
0x3d: {  	s19 =	simm.s32 $0x13E60  }
0x3e: {  	v10 =	vld [tilespmem:s19+$0xFFFFFE80];
	v8 =	vmul.f32 $1.250000000e-01, v8  }
0x3f: {  	v12 =	vld [tilespmem:s19+$0xFFFFFE00]  }
0x40: {  	v13 =	vmul.f32 v9, v8  }
0x41: {  	v14 =	vld [tilespmem:s19+$0xFFFFFF00]  }
0x42: {  	v15 =	vperm.xlane v13, v0;
	v11 =	vperm.xlane v13, v1  }
0x43: {  	v16 =	vld [tilespmem:s19+$0xFFFFFF80];
	v9 =	vperm.xlane v13, v2  }
0x44: {  	v12 =	vmul.f32 v12, v15;
	v10 =	vmul.f32 v10, v11  }
0x45: {  	v17 =	vld [tilespmem:s19+$0x0]  }
0x46: {  	v8 =	vperm.xlane v13, v3;
	v14 =	vmul.f32 v14, v9;
	v12 =	vadd.f32 v10, v12  }
0x47: {  	v18 =	vld [tilespmem:s19+$0x80]  }
0x48: {  	v16 =	vmul.f32 v16, v8;
	v10 =	vperm.xlane v13, v4;
	v14 =	vadd.f32 v14, v12  }
0x49: {  	v19 =	vld [tilespmem:s19+$0x100]  }
0x4a: {  	v12 =	vperm.xlane v13, v5;
	v17 =	vmul.f32 v17, v10;
	v16 =	vadd.f32 v16, v14  }
0x4b: {  	v20 =	vld [tilespmem:s19+$0x180]  }
0x4c: {  	v14 =	vperm.xlane v13, v6;
	v16 =	vadd.f32 v17, v16;
	v17 =	vmul.f32 v18, v12;
	_ =	sdelay $0x1  }
0x4d: {  	v13 =	vperm.xlane v13, v7;
	v16 =	vadd.f32 v17, v16;
	v17 =	vmul.f32 v19, v14;
	_ =	sdelay $0x1  }
0x4e: {  	v16 =	vadd.f32 v17, v16;
	v17 =	vmul.f32 v20, v13;
	_ =	sdelay $0x1  }
0x4f: {  	v16 =	vadd.f32 v17, v16  }
0x50: {  	s10 =	simm.s32 $0x1E1A0  }
0x51: {  	[tilespmem:s10+$0xFFFFFFC0] =	vst v16  }
0x52: {  	v16 =	vld [tilespmem:s19+$0xFFFFFE10]  }
0x53: {  	v17 =	vld [tilespmem:s19+$0xFFFFFE90];
	_ =	sdelay $0x1  }
0x54: {  	v18 =	vld [tilespmem:s19+$0xFFFFFF10];
	_ =	sdelay $0x1  }
0x55: {  	v19 =	vld [tilespmem:s19+$0xFFFFFF90]  }
0x56: {  	v16 =	vmul.f32 v16, v15;
	v17 =	vmul.f32 v17, v11  }
0x57: {  	v20 =	vld [tilespmem:s19+$0x10]  }
0x58: {  	v16 =	vadd.f32 v17, v16;
	v17 =	vmul.f32 v18, v9  }
0x59: {  	v18 =	vld [tilespmem:s19+$0x90]  }
0x5a: {  	v16 =	vadd.f32 v17, v16;
	v17 =	vmul.f32 v19, v8  }
0x5b: {  	v19 =	vld [tilespmem:s19+$0x110]  }
0x5c: {  	v16 =	vadd.f32 v17, v16;
	v17 =	vmul.f32 v20, v10  }
0x5d: {  	v20 =	vld [tilespmem:s19+$0x190]  }
0x5e: {  	v16 =	vadd.f32 v17, v16;
	v17 =	vmul.f32 v18, v12;
	_ =	sdelay $0x1  }
0x5f: {  	v16 =	vadd.f32 v17, v16;
	v17 =	vmul.f32 v19, v14;
	_ =	sdelay $0x1  }
0x60: {  	v16 =	vadd.f32 v17, v16;
	v17 =	vmul.f32 v20, v13;
	_ =	sdelay $0x1  }
0x61: {  	v16 =	vadd.f32 v17, v16;
	_ =	sdelay $0x1  }
0x62: {  	[tilespmem:s10+$0xFFFFFFD0] =	vst v16  }
0x63: {  	v16 =	vld [tilespmem:s19+$0xFFFFFE20]  }
0x64: {  	v17 =	vld [tilespmem:s19+$0xFFFFFEA0];
	_ =	sdelay $0x1  }
0x65: {  	v18 =	vld [tilespmem:s19+$0xFFFFFF20];
	_ =	sdelay $0x1  }
0x66: {  	v19 =	vld [tilespmem:s19+$0xFFFFFFA0]  }
0x67: {  	v16 =	vmul.f32 v16, v15;
	v17 =	vmul.f32 v17, v11  }
0x68: {  	v20 =	vld [tilespmem:s19+$0x20]  }
0x69: {  	v16 =	vadd.f32 v17, v16;
	v17 =	vmul.f32 v18, v9  }
0x6a: {  	v18 =	vld [tilespmem:s19+$0xA0]  }
0x6b: {  	v16 =	vadd.f32 v17, v16;
	v17 =	vmul.f32 v19, v8  }
0x6c: {  	v19 =	vld [tilespmem:s19+$0x120]  }
0x6d: {  	v16 =	vadd.f32 v17, v16;
	v17 =	vmul.f32 v20, v10  }
0x6e: {  	v20 =	vld [tilespmem:s19+$0x1A0]  }
0x6f: {  	v16 =	vadd.f32 v17, v16;
	v17 =	vmul.f32 v18, v12;
	_ =	sdelay $0x1  }
0x70: {  	v16 =	vadd.f32 v17, v16;
	v17 =	vmul.f32 v19, v14;
	_ =	sdelay $0x1  }
0x71: {  	v16 =	vadd.f32 v17, v16;
	v17 =	vmul.f32 v20, v13;
	_ =	sdelay $0x1  }
0x72: {  	v16 =	vadd.f32 v17, v16;
	_ =	sdelay $0x1  }
0x73: {  	[tilespmem:s10+$0xFFFFFFE0] =	vst v16  }
0x74: {  	v16 =	vld [tilespmem:s19+$0xFFFFFE30]  }
0x75: {  	v17 =	vld [tilespmem:s19+$0xFFFFFEB0];
	_ =	sdelay $0x1  }
0x76: {  	v18 =	vld [tilespmem:s19+$0xFFFFFF30];
	_ =	sdelay $0x1  }
0x77: {  	v19 =	vld [tilespmem:s19+$0xFFFFFFB0]  }
0x78: {  	v16 =	vmul.f32 v16, v15;
	v17 =	vmul.f32 v17, v11  }
0x79: {  	v20 =	vld [tilespmem:s19+$0x30]  }
0x7a: {  	v16 =	vadd.f32 v17, v16;
	v17 =	vmul.f32 v18, v9  }
0x7b: {  	v18 =	vld [tilespmem:s19+$0xB0]  }
0x7c: {  	v16 =	vadd.f32 v17, v16;
	v17 =	vmul.f32 v19, v8  }
0x7d: {  	v19 =	vld [tilespmem:s19+$0x130]  }
0x7e: {  	v16 =	vadd.f32 v17, v16;
	v17 =	vmul.f32 v20, v10  }
0x7f: {  	v20 =	vld [tilespmem:s19+$0x1B0]  }
0x80: {  	v16 =	vadd.f32 v17, v16;
	v17 =	vmul.f32 v18, v12;
	_ =	sdelay $0x1  }
0x81: {  	v16 =	vadd.f32 v17, v16;
	v17 =	vmul.f32 v19, v14;
	_ =	sdelay $0x1  }
0x82: {  	v16 =	vadd.f32 v17, v16;
	v17 =	vmul.f32 v20, v13;
	_ =	sdelay $0x1  }
0x83: {  	v16 =	vadd.f32 v17, v16;
	_ =	sdelay $0x1  }
0x84: {  	[tilespmem:s10+$0xFFFFFFF0] =	vst v16  }
0x85: {  	v16 =	vld [tilespmem:s19+$0xFFFFFE40]  }
0x86: {  	v17 =	vld [tilespmem:s19+$0xFFFFFEC0];
	_ =	sdelay $0x1  }
0x87: {  	v18 =	vld [tilespmem:s19+$0xFFFFFF40];
	_ =	sdelay $0x1  }
0x88: {  	v19 =	vld [tilespmem:s19+$0xFFFFFFC0]  }
0x89: {  	v16 =	vmul.f32 v16, v15;
	v17 =	vmul.f32 v17, v11  }
0x8a: {  	v20 =	vld [tilespmem:s19+$0x40]  }
0x8b: {  	v16 =	vadd.f32 v17, v16;
	v17 =	vmul.f32 v18, v9  }
0x8c: {  	v18 =	vld [tilespmem:s19+$0xC0]  }
0x8d: {  	v16 =	vadd.f32 v17, v16;
	v17 =	vmul.f32 v19, v8  }
0x8e: {  	v19 =	vld [tilespmem:s19+$0x140]  }
0x8f: {  	v16 =	vadd.f32 v17, v16;
	v17 =	vmul.f32 v20, v10  }
0x90: {  	v20 =	vld [tilespmem:s19+$0x1C0]  }
0x91: {  	v16 =	vadd.f32 v17, v16;
	v17 =	vmul.f32 v18, v12;
	_ =	sdelay $0x1  }
0x92: {  	v16 =	vadd.f32 v17, v16;
	v17 =	vmul.f32 v19, v14;
	_ =	sdelay $0x1  }
0x93: {  	v16 =	vadd.f32 v17, v16;
	v17 =	vmul.f32 v20, v13;
	_ =	sdelay $0x1  }
0x94: {  	v16 =	vadd.f32 v17, v16;
	_ =	sdelay $0x1  }
0x95: {  	[tilespmem:s10+$0x0] =	vst v16  }
0x96: {  	v16 =	vld [tilespmem:s19+$0xFFFFFE50]  }
0x97: {  	v17 =	vld [tilespmem:s19+$0xFFFFFED0];
	_ =	sdelay $0x1  }
0x98: {  	v18 =	vld [tilespmem:s19+$0xFFFFFF50];
	_ =	sdelay $0x1  }
0x99: {  	v19 =	vld [tilespmem:s19+$0xFFFFFFD0]  }
0x9a: {  	v16 =	vmul.f32 v16, v15;
	v17 =	vmul.f32 v17, v11  }
0x9b: {  	v20 =	vld [tilespmem:s19+$0x50]  }
0x9c: {  	v18 =	vmul.f32 v18, v9;
	v16 =	vadd.f32 v17, v16  }
0x9d: {  	v17 =	vld [tilespmem:s19+$0xD0]  }
0x9e: {  	v19 =	vmul.f32 v19, v8;
	v16 =	vadd.f32 v18, v16  }
0x9f: {  	v18 =	vld [tilespmem:s19+$0x150]  }
0xa0: {  	v20 =	vmul.f32 v20, v10;
	v16 =	vadd.f32 v19, v16  }
0xa1: {  	v19 =	vld [tilespmem:s19+$0x1D0]  }
0xa2: {  	v17 =	vmul.f32 v17, v12;
	v16 =	vadd.f32 v20, v16;
	_ =	sdelay $0x1  }
0xa3: {  	v18 =	vmul.f32 v18, v14;
	v16 =	vadd.f32 v17, v16;
	_ =	sdelay $0x1  }
0xa4: {  	v17 =	vmul.f32 v19, v13;
	v16 =	vadd.f32 v18, v16;
	_ =	sdelay $0x1  }
0xa5: {  	v16 =	vadd.f32 v17, v16;
	_ =	sdelay $0x1  }
0xa6: {  	[tilespmem:s10+$0x10] =	vst v16  }
0xa7: {  	v16 =	vld [tilespmem:s19+$0xFFFFFE60]  }
0xa8: {  	v17 =	vld [tilespmem:s19+$0xFFFFFEE0];
	_ =	sdelay $0x1  }
0xa9: {  	v18 =	vld [tilespmem:s19+$0xFFFFFF60];
	_ =	sdelay $0x1  }
0xaa: {  	v19 =	vld [tilespmem:s19+$0xFFFFFFE0]  }
0xab: {  	v16 =	vmul.f32 v16, v15;
	v17 =	vmul.f32 v17, v11  }
0xac: {  	v20 =	vld [tilespmem:s19+$0x60]  }
0xad: {  	v18 =	vmul.f32 v18, v9;
	v16 =	vadd.f32 v17, v16  }
0xae: {  	v17 =	vld [tilespmem:s19+$0xE0]  }
0xaf: {  	v19 =	vmul.f32 v19, v8;
	v16 =	vadd.f32 v18, v16  }
0xb0: {  	v18 =	vld [tilespmem:s19+$0x160]  }
0xb1: {  	v20 =	vmul.f32 v20, v10;
	v16 =	vadd.f32 v19, v16  }
0xb2: {  	v19 =	vld [tilespmem:s19+$0x1E0]  }
0xb3: {  	v17 =	vmul.f32 v17, v12;
	v16 =	vadd.f32 v20, v16;
	_ =	sdelay $0x1  }
0xb4: {  	v18 =	vmul.f32 v18, v14;
	v16 =	vadd.f32 v17, v16;
	_ =	sdelay $0x1  }
0xb5: {  	v17 =	vmul.f32 v19, v13;
	v16 =	vadd.f32 v18, v16;
	_ =	sdelay $0x1  }
0xb6: {  	v16 =	vadd.f32 v17, v16;
	_ =	sdelay $0x1  }
0xb7: {  	[tilespmem:s10+$0x20] =	vst v16  }
0xb8: {  	v20 =	vld [tilespmem:s19+$0xFFFFFE70]  }
0xb9: {  	v19 =	vld [tilespmem:s19+$0xFFFFFEF0]  }
0xba: {  	v18 =	vld [tilespmem:s19+$0xFFFFFF70]  }
0xbb: {  	v17 =	vld [tilespmem:s19+$0xFFFFFFF0]  }
0xbc: {  	v16 =	vld [tilespmem:s19+$0x70]  }
0xbd: {  	s31 =	simm.s32 $0x1E1A0;
	s9 =	simm.s32 $0x13E60;
	s1 =	simm.s32 $0x40;
	v20 =	vmul.f32 v20, v15;
	v15 =	vld [tilespmem:s19+$0xF0]  }
.LBB2_3:
0xbe: {  	p0 =	sne.s32 s1, $0x4C0;
	v11 =	vmul.f32 v19, v11;
	v19 =	vld [tilespmem:s19+$0x170];
	s10 =	sadd.s32 $0x80, s10;
	s9 =	sadd.s32 $0x400, s9  }
0xbf: {  	s13 =	smov.u32 s1;
	s1 =	sadd.s32 $0x40, s1;
	v9 =	vmul.f32 v18, v9;
	v18 =	vld [tilespmem:s19+$0x1F0];
	s19 =	smov.u32 s9  }
0xc0: {  	v11 =	vadd.f32 v11, v20;
	v8 =	vmul.f32 v17, v8  }
0xc1: {  	v10 =	vmul.f32 v16, v10  }
0xc2: {  	v9 =	vadd.f32 v9, v11;
	v11 =	vmul.f32 v15, v12  }
0xc3: {  	v12 =	vmul.f32 v19, v14  }
0xc4: {  	v8 =	vadd.f32 v8, v9;
	v9 =	vmul.f32 v18, v13  }
0xc5: {  	s13 =	sshra.s32 s13, $0x2  }
0xc6: {  	v8 =	vadd.f32 v10, v8;
	_ =	sdelay $0x1  }
0xc7: {  	v8 =	vadd.f32 v11, v8;
	_ =	sdelay $0x1  }
0xc8: {  	v8 =	vadd.f32 v12, v8;
	_ =	sdelay $0x1  }
0xc9: {  	v8 =	vadd.f32 v9, v8;
	_ =	sdelay $0x1  }
0xca: {  	[tilespmem:s31+$0x30] =	vst v8;
	s31 =	smov.u32 s10  }
0xcb: {  	v8 =	vld [tilespmem:s13+$0x1DC60]  }
0xcc: {  	v9 =	vld [tilespmem:s13+$0x1DEE0];
	_ =	sdelay $0x1  }
0xcd: {  	v12 =	vld [tilespmem:s9+$0xFFFFFF80];
	_ =	sdelay $0x1  }
0xce: {  	v8 =	vmul.f32 $1.250000000e-01, v8;
	v10 =	vld [tilespmem:s9+$0xFFFFFE80]  }
0xcf: {  	v13 =	vld [tilespmem:s9+$0xFFFFFE00]  }
0xd0: {  	v16 =	vmul.f32 v9, v8  }
0xd1: {  	v14 =	vld [tilespmem:s9+$0xFFFFFF00]  }
0xd2: {  	v15 =	vperm.xlane v16, v0;
	v11 =	vperm.xlane v16, v1  }
0xd3: {  	v9 =	vperm.xlane v16, v2;
	v8 =	vperm.xlane v16, v3  }
0xd4: {  	v13 =	vmul.f32 v13, v15;
	v17 =	vmul.f32 v10, v11  }
0xd5: {  	v10 =	vperm.xlane v16, v4;
	v18 =	vmul.f32 v12, v8;
	v19 =	vld [tilespmem:s9+$0x0]  }
0xd6: {  	v12 =	vperm.xlane v16, v5;
	v17 =	vadd.f32 v17, v13;
	v20 =	vmul.f32 v14, v9  }
0xd7: {  	v14 =	vperm.xlane v16, v6;
	v13 =	vperm.xlane v16, v7;
	v16 =	vld [tilespmem:s9+$0x80]  }
0xd8: {  	v17 =	vadd.f32 v20, v17  }
0xd9: {  	v20 =	vld [tilespmem:s9+$0x100]  }
0xda: {  	v17 =	vadd.f32 v18, v17;
	v18 =	vmul.f32 v19, v10  }
0xdb: {  	v19 =	vld [tilespmem:s9+$0x180]  }
0xdc: {  	v17 =	vadd.f32 v18, v17;
	v16 =	vmul.f32 v16, v12;
	_ =	sdelay $0x1  }
0xdd: {  	v16 =	vadd.f32 v16, v17;
	v17 =	vmul.f32 v20, v14;
	_ =	sdelay $0x1  }
0xde: {  	v16 =	vadd.f32 v17, v16;
	v17 =	vmul.f32 v19, v13;
	_ =	sdelay $0x1  }
0xdf: {  	v16 =	vadd.f32 v17, v16;
	_ =	sdelay $0x1  }
0xe0: {  	[tilespmem:s10+$0xFFFFFFC0] =	vst v16  }
0xe1: {  	v16 =	vld [tilespmem:s9+$0xFFFFFE10]  }
0xe2: {  	v17 =	vld [tilespmem:s9+$0xFFFFFE90];
	_ =	sdelay $0x1  }
0xe3: {  	v18 =	vld [tilespmem:s9+$0xFFFFFF10];
	_ =	sdelay $0x1  }
0xe4: {  	v16 =	vmul.f32 v16, v15;
	v19 =	vld [tilespmem:s9+$0xFFFFFF90]  }
0xe5: {  	v17 =	vmul.f32 v17, v11  }
0xe6: {  	v20 =	vld [tilespmem:s9+$0x10]  }
0xe7: {  	v16 =	vadd.f32 v17, v16;
	v17 =	vmul.f32 v18, v9  }
0xe8: {  	v18 =	vld [tilespmem:s9+$0x90]  }
0xe9: {  	v16 =	vadd.f32 v17, v16;
	v17 =	vmul.f32 v19, v8  }
0xea: {  	v19 =	vld [tilespmem:s9+$0x110]  }
0xeb: {  	v16 =	vadd.f32 v17, v16;
	v17 =	vmul.f32 v20, v10  }
0xec: {  	v20 =	vld [tilespmem:s9+$0x190]  }
0xed: {  	v16 =	vadd.f32 v17, v16;
	v17 =	vmul.f32 v18, v12;
	_ =	sdelay $0x1  }
0xee: {  	v16 =	vadd.f32 v17, v16;
	v17 =	vmul.f32 v19, v14;
	_ =	sdelay $0x1  }
0xef: {  	v16 =	vadd.f32 v17, v16;
	v17 =	vmul.f32 v20, v13;
	_ =	sdelay $0x1  }
0xf0: {  	v16 =	vadd.f32 v17, v16;
	_ =	sdelay $0x1  }
0xf1: {  	[tilespmem:s10+$0xFFFFFFD0] =	vst v16  }
0xf2: {  	v16 =	vld [tilespmem:s9+$0xFFFFFE20]  }
0xf3: {  	v17 =	vld [tilespmem:s9+$0xFFFFFEA0];
	_ =	sdelay $0x1  }
0xf4: {  	v18 =	vld [tilespmem:s9+$0xFFFFFF20];
	_ =	sdelay $0x1  }
0xf5: {  	v16 =	vmul.f32 v16, v15;
	v19 =	vld [tilespmem:s9+$0xFFFFFFA0]  }
0xf6: {  	v17 =	vmul.f32 v17, v11  }
0xf7: {  	v20 =	vld [tilespmem:s9+$0x20]  }
0xf8: {  	v16 =	vadd.f32 v17, v16;
	v17 =	vmul.f32 v18, v9  }
0xf9: {  	v18 =	vld [tilespmem:s9+$0xA0]  }
0xfa: {  	v16 =	vadd.f32 v17, v16;
	v17 =	vmul.f32 v19, v8  }
0xfb: {  	v19 =	vld [tilespmem:s9+$0x120]  }
0xfc: {  	v16 =	vadd.f32 v17, v16;
	v17 =	vmul.f32 v20, v10  }
0xfd: {  	v20 =	vld [tilespmem:s9+$0x1A0]  }
0xfe: {  	v16 =	vadd.f32 v17, v16;
	v17 =	vmul.f32 v18, v12;
	_ =	sdelay $0x1  }
0xff: {  	v16 =	vadd.f32 v17, v16;
	v17 =	vmul.f32 v19, v14;
	_ =	sdelay $0x1  }
0x100: {  	v16 =	vadd.f32 v17, v16;
	v17 =	vmul.f32 v20, v13;
	_ =	sdelay $0x1  }
0x101: {  	v16 =	vadd.f32 v17, v16;
	_ =	sdelay $0x1  }
0x102: {  	[tilespmem:s10+$0xFFFFFFE0] =	vst v16  }
0x103: {  	v16 =	vld [tilespmem:s9+$0xFFFFFE30]  }
0x104: {  	v17 =	vld [tilespmem:s9+$0xFFFFFEB0];
	_ =	sdelay $0x1  }
0x105: {  	v18 =	vld [tilespmem:s9+$0xFFFFFF30];
	_ =	sdelay $0x1  }
0x106: {  	v16 =	vmul.f32 v16, v15;
	v19 =	vld [tilespmem:s9+$0xFFFFFFB0]  }
0x107: {  	v17 =	vmul.f32 v17, v11  }
0x108: {  	v20 =	vld [tilespmem:s9+$0x30]  }
0x109: {  	v16 =	vadd.f32 v17, v16;
	v17 =	vmul.f32 v18, v9  }
0x10a: {  	v18 =	vld [tilespmem:s9+$0xB0]  }
0x10b: {  	v16 =	vadd.f32 v17, v16;
	v17 =	vmul.f32 v19, v8  }
0x10c: {  	v19 =	vld [tilespmem:s9+$0x130]  }
0x10d: {  	v16 =	vadd.f32 v17, v16;
	v17 =	vmul.f32 v20, v10  }
0x10e: {  	v20 =	vld [tilespmem:s9+$0x1B0]  }
0x10f: {  	v16 =	vadd.f32 v17, v16;
	v17 =	vmul.f32 v18, v12;
	_ =	sdelay $0x1  }
0x110: {  	v16 =	vadd.f32 v17, v16;
	v17 =	vmul.f32 v19, v14;
	_ =	sdelay $0x1  }
0x111: {  	v16 =	vadd.f32 v17, v16;
	v17 =	vmul.f32 v20, v13;
	_ =	sdelay $0x1  }
0x112: {  	v16 =	vadd.f32 v17, v16;
	_ =	sdelay $0x1  }
0x113: {  	[tilespmem:s10+$0xFFFFFFF0] =	vst v16  }
0x114: {  	v16 =	vld [tilespmem:s9+$0xFFFFFE40]  }
0x115: {  	v17 =	vld [tilespmem:s9+$0xFFFFFEC0];
	_ =	sdelay $0x1  }
0x116: {  	v18 =	vld [tilespmem:s9+$0xFFFFFF40];
	_ =	sdelay $0x1  }
0x117: {  	v16 =	vmul.f32 v16, v15;
	v19 =	vld [tilespmem:s9+$0xFFFFFFC0]  }
0x118: {  	v17 =	vmul.f32 v17, v11  }
0x119: {  	v20 =	vld [tilespmem:s9+$0x40]  }
0x11a: {  	v16 =	vadd.f32 v17, v16;
	v17 =	vmul.f32 v18, v9  }
0x11b: {  	v18 =	vld [tilespmem:s9+$0xC0]  }
0x11c: {  	v16 =	vadd.f32 v17, v16;
	v17 =	vmul.f32 v19, v8  }
0x11d: {  	v19 =	vld [tilespmem:s9+$0x140]  }
0x11e: {  	v16 =	vadd.f32 v17, v16;
	v17 =	vmul.f32 v20, v10  }
0x11f: {  	v20 =	vld [tilespmem:s9+$0x1C0]  }
0x120: {  	v16 =	vadd.f32 v17, v16;
	v17 =	vmul.f32 v18, v12;
	_ =	sdelay $0x1  }
0x121: {  	v16 =	vadd.f32 v17, v16;
	v17 =	vmul.f32 v19, v14;
	_ =	sdelay $0x1  }
0x122: {  	v16 =	vadd.f32 v17, v16;
	v17 =	vmul.f32 v20, v13;
	_ =	sdelay $0x1  }
0x123: {  	v16 =	vadd.f32 v17, v16;
	_ =	sdelay $0x1  }
0x124: {  	[tilespmem:s10+$0x0] =	vst v16  }
0x125: {  	v16 =	vld [tilespmem:s9+$0xFFFFFE50]  }
0x126: {  	v17 =	vld [tilespmem:s9+$0xFFFFFED0]  }
0x127: {  	v18 =	vld [tilespmem:s9+$0xFFFFFF50]  }
0x128: {  	v19 =	vld [tilespmem:s9+$0xFFFFFFD0]  }
0x129: {  	v20 =	vld [tilespmem:s9+$0x50]  }
0x12a: {  	v16 =	vmul.f32 v16, v15;
	v21 =	vld [tilespmem:s9+$0xD0]  }
0x12b: {  	v17 =	vmul.f32 v17, v11;
	v22 =	vld [tilespmem:s9+$0x150]  }
0x12c: {  	v18 =	vmul.f32 v18, v9;
	v23 =	vld [tilespmem:s9+$0x1D0]  }
0x12d: {  	v16 =	vadd.f32 v17, v16;
	v17 =	vmul.f32 v19, v8  }
0x12e: {  	v19 =	vmul.f32 v20, v10  }
0x12f: {  	v16 =	vadd.f32 v18, v16;
	v18 =	vmul.f32 v21, v12  }
0x130: {  	v20 =	vmul.f32 v22, v14  }
0x131: {  	v16 =	vadd.f32 v17, v16;
	v17 =	vmul.f32 v23, v13;
	_ =	sdelay $0x1  }
0x132: {  	v16 =	vadd.f32 v19, v16;
	_ =	sdelay $0x1  }
0x133: {  	v16 =	vadd.f32 v18, v16;
	_ =	sdelay $0x1  }
0x134: {  	v16 =	vadd.f32 v20, v16;
	_ =	sdelay $0x1  }
0x135: {  	v16 =	vadd.f32 v17, v16;
	_ =	sdelay $0x1  }
0x136: {  	[tilespmem:s10+$0x10] =	vst v16  }
0x137: {  	v16 =	vld [tilespmem:s9+$0xFFFFFE60]  }
0x138: {  	v17 =	vld [tilespmem:s9+$0xFFFFFEE0]  }
0x139: {  	v18 =	vld [tilespmem:s9+$0xFFFFFF60]  }
0x13a: {  	v19 =	vld [tilespmem:s9+$0xFFFFFFE0]  }
0x13b: {  	v20 =	vld [tilespmem:s9+$0x60]  }
0x13c: {  	v16 =	vmul.f32 v16, v15;
	v21 =	vld [tilespmem:s9+$0xE0]  }
0x13d: {  	v17 =	vmul.f32 v17, v11;
	v22 =	vld [tilespmem:s9+$0x160]  }
0x13e: {  	v18 =	vmul.f32 v18, v9;
	v23 =	vld [tilespmem:s9+$0x1E0]  }
0x13f: {  	v16 =	vadd.f32 v17, v16;
	v17 =	vmul.f32 v19, v8  }
0x140: {  	v19 =	vmul.f32 v20, v10  }
0x141: {  	v16 =	vadd.f32 v18, v16;
	v18 =	vmul.f32 v21, v12  }
0x142: {  	v20 =	vmul.f32 v22, v14  }
0x143: {  	v16 =	vadd.f32 v17, v16;
	v17 =	vmul.f32 v23, v13;
	_ =	sdelay $0x1  }
0x144: {  	v16 =	vadd.f32 v19, v16;
	_ =	sdelay $0x1  }
0x145: {  	v16 =	vadd.f32 v18, v16;
	_ =	sdelay $0x1  }
0x146: {  	v16 =	vadd.f32 v20, v16;
	_ =	sdelay $0x1  }
0x147: {  	v16 =	vadd.f32 v17, v16;
	_ =	sdelay $0x1  }
0x148: {  	[tilespmem:s10+$0x20] =	vst v16  }
0x149: {  	v20 =	vld [tilespmem:s9+$0xFFFFFE70]  }
.Ltmp0:
0x14a: {  	v19 =	vld [tilespmem:s9+$0xFFFFFEF0];
	(pc) =	sbr.rel @p0 .LBB2_3-.Ltmp0, $4  }
0x14b: {  	v18 =	vld [tilespmem:s9+$0xFFFFFF70]  }
0x14c: {  	v17 =	vld [tilespmem:s9+$0xFFFFFFF0]  }
0x14d: {  	v16 =	vld [tilespmem:s9+$0x70]  }
0x14e: {  	v20 =	vmul.f32 v20, v15;
	v15 =	vld [tilespmem:s9+$0xF0]  }
0x14f: {  	v11 =	vmul.f32 v19, v11;
	_ =	sdelay $0x1  }
0x150: {  	v9 =	vmul.f32 v18, v9;
	v11 =	vadd.f32 v11, v20;
	_ =	sdelay $0x1  }
0x151: {  	v8 =	vmul.f32 v17, v8;
	v9 =	vadd.f32 v9, v11  }
0x152: {  	v11 =	vld [tilespmem:s19+$0x170]  }
0x153: {  	v10 =	vmul.f32 v16, v10;
	v8 =	vadd.f32 v8, v9  }
0x154: {  	v9 =	vld [tilespmem:s19+$0x1F0]  }
0x155: {  	v12 =	vmul.f32 v15, v12;
	v8 =	vadd.f32 v10, v8;
	_ =	sdelay $0x1  }
0x156: {  	v10 =	vmul.f32 v11, v14;
	v8 =	vadd.f32 v12, v8;
	_ =	sdelay $0x1  }
0x157: {  	v9 =	vmul.f32 v9, v13;
	v8 =	vadd.f32 v10, v8;
	_ =	sdelay $0x1  }
0x158: {  	s1 =	sshll.u32 s12, $0x1;
	v8 =	vadd.f32 v9, v8  }
0x159: {  	s1 =	sadd.s32 $0x2, s1  }
0x15a: {  	s10 =	simm.s32 $0x1E160;
	s9 =	smul.u32 $0x30, s1;
	[tilespmem:s31+$0x30] =	vst v8  }
0x15b: {  	[spmem:s2] =	stream.indirect.scatter.add.f32 [tilespmem:s10], [sflag:$0x5], $0x80, s24, s22, $0xb8;
	[tilespmem:$0x1F560] =	vst v63  }
0x15c: {  	s9 =	sadd.s32 s8, s9;
	_ =	swait.ge [sflag:s20], $0xA00  }
0x15d: {  	s9 =	sshrl.u32 s9, $0x3;
	[sflag:s20] =	ssyncset.done $0x0  }
0x15e: {  	s13 =	simm.s32 $0x0;
	s9 =	sadd.s32 s7, s9;
	[sflag:s20] =	ssyncadd.s32 $0xFFFFF600  }
0x15f: {  	[tilespmem:s21], [sflag:$0x3] =	stream.linear.gather [hbm4b:s9+s13], $0x30, $0x38;
	[tilespmem:$0x1F560] =	vst v63  }
0x160: {  	_ =	swait.ge [sflag:s14], $0x5000  }
0x161: {  	[sflag:s14] =	ssyncset.done $0x0  }
0x162: {  	[sflag:s14] =	ssyncadd.s32 $0xFFFFB000  }
0x163: {  	_ =	swait.ge [sflag:s14], $0x140  }
0x164: {  	[sflag:s14] =	ssyncset.done $0x0  }
0x165: {  	[sflag:s14] =	ssyncadd.s32 $0xFFFFFEC0  }
0x166: {  	_ =	swait.ge [sflag:s14], $0x140  }
0x167: {  	[sflag:s14] =	ssyncset.done $0x0  }
0x168: {  	[sflag:s14] =	ssyncadd.s32 $0xFFFFFEC0  }
0x169: {  	s1 =	smul.u32 $0x14, s1;
	_ =	swait.ge [sflag:s17], $0x30  }
0x16a: {  	[sflag:s17] =	ssyncset.done $0x0  }
0x16b: {  	s1 =	sadd.s32 s11, s1;
	[sflag:s17] =	ssyncadd.s32 $0xFFFFFFD0  }
0x16c: {  	[tilespmem:s23], [sflag:$0x1] =	stream.indirect.gather [hbm4b:s4+s22], $0x400, s21, s22, $0xb8;
	[tilespmem:$0x1F560] =	vst v63  }
0x16d: {  	s1 =	sshll.u32 s1, $0x1  }
0x16e: {  	[tilespmem:s25], [sflag:$0x1] =	stream.indirect.gather [hbm4b:s6+s22], $0x10, s24, s22, $0xb8;
	[tilespmem:$0x1F560] =	vst v63  }
0x16f: {  	s1 =	sadd.s32 s5, s1;
	s19 =	simm.s32 $0x0  }
0x170: {  	[tilespmem:s26], [sflag:$0x1] =	stream.linear.gather [hbm4b:s1+s13], $0x140, $0x38;
	[tilespmem:$0x1F560] =	vst v63  }
0x171: {  	v8 =	vld [tilespmem:s19+$0x1DDA0];
	_ =	sdelay $0x1  }
0x172: {  	v9 =	vld [tilespmem:s19+$0x1E020];
	_ =	sdelay $0x1  }
0x173: {  	s19 =	simm.s32 $0x18E60  }
0x174: {  	v10 =	vld [tilespmem:s19+$0xFFFFFE80];
	v8 =	vmul.f32 $1.250000000e-01, v8  }
0x175: {  	v12 =	vld [tilespmem:s19+$0xFFFFFE00]  }
0x176: {  	v13 =	vmul.f32 v9, v8  }
0x177: {  	v14 =	vld [tilespmem:s19+$0xFFFFFF00]  }
0x178: {  	v15 =	vperm.xlane v13, v0;
	v11 =	vperm.xlane v13, v1  }
0x179: {  	v16 =	vld [tilespmem:s19+$0xFFFFFF80];
	v9 =	vperm.xlane v13, v2  }
0x17a: {  	v12 =	vmul.f32 v12, v15;
	v10 =	vmul.f32 v10, v11  }
0x17b: {  	v17 =	vld [tilespmem:s19+$0x0]  }
0x17c: {  	v8 =	vperm.xlane v13, v3;
	v14 =	vmul.f32 v14, v9;
	v12 =	vadd.f32 v10, v12  }
0x17d: {  	v18 =	vld [tilespmem:s19+$0x80]  }
0x17e: {  	v16 =	vmul.f32 v16, v8;
	v10 =	vperm.xlane v13, v4;
	v14 =	vadd.f32 v14, v12  }
0x17f: {  	v19 =	vld [tilespmem:s19+$0x100]  }
0x180: {  	v12 =	vperm.xlane v13, v5;
	v17 =	vmul.f32 v17, v10;
	v16 =	vadd.f32 v16, v14  }
0x181: {  	v20 =	vld [tilespmem:s19+$0x180]  }
0x182: {  	v14 =	vperm.xlane v13, v6;
	v16 =	vadd.f32 v17, v16;
	v17 =	vmul.f32 v18, v12;
	_ =	sdelay $0x1  }
0x183: {  	v13 =	vperm.xlane v13, v7;
	v16 =	vadd.f32 v17, v16;
	v17 =	vmul.f32 v19, v14;
	_ =	sdelay $0x1  }
0x184: {  	v16 =	vadd.f32 v17, v16;
	v17 =	vmul.f32 v20, v13;
	_ =	sdelay $0x1  }
0x185: {  	v16 =	vadd.f32 v17, v16  }
0x186: {  	s10 =	simm.s32 $0x1EBA0  }
0x187: {  	[tilespmem:s10+$0xFFFFFFC0] =	vst v16  }
0x188: {  	v16 =	vld [tilespmem:s19+$0xFFFFFE10]  }
0x189: {  	v17 =	vld [tilespmem:s19+$0xFFFFFE90];
	_ =	sdelay $0x1  }
0x18a: {  	v18 =	vld [tilespmem:s19+$0xFFFFFF10];
	_ =	sdelay $0x1  }
0x18b: {  	v19 =	vld [tilespmem:s19+$0xFFFFFF90]  }
0x18c: {  	v16 =	vmul.f32 v16, v15;
	v17 =	vmul.f32 v17, v11  }
0x18d: {  	v20 =	vld [tilespmem:s19+$0x10]  }
0x18e: {  	v16 =	vadd.f32 v17, v16;
	v17 =	vmul.f32 v18, v9  }
0x18f: {  	v18 =	vld [tilespmem:s19+$0x90]  }
0x190: {  	v16 =	vadd.f32 v17, v16;
	v17 =	vmul.f32 v19, v8  }
0x191: {  	v19 =	vld [tilespmem:s19+$0x110]  }
0x192: {  	v16 =	vadd.f32 v17, v16;
	v17 =	vmul.f32 v20, v10  }
0x193: {  	v20 =	vld [tilespmem:s19+$0x190]  }
0x194: {  	v16 =	vadd.f32 v17, v16;
	v17 =	vmul.f32 v18, v12;
	_ =	sdelay $0x1  }
0x195: {  	v16 =	vadd.f32 v17, v16;
	v17 =	vmul.f32 v19, v14;
	_ =	sdelay $0x1  }
0x196: {  	v16 =	vadd.f32 v17, v16;
	v17 =	vmul.f32 v20, v13;
	_ =	sdelay $0x1  }
0x197: {  	v16 =	vadd.f32 v17, v16;
	_ =	sdelay $0x1  }
0x198: {  	[tilespmem:s10+$0xFFFFFFD0] =	vst v16  }
0x199: {  	v16 =	vld [tilespmem:s19+$0xFFFFFE20]  }
0x19a: {  	v17 =	vld [tilespmem:s19+$0xFFFFFEA0];
	_ =	sdelay $0x1  }
0x19b: {  	v18 =	vld [tilespmem:s19+$0xFFFFFF20];
	_ =	sdelay $0x1  }
0x19c: {  	v19 =	vld [tilespmem:s19+$0xFFFFFFA0]  }
0x19d: {  	v16 =	vmul.f32 v16, v15;
	v17 =	vmul.f32 v17, v11  }
0x19e: {  	v20 =	vld [tilespmem:s19+$0x20]  }
0x19f: {  	v16 =	vadd.f32 v17, v16;
	v17 =	vmul.f32 v18, v9  }
0x1a0: {  	v18 =	vld [tilespmem:s19+$0xA0]  }
0x1a1: {  	v16 =	vadd.f32 v17, v16;
	v17 =	vmul.f32 v19, v8  }
0x1a2: {  	v19 =	vld [tilespmem:s19+$0x120]  }
0x1a3: {  	v16 =	vadd.f32 v17, v16;
	v17 =	vmul.f32 v20, v10  }
0x1a4: {  	v20 =	vld [tilespmem:s19+$0x1A0]  }
0x1a5: {  	v16 =	vadd.f32 v17, v16;
	v17 =	vmul.f32 v18, v12;
	_ =	sdelay $0x1  }
0x1a6: {  	v16 =	vadd.f32 v17, v16;
	v17 =	vmul.f32 v19, v14;
	_ =	sdelay $0x1  }
0x1a7: {  	v16 =	vadd.f32 v17, v16;
	v17 =	vmul.f32 v20, v13;
	_ =	sdelay $0x1  }
0x1a8: {  	v16 =	vadd.f32 v17, v16;
	_ =	sdelay $0x1  }
0x1a9: {  	[tilespmem:s10+$0xFFFFFFE0] =	vst v16  }
0x1aa: {  	v16 =	vld [tilespmem:s19+$0xFFFFFE30]  }
0x1ab: {  	v17 =	vld [tilespmem:s19+$0xFFFFFEB0];
	_ =	sdelay $0x1  }
0x1ac: {  	v18 =	vld [tilespmem:s19+$0xFFFFFF30];
	_ =	sdelay $0x1  }
0x1ad: {  	v19 =	vld [tilespmem:s19+$0xFFFFFFB0]  }
0x1ae: {  	v16 =	vmul.f32 v16, v15;
	v17 =	vmul.f32 v17, v11  }
0x1af: {  	v20 =	vld [tilespmem:s19+$0x30]  }
0x1b0: {  	v16 =	vadd.f32 v17, v16;
	v17 =	vmul.f32 v18, v9  }
0x1b1: {  	v18 =	vld [tilespmem:s19+$0xB0]  }
0x1b2: {  	v16 =	vadd.f32 v17, v16;
	v17 =	vmul.f32 v19, v8  }
0x1b3: {  	v19 =	vld [tilespmem:s19+$0x130]  }
0x1b4: {  	v16 =	vadd.f32 v17, v16;
	v17 =	vmul.f32 v20, v10  }
0x1b5: {  	v20 =	vld [tilespmem:s19+$0x1B0]  }
0x1b6: {  	v16 =	vadd.f32 v17, v16;
	v17 =	vmul.f32 v18, v12;
	_ =	sdelay $0x1  }
0x1b7: {  	v16 =	vadd.f32 v17, v16;
	v17 =	vmul.f32 v19, v14;
	_ =	sdelay $0x1  }
0x1b8: {  	v16 =	vadd.f32 v17, v16;
	v17 =	vmul.f32 v20, v13;
	_ =	sdelay $0x1  }
0x1b9: {  	v16 =	vadd.f32 v17, v16;
	_ =	sdelay $0x1  }
0x1ba: {  	[tilespmem:s10+$0xFFFFFFF0] =	vst v16  }
0x1bb: {  	v16 =	vld [tilespmem:s19+$0xFFFFFE40]  }
0x1bc: {  	v17 =	vld [tilespmem:s19+$0xFFFFFEC0];
	_ =	sdelay $0x1  }
0x1bd: {  	v18 =	vld [tilespmem:s19+$0xFFFFFF40];
	_ =	sdelay $0x1  }
0x1be: {  	v19 =	vld [tilespmem:s19+$0xFFFFFFC0]  }
0x1bf: {  	v16 =	vmul.f32 v16, v15;
	v17 =	vmul.f32 v17, v11  }
0x1c0: {  	v20 =	vld [tilespmem:s19+$0x40]  }
0x1c1: {  	v16 =	vadd.f32 v17, v16;
	v17 =	vmul.f32 v18, v9  }
0x1c2: {  	v18 =	vld [tilespmem:s19+$0xC0]  }
0x1c3: {  	v16 =	vadd.f32 v17, v16;
	v17 =	vmul.f32 v19, v8  }
0x1c4: {  	v19 =	vld [tilespmem:s19+$0x140]  }
0x1c5: {  	v16 =	vadd.f32 v17, v16;
	v17 =	vmul.f32 v20, v10  }
0x1c6: {  	v20 =	vld [tilespmem:s19+$0x1C0]  }
0x1c7: {  	v16 =	vadd.f32 v17, v16;
	v17 =	vmul.f32 v18, v12;
	_ =	sdelay $0x1  }
0x1c8: {  	v16 =	vadd.f32 v17, v16;
	v17 =	vmul.f32 v19, v14;
	_ =	sdelay $0x1  }
0x1c9: {  	v16 =	vadd.f32 v17, v16;
	v17 =	vmul.f32 v20, v13;
	_ =	sdelay $0x1  }
0x1ca: {  	v16 =	vadd.f32 v17, v16;
	_ =	sdelay $0x1  }
0x1cb: {  	[tilespmem:s10+$0x0] =	vst v16  }
0x1cc: {  	v16 =	vld [tilespmem:s19+$0xFFFFFE50]  }
0x1cd: {  	v17 =	vld [tilespmem:s19+$0xFFFFFED0];
	_ =	sdelay $0x1  }
0x1ce: {  	v18 =	vld [tilespmem:s19+$0xFFFFFF50];
	_ =	sdelay $0x1  }
0x1cf: {  	v19 =	vld [tilespmem:s19+$0xFFFFFFD0]  }
0x1d0: {  	v16 =	vmul.f32 v16, v15;
	v17 =	vmul.f32 v17, v11  }
0x1d1: {  	v20 =	vld [tilespmem:s19+$0x50]  }
0x1d2: {  	v18 =	vmul.f32 v18, v9;
	v16 =	vadd.f32 v17, v16  }
0x1d3: {  	v17 =	vld [tilespmem:s19+$0xD0]  }
0x1d4: {  	v19 =	vmul.f32 v19, v8;
	v16 =	vadd.f32 v18, v16  }
0x1d5: {  	v18 =	vld [tilespmem:s19+$0x150]  }
0x1d6: {  	v20 =	vmul.f32 v20, v10;
	v16 =	vadd.f32 v19, v16  }
0x1d7: {  	v19 =	vld [tilespmem:s19+$0x1D0]  }
0x1d8: {  	v17 =	vmul.f32 v17, v12;
	v16 =	vadd.f32 v20, v16;
	_ =	sdelay $0x1  }
0x1d9: {  	v18 =	vmul.f32 v18, v14;
	v16 =	vadd.f32 v17, v16;
	_ =	sdelay $0x1  }
0x1da: {  	v17 =	vmul.f32 v19, v13;
	v16 =	vadd.f32 v18, v16;
	_ =	sdelay $0x1  }
0x1db: {  	v16 =	vadd.f32 v17, v16;
	_ =	sdelay $0x1  }
0x1dc: {  	[tilespmem:s10+$0x10] =	vst v16  }
0x1dd: {  	v16 =	vld [tilespmem:s19+$0xFFFFFE60]  }
0x1de: {  	v17 =	vld [tilespmem:s19+$0xFFFFFEE0];
	_ =	sdelay $0x1  }
0x1df: {  	v18 =	vld [tilespmem:s19+$0xFFFFFF60];
	_ =	sdelay $0x1  }
0x1e0: {  	v19 =	vld [tilespmem:s19+$0xFFFFFFE0]  }
0x1e1: {  	v16 =	vmul.f32 v16, v15;
	v17 =	vmul.f32 v17, v11  }
0x1e2: {  	v20 =	vld [tilespmem:s19+$0x60]  }
0x1e3: {  	v18 =	vmul.f32 v18, v9;
	v16 =	vadd.f32 v17, v16  }
0x1e4: {  	v17 =	vld [tilespmem:s19+$0xE0]  }
0x1e5: {  	v19 =	vmul.f32 v19, v8;
	v16 =	vadd.f32 v18, v16  }
0x1e6: {  	v18 =	vld [tilespmem:s19+$0x160]  }
0x1e7: {  	v20 =	vmul.f32 v20, v10;
	v16 =	vadd.f32 v19, v16  }
0x1e8: {  	v19 =	vld [tilespmem:s19+$0x1E0]  }
0x1e9: {  	v17 =	vmul.f32 v17, v12;
	v16 =	vadd.f32 v20, v16;
	_ =	sdelay $0x1  }
0x1ea: {  	v18 =	vmul.f32 v18, v14;
	v16 =	vadd.f32 v17, v16;
	_ =	sdelay $0x1  }
0x1eb: {  	v17 =	vmul.f32 v19, v13;
	v16 =	vadd.f32 v18, v16;
	_ =	sdelay $0x1  }
0x1ec: {  	v16 =	vadd.f32 v17, v16;
	_ =	sdelay $0x1  }
0x1ed: {  	[tilespmem:s10+$0x20] =	vst v16  }
0x1ee: {  	v20 =	vld [tilespmem:s19+$0xFFFFFE70]  }
0x1ef: {  	v19 =	vld [tilespmem:s19+$0xFFFFFEF0]  }
0x1f0: {  	v18 =	vld [tilespmem:s19+$0xFFFFFF70]  }
0x1f1: {  	v17 =	vld [tilespmem:s19+$0xFFFFFFF0]  }
0x1f2: {  	v16 =	vld [tilespmem:s19+$0x70]  }
0x1f3: {  	s31 =	simm.s32 $0x1EBA0;
	s9 =	simm.s32 $0x18E60;
	s1 =	simm.s32 $0x40;
	v20 =	vmul.f32 v20, v15;
	v15 =	vld [tilespmem:s19+$0xF0]  }
.LBB2_5:
0x1f4: {  	p0 =	sne.s32 s1, $0x4C0;
	v11 =	vmul.f32 v19, v11;
	v19 =	vld [tilespmem:s19+$0x170];
	s10 =	sadd.s32 $0x80, s10;
	s9 =	sadd.s32 $0x400, s9  }
0x1f5: {  	s13 =	smov.u32 s1;
	s1 =	sadd.s32 $0x40, s1;
	v9 =	vmul.f32 v18, v9;
	v18 =	vld [tilespmem:s19+$0x1F0];
	s19 =	smov.u32 s9  }
0x1f6: {  	v11 =	vadd.f32 v11, v20;
	v8 =	vmul.f32 v17, v8  }
0x1f7: {  	v10 =	vmul.f32 v16, v10  }
0x1f8: {  	v9 =	vadd.f32 v9, v11;
	v11 =	vmul.f32 v15, v12  }
0x1f9: {  	v12 =	vmul.f32 v19, v14  }
0x1fa: {  	v8 =	vadd.f32 v8, v9;
	v9 =	vmul.f32 v18, v13  }
0x1fb: {  	s13 =	sshra.s32 s13, $0x2  }
0x1fc: {  	v8 =	vadd.f32 v10, v8;
	_ =	sdelay $0x1  }
0x1fd: {  	v8 =	vadd.f32 v11, v8;
	_ =	sdelay $0x1  }
0x1fe: {  	v8 =	vadd.f32 v12, v8;
	_ =	sdelay $0x1  }
0x1ff: {  	v8 =	vadd.f32 v9, v8;
	_ =	sdelay $0x1  }
0x200: {  	[tilespmem:s31+$0x30] =	vst v8;
	s31 =	smov.u32 s10  }
0x201: {  	v8 =	vld [tilespmem:s13+$0x1DDA0]  }
0x202: {  	v9 =	vld [tilespmem:s13+$0x1E020];
	_ =	sdelay $0x1  }
0x203: {  	v12 =	vld [tilespmem:s9+$0xFFFFFF80];
	_ =	sdelay $0x1  }
0x204: {  	v8 =	vmul.f32 $1.250000000e-01, v8;
	v10 =	vld [tilespmem:s9+$0xFFFFFE80]  }
0x205: {  	v13 =	vld [tilespmem:s9+$0xFFFFFE00]  }
0x206: {  	v16 =	vmul.f32 v9, v8  }
0x207: {  	v14 =	vld [tilespmem:s9+$0xFFFFFF00]  }
0x208: {  	v15 =	vperm.xlane v16, v0;
	v11 =	vperm.xlane v16, v1  }
0x209: {  	v9 =	vperm.xlane v16, v2;
	v8 =	vperm.xlane v16, v3  }
0x20a: {  	v13 =	vmul.f32 v13, v15;
	v17 =	vmul.f32 v10, v11  }
0x20b: {  	v10 =	vperm.xlane v16, v4;
	v18 =	vmul.f32 v12, v8;
	v19 =	vld [tilespmem:s9+$0x0]  }
0x20c: {  	v12 =	vperm.xlane v16, v5;
	v17 =	vadd.f32 v17, v13;
	v20 =	vmul.f32 v14, v9  }
0x20d: {  	v14 =	vperm.xlane v16, v6;
	v13 =	vperm.xlane v16, v7;
	v16 =	vld [tilespmem:s9+$0x80]  }
0x20e: {  	v17 =	vadd.f32 v20, v17  }
0x20f: {  	v20 =	vld [tilespmem:s9+$0x100]  }
0x210: {  	v17 =	vadd.f32 v18, v17;
	v18 =	vmul.f32 v19, v10  }
0x211: {  	v19 =	vld [tilespmem:s9+$0x180]  }
0x212: {  	v17 =	vadd.f32 v18, v17;
	v16 =	vmul.f32 v16, v12;
	_ =	sdelay $0x1  }
0x213: {  	v16 =	vadd.f32 v16, v17;
	v17 =	vmul.f32 v20, v14;
	_ =	sdelay $0x1  }
0x214: {  	v16 =	vadd.f32 v17, v16;
	v17 =	vmul.f32 v19, v13;
	_ =	sdelay $0x1  }
0x215: {  	v16 =	vadd.f32 v17, v16;
	_ =	sdelay $0x1  }
0x216: {  	[tilespmem:s10+$0xFFFFFFC0] =	vst v16  }
0x217: {  	v16 =	vld [tilespmem:s9+$0xFFFFFE10]  }
0x218: {  	v17 =	vld [tilespmem:s9+$0xFFFFFE90];
	_ =	sdelay $0x1  }
0x219: {  	v18 =	vld [tilespmem:s9+$0xFFFFFF10];
	_ =	sdelay $0x1  }
0x21a: {  	v16 =	vmul.f32 v16, v15;
	v19 =	vld [tilespmem:s9+$0xFFFFFF90]  }
0x21b: {  	v17 =	vmul.f32 v17, v11  }
0x21c: {  	v20 =	vld [tilespmem:s9+$0x10]  }
0x21d: {  	v16 =	vadd.f32 v17, v16;
	v17 =	vmul.f32 v18, v9  }
0x21e: {  	v18 =	vld [tilespmem:s9+$0x90]  }
0x21f: {  	v16 =	vadd.f32 v17, v16;
	v17 =	vmul.f32 v19, v8  }
0x220: {  	v19 =	vld [tilespmem:s9+$0x110]  }
0x221: {  	v16 =	vadd.f32 v17, v16;
	v17 =	vmul.f32 v20, v10  }
0x222: {  	v20 =	vld [tilespmem:s9+$0x190]  }
0x223: {  	v16 =	vadd.f32 v17, v16;
	v17 =	vmul.f32 v18, v12;
	_ =	sdelay $0x1  }
0x224: {  	v16 =	vadd.f32 v17, v16;
	v17 =	vmul.f32 v19, v14;
	_ =	sdelay $0x1  }
0x225: {  	v16 =	vadd.f32 v17, v16;
	v17 =	vmul.f32 v20, v13;
	_ =	sdelay $0x1  }
0x226: {  	v16 =	vadd.f32 v17, v16;
	_ =	sdelay $0x1  }
0x227: {  	[tilespmem:s10+$0xFFFFFFD0] =	vst v16  }
0x228: {  	v16 =	vld [tilespmem:s9+$0xFFFFFE20]  }
0x229: {  	v17 =	vld [tilespmem:s9+$0xFFFFFEA0];
	_ =	sdelay $0x1  }
0x22a: {  	v18 =	vld [tilespmem:s9+$0xFFFFFF20];
	_ =	sdelay $0x1  }
0x22b: {  	v16 =	vmul.f32 v16, v15;
	v19 =	vld [tilespmem:s9+$0xFFFFFFA0]  }
0x22c: {  	v17 =	vmul.f32 v17, v11  }
0x22d: {  	v20 =	vld [tilespmem:s9+$0x20]  }
0x22e: {  	v16 =	vadd.f32 v17, v16;
	v17 =	vmul.f32 v18, v9  }
0x22f: {  	v18 =	vld [tilespmem:s9+$0xA0]  }
0x230: {  	v16 =	vadd.f32 v17, v16;
	v17 =	vmul.f32 v19, v8  }
0x231: {  	v19 =	vld [tilespmem:s9+$0x120]  }
0x232: {  	v16 =	vadd.f32 v17, v16;
	v17 =	vmul.f32 v20, v10  }
0x233: {  	v20 =	vld [tilespmem:s9+$0x1A0]  }
0x234: {  	v16 =	vadd.f32 v17, v16;
	v17 =	vmul.f32 v18, v12;
	_ =	sdelay $0x1  }
0x235: {  	v16 =	vadd.f32 v17, v16;
	v17 =	vmul.f32 v19, v14;
	_ =	sdelay $0x1  }
0x236: {  	v16 =	vadd.f32 v17, v16;
	v17 =	vmul.f32 v20, v13;
	_ =	sdelay $0x1  }
0x237: {  	v16 =	vadd.f32 v17, v16;
	_ =	sdelay $0x1  }
0x238: {  	[tilespmem:s10+$0xFFFFFFE0] =	vst v16  }
0x239: {  	v16 =	vld [tilespmem:s9+$0xFFFFFE30]  }
0x23a: {  	v17 =	vld [tilespmem:s9+$0xFFFFFEB0];
	_ =	sdelay $0x1  }
0x23b: {  	v18 =	vld [tilespmem:s9+$0xFFFFFF30];
	_ =	sdelay $0x1  }
0x23c: {  	v16 =	vmul.f32 v16, v15;
	v19 =	vld [tilespmem:s9+$0xFFFFFFB0]  }
0x23d: {  	v17 =	vmul.f32 v17, v11  }
0x23e: {  	v20 =	vld [tilespmem:s9+$0x30]  }
0x23f: {  	v16 =	vadd.f32 v17, v16;
	v17 =	vmul.f32 v18, v9  }
0x240: {  	v18 =	vld [tilespmem:s9+$0xB0]  }
0x241: {  	v16 =	vadd.f32 v17, v16;
	v17 =	vmul.f32 v19, v8  }
0x242: {  	v19 =	vld [tilespmem:s9+$0x130]  }
0x243: {  	v16 =	vadd.f32 v17, v16;
	v17 =	vmul.f32 v20, v10  }
0x244: {  	v20 =	vld [tilespmem:s9+$0x1B0]  }
0x245: {  	v16 =	vadd.f32 v17, v16;
	v17 =	vmul.f32 v18, v12;
	_ =	sdelay $0x1  }
0x246: {  	v16 =	vadd.f32 v17, v16;
	v17 =	vmul.f32 v19, v14;
	_ =	sdelay $0x1  }
0x247: {  	v16 =	vadd.f32 v17, v16;
	v17 =	vmul.f32 v20, v13;
	_ =	sdelay $0x1  }
0x248: {  	v16 =	vadd.f32 v17, v16;
	_ =	sdelay $0x1  }
0x249: {  	[tilespmem:s10+$0xFFFFFFF0] =	vst v16  }
0x24a: {  	v16 =	vld [tilespmem:s9+$0xFFFFFE40]  }
0x24b: {  	v17 =	vld [tilespmem:s9+$0xFFFFFEC0];
	_ =	sdelay $0x1  }
0x24c: {  	v18 =	vld [tilespmem:s9+$0xFFFFFF40];
	_ =	sdelay $0x1  }
0x24d: {  	v16 =	vmul.f32 v16, v15;
	v19 =	vld [tilespmem:s9+$0xFFFFFFC0]  }
0x24e: {  	v17 =	vmul.f32 v17, v11  }
0x24f: {  	v20 =	vld [tilespmem:s9+$0x40]  }
0x250: {  	v16 =	vadd.f32 v17, v16;
	v17 =	vmul.f32 v18, v9  }
0x251: {  	v18 =	vld [tilespmem:s9+$0xC0]  }
0x252: {  	v16 =	vadd.f32 v17, v16;
	v17 =	vmul.f32 v19, v8  }
0x253: {  	v19 =	vld [tilespmem:s9+$0x140]  }
0x254: {  	v16 =	vadd.f32 v17, v16;
	v17 =	vmul.f32 v20, v10  }
0x255: {  	v20 =	vld [tilespmem:s9+$0x1C0]  }
0x256: {  	v16 =	vadd.f32 v17, v16;
	v17 =	vmul.f32 v18, v12;
	_ =	sdelay $0x1  }
0x257: {  	v16 =	vadd.f32 v17, v16;
	v17 =	vmul.f32 v19, v14;
	_ =	sdelay $0x1  }
0x258: {  	v16 =	vadd.f32 v17, v16;
	v17 =	vmul.f32 v20, v13;
	_ =	sdelay $0x1  }
0x259: {  	v16 =	vadd.f32 v17, v16;
	_ =	sdelay $0x1  }
0x25a: {  	[tilespmem:s10+$0x0] =	vst v16  }
0x25b: {  	v16 =	vld [tilespmem:s9+$0xFFFFFE50]  }
0x25c: {  	v17 =	vld [tilespmem:s9+$0xFFFFFED0]  }
0x25d: {  	v18 =	vld [tilespmem:s9+$0xFFFFFF50]  }
0x25e: {  	v19 =	vld [tilespmem:s9+$0xFFFFFFD0]  }
0x25f: {  	v20 =	vld [tilespmem:s9+$0x50]  }
0x260: {  	v16 =	vmul.f32 v16, v15;
	v21 =	vld [tilespmem:s9+$0xD0]  }
0x261: {  	v17 =	vmul.f32 v17, v11;
	v22 =	vld [tilespmem:s9+$0x150]  }
0x262: {  	v18 =	vmul.f32 v18, v9;
	v23 =	vld [tilespmem:s9+$0x1D0]  }
0x263: {  	v16 =	vadd.f32 v17, v16;
	v17 =	vmul.f32 v19, v8  }
0x264: {  	v19 =	vmul.f32 v20, v10  }
0x265: {  	v16 =	vadd.f32 v18, v16;
	v18 =	vmul.f32 v21, v12  }
0x266: {  	v20 =	vmul.f32 v22, v14  }
0x267: {  	v16 =	vadd.f32 v17, v16;
	v17 =	vmul.f32 v23, v13;
	_ =	sdelay $0x1  }
0x268: {  	v16 =	vadd.f32 v19, v16;
	_ =	sdelay $0x1  }
0x269: {  	v16 =	vadd.f32 v18, v16;
	_ =	sdelay $0x1  }
0x26a: {  	v16 =	vadd.f32 v20, v16;
	_ =	sdelay $0x1  }
0x26b: {  	v16 =	vadd.f32 v17, v16;
	_ =	sdelay $0x1  }
0x26c: {  	[tilespmem:s10+$0x10] =	vst v16  }
0x26d: {  	v16 =	vld [tilespmem:s9+$0xFFFFFE60]  }
0x26e: {  	v17 =	vld [tilespmem:s9+$0xFFFFFEE0]  }
0x26f: {  	v18 =	vld [tilespmem:s9+$0xFFFFFF60]  }
0x270: {  	v19 =	vld [tilespmem:s9+$0xFFFFFFE0]  }
0x271: {  	v20 =	vld [tilespmem:s9+$0x60]  }
0x272: {  	v16 =	vmul.f32 v16, v15;
	v21 =	vld [tilespmem:s9+$0xE0]  }
0x273: {  	v17 =	vmul.f32 v17, v11;
	v22 =	vld [tilespmem:s9+$0x160]  }
0x274: {  	v18 =	vmul.f32 v18, v9;
	v23 =	vld [tilespmem:s9+$0x1E0]  }
0x275: {  	v16 =	vadd.f32 v17, v16;
	v17 =	vmul.f32 v19, v8  }
0x276: {  	v19 =	vmul.f32 v20, v10  }
0x277: {  	v16 =	vadd.f32 v18, v16;
	v18 =	vmul.f32 v21, v12  }
0x278: {  	v20 =	vmul.f32 v22, v14  }
0x279: {  	v16 =	vadd.f32 v17, v16;
	v17 =	vmul.f32 v23, v13;
	_ =	sdelay $0x1  }
0x27a: {  	v16 =	vadd.f32 v19, v16;
	_ =	sdelay $0x1  }
0x27b: {  	v16 =	vadd.f32 v18, v16;
	_ =	sdelay $0x1  }
0x27c: {  	v16 =	vadd.f32 v20, v16;
	_ =	sdelay $0x1  }
0x27d: {  	v16 =	vadd.f32 v17, v16;
	_ =	sdelay $0x1  }
0x27e: {  	[tilespmem:s10+$0x20] =	vst v16  }
0x27f: {  	v20 =	vld [tilespmem:s9+$0xFFFFFE70]  }
.Ltmp1:
0x280: {  	v19 =	vld [tilespmem:s9+$0xFFFFFEF0];
	(pc) =	sbr.rel @p0 .LBB2_5-.Ltmp1, $4  }
0x281: {  	v18 =	vld [tilespmem:s9+$0xFFFFFF70]  }
0x282: {  	v17 =	vld [tilespmem:s9+$0xFFFFFFF0]  }
0x283: {  	v16 =	vld [tilespmem:s9+$0x70]  }
0x284: {  	v20 =	vmul.f32 v20, v15;
	v15 =	vld [tilespmem:s9+$0xF0]  }
0x285: {  	v11 =	vmul.f32 v19, v11;
	_ =	sdelay $0x1  }
0x286: {  	v9 =	vmul.f32 v18, v9;
	v11 =	vadd.f32 v11, v20;
	_ =	sdelay $0x1  }
0x287: {  	v8 =	vmul.f32 v17, v8;
	v9 =	vadd.f32 v9, v11  }
0x288: {  	v61 =	vld [tilespmem:s19+$0x170]  }
0x289: {  	v10 =	vmul.f32 v16, v10;
	v8 =	vadd.f32 v8, v9  }
0x28a: {  	v62 =	vld [tilespmem:s19+$0x1F0]  }
0x28b: {  	v12 =	vmul.f32 v15, v12;
	v8 =	vadd.f32 v10, v8;
	_ =	sdelay $0x1  }
0x28c: {  	v63 =	vmul.f32 v61, v14;
	v8 =	vadd.f32 v12, v8;
	_ =	sdelay $0x1  }
0x28d: {  	v9 =	vmul.f32 v62, v13;
	v8 =	vadd.f32 v63, v8;
	_ =	sdelay $0x1  }
0x28e: {  	v8 =	vadd.f32 v9, v8  }
0x28f: {  	s1 =	smul.u32 $0x60, s12;
	s12 =	sadd.s32 $0x1, s12  }
0x290: {  	p0 =	sne.s32 s12, $0x204;
	[tilespmem:s31+$0x30] =	vst v8  }
0x291: {  	[spmem:s2] =	stream.indirect.scatter.add.f32 [tilespmem:s18], [sflag:$0x5], $0x80, s0, s22, $0xb8;
	[tilespmem:$0x1F560] =	vst v63  }
.Ltmp2:
0x292: {  	_ = 	snop;
	(pc) =	sbr.rel @p0 .LBB2_2-.Ltmp2, $4  }
0x293: {  	s1 =	sadd.s32 s1, s16;
	_ =	swait.ge [sflag:s20], $0xA00  }
0x294: {  	s1 =	sshrl.u32 s1, $0x3;
	[sflag:s20] =	ssyncset.done $0x0  }
0x295: {  	s1 =	sadd.s32 s7, s1;
	[sflag:s20] =	ssyncadd.s32 $0xFFFFF600  }
0x296: {  	[tilespmem:s28], [sflag:$0x4] =	stream.linear.gather [hbm4b:s1+s3], $0x30, $0x38;
	[tilespmem:$0x1F560] =	vst v63  }
0x297: {  	_ =	swait.ge [sflag:s29], $0x5000  }
0x298: {  	[sflag:s29] =	ssyncset.done $0x0  }
0x299: {  	[sflag:s29] =	ssyncadd.s32 $0xFFFFB000  }
0x29a: {  	_ =	swait.ge [sflag:s29], $0x140  }
0x29b: {  	[sflag:s29] =	ssyncset.done $0x0  }
0x29c: {  	[sflag:s29] =	ssyncadd.s32 $0xFFFFFEC0  }
0x29d: {  	_ =	swait.ge [sflag:s29], $0x140  }
0x29e: {  	[sflag:s29] =	ssyncset.done $0x0  }
0x29f: {  	[sflag:s29] =	ssyncadd.s32 $0xFFFFFEC0  }
0x2a0: {  	_ =	swait.ge [sflag:s30], $0x30  }
0x2a1: {  	[sflag:s30] =	ssyncset.done $0x0  }
0x2a2: {  	[sflag:s30] =	ssyncadd.s32 $0xFFFFFFD0  }
0x2a3: {  	[bflag:$0x0] =	sbarrier.arrive $0xFFFF  }
0x2a4: {  	s13 =	rddreg [dreg:$0x5]  }
0x2a5: {  	s1 =	rddreg [dreg:$0x8]  }
0x2a6: {  	s9 =	rddreg [dreg:$0xa]  }
0x2a7: {  	[hbm:s1], [sflag:s13] =	dma.local [spmem:s9], $0x2780  }
0x2a8: {  	_ =	swait.ge [sflag:s20], $0x2780  }
0x2a9: {  	s10 =	rddreg [dreg:$0xb]  }
0x2aa: {  	s31 =	rddreg [dreg:$0x9];
	s10 =	sadd.s32 $0x1, s10  }
0x2ab: {  	p0 =	sne.s32 s10, s31  }
.Ltmp3:
0x2ac: {  	_ = 	snop;
	(pc) =	sbr.rel @p0 .LBB2_1-.Ltmp3, $3  }
0x2ad: {  	_ =	sdelay $0x1  }
0x2ae: {  	[sflag:s20] =	ssyncset.done $0x0  }
0x2af: {  	[sflag:s20] =	ssyncadd.s32 $0xFFFFD880  }
0x2b0: {  	_ =	sfence.sel $0x180000  }
0x2b1: {  	[bflag:$0x0] =	sbarrier.arrive $0xFFFF  }
0x2b2: {  	_ =	strace $0x90000050  }
0x2b3: {  	s0 =	stileid.u32;
	[bflag:$0x2] =	sbarrier.arrive $0xFFFF  }
0x2b4: {  	p0 =	sne.s32 s0, $0x0;
	s0 =	rddreg [dreg:$0x2]  }
0x2b5: {  	s0 =	sadd.s32 @!p0 $0x100000, s0  }
0x2b6: {  	[sflag:s0] =	ssyncadd.tile.s32 @!p0 $0x1;
	_ =	shalt  }
.Lfunc_end2:
_tile_overlayer_lowered:
.L_overlay_start_2:
0x2b7: {  	(tag) =	ssettag $0x2  }
0x2b8: {  	s0 =	rddreg [dreg:$0x0];
	s2 =	stileid.u32  }
0x2b9: {  	s1 =	rddreg [dreg:$0x1];
	p0 =	sne.s32 s2, $0x0  }
0x2ba: {  	s3 =	rddreg [dreg:$0x2];
	[bflag:$0x3] =	sbarrier.arrive $0xFFFF;
	s2 =	simm.s32 @!p0 $0x1C05  }
0x2bb: {  	[timem:s3], [sflag:s2] =	dma.local @!p0 [hbm:s0], s1  }
0x2bc: {  	s0 =	simm.s32 @!p0 $0x5  }
0x2bd: {  	_ =	swait.ge @!p0 [sflag:s0], s1  }
0x2be: {  	s1 =	ssub.s32 @!p0 $0x0, s1;
	[sflag:s0] =	ssyncset.done @!p0 $0x0  }
0x2bf: {  	[sflag:s0] =	ssyncadd.s32 @!p0 s1  }
0x2c0: {  	[bflag:$0x3] =	sbarrier.arrive $0xFFFF  }
0x2c1: {  	_ =	shalt  }

// kernel: kernel.8.cloned.1.call-start
scs
__scs_entry_jumppad:
0x0: {  	(pc) =	sbr.rel $0x88, $3  }
0x1: {  	(tag) =	ssettag $0x0;
	lr =	simm.s32 $0x1  }
0x2: {  	[smem:$0x3F94] =	sst lr;
	_ =	strace $0xD0000000  }
0x3: {  	_ = 	snop  }
0x4: {  	_ = 	snop  }
0x5: {  	_ = 	snop  }
0x6: {  	_ = 	snop  }
0x7: {  	_ = 	snop  }
__scs_overlays_trampoline_lowered:
0x8: {  	[smem:$0x3FA3] =	sst s0  }
0x9: {  	[smem:$0x3FA4] =	sst s1  }
0xa: {  	[smem:$0x3FA5] =	sst s2  }
0xb: {  	[smem:$0x3FA6] =	sst s3  }
0xc: {  	[smem:$0x3FA7] =	sst s4  }
0xd: {  	[smem:$0x3FA8] =	sst s5  }
0xe: {  	[smem:$0x3FA9] =	sst s6  }
0xf: {  	[smem:$0x3FAA] =	sst s7  }
0x10: {  	[smem:$0x3FAB] =	sst s8  }
0x11: {  	[smem:$0x3FAC] =	sst s9;
	s0 =	simm.s32 @!p0 $0x0  }
0x12: {  	s1 =	sld [smem:$0x3F92];
	s0 =	simm.s32 @p0 $0x1  }
0x13: {  	[smem:$0x3FAD] =	sst s0;
	s0 =	simm.s32 @!p1 $0x0  }
0x14: {  	s2 =	sld [smem:$0x3F91];
	s0 =	simm.s32 @p1 $0x1  }
0x15: {  	[smem:$0x3FAE] =	sst s0;
	s0 =	simm.s32 @!p2 $0x0  }
0x16: {  	s3 =	sld [smem:$0x3FDB];
	s0 =	simm.s32 @p2 $0x1  }
0x17: {  	s4 =	simm.s32 $0x1BF5;
	[smem:$0x3FB0] =	sst s0  }
0x18: {  	s0 =	sld [smem:$0x3F93];
	_ =	swait.ge [sflag:s4], $0x0  }
0x19: {  	s7 =	sld [smem:$0x3F94]  }
0x1a: {  	s8 =	sadd.s32 $0xFFFFE003, lr  }
0x1b: {  	s9 =	sadd.s32 $0xFFFFFEF7, lr;
	s5 =	simm.s32 $0xFFFFFFFF;
	p2 =	slt.u32 s8, $0xFFFFF086  }
0x1c: {  	p1 =	slt.u32 s9, $0xF7A;
	s5 =	simm.s32 @!p2 $0x0  }
0x1d: {  	s5 =	simm.s32 @p1 $0x1;
	p0 =	seq.s32 s7, s2  }
0x1e: {  	s7 =	smul.u32 @!p0 $0xF7A, s2;
	p2 =	seq.s32 @!p0 s5, $0x0  }
0x1f: {  	s9 =	smul.u32 $0xF7A, s1;
	s8 =	simm.s32 @!p0 $0x1BF5;
	p2 =	por !p2, p0  }
0x20: {  	[sflag:s8] =	ssyncset.s32 @!p0 $0xFFFFF086;
	s6 =	sadd.s32 @!p0 s3, s7;
	s7 =	simm.s32 @!p0 $0x108  }
0x21: {  	s3 =	sadd.s32 s3, s9;
	s6 =	sadd.s32 @!p0 $0x88, s6;
	s7 =	simm.s32 @p2 $0x1082  }
0x22: {  	[simem:s7], [sflag:s8] =	dma.local @!p0 [hbm:s6], $0xF7A  }
0x23: {  	s9 =	sor.u32 $0xD0000000, s2;
	s6 =	simm.s32 $0x108;
	_ =	swait.ge @!p0 [sflag:s8], $0x0  }
0x24: {  	s3 =	sadd.s32 $0x88, s3;
	s6 =	simm.s32 @!p1 $0x1082;
	[sflag:s4] =	ssyncset.s32 $0xFFFFF086  }
0x25: {  	[simem:s6], [sflag:s4] =	dma.local [hbm:s3], $0xF7A  }
0x26: {  	[smem:$0x3F94] =	sst s1;
	(tag) =	ssettag s2;
	_ =	strace s9  }
0x27: {  	s1 =	sld [smem:$0x3FA4]  }
0x28: {  	s2 =	sld [smem:$0x3FA5]  }
0x29: {  	s4 =	sld [smem:$0x3FA7]  }
0x2a: {  	p0 =	seq.s32 s5, $0x0;
	s5 =	sld [smem:$0x3FA8]  }
0x2b: {  	s6 =	sld [smem:$0x3FA9]  }
0x2c: {  	s7 =	sld [smem:$0x3FAA]  }
0x2d: {  	s3 =	simm.s32 $0x108;
	s8 =	sld [smem:$0x3FAB]  }
0x2e: {  	s3 =	simm.s32 @!p0 $0x1082;
	s9 =	sld [smem:$0x3FAC]  }
0x2f: {  	lr =	sadd.s32 s0, s3;
	s0 =	sld [smem:$0x3FA3]  }
0x30: {  	s3 =	sld [smem:$0x3FA6]  }
0x31: {  	[smem:$0x3FAF] =	sst s10  }
0x32: {  	s10 =	sld [smem:$0x3FAD];
	_ =	sdelay $0x3  }
0x33: {  	p0 =	seq.s32 s10, $0x1;
	s10 =	sld [smem:$0x3FAF];
	_ =	sdelay $0x3  }
0x34: {  	[smem:$0x3FAF] =	sst s10  }
0x35: {  	s10 =	sld [smem:$0x3FAE];
	_ =	sdelay $0x3  }
0x36: {  	p1 =	seq.s32 s10, $0x1;
	s10 =	sld [smem:$0x3FAF];
	_ =	sdelay $0x3  }
0x37: {  	[smem:$0x3FAF] =	sst s10  }
0x38: {  	s10 =	sld [smem:$0x3FB0]  }
0x39: {  	_ = 	snop;
	(pc) =	sbr.ind lr, $3  }
0x3a: {  	_ = 	snop  }
0x3b: {  	_ = 	snop  }
0x3c: {  	p2 =	seq.s32 s10, $0x1;
	s10 =	sld [smem:$0x3FAF]  }
0x3d: {  	_ =	shalt  }
0x3e: {  	_ =	shalt  }
0x3f: {  	_ =	shalt  }
0x40: {  	_ =	shalt  }
0x41: {  	_ =	shalt  }
0x42: {  	_ =	shalt  }
0x43: {  	_ =	shalt  }
0x44: {  	_ =	shalt  }
0x45: {  	_ =	shalt  }
0x46: {  	_ =	shalt  }
0x47: {  	_ =	shalt  }
0x48: {  	_ =	shalt  }
0x49: {  	_ =	shalt  }
0x4a: {  	_ =	shalt  }
0x4b: {  	_ =	shalt  }
0x4c: {  	_ =	shalt  }
0x4d: {  	_ =	shalt  }
0x4e: {  	_ =	shalt  }
0x4f: {  	_ =	shalt  }
0x50: {  	_ =	shalt  }
0x51: {  	_ =	shalt  }
0x52: {  	_ =	shalt  }
0x53: {  	_ =	shalt  }
0x54: {  	_ =	shalt  }
0x55: {  	_ =	shalt  }
0x56: {  	_ =	shalt  }
0x57: {  	_ =	shalt  }
0x58: {  	_ =	shalt  }
0x59: {  	_ =	shalt  }
0x5a: {  	_ =	shalt  }
0x5b: {  	_ =	shalt  }
0x5c: {  	_ =	shalt  }
0x5d: {  	_ =	shalt  }
0x5e: {  	_ =	shalt  }
0x5f: {  	_ =	shalt  }
0x60: {  	_ =	shalt  }
0x61: {  	_ =	shalt  }
0x62: {  	_ =	shalt  }
0x63: {  	_ =	shalt  }
0x64: {  	_ =	shalt  }
0x65: {  	_ =	shalt  }
0x66: {  	_ =	shalt  }
0x67: {  	_ =	shalt  }
0x68: {  	_ =	shalt  }
0x69: {  	_ =	shalt  }
0x6a: {  	_ =	shalt  }
0x6b: {  	_ =	shalt  }
0x6c: {  	_ =	shalt  }
0x6d: {  	_ =	shalt  }
0x6e: {  	_ =	shalt  }
0x6f: {  	_ =	shalt  }
0x70: {  	_ =	shalt  }
0x71: {  	_ =	shalt  }
0x72: {  	_ =	shalt  }
0x73: {  	_ =	shalt  }
0x74: {  	_ =	shalt  }
0x75: {  	_ =	shalt  }
0x76: {  	_ =	shalt  }
0x77: {  	_ =	shalt  }
0x78: {  	_ =	shalt  }
0x79: {  	_ =	shalt  }
0x7a: {  	_ =	shalt  }
0x7b: {  	_ =	shalt  }
0x7c: {  	_ =	shalt  }
0x7d: {  	_ =	shalt  }
0x7e: {  	_ =	shalt  }
0x7f: {  	_ =	shalt  }
0x80: {  	_ =	shalt  }
0x81: {  	_ =	shalt  }
0x82: {  	_ =	shalt  }
0x83: {  	_ =	shalt  }
0x84: {  	_ =	shalt  }
0x85: {  	_ =	shalt  }
0x86: {  	_ =	shalt  }
0x87: {  	_ =	shalt  }
.Lfunc_end0:
.L_simem_size_0:
called_computation.1_lowered:
.L_overlay_start_0:
0x88: {  	s2 =	sld [smem:$0x3FD9]  }
0x89: {  	s3 =	sld [smem:$0x3FFE];
	_ =	sdelay $0x1  }
0x8a: {  	s1 =	srdreg.scid  }
0x8b: {  	s0 =	sand.u32 $0x1, s1  }
0x8c: {  	s16 =	sshll.u32 s0, $0xA;
	s2 =	sadd.s32 s3, s2  }
0x8d: {  	s2 =	sadd.s32 s2, s16  }
0x8e: {  	[smem:$0x3FBB] =	sst s2  }
0x8f: {  	_ = 	snop  }
0x90: {  	(tm) =	ssettm $0x1  }
0x91: {  	s17 =	sld [smem:$0x3FFB];
	_ =	sdelay $0x3  }
0x92: {  	_ =	strace s17  }
0x93: {  	s2 =	sld [smem:$0x3FFC];
	_ =	sdelay $0x3  }
0x94: {  	_ =	strace s2  }
0x95: {  	s2 =	sld [smem:$0x3FFD];
	_ =	sdelay $0x3  }
0x96: {  	_ =	strace s2  }
0x97: {  	_ =	strace $0x8FFFFFFF  }
0x98: {  	s18 =	sld [smem:$0x3FDB];
	_ =	sdelay $0x1  }
0x99: {  	s19 =	simm.s32 $_scs_section_size  }
0x9a: {  	s4 =	simm.s32 $_size__tile_overlayer_lowered;
	s5 =	simm.s32 $_tile_overlayer_lowered  }
0x9b: {  	s22 =	simm.s32 $0x1BFF;
	s21 =	sshll.u32 s5, $0x1;
	s2 =	sadd.s32 s19, s18  }
0x9c: {  	s6 =	simm.s32 $0x0;
	s20 =	sshll.u32 s4, $0x1;
	s4 =	sadd.s32 s21, s2  }
0x9d: {  	[timem:s6], [sflag:s22] =	dma.local [hbm:s4], s20  }
0x9e: {  	_ =	swait.ge [sflag:s22], s20  }
0x9f: {  	s3 =	ssub.s32 $0x0, s20;
	[sflag:s22] =	ssyncset.done $0x0  }
0xa0: {  	[sflag:s22] =	ssyncadd.s32 s3;
	_ =	sdelay $0x1  }
0xa1: {  	s23 =	simm.s32 $0x1B8B  }
0xa2: {  	_ =	swait.ge [sflag:s23], $0x1  }
0xa3: {  	[sflag:s23] =	ssyncset.done $0x0  }
0xa4: {  	s25 =	simm.s32 $0x1B8E;
	s24 =	sld [smem:$0x3FFE];
	[sflag:s23] =	ssyncadd.s32 $0xFFFFFFFF  }
0xa5: {  	s26 =	simm.s32 $execute0_lowered;
	[smem:$0x3FD2] =	sst s25  }
0xa6: {  	s4 =	sshll.u32 s26, $0x1;
	_ =	strace $0x80000046;
	[dreg:$0x1] =	wrdreg $0xFFFFFFFF  }
0xa7: {  	s28 =	simm.s32 $_size_execute0_lowered;
	s2 =	sadd.s32 s2, s4;
	[dreg:$0x0] =	wrdreg $0x0  }
0xa8: {  	s4 =	sshll.u32 s28, $0x1;
	[dreg:$0x2] =	wrdreg s2  }
0xa9: {  	[dreg:$0x3] =	wrdreg s4  }
0xaa: {  	[dreg:$0x4] =	wrdreg $0xC0  }
0xab: {  	_ =	task [dreg:s6], $0x5FFFF  }
0xac: {  	[dreg:$0x1] =	wrdreg $0xFFFFFFFF  }
0xad: {  	[dreg:$0x0] =	wrdreg $0x60  }
0xae: {  	[dreg:$0x2] =	wrdreg s24  }
0xaf: {  	[dreg:$0x3] =	wrdreg $0x0  }
0xb0: {  	[dreg:$0x4] =	wrdreg $0x9  }
0xb1: {  	_ =	task.clear_ibuf [dreg:s6], $0x5FFFF;
	_ =	strace $0x90000046  }
0xb2: {  	s29 =	simm.s32 $0x9;
	_ =	strace $0x80000048  }
0xb3: {  	_ =	swait.ge [sflag:s29], $0x1  }
0xb4: {  	[sflag:s29] =	ssyncadd.s32 $0xFFFFFFFF  }
0xb5: {  	_ =	strace $0x90000048  }
0xb6: {  	_ =	sfence  }
0xb7: {  	s30 =	sld [smem:$0x0];
	_ =	sdelay $0x2  }
0xb8: {  	s31 =	sshll.u32 s1, $0xD;
	s1 =	sshrl.u32 s1, $0x2  }
0xb9: {  	s3 =	sand.u32 $0x4000, s31;
	s1 =	sadd.s32 s1, s30  }
0xba: {  	s0 =	sor.u32 s3, s0;
	s1 =	sshll.u32 s1, $0x11  }
0xbb: {  	s0 =	sor.u32 s1, s0  }
0xbc: {  	s0 =	sadd.s32 $0x8F2B, s0  }
0xbd: {  	[sflag:s0] =	ssyncadd.remote.s32 $0x1  }
0xbe: {  	_ =	sfence.sel $0xFFFF  }
0xbf: {  	[dreg:$0x0] =	wrdreg $0xFFFFFFFF;
	(pc) =	sbr.abs _section_cstart, $3  }
0xc0: {  	[dreg:$0x1] =	wrdreg $0xFFFFFFFF  }
0xc1: {  	_ =	task.clear_ibuf [dreg:s6], $0x2FFFF;
	_ =	strace $0x9FFFFFFF  }
0xc2: {  	(tm) =	ssettm $0x7FFFFFFF  }
0xc3: {  	_ =	shalt  }
tec
execute0_lowered:
.L_overlay_start_1:
0x0: {  	(tag) =	ssettag $0x1  }
0x1: {  	s0 =	rddreg [dreg:$0x0]  }
0x2: {  	s1 =	rddreg [dreg:$0x1]  }
0x3: {  	s3 =	simm.s32 $0x0;
	s2 =	srdreg.scid;
	s11 =	stileid.u32  }
0x4: {  	s16 =	simm.s32 $0x5;
	s17 =	simm.s32 $0x16380;
	s18 =	simm.s32 $0x28  }
0x5: {  	s31 =	simm.s32 $0x163D0;
	s14 =	simm.s32 $0x0;
	s30 =	simm.s32 $0x0  }
0x6: {  	[smem:$0x7FF] =	sst s3;
	s2 =	sand.u32 $0x1, s2;
	s7 =	smul.u32 $0x2C70, s11  }
0x7: {  	s4 =	sadd.s32 $0xEE800, s0;
	s5 =	sadd.s32 $0x13CA00, s0;
	s8 =	smul.u32 $0x58E00, s11  }
0x8: {  	s6 =	sadd.s32 $0xE400, s0;
	s10 =	smul.u32 $0xEB50, s11;
	s24 =	sshll.u32 s11, $0x6  }
0x9: {  	s19 =	smul.u32 $0x2C700, s2;
	_ =	strace $0x80000047;
	s9 =	ssub.s32 $0x2, s2  }
0xa: {  	s2 =	smul.u32 $0xEB500, s2;
	s13 =	sor.u32 $0x1C05, s24;
	s24 =	simm.s32 $0x1  }
0xb: {  	s20 =	sshrl.u32 s9, $0x1;
	s22 =	sshrl.u32 s8, $0x2;
	[dreg:$0x4] =	wrdreg s13  }
0xc: {  	s3 =	sadd.s32 s7, s19;
	s21 =	ssub.s32 s9, s20;
	s7 =	sadd.s32 s22, s1  }
0xd: {  	s2 =	sadd.s32 s10, s2;
	s19 =	simm.s32 $0x16470;
	s20 =	simm.s32 $0x18C70  }
0xe: {  	s22 =	simm.s32 $0x19170;
	s9 =	simm.s32 $0x16448;
	s0 =	sadd.s32 s3, s0  }
0xf: {  	s25 =	sshrl.u32 s2, $0x3;
	s10 =	sadd.s32 $0x78, s2;
	s11 =	sadd.s32 $0xF0, s2  }
0x10: {  	s12 =	sadd.s32 $0x168, s2;
	s29 =	smax.u32 s21, $0x1;
	s21 =	simm.s32 $0x163A8  }
0x11: {  	s2 =	simm.s32 $0x2;
	s23 =	sadd.s32 $0x49200, s0;
	[dreg:$0x8] =	wrdreg s29  }
0x12: {  	s26 =	sadd.s32 s6, s25;
	s28 =	sshrl.u32 s10, $0x3;
	[dreg:$0x3] =	wrdreg s23  }
0x13: {  	s0 =	sadd.s32 $0x146800, s0;
	s25 =	simm.s32 $0x4;
	[dreg:$0x5] =	wrdreg s26  }
0x14: {  	v0 =	vlaneseq.u32;
	vm0 =	vmmov $0xf;
	s10 =	simm.s32 $0x1ACF0;
	s8 =	sadd.s32 s6, s28;
	[dreg:$0x7] =	wrdreg s0  }
0x15: {  	v1 =	vimm.s32 $0x0;
	v2 =	vimm.s32 $0x1;
	v0 =	vand.u32 $0x3, v0;
	s23 =	simm.s32 $0x163F8;
	[dreg:$0x6] =	wrdreg s8;
	s8 =	sshrl.u32 s7, $0x3  }
0x16: {  	v3 =	vimm.s32 $0x2;
	v4 =	vimm.s32 $0x3;
	v0 =	vor.u32 $0x4, v0;
	s0 =	simm.s32 $0x19670;
	s7 =	simm.s32 $0x3;
	[dreg:$0x9] =	wrdreg s8  }
.LBB2_1:
0x17: {  	[dreg:$0xa] =	wrdreg s14  }
0x18: {  	s3 =	rddreg [dreg:$0x3]  }
0x19: {  	[spmem:s8], [sflag:s13] =	dma.local [hbm:s3], $0x2C70  }
0x1a: {  	_ =	swait.ge [sflag:s16], $0x2C70  }
0x1b: {  	[sflag:s16] =	ssyncset.done $0x0  }
0x1c: {  	s26 =	simm.s32 $0x0;
	s28 =	rddreg [dreg:$0x5];
	[sflag:s16] =	ssyncadd.s32 $0xFFFFD390  }
0x1d: {  	[tilespmem:s17], [sflag:$0x5] =	stream.linear.gather [hbm4b:s28+s26], $0x78, $0x38;
	[tilespmem:$0x1C370] =	vst v63  }
0x1e: {  	_ =	swait.ge [sflag:s16], $0x78  }
0x1f: {  	[sflag:s16] =	ssyncset.done $0x0  }
0x20: {  	[sflag:s16] =	ssyncadd.s32 $0xFFFFFF88  }
0x21: {  	[tilespmem:s19], [sflag:$0x1] =	stream.indirect.gather [hbm4b:s4+s18], $0x80, s17, s18, $0xb8;
	[tilespmem:$0x1C370] =	vst v63  }
0x22: {  	_ = 	snop  }
0x23: {  	[tilespmem:s20], [sflag:$0x1] =	stream.indirect.gather [hbm4b:s5+s18], $0x10, s17, s18, $0xb8;
	[tilespmem:$0x1C370] =	vst v63  }
0x24: {  	_ = 	snop  }
0x25: {  	[tilespmem:s22], [sflag:$0x1] =	stream.indirect.gather [hbm4b:s5+s18], $0x10, s21, s18, $0xb8;
	[tilespmem:$0x1C370] =	vst v63  }
0x26: {  	s29 =	rddreg [dreg:$0x6]  }
0x27: {  	[tilespmem:s23], [sflag:$0x4] =	stream.linear.gather [hbm4b:s29+s26], $0x78, $0x38;
	[tilespmem:$0x1C370] =	vst v63  }
0x28: {  	s14 =	simm.s32 $0x0;
	[bflag:$0x0] =	sbarrier.arrive $0xFFFF  }
.LBB2_2:
0x29: {  	_ =	swait.ge [sflag:s24], $0x1400  }
0x2a: {  	[sflag:s24] =	ssyncset.done $0x0  }
0x2b: {  	[sflag:s24] =	ssyncadd.s32 $0xFFFFEC00  }
0x2c: {  	_ =	swait.ge [sflag:s24], $0x280  }
0x2d: {  	[sflag:s24] =	ssyncset.done $0x0  }
0x2e: {  	[sflag:s24] =	ssyncadd.s32 $0xFFFFFD80  }
0x2f: {  	_ =	swait.ge [sflag:s24], $0x280  }
0x30: {  	[sflag:s24] =	ssyncset.done $0x0  }
0x31: {  	[sflag:s24] =	ssyncadd.s32 $0xFFFFFD80  }
0x32: {  	_ =	swait.ge [sflag:s25], $0x78  }
0x33: {  	[sflag:s25] =	ssyncset.done $0x0  }
0x34: {  	s3 =	simm.s32 $0x17870;
	[sflag:s25] =	ssyncadd.s32 $0xFFFFFF88  }
0x35: {  	[tilespmem:s3], [sflag:$0x2] =	stream.indirect.gather [hbm4b:s4+s18], $0x80, s23, s18, $0xb8;
	[tilespmem:$0x1C370] =	vst v63  }
0x36: {  	s15 =	simm.s32 $0x18EF0  }
0x37: {  	[tilespmem:s15], [sflag:$0x2] =	stream.indirect.gather [hbm4b:s5+s18], $0x10, s23, s18, $0xb8;
	[tilespmem:$0x1C370] =	vst v63  }
0x38: {  	s26 =	simm.s32 $0x16420;
	s8 =	simm.s32 $0x193F0;
	s28 =	simm.s32 $0x0  }
0x39: {  	[tilespmem:s8], [sflag:$0x2] =	stream.indirect.gather [hbm4b:s5+s18], $0x10, s26, s18, $0xb8;
	[tilespmem:$0x1C370] =	vst v63  }
0x3a: {  	v5 =	vld [tilespmem:s28+$0x19170];
	_ =	sdelay $0x1  }
0x3b: {  	v6 =	vld [tilespmem:s28+$0x18C70];
	_ =	sdelay $0x2  }
0x3c: {  	v5 =	vperm.xlane v5, v0;
	_ =	sdelay $0x1  }
0x3d: {  	v5 =	vadd.f32 v5, v6;
	_ =	sdelay $0x1  }
0x3e: {  	v6 =	vmul.f32 $2.000000030e-01, v5  }
0x3f: {  	vm1 =	vge.f32 v5, $0.0e+00  }
0x40: {  	v5 =	vsel vm1, v5, v6  }
0x41: {  	v5 =	vmul.f32 $1.442695020e+00, v5;
	_ =	sdelay $0x1  }
0x42: {  	(erf) = vpow2.f32 v5;
	_ =	sdelay $0x6  }
0x43: {  	s29 =	simm.s32 $0x164B0  }
0x44: {  	v5 =	vld [tilespmem:s29+$0xFFFFFFC0]  }
0x45: {  	v6 =	vpop (erf)  }
0x46: {  	v6 =	vnsel vm0, $0x0, v6  }
0x47: {  	v7 =	vperm.xlane v6, v1;
	_ =	sdelay $0x1  }
0x48: {  	v5 =	vmul.f32 v5, v7  }
0x49: {  	s8 =	simm.s32 $0x196B0  }
0x4a: {  	[tilespmem:s8+$0xFFFFFFC0] =	vst v5  }
0x4b: {  	v5 =	vld [tilespmem:s29+$0xFFFFFFD0];
	_ =	sdelay $0x4  }
0x4c: {  	v5 =	vmul.f32 v5, v7;
	_ =	sdelay $0x1  }
0x4d: {  	[tilespmem:s8+$0xFFFFFFD0] =	vst v5  }
0x4e: {  	v5 =	vld [tilespmem:s29+$0xFFFFFFE0];
	_ =	sdelay $0x2  }
0x4f: {  	v7 =	vperm.xlane v6, v2;
	_ =	sdelay $0x1  }
0x50: {  	v5 =	vmul.f32 v5, v7;
	_ =	sdelay $0x1  }
0x51: {  	[tilespmem:s8+$0xFFFFFFE0] =	vst v5  }
0x52: {  	v5 =	vld [tilespmem:s29+$0xFFFFFFF0];
	_ =	sdelay $0x4  }
0x53: {  	v5 =	vmul.f32 v5, v7;
	_ =	sdelay $0x1  }
0x54: {  	[tilespmem:s8+$0xFFFFFFF0] =	vst v5  }
0x55: {  	v5 =	vld [tilespmem:s29+$0x0];
	_ =	sdelay $0x2  }
0x56: {  	v7 =	vperm.xlane v6, v3;
	_ =	sdelay $0x1  }
0x57: {  	v5 =	vmul.f32 v5, v7;
	_ =	sdelay $0x1  }
0x58: {  	[tilespmem:s8+$0x0] =	vst v5  }
0x59: {  	v5 =	vld [tilespmem:s29+$0x10];
	_ =	sdelay $0x4  }
0x5a: {  	v5 =	vmul.f32 v5, v7;
	_ =	sdelay $0x1  }
0x5b: {  	[tilespmem:s8+$0x10] =	vst v5  }
0x5c: {  	v5 =	vld [tilespmem:s29+$0x20];
	_ =	sdelay $0x2  }
0x5d: {  	v7 =	vperm.xlane v6, v4;
	_ =	sdelay $0x1  }
0x5e: {  	v5 =	vmul.f32 v5, v7;
	_ =	sdelay $0x1  }
0x5f: {  	[tilespmem:s8+$0x20] =	vst v5  }
0x60: {  	v5 =	vld [tilespmem:s29+$0x30];
	_ =	sdelay $0x4  }
0x61: {  	s13 =	simm.s32 $0x40;
	s15 =	simm.s32 $0x16530;
	s26 =	simm.s32 $0x80;
	[tilespmem:s8+$0x40] =	vst v6;
	v5 =	vmul.f32 v5, v7  }
.LBB2_3:
0x62: {  	s28 =	sshra.s32 s13, $0x2  }
0x63: {  	[tilespmem:s8+$0x30] =	vst v5;
	s8 =	sadd.s32 $0x90, s8;
	s13 =	smov.u32 s26;
	s3 =	sadd.s32 $0x40, s26  }
0x64: {  	p0 =	sne.s32 s26, $0x9C0;
	v5 =	vld [tilespmem:s28+$0x19170];
	_ =	sdelay $0x1  }
0x65: {  	v6 =	vld [tilespmem:s28+$0x18C70];
	_ =	sdelay $0x2  }
0x66: {  	v5 =	vperm.xlane v5, v0;
	_ =	sdelay $0x1  }
0x67: {  	v5 =	vadd.f32 v5, v6;
	_ =	sdelay $0x1  }
0x68: {  	v6 =	vmul.f32 $2.000000030e-01, v5  }
0x69: {  	vm1 =	vge.f32 v5, $0.0e+00  }
0x6a: {  	v5 =	vsel vm1, v5, v6  }
0x6b: {  	v5 =	vmul.f32 $1.442695020e+00, v5;
	_ =	sdelay $0x1  }
0x6c: {  	(erf) = vpow2.f32 v5;
	_ =	sdelay $0x7  }
0x6d: {  	v5 =	vld [tilespmem:s15+$0xFFFFFFC0]  }
0x6e: {  	v6 =	vpop (erf)  }
0x6f: {  	v6 =	vnsel vm0, $0x0, v6  }
0x70: {  	v7 =	vperm.xlane v6, v1;
	_ =	sdelay $0x1  }
0x71: {  	v5 =	vmul.f32 v5, v7;
	_ =	sdelay $0x1  }
0x72: {  	[tilespmem:s8+$0xFFFFFFC0] =	vst v5  }
0x73: {  	v5 =	vld [tilespmem:s15+$0xFFFFFFD0];
	_ =	sdelay $0x4  }
0x74: {  	v5 =	vmul.f32 v5, v7;
	_ =	sdelay $0x1  }
0x75: {  	[tilespmem:s8+$0xFFFFFFD0] =	vst v5  }
0x76: {  	v5 =	vld [tilespmem:s15+$0xFFFFFFE0];
	_ =	sdelay $0x2  }
0x77: {  	v7 =	vperm.xlane v6, v2;
	_ =	sdelay $0x1  }
0x78: {  	v5 =	vmul.f32 v5, v7;
	_ =	sdelay $0x1  }
0x79: {  	[tilespmem:s8+$0xFFFFFFE0] =	vst v5  }
0x7a: {  	v5 =	vld [tilespmem:s15+$0xFFFFFFF0];
	_ =	sdelay $0x4  }
0x7b: {  	v5 =	vmul.f32 v5, v7;
	_ =	sdelay $0x1  }
0x7c: {  	[tilespmem:s8+$0xFFFFFFF0] =	vst v5  }
0x7d: {  	v5 =	vld [tilespmem:s15+$0x0];
	_ =	sdelay $0x2  }
0x7e: {  	v7 =	vperm.xlane v6, v3;
	_ =	sdelay $0x1  }
0x7f: {  	v5 =	vmul.f32 v5, v7;
	_ =	sdelay $0x1  }
0x80: {  	[tilespmem:s8+$0x0] =	vst v5  }
0x81: {  	v5 =	vld [tilespmem:s15+$0x10];
	_ =	sdelay $0x4  }
0x82: {  	v5 =	vmul.f32 v5, v7;
	_ =	sdelay $0x1  }
0x83: {  	[tilespmem:s8+$0x10] =	vst v5  }
0x84: {  	v5 =	vld [tilespmem:s15+$0x20];
	_ =	sdelay $0x2  }
0x85: {  	v7 =	vperm.xlane v6, v4;
	_ =	sdelay $0x1  }
0x86: {  	v5 =	vmul.f32 v5, v7;
	_ =	sdelay $0x1  }
0x87: {  	[tilespmem:s8+$0x20] =	vst v5  }
0x88: {  	v5 =	vld [tilespmem:s15+$0x30]  }
0x89: {  	[tilespmem:s8+$0x40] =	vst v6  }
.Ltmp0:
0x8a: {  	(pc) =	sbr.rel @p0 .LBB2_3-.Ltmp0, $3  }
0x8b: {  	_ =	sdelay $0x1  }
0x8c: {  	v5 =	vmul.f32 v5, v7  }
0x8d: {  	s26 =	smov.u32 s3;
	s15 =	sadd.s32 $0x80, s15  }
0x8e: {  	s3 =	sshra.s32 s13, $0x2;
	[tilespmem:s8+$0x30] =	vst v5  }
0x8f: {  	v5 =	vld [tilespmem:s3+$0x19170];
	_ =	sdelay $0x1  }
0x90: {  	v6 =	vld [tilespmem:s3+$0x18C70];
	_ =	sdelay $0x2  }
0x91: {  	v5 =	vperm.xlane v5, v0;
	_ =	sdelay $0x1  }
0x92: {  	v5 =	vadd.f32 v5, v6;
	_ =	sdelay $0x1  }
0x93: {  	v6 =	vmul.f32 $2.000000030e-01, v5  }
0x94: {  	vm1 =	vge.f32 v5, $0.0e+00  }
0x95: {  	v5 =	vsel vm1, v5, v6  }
0x96: {  	v5 =	vmul.f32 $1.442695020e+00, v5;
	_ =	sdelay $0x1  }
0x97: {  	(erf) = vpow2.f32 v5;
	_ =	sdelay $0x7  }
0x98: {  	v5 =	vld [tilespmem:s15+$0xFFFFFFC0]  }
0x99: {  	v6 =	vpop (erf)  }
0x9a: {  	v6 =	vnsel vm0, $0x0, v6  }
0x9b: {  	v7 =	vperm.xlane v6, v1;
	_ =	sdelay $0x1  }
0x9c: {  	v5 =	vmul.f32 v5, v7  }
0x9d: {  	s13 =	sadd.s32 $0x90, s8  }
0x9e: {  	[tilespmem:s13+$0xFFFFFFC0] =	vst v5  }
0x9f: {  	v5 =	vld [tilespmem:s15+$0xFFFFFFD0];
	_ =	sdelay $0x4  }
0xa0: {  	v5 =	vmul.f32 v5, v7;
	_ =	sdelay $0x1  }
0xa1: {  	[tilespmem:s13+$0xFFFFFFD0] =	vst v5  }
0xa2: {  	v5 =	vld [tilespmem:s15+$0xFFFFFFE0];
	_ =	sdelay $0x2  }
0xa3: {  	v7 =	vperm.xlane v6, v2;
	_ =	sdelay $0x1  }
0xa4: {  	v5 =	vmul.f32 v5, v7;
	_ =	sdelay $0x1  }
0xa5: {  	[tilespmem:s13+$0xFFFFFFE0] =	vst v5  }
0xa6: {  	v5 =	vld [tilespmem:s15+$0xFFFFFFF0];
	_ =	sdelay $0x4  }
0xa7: {  	v5 =	vmul.f32 v5, v7;
	_ =	sdelay $0x1  }
0xa8: {  	[tilespmem:s13+$0xFFFFFFF0] =	vst v5  }
0xa9: {  	v5 =	vld [tilespmem:s15+$0x0];
	_ =	sdelay $0x2  }
0xaa: {  	v7 =	vperm.xlane v6, v3;
	_ =	sdelay $0x1  }
0xab: {  	v5 =	vmul.f32 v5, v7;
	_ =	sdelay $0x1  }
0xac: {  	[tilespmem:s13+$0x0] =	vst v5  }
0xad: {  	v5 =	vld [tilespmem:s15+$0x10];
	_ =	sdelay $0x4  }
0xae: {  	v5 =	vmul.f32 v5, v7;
	_ =	sdelay $0x1  }
0xaf: {  	[tilespmem:s13+$0x10] =	vst v5  }
0xb0: {  	v5 =	vld [tilespmem:s15+$0x20];
	_ =	sdelay $0x2  }
0xb1: {  	v7 =	vperm.xlane v6, v4;
	_ =	sdelay $0x1  }
0xb2: {  	v5 =	vmul.f32 v5, v7;
	_ =	sdelay $0x1  }
0xb3: {  	[tilespmem:s13+$0x20] =	vst v5  }
0xb4: {  	v5 =	vld [tilespmem:s15+$0x30];
	_ =	sdelay $0x4  }
0xb5: {  	v5 =	vmul.f32 v5, v7  }
0xb6: {  	[tilespmem:s13+$0x40] =	vst v6  }
0xb7: {  	s8 =	smul.u32 $0xF0, s14;
	[tilespmem:s13+$0x30] =	vst v5  }
0xb8: {  	[spmem:s1] =	stream.indirect.scatter.add.f32 [tilespmem:s0], [sflag:$0x5], $0x90, s31, s18, $0xb8;
	[tilespmem:$0x1C370] =	vst v63  }
0xb9: {  	s15 =	sadd.s32 s8, s11;
	_ =	swait.ge [sflag:s16], $0x1680  }
0xba: {  	s3 =	sshrl.u32 s15, $0x3;
	[sflag:s16] =	ssyncset.done $0x0  }
0xbb: {  	s26 =	simm.s32 $0x0;
	s3 =	sadd.s32 s6, s3;
	[sflag:s16] =	ssyncadd.s32 $0xFFFFE980  }
0xbc: {  	[tilespmem:s17], [sflag:$0x3] =	stream.linear.gather [hbm4b:s3+s26], $0x78, $0x38;
	[tilespmem:$0x1C370] =	vst v63  }
0xbd: {  	_ =	swait.ge [sflag:s2], $0x1400  }
0xbe: {  	[sflag:s2] =	ssyncset.done $0x0  }
0xbf: {  	[sflag:s2] =	ssyncadd.s32 $0xFFFFEC00  }
0xc0: {  	_ =	swait.ge [sflag:s2], $0x280  }
0xc1: {  	[sflag:s2] =	ssyncset.done $0x0  }
0xc2: {  	[sflag:s2] =	ssyncadd.s32 $0xFFFFFD80  }
0xc3: {  	_ =	swait.ge [sflag:s2], $0x280  }
0xc4: {  	[sflag:s2] =	ssyncset.done $0x0  }
0xc5: {  	[sflag:s2] =	ssyncadd.s32 $0xFFFFFD80  }
0xc6: {  	_ =	swait.ge [sflag:s7], $0x78  }
0xc7: {  	[sflag:s7] =	ssyncset.done $0x0  }
0xc8: {  	[sflag:s7] =	ssyncadd.s32 $0xFFFFFF88  }
0xc9: {  	[tilespmem:s19], [sflag:$0x1] =	stream.indirect.gather [hbm4b:s4+s18], $0x80, s17, s18, $0xb8;
	[tilespmem:$0x1C370] =	vst v63  }
0xca: {  	_ = 	snop  }
0xcb: {  	[tilespmem:s20], [sflag:$0x1] =	stream.indirect.gather [hbm4b:s5+s18], $0x10, s17, s18, $0xb8;
	[tilespmem:$0x1C370] =	vst v63  }
0xcc: {  	s28 =	simm.s32 $0x0  }
0xcd: {  	[tilespmem:s22], [sflag:$0x1] =	stream.indirect.gather [hbm4b:s5+s18], $0x10, s21, s18, $0xb8;
	[tilespmem:$0x1C370] =	vst v63  }
0xce: {  	v5 =	vld [tilespmem:s28+$0x193F0];
	_ =	sdelay $0x1  }
0xcf: {  	v6 =	vld [tilespmem:s28+$0x18EF0];
	_ =	sdelay $0x2  }
0xd0: {  	v5 =	vperm.xlane v5, v0;
	_ =	sdelay $0x1  }
0xd1: {  	v5 =	vadd.f32 v5, v6;
	_ =	sdelay $0x1  }
0xd2: {  	v6 =	vmul.f32 $2.000000030e-01, v5  }
0xd3: {  	vm1 =	vge.f32 v5, $0.0e+00  }
0xd4: {  	v5 =	vsel vm1, v5, v6  }
0xd5: {  	v5 =	vmul.f32 $1.442695020e+00, v5;
	_ =	sdelay $0x1  }
0xd6: {  	(erf) = vpow2.f32 v5;
	_ =	sdelay $0x6  }
0xd7: {  	s29 =	simm.s32 $0x178B0  }
0xd8: {  	v5 =	vld [tilespmem:s29+$0xFFFFFFC0]  }
0xd9: {  	v6 =	vpop (erf)  }
0xda: {  	v6 =	vnsel vm0, $0x0, v6  }
0xdb: {  	v7 =	vperm.xlane v6, v1;
	_ =	sdelay $0x1  }
0xdc: {  	v5 =	vmul.f32 v5, v7  }
0xdd: {  	s15 =	simm.s32 $0x1AD30  }
0xde: {  	[tilespmem:s15+$0xFFFFFFC0] =	vst v5  }
0xdf: {  	v5 =	vld [tilespmem:s29+$0xFFFFFFD0];
	_ =	sdelay $0x4  }
0xe0: {  	v5 =	vmul.f32 v5, v7;
	_ =	sdelay $0x1  }
0xe1: {  	[tilespmem:s15+$0xFFFFFFD0] =	vst v5  }
0xe2: {  	v5 =	vld [tilespmem:s29+$0xFFFFFFE0];
	_ =	sdelay $0x2  }
0xe3: {  	v7 =	vperm.xlane v6, v2;
	_ =	sdelay $0x1  }
0xe4: {  	v5 =	vmul.f32 v5, v7;
	_ =	sdelay $0x1  }
0xe5: {  	[tilespmem:s15+$0xFFFFFFE0] =	vst v5  }
0xe6: {  	v5 =	vld [tilespmem:s29+$0xFFFFFFF0];
	_ =	sdelay $0x4  }
0xe7: {  	v5 =	vmul.f32 v5, v7;
	_ =	sdelay $0x1  }
0xe8: {  	[tilespmem:s15+$0xFFFFFFF0] =	vst v5  }
0xe9: {  	v5 =	vld [tilespmem:s29+$0x0];
	_ =	sdelay $0x2  }
0xea: {  	v7 =	vperm.xlane v6, v3;
	_ =	sdelay $0x1  }
0xeb: {  	v5 =	vmul.f32 v5, v7;
	_ =	sdelay $0x1  }
0xec: {  	[tilespmem:s15+$0x0] =	vst v5  }
0xed: {  	v5 =	vld [tilespmem:s29+$0x10];
	_ =	sdelay $0x4  }
0xee: {  	v5 =	vmul.f32 v5, v7;
	_ =	sdelay $0x1  }
0xef: {  	[tilespmem:s15+$0x10] =	vst v5  }
0xf0: {  	v5 =	vld [tilespmem:s29+$0x20];
	_ =	sdelay $0x2  }
0xf1: {  	v7 =	vperm.xlane v6, v4;
	_ =	sdelay $0x1  }
0xf2: {  	v5 =	vmul.f32 v5, v7;
	_ =	sdelay $0x1  }
0xf3: {  	[tilespmem:s15+$0x20] =	vst v5  }
0xf4: {  	v5 =	vld [tilespmem:s29+$0x30];
	_ =	sdelay $0x4  }
0xf5: {  	s13 =	simm.s32 $0x17930;
	s3 =	simm.s32 $0x40;
	s26 =	simm.s32 $0x80;
	[tilespmem:s15+$0x40] =	vst v6;
	v5 =	vmul.f32 v5, v7  }
.LBB2_5:
0xf6: {  	s29 =	sshra.s32 s3, $0x2  }
0xf7: {  	[tilespmem:s15+$0x30] =	vst v5;
	s15 =	sadd.s32 $0x90, s15;
	s3 =	smov.u32 s26;
	s28 =	sadd.s32 $0x40, s26  }
0xf8: {  	p0 =	sne.s32 s26, $0x9C0;
	v5 =	vld [tilespmem:s29+$0x193F0];
	_ =	sdelay $0x1  }
0xf9: {  	v6 =	vld [tilespmem:s29+$0x18EF0];
	_ =	sdelay $0x2  }
0xfa: {  	v5 =	vperm.xlane v5, v0;
	_ =	sdelay $0x1  }
0xfb: {  	v5 =	vadd.f32 v5, v6;
	_ =	sdelay $0x1  }
0xfc: {  	v6 =	vmul.f32 $2.000000030e-01, v5  }
0xfd: {  	vm1 =	vge.f32 v5, $0.0e+00  }
0xfe: {  	v5 =	vsel vm1, v5, v6  }
0xff: {  	v5 =	vmul.f32 $1.442695020e+00, v5;
	_ =	sdelay $0x1  }
0x100: {  	(erf) = vpow2.f32 v5;
	_ =	sdelay $0x7  }
0x101: {  	v5 =	vld [tilespmem:s13+$0xFFFFFFC0]  }
0x102: {  	v6 =	vpop (erf)  }
0x103: {  	v6 =	vnsel vm0, $0x0, v6  }
0x104: {  	v7 =	vperm.xlane v6, v1;
	_ =	sdelay $0x1  }
0x105: {  	v5 =	vmul.f32 v5, v7;
	_ =	sdelay $0x1  }
0x106: {  	[tilespmem:s15+$0xFFFFFFC0] =	vst v5  }
0x107: {  	v5 =	vld [tilespmem:s13+$0xFFFFFFD0];
	_ =	sdelay $0x4  }
0x108: {  	v5 =	vmul.f32 v5, v7;
	_ =	sdelay $0x1  }
0x109: {  	[tilespmem:s15+$0xFFFFFFD0] =	vst v5  }
0x10a: {  	v5 =	vld [tilespmem:s13+$0xFFFFFFE0];
	_ =	sdelay $0x2  }
0x10b: {  	v7 =	vperm.xlane v6, v2;
	_ =	sdelay $0x1  }
0x10c: {  	v5 =	vmul.f32 v5, v7;
	_ =	sdelay $0x1  }
0x10d: {  	[tilespmem:s15+$0xFFFFFFE0] =	vst v5  }
0x10e: {  	v5 =	vld [tilespmem:s13+$0xFFFFFFF0];
	_ =	sdelay $0x4  }
0x10f: {  	v5 =	vmul.f32 v5, v7;
	_ =	sdelay $0x1  }
0x110: {  	[tilespmem:s15+$0xFFFFFFF0] =	vst v5  }
0x111: {  	v5 =	vld [tilespmem:s13+$0x0];
	_ =	sdelay $0x2  }
0x112: {  	v7 =	vperm.xlane v6, v3;
	_ =	sdelay $0x1  }
0x113: {  	v5 =	vmul.f32 v5, v7;
	_ =	sdelay $0x1  }
0x114: {  	[tilespmem:s15+$0x0] =	vst v5  }
0x115: {  	v5 =	vld [tilespmem:s13+$0x10];
	_ =	sdelay $0x4  }
0x116: {  	v5 =	vmul.f32 v5, v7;
	_ =	sdelay $0x1  }
0x117: {  	[tilespmem:s15+$0x10] =	vst v5  }
0x118: {  	v5 =	vld [tilespmem:s13+$0x20];
	_ =	sdelay $0x2  }
0x119: {  	v7 =	vperm.xlane v6, v4;
	_ =	sdelay $0x1  }
0x11a: {  	v5 =	vmul.f32 v5, v7;
	_ =	sdelay $0x1  }
0x11b: {  	[tilespmem:s15+$0x20] =	vst v5  }
0x11c: {  	v5 =	vld [tilespmem:s13+$0x30]  }
0x11d: {  	[tilespmem:s15+$0x40] =	vst v6  }
.Ltmp1:
0x11e: {  	(pc) =	sbr.rel @p0 .LBB2_5-.Ltmp1, $3  }
0x11f: {  	_ =	sdelay $0x1  }
0x120: {  	v5 =	vmul.f32 v5, v7  }
0x121: {  	s26 =	smov.u32 s28;
	s13 =	sadd.s32 $0x80, s13  }
0x122: {  	s3 =	sshra.s32 s3, $0x2;
	[tilespmem:s15+$0x30] =	vst v5  }
0x123: {  	v5 =	vld [tilespmem:s3+$0x193F0];
	_ =	sdelay $0x1  }
0x124: {  	v6 =	vld [tilespmem:s3+$0x18EF0];
	_ =	sdelay $0x2  }
0x125: {  	v5 =	vperm.xlane v5, v0;
	_ =	sdelay $0x1  }
0x126: {  	v5 =	vadd.f32 v5, v6;
	_ =	sdelay $0x1  }
0x127: {  	v6 =	vmul.f32 $2.000000030e-01, v5  }
0x128: {  	vm1 =	vge.f32 v5, $0.0e+00  }
0x129: {  	v5 =	vsel vm1, v5, v6  }
0x12a: {  	v5 =	vmul.f32 $1.442695020e+00, v5;
	_ =	sdelay $0x1  }
0x12b: {  	(erf) = vpow2.f32 v5;
	_ =	sdelay $0x7  }
0x12c: {  	v5 =	vld [tilespmem:s13+$0xFFFFFFC0]  }
0x12d: {  	v6 =	vpop (erf)  }
0x12e: {  	v6 =	vnsel vm0, $0x0, v6  }
0x12f: {  	v7 =	vperm.xlane v6, v1;
	_ =	sdelay $0x1  }
0x130: {  	v5 =	vmul.f32 v5, v7  }
0x131: {  	s28 =	sadd.s32 $0x90, s15  }
0x132: {  	[tilespmem:s28+$0xFFFFFFC0] =	vst v5  }
0x133: {  	v5 =	vld [tilespmem:s13+$0xFFFFFFD0];
	_ =	sdelay $0x4  }
0x134: {  	v5 =	vmul.f32 v5, v7;
	_ =	sdelay $0x1  }
0x135: {  	[tilespmem:s28+$0xFFFFFFD0] =	vst v5  }
0x136: {  	v5 =	vld [tilespmem:s13+$0xFFFFFFE0];
	_ =	sdelay $0x2  }
0x137: {  	v7 =	vperm.xlane v6, v2;
	_ =	sdelay $0x1  }
0x138: {  	v5 =	vmul.f32 v5, v7;
	_ =	sdelay $0x1  }
0x139: {  	[tilespmem:s28+$0xFFFFFFE0] =	vst v5  }
0x13a: {  	v5 =	vld [tilespmem:s13+$0xFFFFFFF0];
	_ =	sdelay $0x4  }
0x13b: {  	v5 =	vmul.f32 v5, v7;
	_ =	sdelay $0x1  }
0x13c: {  	[tilespmem:s28+$0xFFFFFFF0] =	vst v5  }
0x13d: {  	v5 =	vld [tilespmem:s13+$0x0];
	_ =	sdelay $0x2  }
0x13e: {  	v7 =	vperm.xlane v6, v3;
	_ =	sdelay $0x1  }
0x13f: {  	v5 =	vmul.f32 v5, v7;
	_ =	sdelay $0x1  }
0x140: {  	[tilespmem:s28+$0x0] =	vst v5  }
0x141: {  	v5 =	vld [tilespmem:s13+$0x10];
	_ =	sdelay $0x4  }
0x142: {  	v5 =	vmul.f32 v5, v7;
	_ =	sdelay $0x1  }
0x143: {  	[tilespmem:s28+$0x10] =	vst v5  }
0x144: {  	v5 =	vld [tilespmem:s13+$0x20];
	_ =	sdelay $0x2  }
0x145: {  	v7 =	vperm.xlane v6, v4;
	_ =	sdelay $0x1  }
0x146: {  	v5 =	vmul.f32 v5, v7;
	_ =	sdelay $0x1  }
0x147: {  	[tilespmem:s28+$0x20] =	vst v5  }
0x148: {  	v5 =	vld [tilespmem:s13+$0x30];
	_ =	sdelay $0x4  }
0x149: {  	v5 =	vmul.f32 v5, v7  }
0x14a: {  	s14 =	sadd.s32 $0x1, s14;
	[tilespmem:s28+$0x40] =	vst v6  }
0x14b: {  	p0 =	sne.s32 s14, $0xFA;
	[tilespmem:s28+$0x30] =	vst v5  }
0x14c: {  	[spmem:s1] =	stream.indirect.scatter.add.f32 [tilespmem:s10], [sflag:$0x5], $0x90, s9, s18, $0xb8;
	[tilespmem:$0x1C370] =	vst v63  }
.Ltmp2:
0x14d: {  	_ = 	snop;
	(pc) =	sbr.rel @p0 .LBB2_2-.Ltmp2, $4  }
0x14e: {  	s29 =	sadd.s32 s8, s12;
	_ =	swait.ge [sflag:s16], $0x1680  }
0x14f: {  	s3 =	sshrl.u32 s29, $0x3;
	[sflag:s16] =	ssyncset.done $0x0  }
0x150: {  	s3 =	sadd.s32 s6, s3;
	[sflag:s16] =	ssyncadd.s32 $0xFFFFE980  }
0x151: {  	[tilespmem:s23], [sflag:$0x4] =	stream.linear.gather [hbm4b:s3+s30], $0x78, $0x38;
	[tilespmem:$0x1C370] =	vst v63  }
0x152: {  	_ =	swait.ge [sflag:s24], $0x1400  }
0x153: {  	[sflag:s24] =	ssyncset.done $0x0  }
0x154: {  	[sflag:s24] =	ssyncadd.s32 $0xFFFFEC00  }
0x155: {  	_ =	swait.ge [sflag:s24], $0x280  }
0x156: {  	[sflag:s24] =	ssyncset.done $0x0  }
0x157: {  	[sflag:s24] =	ssyncadd.s32 $0xFFFFFD80  }
0x158: {  	_ =	swait.ge [sflag:s24], $0x280  }
0x159: {  	[sflag:s24] =	ssyncset.done $0x0  }
0x15a: {  	[sflag:s24] =	ssyncadd.s32 $0xFFFFFD80  }
0x15b: {  	_ =	swait.ge [sflag:s25], $0x78  }
0x15c: {  	[sflag:s25] =	ssyncset.done $0x0  }
0x15d: {  	[sflag:s25] =	ssyncadd.s32 $0xFFFFFF88  }
0x15e: {  	[bflag:$0x0] =	sbarrier.arrive $0xFFFF  }
0x15f: {  	s13 =	rddreg [dreg:$0x4]  }
0x160: {  	s3 =	rddreg [dreg:$0x7]  }
0x161: {  	s8 =	rddreg [dreg:$0x9]  }
0x162: {  	[hbm:s3], [sflag:s13] =	dma.local [spmem:s8], $0x2C70  }
0x163: {  	_ =	swait.ge [sflag:s16], $0x2C70  }
0x164: {  	s14 =	rddreg [dreg:$0xa]  }
0x165: {  	s29 =	rddreg [dreg:$0x8];
	s14 =	sadd.s32 $0x1, s14  }
0x166: {  	p0 =	sne.s32 s14, s29  }
.Ltmp3:
0x167: {  	_ = 	snop;
	(pc) =	sbr.rel @p0 .LBB2_1-.Ltmp3, $3  }
0x168: {  	_ =	sdelay $0x1  }
0x169: {  	[sflag:s16] =	ssyncset.done $0x0  }
0x16a: {  	[sflag:s16] =	ssyncadd.s32 $0xFFFFD390  }
0x16b: {  	_ =	sfence.sel $0x180000  }
0x16c: {  	[bflag:$0x0] =	sbarrier.arrive $0xFFFF  }
0x16d: {  	_ =	strace $0x90000047  }
0x16e: {  	s0 =	stileid.u32;
	[bflag:$0x2] =	sbarrier.arrive $0xFFFF  }
0x16f: {  	p0 =	sne.s32 s0, $0x0;
	s0 =	rddreg [dreg:$0x2]  }
0x170: {  	s0 =	sadd.s32 @!p0 $0x100000, s0  }
0x171: {  	[sflag:s0] =	ssyncadd.tile.s32 @!p0 $0x1;
	_ =	shalt  }
.Lfunc_end2:
_tile_overlayer_lowered:
.L_overlay_start_2:
0x172: {  	(tag) =	ssettag $0x2  }
0x173: {  	s0 =	rddreg [dreg:$0x0];
	s2 =	stileid.u32  }
0x174: {  	s1 =	rddreg [dreg:$0x1];
	p0 =	sne.s32 s2, $0x0  }
0x175: {  	s3 =	rddreg [dreg:$0x2];
	[bflag:$0x3] =	sbarrier.arrive $0xFFFF;
	s2 =	simm.s32 @!p0 $0x1C05  }
0x176: {  	[timem:s3], [sflag:s2] =	dma.local @!p0 [hbm:s0], s1  }
0x177: {  	s0 =	simm.s32 @!p0 $0x5  }
0x178: {  	_ =	swait.ge @!p0 [sflag:s0], s1  }
0x179: {  	s1 =	ssub.s32 @!p0 $0x0, s1;
	[sflag:s0] =	ssyncset.done @!p0 $0x0  }
0x17a: {  	[sflag:s0] =	ssyncadd.s32 @!p0 s1  }
0x17b: {  	[bflag:$0x3] =	sbarrier.arrive $0xFFFF  }
0x17c: {  	_ =	shalt  }

// kernel: sparse-core-data-format-call.cloned.1.call-start
scs
called_computation_lowered:
.L_overlay_start_0:
0x0: {  	s2 =	sld [smem:$0x3FD9]  }
0x1: {  	s3 =	sld [smem:$0x3FFE];
	_ =	sdelay $0x1  }
0x2: {  	s1 =	srdreg.scid  }
0x3: {  	s0 =	sand.u32 $0x1, s1  }
0x4: {  	s18 =	sshll.u32 s0, $0xA;
	s2 =	sadd.s32 s3, s2  }
0x5: {  	s2 =	sadd.s32 s2, s18  }
0x6: {  	[smem:$0x3FBB] =	sst s2  }
0x7: {  	_ = 	snop  }
0x8: {  	(tm) =	ssettm $0x1  }
0x9: {  	s19 =	sld [smem:$0x3FFB];
	_ =	sdelay $0x3  }
0xa: {  	_ =	strace s19  }
0xb: {  	s2 =	sld [smem:$0x3FFC];
	_ =	sdelay $0x3  }
0xc: {  	_ =	strace s2  }
0xd: {  	s2 =	sld [smem:$0x3FFD];
	_ =	sdelay $0x3  }
0xe: {  	_ =	strace s2  }
0xf: {  	_ =	strace $0x8FFFFFFF  }
0x10: {  	s20 =	sld [smem:$0x3FDB];
	_ =	sdelay $0x1  }
0x11: {  	s21 =	simm.s32 $_scs_section_size  }
0x12: {  	s4 =	simm.s32 $_size__tile_overlayer_lowered;
	s5 =	simm.s32 $_tile_overlayer_lowered  }
0x13: {  	s6 =	simm.s32 $0x1BFF;
	s22 =	sshll.u32 s5, $0x1;
	s3 =	sadd.s32 s21, s20  }
0x14: {  	s23 =	simm.s32 $0x0;
	s4 =	sshll.u32 s4, $0x1;
	s5 =	sadd.s32 s22, s3  }
0x15: {  	[timem:s23], [sflag:s6] =	dma.local [hbm:s5], s4  }
0x16: {  	_ =	swait.ge [sflag:s6], s4  }
0x17: {  	s4 =	ssub.s32 $0x0, s4;
	[sflag:s6] =	ssyncset.done $0x0  }
0x18: {  	[sflag:s6] =	ssyncadd.s32 s4;
	_ =	sdelay $0x1  }
0x19: {  	s24 =	simm.s32 $0x1B8B  }
0x1a: {  	_ =	swait.ge [sflag:s24], $0x1  }
0x1b: {  	[sflag:s24] =	ssyncset.done $0x0  }
0x1c: {  	[sflag:s24] =	ssyncadd.s32 $0xFFFFFFFF  }
0x1d: {  	s4 =	sld [smem:$0x0]  }
0x1e: {  	s5 =	sand.u32 $0xFFFFFFFE, s1  }
0x1f: {  	p0 =	sne.s32 s1, s5  }
0x20: {  	s5 =	sshll.u32 @p0 s5, $0xE  }
0x21: {  	s5 =	sadd.s32 @p0 $0x11B8D, s5;
	s6 =	sshll.u32 @p0 s4, $0x11  }
0x22: {  	s5 =	sor.u32 @p0 s6, s5  }
0x23: {  	[sflag:s5] =	ssyncadd.remote.s32 @p0 $0x1;
	_ =	sdelay $0x1  }
0x24: {  	s5 =	simm.s32 @p0 $0x1B8D  }
0x25: {  	_ =	swait.eq @p0 [sflag:s5], $0x1  }
0x26: {  	[sflag:s5] =	ssyncadd.s32 @p0 $0xFFFFFFFF  }
0x27: {  	s6 =	sshll.u32 @!p0 s1, $0xE  }
0x28: {  	s6 =	sor.u32 @!p0 $0x4000, s6;
	s5 =	simm.s32 @!p0 $0x1B8D  }
0x29: {  	s4 =	sshll.u32 @!p0 s4, $0x11;
	s6 =	sadd.s32 @!p0 $0x11B8D, s6;
	_ =	swait.eq @!p0 [sflag:s5], $0x1  }
0x2a: {  	s4 =	sor.u32 @!p0 s4, s6;
	[sflag:s5] =	ssyncadd.s32 @!p0 $0xFFFFFFFF  }
0x2b: {  	s26 =	simm.s32 $0x1B8E;
	s25 =	sld [smem:$0x3FFE];
	[sflag:s4] =	ssyncadd.remote.s32 @!p0 $0x1  }
0x2c: {  	s27 =	simm.s32 $execute0_lowered;
	[smem:$0x3FD2] =	sst s26  }
0x2d: {  	s5 =	sshll.u32 s27, $0x1;
	_ =	strace $0x8000004C;
	[dreg:$0x1] =	wrdreg $0xFFFFFFFF  }
0x2e: {  	s28 =	simm.s32 $_size_execute0_lowered;
	s3 =	sadd.s32 s3, s5;
	[dreg:$0x0] =	wrdreg $0x0  }
0x2f: {  	s5 =	sshll.u32 s28, $0x1;
	[dreg:$0x2] =	wrdreg s3  }
0x30: {  	[dreg:$0x3] =	wrdreg s5  }
0x31: {  	[dreg:$0x4] =	wrdreg $0xC0  }
0x32: {  	_ =	task [dreg:s23], $0x5FFFF  }
0x33: {  	[dreg:$0x1] =	wrdreg $0xFFFFFFFF  }
0x34: {  	[dreg:$0x0] =	wrdreg $0x60  }
0x35: {  	[dreg:$0x2] =	wrdreg s25  }
0x36: {  	[dreg:$0x3] =	wrdreg $0x9  }
0x37: {  	_ =	task.clear_ibuf [dreg:s23], $0x4FFFF;
	_ =	strace $0x9000004C  }
0x38: {  	s29 =	simm.s32 $0x9;
	_ =	strace $0x8000004E  }
0x39: {  	_ =	swait.ge [sflag:s29], $0x1  }
0x3a: {  	[sflag:s29] =	ssyncadd.s32 $0xFFFFFFFF  }
0x3b: {  	_ =	strace $0x9000004E  }
0x3c: {  	_ =	sfence  }
0x3d: {  	s30 =	sld [smem:$0x0];
	_ =	sdelay $0x2  }
0x3e: {  	s31 =	sshll.u32 s1, $0xD;
	s1 =	sshrl.u32 s1, $0x2  }
0x3f: {  	s4 =	sand.u32 $0x4000, s31;
	s1 =	sadd.s32 s1, s30  }
0x40: {  	s0 =	sor.u32 s4, s0;
	s1 =	sshll.u32 s1, $0x11  }
0x41: {  	s0 =	sor.u32 s1, s0  }
0x42: {  	s0 =	sadd.s32 $0x8F2B, s0  }
0x43: {  	[sflag:s0] =	ssyncadd.remote.s32 $0x1  }
0x44: {  	_ =	sfence.sel $0xFFFF  }
0x45: {  	[dreg:$0x0] =	wrdreg $0xFFFFFFFF;
	(pc) =	sbr.abs _section_cstart, $3  }
0x46: {  	[dreg:$0x1] =	wrdreg $0xFFFFFFFF  }
0x47: {  	_ =	task.clear_ibuf [dreg:s23], $0x2FFFF;
	_ =	strace $0x9FFFFFFF  }
0x48: {  	(tm) =	ssettm $0x7FFFFFFF  }
0x49: {  	_ =	shalt  }
tec
execute0_lowered:
.L_overlay_start_1:
0x0: {  	(tag) =	ssettag $0x1  }
0x1: {  	s0 =	srdreg.scid  }
0x2: {  	s1 =	sshll.u32 s0, $0x4  }
0x3: {  	s4 =	rddreg [dreg:$0x0];
	s0 =	stileid.u32;
	s1 =	sand.u32 $0x10, s1  }
0x4: {  	s7 =	simm.s32 $0x1;
	s8 =	simm.s32 $0x2;
	s2 =	sor.u32 s0, s1  }
0x5: {  	s9 =	simm.s32 $0x0;
	s12 =	simm.s32 $0x0;
	s2 =	sshll.u32 s2, $0x1  }
0x6: {  	s11 =	simm.s32 $0x0;
	s3 =	sadd.s32 $0x103C00, s4;
	s6 =	ssub.s32 $0x9C4, s2  }
.Ltmp0:
0x7: {  	s4 =	sadd.s32 $0x411000, s4;
	s5 =	sand.u32 $0x3E, s6;
	(pc) =	sbr.rel .LBB1_1-.Ltmp0, $4  }
0x8: {  	s1 =	rddreg [dreg:$0x1];
	_ =	strace $0x8000004D;
	p0 =	sne.s32 s5, $0x0  }
0x9: {  	s6 =	sshrl.u32 s6, $0x6;
	s5 =	simm.s32 $0x1;
	s7 =	simm.s32 @!p0 $0x0  }
0xa: {  	s10 =	smov.u32 s2;
	[sflag:s5] =	ssyncpa.u1 $0x0;
	s6 =	sadd.s32 s7, s6  }
0xb: {  	[sflag:s8] =	ssyncpa.u1 $0x0;
	s8 =	simm.s32 $0x0;
	s7 =	sadd.s32 $0x1, s6  }
.LBB1_9:
0xc: {  	s14 =	sadd.s32 $0x40, s10  }
0xd: {  	p1 =	sgt.s32 s14, $0x9C3  }
0xe: {  	s14 =	smov.u32 @p1 s2;
	p1 =	sne.s32 s11, s7  }
.Ltmp1:
0xf: {  	p0 =	slt.u32 s11, $0x2;
	(pc) =	sbr.rel @!p1 .LBB1_10-.Ltmp1, $4  }
0x10: {  	s13 =	simm.s32 @!p0 $0x2  }
0x11: {  	s15 =	sadd.s32 $0x1, s11;
	_ =	swait.ge @!p0 [sflag:s13], $0x4000  }
0x12: {  	s12 =	smov.u32 s10;
	s9 =	sadd.s32 $0x4000, s9;
	[sflag:s13] =	ssyncset.done @!p0 $0x0  }
0x13: {  	s11 =	smov.u32 s15;
	s10 =	smov.u32 s14;
	[sflag:s13] =	ssyncadd.s32 @!p0 $0xFFFFC000  }
.LBB1_1:
0x14: {  	p0 =	sge.u32 s11, s6  }
0x15: {  	s13 =	sxor.u32 @!p0 $0xFFFFFFFF, s11  }
0x16: {  	s31 =	sadd.s32 $0xFFFFFFFF, s11;
	s14 =	sshll.u32 @!p0 s10, $0xA;
	s13 =	sshll.u32 @!p0 s13, $0xE  }
0x17: {  	s15 =	simm.s32 @!p0 $0x0;
	s14 =	sadd.s32 @!p0 s3, s14;
	s13 =	sand.u32 @!p0 $0x4000, s13  }
0x18: {  	[tilespmem:s13], [sflag:$0x1] =	stream.linear.gather @!p0 [hbm4b:s14+s15], $0x4000, $0x38;
	[tilespmem:$0x10000] =	vst v63  }
0x19: {  	p0 =	sge.u32 s31, s6  }
.Ltmp2:
0x1a: {  	_ = 	snop;
	(pc) =	sbr.rel @p0 .LBB1_9-.Ltmp2, $1  }
0x1b: {  	_ =	sdelay $0x3  }
0x1c: {  	s13 =	sshll.u32 s9, $0x2  }
0x1d: {  	_ =	swait.ge [sflag:s5], $0x4000;
	s14 =	sshll.u32 s11, $0xE;
	s16 =	simm.s32 $0x0  }
0x1e: {  	p1 =	por $0x1, $0x1;
	s13 =	sand.u32 $0x10000, s13;
	[sflag:s5] =	ssyncset.done $0x0  }
0x1f: {  	s14 =	sand.u32 $0x4000, s14;
	s15 =	sshrl.u32 s13, $0x2;
	[sflag:s5] =	ssyncadd.s32 $0xFFFFC000  }
0x20: {  	s13 =	sor.u32 $0x8000, s14;
	s14 =	sadd.s32 $0x8040, s15;
	s15 =	sadd.s32 $0x40, s15  }
.LBB1_3:
0x21: {  	s16 =	sshll.u32 s16, $0x2  }
0x22: {  	p0 =	por p1, p1;
	s17 =	sshra.s32 s16, $0x2  }
0x23: {  	s18 =	simm.s32 $0x0;
	s16 =	sadd.s32 s17, s14;
	s17 =	sadd.s32 s17, s15  }
.LBB1_4:
0x24: {  	v0 =	vmov s17;
	_ =	sdelay $0x3  }
0x25: {  	s20 =	simm.s32 $0x0  }
0x26: {  	v6 =	vld.idx.msk [tilespmem:v0+s20+$0x30 ss:$0x1], $0xffff  }
0x27: {  	v7 =	vld.idx.msk [tilespmem:v0+s20+$0xFFFFFFC0 ss:$0x1], $0xffff  }
0x28: {  	v5 =	vld.idx.msk [tilespmem:v0+s20+$0xFFFFFFD0 ss:$0x1], $0xffff  }
0x29: {  	v4 =	vld.idx.msk [tilespmem:v0+s20+$0xFFFFFFE0 ss:$0x1], $0xffff  }
0x2a: {  	v3 =	vld.idx.msk [tilespmem:v0+s20+$0xFFFFFFF0 ss:$0x1], $0xffff  }
0x2b: {  	v1 =	vld.idx.msk [tilespmem:v0+s20+$0x0 ss:$0x1], $0xffff  }
0x2c: {  	v2 =	vld.idx.msk [tilespmem:v0+s20+$0x10 ss:$0x1], $0xffff;
	[tilespmem:s16+$0x30] =	vst v6  }
0x2d: {  	s19 =	simm.s32 $0x80;
	s21 =	simm.s32 $0x400;
	[tilespmem:s16+$0xFFFFFFC0] =	vst v7;
	v6 =	vld.idx.msk [tilespmem:v0+s20+$0x20 ss:$0x1], $0xffff;
	s20 =	smov.u32 s16  }
.LBB1_5:
0x2e: {  	p1 =	sne.s32 s21, $0xE00;
	v7 =	vld.idx.msk [tilespmem:v0+s19+$0x30 ss:$0x1], $0xffff;
	[tilespmem:s20+$0xFFFFFFD0] =	vst v5  }
0x2f: {  	v8 =	vld.idx.msk [tilespmem:v0+s19+$0xFFFFFFC0 ss:$0x1], $0xffff;
	[tilespmem:s20+$0xFFFFFFE0] =	vst v4  }
0x30: {  	v5 =	vld.idx.msk [tilespmem:v0+s19+$0xFFFFFFD0 ss:$0x1], $0xffff;
	[tilespmem:s20+$0xFFFFFFF0] =	vst v3  }
.Ltmp3:
0x31: {  	v4 =	vld.idx.msk [tilespmem:v0+s19+$0xFFFFFFE0 ss:$0x1], $0xffff;
	[tilespmem:s20+$0x0] =	vst v1;
	(pc) =	sbr.rel @p1 .LBB1_5-.Ltmp3, $4  }
0x32: {  	v3 =	vld.idx.msk [tilespmem:v0+s19+$0xFFFFFFF0 ss:$0x1], $0xffff;
	[tilespmem:s20+$0x10] =	vst v2  }
0x33: {  	v1 =	vld.idx.msk [tilespmem:v0+s19+$0x0 ss:$0x1], $0xffff;
	[tilespmem:s20+$0x20] =	vst v6;
	s20 =	sadd.s32 $0x400, s20  }
0x34: {  	v2 =	vld.idx.msk [tilespmem:v0+s19+$0x10 ss:$0x1], $0xffff;
	[tilespmem:s20+$0x30] =	vst v7  }
0x35: {  	[tilespmem:s20+$0xFFFFFFC0] =	vst v8;
	v6 =	vld.idx.msk [tilespmem:v0+s19+$0x20 ss:$0x1], $0xffff;
	s19 =	sshra.s32 s21, $0x2;
	s21 =	sadd.s32 $0x200, s21  }
0x36: {  	_ =	sdelay $0x2  }
0x37: {  	[tilespmem:s20+$0xFFFFFFD0] =	vst v5  }
0x38: {  	v56 =	vld.idx.msk [tilespmem:v0+s19+$0x30 ss:$0x1], $0xffff;
	[tilespmem:s20+$0xFFFFFFE0] =	vst v4  }
0x39: {  	v57 =	vld.idx.msk [tilespmem:v0+s19+$0xFFFFFFC0 ss:$0x1], $0xffff;
	[tilespmem:s20+$0xFFFFFFF0] =	vst v3  }
0x3a: {  	v58 =	vld.idx.msk [tilespmem:v0+s19+$0xFFFFFFD0 ss:$0x1], $0xffff;
	[tilespmem:s20+$0x0] =	vst v1  }
0x3b: {  	v59 =	vld.idx.msk [tilespmem:v0+s19+$0xFFFFFFE0 ss:$0x1], $0xffff;
	[tilespmem:s20+$0x10] =	vst v2  }
0x3c: {  	v60 =	vld.idx.msk [tilespmem:v0+s19+$0xFFFFFFF0 ss:$0x1], $0xffff;
	s31 =	sadd.s32 $0x400, s20;
	[tilespmem:s20+$0x20] =	vst v6  }
0x3d: {  	v61 =	vld.idx.msk [tilespmem:v0+s19+$0x0 ss:$0x1], $0xffff;
	[tilespmem:s31+$0x30] =	vst v56  }
0x3e: {  	v62 =	vld.idx.msk [tilespmem:v0+s19+$0x10 ss:$0x1], $0xffff;
	s18 =	sadd.s32 $0x1, s18;
	[tilespmem:s31+$0xFFFFFFC0] =	vst v57  }
0x3f: {  	v63 =	vld.idx.msk [tilespmem:v0+s19+$0x20 ss:$0x1], $0xffff;
	p1 =	sne.s32 s18, $0x8;
	[tilespmem:s31+$0xFFFFFFD0] =	vst v58  }
.Ltmp4:
0x40: {  	[tilespmem:s31+$0xFFFFFFE0] =	vst v59;
	(pc) =	sbr.rel @p1 .LBB1_4-.Ltmp4, $4  }
0x41: {  	[tilespmem:s31+$0xFFFFFFF0] =	vst v60  }
0x42: {  	[tilespmem:s31+$0x0] =	vst v61  }
0x43: {  	[tilespmem:s31+$0x10] =	vst v62  }
0x44: {  	s16 =	sadd.s32 $0x80, s16;
	s17 =	sadd.s32 $0x400, s17;
	[tilespmem:s31+$0x20] =	vst v63  }
.Ltmp5:
0x45: {  	(pc) =	sbr.rel @p0 .LBB1_3-.Ltmp5, $2  }
0x46: {  	_ =	sdelay $0x2  }
0x47: {  	s16 =	simm.s32 $0x2000;
	p1 =	por $0x0, $0x0  }
.Ltmp6:
0x48: {  	(pc) =	sbr.rel .LBB1_9-.Ltmp6, $4  }
0x49: {  	_ = 	snop  }
0x4a: {  	s12 =	sshll.u32 s12, $0xA  }
0x4b: {  	s12 =	sadd.s32 s4, s12  }
0x4c: {  	[hbm4b:s12+s8] =	stream.linear.scatter [tilespmem:s13], [sflag:$0x2], $0x4000, $0x38;
	[tilespmem:$0x10000] =	vst v63  }
.LBB1_10:
0x4d: {  	_ =	sfence.sel $0x180000  }
0x4e: {  	s2 =	simm.s32 $0x1;
	[bflag:$0x0] =	sbarrier.arrive $0xFFFF  }
0x4f: {  	s31 =	simm.s32 $0x2;
	[sflag:s2] =	ssyncpa.u1 $0x1  }
0x50: {  	[sflag:s31] =	ssyncpa.u1 $0x1  }
0x51: {  	p0 =	sne.s32 s0, $0x0;
	_ =	strace $0x9000004D  }
0x52: {  	s0 =	sadd.s32 @!p0 $0x100000, s1;
	[bflag:$0x2] =	sbarrier.arrive $0xFFFF  }
0x53: {  	[sflag:s0] =	ssyncadd.tile.s32 @!p0 $0x1;
	_ =	shalt  }
.Lfunc_end1:
_tile_overlayer_lowered:
.L_overlay_start_2:
0x54: {  	(tag) =	ssettag $0x2  }
0x55: {  	s0 =	rddreg [dreg:$0x0];
	s2 =	stileid.u32  }
0x56: {  	s1 =	rddreg [dreg:$0x1];
	p0 =	sne.s32 s2, $0x0  }
0x57: {  	s3 =	rddreg [dreg:$0x2];
	[bflag:$0x3] =	sbarrier.arrive $0xFFFF;
	s2 =	simm.s32 @!p0 $0x1C01  }
0x58: {  	[timem:s3], [sflag:s2] =	dma.local @!p0 [hbm:s0], s1  }
0x59: {  	s0 =	simm.s32 @!p0 $0x1  }
0x5a: {  	_ =	swait.ge @!p0 [sflag:s0], s1  }
0x5b: {  	s1 =	ssub.s32 @!p0 $0x0, s1;
	[sflag:s0] =	ssyncset.done @!p0 $0x0  }
0x5c: {  	[sflag:s0] =	ssyncadd.s32 @!p0 s1  }
0x5d: {  	[bflag:$0x3] =	sbarrier.arrive $0xFFFF  }
0x5e: {  	_ =	shalt  }

</sc_bundles>
